<compile_context>
chip_gen: v7x
topology: tpu7x:2x2x1
jax: 0.10.2.dev20260603
libtpu: 0.0.44.dev20260713+nightly
codegen_flags: <defaults>
</compile_context>

<pallas_src>
import functools

import jax
import jax.numpy as jnp
from jax import lax
from jax.experimental import pallas as pl
from jax.experimental.pallas import tpu as pltpu, tpu_sc as plsc

N = 10000
E = 320000
D = 128
DOUT = 64
EPS = 1e-5

NC = 2
NS = 16
NW = NC * NS
NPAD = 10240
RT = NPAD // NS
K = 128
NCH = 79
EW = NCH * K
EPAD = EW * NW
DW = 16
DH2 = D // 2


def _sc_agg(with_deg):
  mesh = plsc.VectorSubcoreMesh(core_axis_name="c", subcore_axis_name="s")
  out_type = [jax.ShapeDtypeStruct((NC, 2, NS, RT, DH2), jnp.float32)]
  if with_deg:
    out_type.append(jax.ShapeDtypeStruct((NC, NS, RT, DW), jnp.float32))
  scratch = [
      pltpu.VMEM((NCH, K), jnp.int32),
      pltpu.VMEM((NCH, K), jnp.int32),
      pltpu.VMEM((NCH, K), jnp.int32),
      pltpu.VMEM((K, DH2), jnp.float32),
      pltpu.VMEM((K, DH2), jnp.float32),
      pltpu.VMEM((K, DW), jnp.float32),
      pltpu.VMEM_SHARED((NPAD, DH2), jnp.float32),
      pltpu.VMEM_SHARED((NPAD, DW), jnp.float32),
      pltpu.SemaphoreType.DMA,
      pltpu.SemaphoreType.DMA,
      pltpu.SemaphoreType.DMA,
  ]
  if not with_deg:
    scratch = [sc for i, sc in enumerate(scratch) if i not in (5, 7, 10)]

  def body(h_hbm, src_hbm, dst_hbm, agg_out, *rest):
    if with_deg:
      (deg_out, srcb, srcb2, dstb, row0, row1, ones16, aggsh, degsh,
       gsem0, gsem1, dsem) = rest
    else:
      (srcb, srcb2, dstb, row0, row1, aggsh, gsem0, gsem1) = rest
    cid = lax.axis_index("c")
    sid = lax.axis_index("s")
    wid = sid * NC + cid
    tb = sid * RT

    pltpu.sync_copy(src_hbm.at[wid], srcb)
    pltpu.sync_copy(dst_hbm.at[wid], dstb)

    rows = (row0, row1)
    gsems = (gsem0, gsem1)

    def gather(j, b):
      pltpu.async_copy(h_hbm.at[srcb2.at[j]], rows[b], gsems[b])

    def gwait(j, b):
      pltpu.make_async_copy(h_hbm.at[srcb2.at[j]], rows[b], gsems[b]).wait()

    def scat(j, b):
      pltpu.sync_copy(rows[b], aggsh.at[dstb.at[j]], add=True)

    for half in range(2):
      def trow(j, _):
        for l in range(K // 16):
          v = srcb[j, pl.ds(l * 16, 16)]
          srcb2[j, pl.ds(l * 16, 16)] = v * 2 + half
        return 0
      lax.fori_loop(0, NCH, trow, 0)

      def zrow(i, _):
        for j in range(DH2 // 16):
          row0[i, pl.ds(j * 16, 16)] = jnp.zeros((16,), jnp.float32)
        return 0
      lax.fori_loop(0, K, zrow, 0)
      for j in range(RT // K):
        pltpu.sync_copy(row0, aggsh.at[pl.ds(tb + j * K, K)])
      if with_deg and half == 0:
        def z16row(i, _):
          ones16[i, :] = jnp.zeros((DW,), jnp.float32)
          return 0
        lax.fori_loop(0, K, z16row, 0)
        for j in range(RT // K):
          pltpu.sync_copy(ones16, degsh.at[pl.ds(tb + j * K, K)])
        def frow(i, _):
          ones16[i, :] = jnp.ones((DW,), jnp.float32)
          return 0
        lax.fori_loop(0, K, frow, 0)

      plsc.subcore_barrier()

      gather(0, 0)

      def step(t, _):
        for b in range(2):
          j = 2 * t + b
          nb = (b + 1) % 2
          gather(j + 1, nb)
          gwait(j, b)
          if with_deg and half == 0:
            pltpu.async_copy(ones16, degsh.at[dstb.at[j]], dsem, add=True)
          scat(j, b)
          if with_deg and half == 0:
            pltpu.make_async_copy(ones16, degsh.at[dstb.at[j]], dsem).wait()
        return 0
      lax.fori_loop(0, (NCH - 1) // 2, step, 0)
      jlast = NCH - 1
      gwait(jlast, 0)
      if with_deg and half == 0:
        pltpu.async_copy(ones16, degsh.at[dstb.at[jlast]], dsem, add=True)
      scat(jlast, 0)
      if with_deg and half == 0:
        pltpu.make_async_copy(ones16, degsh.at[dstb.at[jlast]], dsem).wait()

      plsc.subcore_barrier()

      pltpu.sync_copy(aggsh.at[pl.ds(tb, RT)], agg_out.at[cid].at[half].at[sid])
      if with_deg and half == 0:
        pltpu.sync_copy(degsh.at[pl.ds(tb, RT)], deg_out.at[cid].at[sid])

  return pl.kernel(
      body, out_type=out_type, mesh=mesh, scratch_types=scratch,
      compiler_params=pltpu.CompilerParams(use_tc_tiling_on_sc=False))


def _tc_dense(do, relu, normalize):
  BN = 512
  grid = NPAD // BN

  def body(aggp_ref, degp_ref, h_ref, wl_ref, wr_ref, bl_ref, sg_ref,
           bb_ref, out_ref):
    deg = degp_ref[0, :, 0:1] + degp_ref[1, :, 0:1]
    r = 1.0 / jnp.maximum(deg, 1.0)
    agg = jnp.concatenate(
        [aggp_ref[0, 0] + aggp_ref[1, 0], aggp_ref[0, 1] + aggp_ref[1, 1]],
        axis=1) * r
    z = lax.dot_general(agg, wl_ref[...], (((1,), (1,)), ((), ())),
                        preferred_element_type=jnp.float32)
    z = z + lax.dot_general(h_ref[...], wr_ref[...], (((1,), (1,)), ((), ())),
                            preferred_element_type=jnp.float32)
    z = (z + bl_ref[...]) * sg_ref[...] + bb_ref[...]
    if relu:
      z = jnp.maximum(z, 0.0)
    if normalize:
      nrm = jnp.sqrt(jnp.sum(z * z, axis=1, keepdims=True))
      z = z / jnp.maximum(nrm, 1e-12)
    out_ref[...] = z

  return pl.pallas_call(
      body,
      grid=(grid,),
      in_specs=[
          pl.BlockSpec((NC, 2, BN, DH2), lambda i: (0, 0, i, 0)),
          pl.BlockSpec((NC, BN, DW), lambda i: (0, i, 0)),
          pl.BlockSpec((BN, D), lambda i: (i, 0)),
          pl.BlockSpec((do, D), lambda i: (0, 0)),
          pl.BlockSpec((do, D), lambda i: (0, 0)),
          pl.BlockSpec((1, do), lambda i: (0, 0)),
          pl.BlockSpec((1, do), lambda i: (0, 0)),
          pl.BlockSpec((1, do), lambda i: (0, 0)),
      ],
      out_specs=pl.BlockSpec((BN, do), lambda i: (i, 0)),
      out_shape=jax.ShapeDtypeStruct((NPAD, do), jnp.float32),
  )


_sc_agg_deg = _sc_agg(with_deg=True)
_sc_agg_only = _sc_agg(with_deg=False)
_tc1 = _tc_dense(D, relu=True, normalize=False)
_tc2 = _tc_dense(D, relu=True, normalize=False)
_tc3 = _tc_dense(DOUT, relu=False, normalize=True)


def kernel(x, edge_index, Wl1, bl1, Wr1, g1, b1, Wl2, bl2, Wr2, g2, b2,
           Wl3, bl3, Wr3, g3, b3):
  pad_dst = N + jnp.arange(EPAD - E, dtype=jnp.int32) % (NPAD - N)
  src = jnp.pad(edge_index[0], (0, EPAD - E)).reshape(NW, NCH, K)
  dst = jnp.concatenate([edge_index[1], pad_dst]).reshape(NW, NCH, K)
  xp = jnp.pad(x, ((0, NPAD - N), (0, 0)))

  t = 1.0 / jnp.sqrt(jnp.float32(1.0 + EPS))
  sg1, sg2, sg3 = g1 * t, g2 * t, g3 * t

  agg1, deg = _sc_agg_deg(xp.reshape(2 * NPAD, DH2), src, dst)
  agg1 = agg1.reshape(NC, 2, NPAD, DH2)
  degp = deg.reshape(NC, NPAD, DW)
  h1 = _tc1(agg1, degp, xp, Wl1, Wr1, bl1.reshape(1, D), sg1.reshape(1, D),
            b1.reshape(1, D))

  (agg2,) = _sc_agg_only(h1.reshape(2 * NPAD, DH2), src, dst)
  agg2 = agg2.reshape(NC, 2, NPAD, DH2)
  h2 = _tc2(agg2, degp, h1, Wl2, Wr2, bl2.reshape(1, D), sg2.reshape(1, D),
            b2.reshape(1, D))

  (agg3,) = _sc_agg_only(h2.reshape(2 * NPAD, DH2), src, dst)
  agg3 = agg3.reshape(NC, 2, NPAD, DH2)
  h3 = _tc3(agg3, degp, h2, Wl3, Wr3, bl3.reshape(1, DOUT),
            sg3.reshape(1, DOUT), b3.reshape(1, DOUT))

  return h3[:N]

# --- scband reference (transcript-rebuilt; emitter-appended) ---
"""Pipeline reference for scband-graph-sageencoder-34600256537001 (READ-ONLY COPY).

The authoritative reference and input builder live on the scoring server;
editing this copy changes nothing except your own understanding.
"""

import jax, jax.numpy as jnp
import numpy as np

N = 10000
E = 320000
DIN = 128
DH = 128
DOUT = 64
EPS = 1e-5


def setup_inputs(seed: int = 0) -> dict:
    key = jax.random.key(seed)
    ks = jax.random.split(key, 16)
    x = jax.random.normal(ks[0], (N, DIN), dtype=jnp.float32)
    edge_index = jax.random.randint(ks[1], (2, E), 0, N, dtype=jnp.int32)

    def lin(k, out_d, in_d):
        return jax.random.normal(k, (out_d, in_d), dtype=jnp.float32) * (1.0 / np.sqrt(in_d))

    inp = {
        'x': x,
        'edge_index': edge_index,
        'Wl1': lin(ks[2], DH, DIN), 'bl1': jnp.zeros((DH,), jnp.float32), 'Wr1': lin(ks[3], DH, DIN),
        'g1': jnp.ones((DH,), jnp.float32), 'b1': jnp.zeros((DH,), jnp.float32),
        'Wl2': lin(ks[4], DH, DH), 'bl2': jnp.zeros((DH,), jnp.float32), 'Wr2': lin(ks[5], DH, DH),
        'g2': jnp.ones((DH,), jnp.float32), 'b2': jnp.zeros((DH,), jnp.float32),
        'Wl3': lin(ks[6], DOUT, DH), 'bl3': jnp.zeros((DOUT,), jnp.float32), 'Wr3': lin(ks[7], DOUT, DH),
        'g3': jnp.ones((DOUT,), jnp.float32), 'b3': jnp.zeros((DOUT,), jnp.float32),
    }
    return inp


def _sage_conv(x, edge_index, Wl, bl, Wr):
    # PyG SAGEConv (mean aggr): out = lin_l(mean_{j in N(i)} x_j) + lin_r(x_i)
    src = edge_index[0]
    dst = edge_index[1]
    msg = jnp.take(x, src, axis=0)
    agg_sum = jax.ops.segment_sum(msg, dst, num_segments=N)
    deg = jax.ops.segment_sum(jnp.ones((edge_index.shape[1],), dtype=x.dtype), dst, num_segments=N)
    agg = agg_sum / jnp.clip(deg, 1.0)[:, None]
    return agg @ Wl.T + bl + x @ Wr.T


def _bn_eval(x, g, b):
    # BatchNorm1d in eval mode with running_mean=0, running_var=1
    return x / jnp.sqrt(1.0 + EPS) * g + b


def reference(x, edge_index, Wl1, bl1, Wr1, g1, b1, Wl2, bl2, Wr2, g2, b2, Wl3, bl3, Wr3, g3, b3):
    h = _sage_conv(x, edge_index, Wl1, bl1, Wr1)
    h = _bn_eval(h, g1, b1)
    h = jax.nn.relu(h)  # dropout is identity in eval mode
    h = _sage_conv(h, edge_index, Wl2, bl2, Wr2)
    h = _bn_eval(h, g2, b2)
    h = jax.nn.relu(h)
    h = _sage_conv(h, edge_index, Wl3, bl3, Wr3)
    h = _bn_eval(h, g3, b3)
    nrm = jnp.linalg.norm(h, axis=1, keepdims=True)
    return h / jnp.clip(nrm, 1e-12)

if __name__ == "__main__":
    import jax
    _d = setup_inputs()
    print(jax.jit(kernel)(*tuple(_d.values())))

</pallas_src>

<mosaic_0001>
#map = affine_map<(d0, d1) -> (0, 0)>
#map1 = affine_map<(d0, d1) -> (0, 0, 0)>
#map2 = affine_map<(d0, d1) -> (0, 0, 0, 0, 0)>
#map3 = affine_map<(d0, d1) -> (0, 0, 0, 0)>
module attributes {stable_mosaic.version = 14 : i64} {
  func.func @body(%arg0: i32, %arg1: i32, %arg2: memref<20480x64xf32, #tpu.memory_space<hbm>>, %arg3: memref<32x79x128xi32, #tpu.memory_space<hbm>>, %arg4: memref<32x79x128xi32, #tpu.memory_space<hbm>>, %arg5: memref<2x2x16x640x64xf32, #tpu.memory_space<hbm>>, %arg6: memref<2x16x640x16xf32, #tpu.memory_space<hbm>>, %arg7: memref<79x128xi32, #tpu.memory_space<vmem>>, %arg8: memref<79x128xi32, #tpu.memory_space<vmem>>, %arg9: memref<79x128xi32, #tpu.memory_space<vmem>>, %arg10: memref<128x64xf32, #tpu.memory_space<vmem>>, %arg11: memref<128x64xf32, #tpu.memory_space<vmem>>, %arg12: memref<128x16xf32, #tpu.memory_space<vmem>>, %arg13: memref<10240x64xf32, #tpu.memory_space<vmem_shared>>, %arg14: memref<10240x16xf32, #tpu.memory_space<vmem_shared>>, %arg15: memref<!tpu.dma_semaphore, #tpu.memory_space<semaphore_mem>>, %arg16: memref<!tpu.dma_semaphore, #tpu.memory_space<semaphore_mem>>, %arg17: memref<!tpu.dma_semaphore, #tpu.memory_space<semaphore_mem>>) attributes {dimension_semantics = [#tpu.dimension_semantics<core_parallel>, #tpu.dimension_semantics<subcore_parallel>], iteration_bounds = array<i64: 2, 16>, scalar_prefetch = 0 : i64, scratch_operands = 11 : i64, tpu.core_type = #tpu.core_type<sc_vector_subcore>, window_params = [{transform_indices = #map}, {transform_indices = #map1}, {transform_indices = #map1}, {transform_indices = #map2}, {transform_indices = #map3}]} {
    %mul3A = arith.constant 2 : i32
    %mul3A_0 = arith.muli %arg1, %mul3A : i32
    %add3A = arith.addi %mul3A_0, %arg0 : i32
    %mul3A_1 = arith.constant 640 : i32
    %mul3A_2 = arith.muli %arg1, %mul3A_1 : i32
    "tpu.region"() ({
      %run_scoped3A_134 = tpu.sem_alloc : memref<!tpu.dma_semaphore, #tpu.memory_space<semaphore_mem>>
      %dma_start3A_135 = arith.constant 0 : i32
      %dma_start3A_136 = arith.constant 0 : i32
      %dma_start3A_137 = tpu.memref_slice %arg3[%add3A, %dma_start3A_135, %dma_start3A_136] : memref<32x79x128xi32, #tpu.memory_space<hbm>> -> memref<1x79x128xi32, #tpu.memory_space<hbm>>
      %dma_start3A_138 = tpu.memref_squeeze %dma_start3A_137 : memref<1x79x128xi32, #tpu.memory_space<hbm>> -> memref<79x128xi32, #tpu.memory_space<hbm>>
      %dma_start3A_139 = arith.constant 0 : i32
      %dma_start3A_140 = arith.constant 0 : i32
      %dma_start3A_141 = tpu.memref_slice %arg3[%add3A, %dma_start3A_139, %dma_start3A_140] : memref<32x79x128xi32, #tpu.memory_space<hbm>> -> memref<1x79x128xi32, #tpu.memory_space<hbm>>
      %dma_start3A_142 = tpu.memref_squeeze %dma_start3A_141 : memref<1x79x128xi32, #tpu.memory_space<hbm>> -> memref<79x128xi32, #tpu.memory_space<hbm>>
      tpu.enqueue_dma source(%dma_start3A_142 : memref<79x128xi32, #tpu.memory_space<hbm>>) target(%arg7 : memref<79x128xi32, #tpu.memory_space<vmem>>) target_semaphore(%run_scoped3A_134 : memref<!tpu.dma_semaphore, #tpu.memory_space<semaphore_mem>>)
      %dma_wait3A_143 = arith.constant 0 : i32
      %dma_wait3A_144 = arith.constant 0 : i32
      %dma_wait3A_145 = tpu.memref_slice %arg3[%add3A, %dma_wait3A_143, %dma_wait3A_144] : memref<32x79x128xi32, #tpu.memory_space<hbm>> -> memref<1x79x128xi32, #tpu.memory_space<hbm>>
      %dma_wait3A_146 = tpu.memref_squeeze %dma_wait3A_145 : memref<1x79x128xi32, #tpu.memory_space<hbm>> -> memref<79x128xi32, #tpu.memory_space<hbm>>
      %dma_wait3A_147 = arith.constant 0 : i32
      %dma_wait3A_148 = arith.constant 0 : i32
      %dma_wait3A_149 = tpu.memref_slice %arg3[%add3A, %dma_wait3A_147, %dma_wait3A_148] : memref<32x79x128xi32, #tpu.memory_space<hbm>> -> memref<1x79x128xi32, #tpu.memory_space<hbm>>
      %dma_wait3A_150 = tpu.memref_squeeze %dma_wait3A_149 : memref<1x79x128xi32, #tpu.memory_space<hbm>> -> memref<79x128xi32, #tpu.memory_space<hbm>>
      tpu.wait_dma2 semaphore(%run_scoped3A_134 : memref<!tpu.dma_semaphore, #tpu.memory_space<semaphore_mem>>) src(%dma_wait3A_150 : memref<79x128xi32, #tpu.memory_space<hbm>>) dst(%arg7 : memref<79x128xi32, #tpu.memory_space<vmem>>)
      tpu.yield
    }) : () -> ()
    "tpu.region"() ({
      %run_scoped3A_134 = tpu.sem_alloc : memref<!tpu.dma_semaphore, #tpu.memory_space<semaphore_mem>>
      %dma_start3A_135 = arith.constant 0 : i32
      %dma_start3A_136 = arith.constant 0 : i32
      %dma_start3A_137 = tpu.memref_slice %arg4[%add3A, %dma_start3A_135, %dma_start3A_136] : memref<32x79x128xi32, #tpu.memory_space<hbm>> -> memref<1x79x128xi32, #tpu.memory_space<hbm>>
      %dma_start3A_138 = tpu.memref_squeeze %dma_start3A_137 : memref<1x79x128xi32, #tpu.memory_space<hbm>> -> memref<79x128xi32, #tpu.memory_space<hbm>>
      %dma_start3A_139 = arith.constant 0 : i32
      %dma_start3A_140 = arith.constant 0 : i32
      %dma_start3A_141 = tpu.memref_slice %arg4[%add3A, %dma_start3A_139, %dma_start3A_140] : memref<32x79x128xi32, #tpu.memory_space<hbm>> -> memref<1x79x128xi32, #tpu.memory_space<hbm>>
      %dma_start3A_142 = tpu.memref_squeeze %dma_start3A_141 : memref<1x79x128xi32, #tpu.memory_space<hbm>> -> memref<79x128xi32, #tpu.memory_space<hbm>>
      tpu.enqueue_dma source(%dma_start3A_142 : memref<79x128xi32, #tpu.memory_space<hbm>>) target(%arg9 : memref<79x128xi32, #tpu.memory_space<vmem>>) target_semaphore(%run_scoped3A_134 : memref<!tpu.dma_semaphore, #tpu.memory_space<semaphore_mem>>)
      %dma_wait3A_143 = arith.constant 0 : i32
      %dma_wait3A_144 = arith.constant 0 : i32
      %dma_wait3A_145 = tpu.memref_slice %arg4[%add3A, %dma_wait3A_143, %dma_wait3A_144] : memref<32x79x128xi32, #tpu.memory_space<hbm>> -> memref<1x79x128xi32, #tpu.memory_space<hbm>>
      %dma_wait3A_146 = tpu.memref_squeeze %dma_wait3A_145 : memref<1x79x128xi32, #tpu.memory_space<hbm>> -> memref<79x128xi32, #tpu.memory_space<hbm>>
      %dma_wait3A_147 = arith.constant 0 : i32
      %dma_wait3A_148 = arith.constant 0 : i32
      %dma_wait3A_149 = tpu.memref_slice %arg4[%add3A, %dma_wait3A_147, %dma_wait3A_148] : memref<32x79x128xi32, #tpu.memory_space<hbm>> -> memref<1x79x128xi32, #tpu.memory_space<hbm>>
      %dma_wait3A_150 = tpu.memref_squeeze %dma_wait3A_149 : memref<1x79x128xi32, #tpu.memory_space<hbm>> -> memref<79x128xi32, #tpu.memory_space<hbm>>
      tpu.wait_dma2 semaphore(%run_scoped3A_134 : memref<!tpu.dma_semaphore, #tpu.memory_space<semaphore_mem>>) src(%dma_wait3A_150 : memref<79x128xi32, #tpu.memory_space<hbm>>) dst(%arg9 : memref<79x128xi32, #tpu.memory_space<vmem>>)
      tpu.yield
    }) : () -> ()
    %scan3A = arith.constant 0 : i32
    %scan3A_3 = arith.constant 0 : i32
    %scan3A_4 = arith.constant 79 : i32
    %scan3A_5 = arith.addi %scan3A_3, %scan3A_4 : i32
    %scan3A_6 = arith.constant 1 : i32
    %scan3A_7 = scf.for %scan3A_134 = %scan3A_3 to %scan3A_5 step %scan3A_6 iter_args(%scan3A_135 = %scan3A) -> (i32)  : i32 {
      %get3A = arith.index_cast %scan3A_134 : i32 to index
      %get3A_136 = arith.constant 0 : index
      %get3A_137 = tpu.vector_load %arg7[%get3A, %get3A_136] {strides = array<i32>} : memref<79x128xi32, #tpu.memory_space<vmem>>, vector<1x16xi32>,
      %get3A_138 = vector.shape_cast %get3A_137 : vector<1x16xi32> to vector<16xi32>
      %mul3A_139 = arith.constant 2 : i32
      %mul3A_140 = vector.broadcast %mul3A_139 : i32 to vector<16xi32>
      %mul3A_141 = arith.muli %get3A_138, %mul3A_140 : vector<16xi32>
      %add3A_142 = arith.constant 0 : i32
      %add3A_143 = vector.broadcast %add3A_142 : i32 to vector<16xi32>
      %add3A_144 = arith.addi %mul3A_141, %add3A_143 : vector<16xi32>
      %swap3A = arith.index_cast %scan3A_134 : i32 to index
      %swap3A_145 = arith.constant 0 : index
      %swap3A_146 = tpu.vector_load %arg8[%swap3A, %swap3A_145] {strides = array<i32>} : memref<79x128xi32, #tpu.memory_space<vmem>>, vector<1x16xi32>,
      %swap3A_147 = vector.shape_cast %swap3A_146 : vector<1x16xi32> to vector<16xi32>
      %swap3A_148 = vector.shape_cast %add3A_144 : vector<16xi32> to vector<1x16xi32>
      tpu.vector_store %arg8[%swap3A, %swap3A_145], %swap3A_148 {strides = array<i32>} : memref<79x128xi32, #tpu.memory_space<vmem>>, vector<1x16xi32>,
      %get3A_149 = arith.index_cast %scan3A_134 : i32 to index
      %get3A_150 = arith.constant 16 : index
      %get3A_151 = tpu.vector_load %arg7[%get3A_149, %get3A_150] {strides = array<i32>} : memref<79x128xi32, #tpu.memory_space<vmem>>, vector<1x16xi32>,
      %get3A_152 = vector.shape_cast %get3A_151 : vector<1x16xi32> to vector<16xi32>
      %mul3A_153 = arith.constant 2 : i32
      %mul3A_154 = vector.broadcast %mul3A_153 : i32 to vector<16xi32>
      %mul3A_155 = arith.muli %get3A_152, %mul3A_154 : vector<16xi32>
      %add3A_156 = arith.constant 0 : i32
      %add3A_157 = vector.broadcast %add3A_156 : i32 to vector<16xi32>
      %add3A_158 = arith.addi %mul3A_155, %add3A_157 : vector<16xi32>
      %swap3A_159 = arith.index_cast %scan3A_134 : i32 to index
      %swap3A_160 = arith.constant 16 : index
      %swap3A_161 = tpu.vector_load %arg8[%swap3A_159, %swap3A_160] {strides = array<i32>} : memref<79x128xi32, #tpu.memory_space<vmem>>, vector<1x16xi32>,
      %swap3A_162 = vector.shape_cast %swap3A_161 : vector<1x16xi32> to vector<16xi32>
      %swap3A_163 = vector.shape_cast %add3A_158 : vector<16xi32> to vector<1x16xi32>
      tpu.vector_store %arg8[%swap3A_159, %swap3A_160], %swap3A_163 {strides = array<i32>} : memref<79x128xi32, #tpu.memory_space<vmem>>, vector<1x16xi32>,
      %get3A_164 = arith.index_cast %scan3A_134 : i32 to index
      %get3A_165 = arith.constant 32 : index
      %get3A_166 = tpu.vector_load %arg7[%get3A_164, %get3A_165] {strides = array<i32>} : memref<79x128xi32, #tpu.memory_space<vmem>>, vector<1x16xi32>,
      %get3A_167 = vector.shape_cast %get3A_166 : vector<1x16xi32> to vector<16xi32>
      %mul3A_168 = arith.constant 2 : i32
      %mul3A_169 = vector.broadcast %mul3A_168 : i32 to vector<16xi32>
      %mul3A_170 = arith.muli %get3A_167, %mul3A_169 : vector<16xi32>
      %add3A_171 = arith.constant 0 : i32
      %add3A_172 = vector.broadcast %add3A_171 : i32 to vector<16xi32>
      %add3A_173 = arith.addi %mul3A_170, %add3A_172 : vector<16xi32>
      %swap3A_174 = arith.index_cast %scan3A_134 : i32 to index
      %swap3A_175 = arith.constant 32 : index
      %swap3A_176 = tpu.vector_load %arg8[%swap3A_174, %swap3A_175] {strides = array<i32>} : memref<79x128xi32, #tpu.memory_space<vmem>>, vector<1x16xi32>,
      %swap3A_177 = vector.shape_cast %swap3A_176 : vector<1x16xi32> to vector<16xi32>
      %swap3A_178 = vector.shape_cast %add3A_173 : vector<16xi32> to vector<1x16xi32>
      tpu.vector_store %arg8[%swap3A_174, %swap3A_175], %swap3A_178 {strides = array<i32>} : memref<79x128xi32, #tpu.memory_space<vmem>>, vector<1x16xi32>,
      %get3A_179 = arith.index_cast %scan3A_134 : i32 to index
      %get3A_180 = arith.constant 48 : index
      %get3A_181 = tpu.vector_load %arg7[%get3A_179, %get3A_180] {strides = array<i32>} : memref<79x128xi32, #tpu.memory_space<vmem>>, vector<1x16xi32>,
      %get3A_182 = vector.shape_cast %get3A_181 : vector<1x16xi32> to vector<16xi32>
      %mul3A_183 = arith.constant 2 : i32
      %mul3A_184 = vector.broadcast %mul3A_183 : i32 to vector<16xi32>
      %mul3A_185 = arith.muli %get3A_182, %mul3A_184 : vector<16xi32>
      %add3A_186 = arith.constant 0 : i32
      %add3A_187 = vector.broadcast %add3A_186 : i32 to vector<16xi32>
      %add3A_188 = arith.addi %mul3A_185, %add3A_187 : vector<16xi32>
      %swap3A_189 = arith.index_cast %scan3A_134 : i32 to index
      %swap3A_190 = arith.constant 48 : index
      %swap3A_191 = tpu.vector_load %arg8[%swap3A_189, %swap3A_190] {strides = array<i32>} : memref<79x128xi32, #tpu.memory_space<vmem>>, vector<1x16xi32>,
      %swap3A_192 = vector.shape_cast %swap3A_191 : vector<1x16xi32> to vector<16xi32>
      %swap3A_193 = vector.shape_cast %add3A_188 : vector<16xi32> to vector<1x16xi32>
      tpu.vector_store %arg8[%swap3A_189, %swap3A_190], %swap3A_193 {strides = array<i32>} : memref<79x128xi32, #tpu.memory_space<vmem>>, vector<1x16xi32>,
      %get3A_194 = arith.index_cast %scan3A_134 : i32 to index
      %get3A_195 = arith.constant 64 : index
      %get3A_196 = tpu.vector_load %arg7[%get3A_194, %get3A_195] {strides = array<i32>} : memref<79x128xi32, #tpu.memory_space<vmem>>, vector<1x16xi32>,
      %get3A_197 = vector.shape_cast %get3A_196 : vector<1x16xi32> to vector<16xi32>
      %mul3A_198 = arith.constant 2 : i32
      %mul3A_199 = vector.broadcast %mul3A_198 : i32 to vector<16xi32>
      %mul3A_200 = arith.muli %get3A_197, %mul3A_199 : vector<16xi32>
      %add3A_201 = arith.constant 0 : i32
      %add3A_202 = vector.broadcast %add3A_201 : i32 to vector<16xi32>
      %add3A_203 = arith.addi %mul3A_200, %add3A_202 : vector<16xi32>
      %swap3A_204 = arith.index_cast %scan3A_134 : i32 to index
      %swap3A_205 = arith.constant 64 : index
      %swap3A_206 = tpu.vector_load %arg8[%swap3A_204, %swap3A_205] {strides = array<i32>} : memref<79x128xi32, #tpu.memory_space<vmem>>, vector<1x16xi32>,
      %swap3A_207 = vector.shape_cast %swap3A_206 : vector<1x16xi32> to vector<16xi32>
      %swap3A_208 = vector.shape_cast %add3A_203 : vector<16xi32> to vector<1x16xi32>
      tpu.vector_store %arg8[%swap3A_204, %swap3A_205], %swap3A_208 {strides = array<i32>} : memref<79x128xi32, #tpu.memory_space<vmem>>, vector<1x16xi32>,
      %get3A_209 = arith.index_cast %scan3A_134 : i32 to index
      %get3A_210 = arith.constant 80 : index
      %get3A_211 = tpu.vector_load %arg7[%get3A_209, %get3A_210] {strides = array<i32>} : memref<79x128xi32, #tpu.memory_space<vmem>>, vector<1x16xi32>,
      %get3A_212 = vector.shape_cast %get3A_211 : vector<1x16xi32> to vector<16xi32>
      %mul3A_213 = arith.constant 2 : i32
      %mul3A_214 = vector.broadcast %mul3A_213 : i32 to vector<16xi32>
      %mul3A_215 = arith.muli %get3A_212, %mul3A_214 : vector<16xi32>
      %add3A_216 = arith.constant 0 : i32
      %add3A_217 = vector.broadcast %add3A_216 : i32 to vector<16xi32>
      %add3A_218 = arith.addi %mul3A_215, %add3A_217 : vector<16xi32>
      %swap3A_219 = arith.index_cast %scan3A_134 : i32 to index
      %swap3A_220 = arith.constant 80 : index
      %swap3A_221 = tpu.vector_load %arg8[%swap3A_219, %swap3A_220] {strides = array<i32>} : memref<79x128xi32, #tpu.memory_space<vmem>>, vector<1x16xi32>,
      %swap3A_222 = vector.shape_cast %swap3A_221 : vector<1x16xi32> to vector<16xi32>
      %swap3A_223 = vector.shape_cast %add3A_218 : vector<16xi32> to vector<1x16xi32>
      tpu.vector_store %arg8[%swap3A_219, %swap3A_220], %swap3A_223 {strides = array<i32>} : memref<79x128xi32, #tpu.memory_space<vmem>>, vector<1x16xi32>,
      %get3A_224 = arith.index_cast %scan3A_134 : i32 to index
      %get3A_225 = arith.constant 96 : index
      %get3A_226 = tpu.vector_load %arg7[%get3A_224, %get3A_225] {strides = array<i32>} : memref<79x128xi32, #tpu.memory_space<vmem>>, vector<1x16xi32>,
      %get3A_227 = vector.shape_cast %get3A_226 : vector<1x16xi32> to vector<16xi32>
      %mul3A_228 = arith.constant 2 : i32
      %mul3A_229 = vector.broadcast %mul3A_228 : i32 to vector<16xi32>
      %mul3A_230 = arith.muli %get3A_227, %mul3A_229 : vector<16xi32>
      %add3A_231 = arith.constant 0 : i32
      %add3A_232 = vector.broadcast %add3A_231 : i32 to vector<16xi32>
      %add3A_233 = arith.addi %mul3A_230, %add3A_232 : vector<16xi32>
      %swap3A_234 = arith.index_cast %scan3A_134 : i32 to index
      %swap3A_235 = arith.constant 96 : index
      %swap3A_236 = tpu.vector_load %arg8[%swap3A_234, %swap3A_235] {strides = array<i32>} : memref<79x128xi32, #tpu.memory_space<vmem>>, vector<1x16xi32>,
      %swap3A_237 = vector.shape_cast %swap3A_236 : vector<1x16xi32> to vector<16xi32>
      %swap3A_238 = vector.shape_cast %add3A_233 : vector<16xi32> to vector<1x16xi32>
      tpu.vector_store %arg8[%swap3A_234, %swap3A_235], %swap3A_238 {strides = array<i32>} : memref<79x128xi32, #tpu.memory_space<vmem>>, vector<1x16xi32>,
      %get3A_239 = arith.index_cast %scan3A_134 : i32 to index
      %get3A_240 = arith.constant 112 : index
      %get3A_241 = tpu.vector_load %arg7[%get3A_239, %get3A_240] {strides = array<i32>} : memref<79x128xi32, #tpu.memory_space<vmem>>, vector<1x16xi32>,
      %get3A_242 = vector.shape_cast %get3A_241 : vector<1x16xi32> to vector<16xi32>
      %mul3A_243 = arith.constant 2 : i32
      %mul3A_244 = vector.broadcast %mul3A_243 : i32 to vector<16xi32>
      %mul3A_245 = arith.muli %get3A_242, %mul3A_244 : vector<16xi32>
      %add3A_246 = arith.constant 0 : i32
      %add3A_247 = vector.broadcast %add3A_246 : i32 to vector<16xi32>
      %add3A_248 = arith.addi %mul3A_245, %add3A_247 : vector<16xi32>
      %swap3A_249 = arith.index_cast %scan3A_134 : i32 to index
      %swap3A_250 = arith.constant 112 : index
      %swap3A_251 = tpu.vector_load %arg8[%swap3A_249, %swap3A_250] {strides = array<i32>} : memref<79x128xi32, #tpu.memory_space<vmem>>, vector<1x16xi32>,
      %swap3A_252 = vector.shape_cast %swap3A_251 : vector<1x16xi32> to vector<16xi32>
      %swap3A_253 = vector.shape_cast %add3A_248 : vector<16xi32> to vector<1x16xi32>
      tpu.vector_store %arg8[%swap3A_249, %swap3A_250], %swap3A_253 {strides = array<i32>} : memref<79x128xi32, #tpu.memory_space<vmem>>, vector<1x16xi32>,
      %scan3A_254 = arith.constant 0 : i32
      scf.yield %scan3A_254 : i32
    }
    %scan3A_8 = arith.constant 79 : i32
    %scan3A_9 = arith.constant 0 : i32
    %scan3A_10 = arith.constant 0 : i32
    %scan3A_11 = arith.constant 128 : i32
    %scan3A_12 = arith.addi %scan3A_10, %scan3A_11 : i32
    %scan3A_13 = arith.constant 1 : i32
    %scan3A_14 = scf.for %scan3A_134 = %scan3A_10 to %scan3A_12 step %scan3A_13 iter_args(%scan3A_135 = %scan3A_9) -> (i32)  : i32 {
      %broadcast_in_dim3A = arith.constant 0.000000e+00 : f32
      %broadcast_in_dim3A_136 = vector.broadcast %broadcast_in_dim3A : f32 to vector<16xf32>
      %swap3A = arith.index_cast %scan3A_134 : i32 to index
      %swap3A_137 = arith.constant 0 : index
      %swap3A_138 = tpu.vector_load %arg10[%swap3A, %swap3A_137] {strides = array<i32>} : memref<128x64xf32, #tpu.memory_space<vmem>>, vector<1x16xf32>,
      %swap3A_139 = vector.shape_cast %swap3A_138 : vector<1x16xf32> to vector<16xf32>
      %swap3A_140 = vector.shape_cast %broadcast_in_dim3A_136 : vector<16xf32> to vector<1x16xf32>
      tpu.vector_store %arg10[%swap3A, %swap3A_137], %swap3A_140 {strides = array<i32>} : memref<128x64xf32, #tpu.memory_space<vmem>>, vector<1x16xf32>,
      %broadcast_in_dim3A_141 = arith.constant 0.000000e+00 : f32
      %broadcast_in_dim3A_142 = vector.broadcast %broadcast_in_dim3A_141 : f32 to vector<16xf32>
      %swap3A_143 = arith.index_cast %scan3A_134 : i32 to index
      %swap3A_144 = arith.constant 16 : index
      %swap3A_145 = tpu.vector_load %arg10[%swap3A_143, %swap3A_144] {strides = array<i32>} : memref<128x64xf32, #tpu.memory_space<vmem>>, vector<1x16xf32>,
      %swap3A_146 = vector.shape_cast %swap3A_145 : vector<1x16xf32> to vector<16xf32>
      %swap3A_147 = vector.shape_cast %broadcast_in_dim3A_142 : vector<16xf32> to vector<1x16xf32>
      tpu.vector_store %arg10[%swap3A_143, %swap3A_144], %swap3A_147 {strides = array<i32>} : memref<128x64xf32, #tpu.memory_space<vmem>>, vector<1x16xf32>,
      %broadcast_in_dim3A_148 = arith.constant 0.000000e+00 : f32
      %broadcast_in_dim3A_149 = vector.broadcast %broadcast_in_dim3A_148 : f32 to vector<16xf32>
      %swap3A_150 = arith.index_cast %scan3A_134 : i32 to index
      %swap3A_151 = arith.constant 32 : index
      %swap3A_152 = tpu.vector_load %arg10[%swap3A_150, %swap3A_151] {strides = array<i32>} : memref<128x64xf32, #tpu.memory_space<vmem>>, vector<1x16xf32>,
      %swap3A_153 = vector.shape_cast %swap3A_152 : vector<1x16xf32> to vector<16xf32>
      %swap3A_154 = vector.shape_cast %broadcast_in_dim3A_149 : vector<16xf32> to vector<1x16xf32>
      tpu.vector_store %arg10[%swap3A_150, %swap3A_151], %swap3A_154 {strides = array<i32>} : memref<128x64xf32, #tpu.memory_space<vmem>>, vector<1x16xf32>,
      %broadcast_in_dim3A_155 = arith.constant 0.000000e+00 : f32
      %broadcast_in_dim3A_156 = vector.broadcast %broadcast_in_dim3A_155 : f32 to vector<16xf32>
      %swap3A_157 = arith.index_cast %scan3A_134 : i32 to index
      %swap3A_158 = arith.constant 48 : index
      %swap3A_159 = tpu.vector_load %arg10[%swap3A_157, %swap3A_158] {strides = array<i32>} : memref<128x64xf32, #tpu.memory_space<vmem>>, vector<1x16xf32>,
      %swap3A_160 = vector.shape_cast %swap3A_159 : vector<1x16xf32> to vector<16xf32>
      %swap3A_161 = vector.shape_cast %broadcast_in_dim3A_156 : vector<16xf32> to vector<1x16xf32>
      tpu.vector_store %arg10[%swap3A_157, %swap3A_158], %swap3A_161 {strides = array<i32>} : memref<128x64xf32, #tpu.memory_space<vmem>>, vector<1x16xf32>,
      %scan3A_162 = arith.constant 0 : i32
      scf.yield %scan3A_162 : i32
    }
    %scan3A_15 = arith.constant 128 : i32
    %add3A_16 = arith.constant 0 : i32
    %add3A_17 = arith.addi %mul3A_2, %add3A_16 : i32
    "tpu.region"() ({
      %run_scoped3A_134 = tpu.sem_alloc : memref<!tpu.dma_semaphore, #tpu.memory_space<semaphore_mem>>
      %dma_start3A_135 = arith.constant 0 : i32
      %dma_start3A_136 = tpu.memref_slice %arg13[%add3A_17, %dma_start3A_135] : memref<10240x64xf32, #tpu.memory_space<vmem_shared>> -> memref<128x64xf32, #tpu.memory_space<vmem_shared>>
      %dma_start3A_137 = arith.constant 0 : i32
      %dma_start3A_138 = tpu.memref_slice %arg13[%add3A_17, %dma_start3A_137] : memref<10240x64xf32, #tpu.memory_space<vmem_shared>> -> memref<128x64xf32, #tpu.memory_space<vmem_shared>>
      tpu.enqueue_dma source(%arg10 : memref<128x64xf32, #tpu.memory_space<vmem>>) target(%dma_start3A_138 : memref<128x64xf32, #tpu.memory_space<vmem_shared>>) target_semaphore(%run_scoped3A_134 : memref<!tpu.dma_semaphore, #tpu.memory_space<semaphore_mem>>)
      %dma_wait3A_139 = arith.constant 0 : i32
      %dma_wait3A_140 = tpu.memref_slice %arg13[%add3A_17, %dma_wait3A_139] : memref<10240x64xf32, #tpu.memory_space<vmem_shared>> -> memref<128x64xf32, #tpu.memory_space<vmem_shared>>
      %dma_wait3A_141 = arith.constant 0 : i32
      %dma_wait3A_142 = tpu.memref_slice %arg13[%add3A_17, %dma_wait3A_141] : memref<10240x64xf32, #tpu.memory_space<vmem_shared>> -> memref<128x64xf32, #tpu.memory_space<vmem_shared>>
      tpu.wait_dma2 semaphore(%run_scoped3A_134 : memref<!tpu.dma_semaphore, #tpu.memory_space<semaphore_mem>>) src(%arg10 : memref<128x64xf32, #tpu.memory_space<vmem>>) dst(%dma_wait3A_142 : memref<128x64xf32, #tpu.memory_space<vmem_shared>>)
      tpu.yield
    }) : () -> ()
    %add3A_18 = arith.constant 128 : i32
    %add3A_19 = arith.addi %mul3A_2, %add3A_18 : i32
    "tpu.region"() ({
      %run_scoped3A_134 = tpu.sem_alloc : memref<!tpu.dma_semaphore, #tpu.memory_space<semaphore_mem>>
      %dma_start3A_135 = arith.constant 0 : i32
      %dma_start3A_136 = tpu.memref_slice %arg13[%add3A_19, %dma_start3A_135] : memref<10240x64xf32, #tpu.memory_space<vmem_shared>> -> memref<128x64xf32, #tpu.memory_space<vmem_shared>>
      %dma_start3A_137 = arith.constant 0 : i32
      %dma_start3A_138 = tpu.memref_slice %arg13[%add3A_19, %dma_start3A_137] : memref<10240x64xf32, #tpu.memory_space<vmem_shared>> -> memref<128x64xf32, #tpu.memory_space<vmem_shared>>
      tpu.enqueue_dma source(%arg10 : memref<128x64xf32, #tpu.memory_space<vmem>>) target(%dma_start3A_138 : memref<128x64xf32, #tpu.memory_space<vmem_shared>>) target_semaphore(%run_scoped3A_134 : memref<!tpu.dma_semaphore, #tpu.memory_space<semaphore_mem>>)
      %dma_wait3A_139 = arith.constant 0 : i32
      %dma_wait3A_140 = tpu.memref_slice %arg13[%add3A_19, %dma_wait3A_139] : memref<10240x64xf32, #tpu.memory_space<vmem_shared>> -> memref<128x64xf32, #tpu.memory_space<vmem_shared>>
      %dma_wait3A_141 = arith.constant 0 : i32
      %dma_wait3A_142 = tpu.memref_slice %arg13[%add3A_19, %dma_wait3A_141] : memref<10240x64xf32, #tpu.memory_space<vmem_shared>> -> memref<128x64xf32, #tpu.memory_space<vmem_shared>>
      tpu.wait_dma2 semaphore(%run_scoped3A_134 : memref<!tpu.dma_semaphore, #tpu.memory_space<semaphore_mem>>) src(%arg10 : memref<128x64xf32, #tpu.memory_space<vmem>>) dst(%dma_wait3A_142 : memref<128x64xf32, #tpu.memory_space<vmem_shared>>)
      tpu.yield
    }) : () -> ()
    %add3A_20 = arith.constant 256 : i32
    %add3A_21 = arith.addi %mul3A_2, %add3A_20 : i32
    "tpu.region"() ({
      %run_scoped3A_134 = tpu.sem_alloc : memref<!tpu.dma_semaphore, #tpu.memory_space<semaphore_mem>>
      %dma_start3A_135 = arith.constant 0 : i32
      %dma_start3A_136 = tpu.memref_slice %arg13[%add3A_21, %dma_start3A_135] : memref<10240x64xf32, #tpu.memory_space<vmem_shared>> -> memref<128x64xf32, #tpu.memory_space<vmem_shared>>
      %dma_start3A_137 = arith.constant 0 : i32
      %dma_start3A_138 = tpu.memref_slice %arg13[%add3A_21, %dma_start3A_137] : memref<10240x64xf32, #tpu.memory_space<vmem_shared>> -> memref<128x64xf32, #tpu.memory_space<vmem_shared>>
      tpu.enqueue_dma source(%arg10 : memref<128x64xf32, #tpu.memory_space<vmem>>) target(%dma_start3A_138 : memref<128x64xf32, #tpu.memory_space<vmem_shared>>) target_semaphore(%run_scoped3A_134 : memref<!tpu.dma_semaphore, #tpu.memory_space<semaphore_mem>>)
      %dma_wait3A_139 = arith.constant 0 : i32
      %dma_wait3A_140 = tpu.memref_slice %arg13[%add3A_21, %dma_wait3A_139] : memref<10240x64xf32, #tpu.memory_space<vmem_shared>> -> memref<128x64xf32, #tpu.memory_space<vmem_shared>>
      %dma_wait3A_141 = arith.constant 0 : i32
      %dma_wait3A_142 = tpu.memref_slice %arg13[%add3A_21, %dma_wait3A_141] : memref<10240x64xf32, #tpu.memory_space<vmem_shared>> -> memref<128x64xf32, #tpu.memory_space<vmem_shared>>
      tpu.wait_dma2 semaphore(%run_scoped3A_134 : memref<!tpu.dma_semaphore, #tpu.memory_space<semaphore_mem>>) src(%arg10 : memref<128x64xf32, #tpu.memory_space<vmem>>) dst(%dma_wait3A_142 : memref<128x64xf32, #tpu.memory_space<vmem_shared>>)
      tpu.yield
    }) : () -> ()
    %add3A_22 = arith.constant 384 : i32
    %add3A_23 = arith.addi %mul3A_2, %add3A_22 : i32
    "tpu.region"() ({
      %run_scoped3A_134 = tpu.sem_alloc : memref<!tpu.dma_semaphore, #tpu.memory_space<semaphore_mem>>
      %dma_start3A_135 = arith.constant 0 : i32
      %dma_start3A_136 = tpu.memref_slice %arg13[%add3A_23, %dma_start3A_135] : memref<10240x64xf32, #tpu.memory_space<vmem_shared>> -> memref<128x64xf32, #tpu.memory_space<vmem_shared>>
      %dma_start3A_137 = arith.constant 0 : i32
      %dma_start3A_138 = tpu.memref_slice %arg13[%add3A_23, %dma_start3A_137] : memref<10240x64xf32, #tpu.memory_space<vmem_shared>> -> memref<128x64xf32, #tpu.memory_space<vmem_shared>>
      tpu.enqueue_dma source(%arg10 : memref<128x64xf32, #tpu.memory_space<vmem>>) target(%dma_start3A_138 : memref<128x64xf32, #tpu.memory_space<vmem_shared>>) target_semaphore(%run_scoped3A_134 : memref<!tpu.dma_semaphore, #tpu.memory_space<semaphore_mem>>)
      %dma_wait3A_139 = arith.constant 0 : i32
      %dma_wait3A_140 = tpu.memref_slice %arg13[%add3A_23, %dma_wait3A_139] : memref<10240x64xf32, #tpu.memory_space<vmem_shared>> -> memref<128x64xf32, #tpu.memory_space<vmem_shared>>
      %dma_wait3A_141 = arith.constant 0 : i32
      %dma_wait3A_142 = tpu.memref_slice %arg13[%add3A_23, %dma_wait3A_141] : memref<10240x64xf32, #tpu.memory_space<vmem_shared>> -> memref<128x64xf32, #tpu.memory_space<vmem_shared>>
      tpu.wait_dma2 semaphore(%run_scoped3A_134 : memref<!tpu.dma_semaphore, #tpu.memory_space<semaphore_mem>>) src(%arg10 : memref<128x64xf32, #tpu.memory_space<vmem>>) dst(%dma_wait3A_142 : memref<128x64xf32, #tpu.memory_space<vmem_shared>>)
      tpu.yield
    }) : () -> ()
    %add3A_24 = arith.constant 512 : i32
    %add3A_25 = arith.addi %mul3A_2, %add3A_24 : i32
    "tpu.region"() ({
      %run_scoped3A_134 = tpu.sem_alloc : memref<!tpu.dma_semaphore, #tpu.memory_space<semaphore_mem>>
      %dma_start3A_135 = arith.constant 0 : i32
      %dma_start3A_136 = tpu.memref_slice %arg13[%add3A_25, %dma_start3A_135] : memref<10240x64xf32, #tpu.memory_space<vmem_shared>> -> memref<128x64xf32, #tpu.memory_space<vmem_shared>>
      %dma_start3A_137 = arith.constant 0 : i32
      %dma_start3A_138 = tpu.memref_slice %arg13[%add3A_25, %dma_start3A_137] : memref<10240x64xf32, #tpu.memory_space<vmem_shared>> -> memref<128x64xf32, #tpu.memory_space<vmem_shared>>
      tpu.enqueue_dma source(%arg10 : memref<128x64xf32, #tpu.memory_space<vmem>>) target(%dma_start3A_138 : memref<128x64xf32, #tpu.memory_space<vmem_shared>>) target_semaphore(%run_scoped3A_134 : memref<!tpu.dma_semaphore, #tpu.memory_space<semaphore_mem>>)
      %dma_wait3A_139 = arith.constant 0 : i32
      %dma_wait3A_140 = tpu.memref_slice %arg13[%add3A_25, %dma_wait3A_139] : memref<10240x64xf32, #tpu.memory_space<vmem_shared>> -> memref<128x64xf32, #tpu.memory_space<vmem_shared>>
      %dma_wait3A_141 = arith.constant 0 : i32
      %dma_wait3A_142 = tpu.memref_slice %arg13[%add3A_25, %dma_wait3A_141] : memref<10240x64xf32, #tpu.memory_space<vmem_shared>> -> memref<128x64xf32, #tpu.memory_space<vmem_shared>>
      tpu.wait_dma2 semaphore(%run_scoped3A_134 : memref<!tpu.dma_semaphore, #tpu.memory_space<semaphore_mem>>) src(%arg10 : memref<128x64xf32, #tpu.memory_space<vmem>>) dst(%dma_wait3A_142 : memref<128x64xf32, #tpu.memory_space<vmem_shared>>)
      tpu.yield
    }) : () -> ()
    %scan3A_26 = arith.constant 0 : i32
    %scan3A_27 = arith.constant 0 : i32
    %scan3A_28 = arith.constant 128 : i32
    %scan3A_29 = arith.addi %scan3A_27, %scan3A_28 : i32
    %scan3A_30 = arith.constant 1 : i32
    %scan3A_31 = scf.for %scan3A_134 = %scan3A_27 to %scan3A_29 step %scan3A_30 iter_args(%scan3A_135 = %scan3A_26) -> (i32)  : i32 {
      %broadcast_in_dim3A = arith.constant 0.000000e+00 : f32
      %broadcast_in_dim3A_136 = vector.broadcast %broadcast_in_dim3A : f32 to vector<16xf32>
      %swap3A = arith.index_cast %scan3A_134 : i32 to index
      %swap3A_137 = arith.constant 0 : index
      %swap3A_138 = tpu.vector_load %arg12[%swap3A, %swap3A_137] {strides = array<i32>} : memref<128x16xf32, #tpu.memory_space<vmem>>, vector<1x16xf32>,
      %swap3A_139 = vector.shape_cast %swap3A_138 : vector<1x16xf32> to vector<16xf32>
      %swap3A_140 = vector.shape_cast %broadcast_in_dim3A_136 : vector<16xf32> to vector<1x16xf32>
      tpu.vector_store %arg12[%swap3A, %swap3A_137], %swap3A_140 {strides = array<i32>} : memref<128x16xf32, #tpu.memory_space<vmem>>, vector<1x16xf32>,
      %scan3A_141 = arith.constant 0 : i32
      scf.yield %scan3A_141 : i32
    }
    %scan3A_32 = arith.constant 128 : i32
    %add3A_33 = arith.constant 0 : i32
    %add3A_34 = arith.addi %mul3A_2, %add3A_33 : i32
    "tpu.region"() ({
      %run_scoped3A_134 = tpu.sem_alloc : memref<!tpu.dma_semaphore, #tpu.memory_space<semaphore_mem>>
      %dma_start3A_135 = arith.constant 0 : i32
      %dma_start3A_136 = tpu.memref_slice %arg14[%add3A_34, %dma_start3A_135] : memref<10240x16xf32, #tpu.memory_space<vmem_shared>> -> memref<128x16xf32, #tpu.memory_space<vmem_shared>>
      %dma_start3A_137 = arith.constant 0 : i32
      %dma_start3A_138 = tpu.memref_slice %arg14[%add3A_34, %dma_start3A_137] : memref<10240x16xf32, #tpu.memory_space<vmem_shared>> -> memref<128x16xf32, #tpu.memory_space<vmem_shared>>
      tpu.enqueue_dma source(%arg12 : memref<128x16xf32, #tpu.memory_space<vmem>>) target(%dma_start3A_138 : memref<128x16xf32, #tpu.memory_space<vmem_shared>>) target_semaphore(%run_scoped3A_134 : memref<!tpu.dma_semaphore, #tpu.memory_space<semaphore_mem>>)
      %dma_wait3A_139 = arith.constant 0 : i32
      %dma_wait3A_140 = tpu.memref_slice %arg14[%add3A_34, %dma_wait3A_139] : memref<10240x16xf32, #tpu.memory_space<vmem_shared>> -> memref<128x16xf32, #tpu.memory_space<vmem_shared>>
      %dma_wait3A_141 = arith.constant 0 : i32
      %dma_wait3A_142 = tpu.memref_slice %arg14[%add3A_34, %dma_wait3A_141] : memref<10240x16xf32, #tpu.memory_space<vmem_shared>> -> memref<128x16xf32, #tpu.memory_space<vmem_shared>>
      tpu.wait_dma2 semaphore(%run_scoped3A_134 : memref<!tpu.dma_semaphore, #tpu.memory_space<semaphore_mem>>) src(%arg12 : memref<128x16xf32, #tpu.memory_space<vmem>>) dst(%dma_wait3A_142 : memref<128x16xf32, #tpu.memory_space<vmem_shared>>)
      tpu.yield
    }) : () -> ()
    %add3A_35 = arith.constant 128 : i32
    %add3A_36 = arith.addi %mul3A_2, %add3A_35 : i32
    "tpu.region"() ({
      %run_scoped3A_134 = tpu.sem_alloc : memref<!tpu.dma_semaphore, #tpu.memory_space<semaphore_mem>>
      %dma_start3A_135 = arith.constant 0 : i32
      %dma_start3A_136 = tpu.memref_slice %arg14[%add3A_36, %dma_start3A_135] : memref<10240x16xf32, #tpu.memory_space<vmem_shared>> -> memref<128x16xf32, #tpu.memory_space<vmem_shared>>
      %dma_start3A_137 = arith.constant 0 : i32
      %dma_start3A_138 = tpu.memref_slice %arg14[%add3A_36, %dma_start3A_137] : memref<10240x16xf32, #tpu.memory_space<vmem_shared>> -> memref<128x16xf32, #tpu.memory_space<vmem_shared>>
      tpu.enqueue_dma source(%arg12 : memref<128x16xf32, #tpu.memory_space<vmem>>) target(%dma_start3A_138 : memref<128x16xf32, #tpu.memory_space<vmem_shared>>) target_semaphore(%run_scoped3A_134 : memref<!tpu.dma_semaphore, #tpu.memory_space<semaphore_mem>>)
      %dma_wait3A_139 = arith.constant 0 : i32
      %dma_wait3A_140 = tpu.memref_slice %arg14[%add3A_36, %dma_wait3A_139] : memref<10240x16xf32, #tpu.memory_space<vmem_shared>> -> memref<128x16xf32, #tpu.memory_space<vmem_shared>>
      %dma_wait3A_141 = arith.constant 0 : i32
      %dma_wait3A_142 = tpu.memref_slice %arg14[%add3A_36, %dma_wait3A_141] : memref<10240x16xf32, #tpu.memory_space<vmem_shared>> -> memref<128x16xf32, #tpu.memory_space<vmem_shared>>
      tpu.wait_dma2 semaphore(%run_scoped3A_134 : memref<!tpu.dma_semaphore, #tpu.memory_space<semaphore_mem>>) src(%arg12 : memref<128x16xf32, #tpu.memory_space<vmem>>) dst(%dma_wait3A_142 : memref<128x16xf32, #tpu.memory_space<vmem_shared>>)
      tpu.yield
    }) : () -> ()
    %add3A_37 = arith.constant 256 : i32
    %add3A_38 = arith.addi %mul3A_2, %add3A_37 : i32
    "tpu.region"() ({
      %run_scoped3A_134 = tpu.sem_alloc : memref<!tpu.dma_semaphore, #tpu.memory_space<semaphore_mem>>
      %dma_start3A_135 = arith.constant 0 : i32
      %dma_start3A_136 = tpu.memref_slice %arg14[%add3A_38, %dma_start3A_135] : memref<10240x16xf32, #tpu.memory_space<vmem_shared>> -> memref<128x16xf32, #tpu.memory_space<vmem_shared>>
      %dma_start3A_137 = arith.constant 0 : i32
      %dma_start3A_138 = tpu.memref_slice %arg14[%add3A_38, %dma_start3A_137] : memref<10240x16xf32, #tpu.memory_space<vmem_shared>> -> memref<128x16xf32, #tpu.memory_space<vmem_shared>>
      tpu.enqueue_dma source(%arg12 : memref<128x16xf32, #tpu.memory_space<vmem>>) target(%dma_start3A_138 : memref<128x16xf32, #tpu.memory_space<vmem_shared>>) target_semaphore(%run_scoped3A_134 : memref<!tpu.dma_semaphore, #tpu.memory_space<semaphore_mem>>)
      %dma_wait3A_139 = arith.constant 0 : i32
      %dma_wait3A_140 = tpu.memref_slice %arg14[%add3A_38, %dma_wait3A_139] : memref<10240x16xf32, #tpu.memory_space<vmem_shared>> -> memref<128x16xf32, #tpu.memory_space<vmem_shared>>
      %dma_wait3A_141 = arith.constant 0 : i32
      %dma_wait3A_142 = tpu.memref_slice %arg14[%add3A_38, %dma_wait3A_141] : memref<10240x16xf32, #tpu.memory_space<vmem_shared>> -> memref<128x16xf32, #tpu.memory_space<vmem_shared>>
      tpu.wait_dma2 semaphore(%run_scoped3A_134 : memref<!tpu.dma_semaphore, #tpu.memory_space<semaphore_mem>>) src(%arg12 : memref<128x16xf32, #tpu.memory_space<vmem>>) dst(%dma_wait3A_142 : memref<128x16xf32, #tpu.memory_space<vmem_shared>>)
      tpu.yield
    }) : () -> ()
    %add3A_39 = arith.constant 384 : i32
    %add3A_40 = arith.addi %mul3A_2, %add3A_39 : i32
    "tpu.region"() ({
      %run_scoped3A_134 = tpu.sem_alloc : memref<!tpu.dma_semaphore, #tpu.memory_space<semaphore_mem>>
      %dma_start3A_135 = arith.constant 0 : i32
      %dma_start3A_136 = tpu.memref_slice %arg14[%add3A_40, %dma_start3A_135] : memref<10240x16xf32, #tpu.memory_space<vmem_shared>> -> memref<128x16xf32, #tpu.memory_space<vmem_shared>>
      %dma_start3A_137 = arith.constant 0 : i32
      %dma_start3A_138 = tpu.memref_slice %arg14[%add3A_40, %dma_start3A_137] : memref<10240x16xf32, #tpu.memory_space<vmem_shared>> -> memref<128x16xf32, #tpu.memory_space<vmem_shared>>
      tpu.enqueue_dma source(%arg12 : memref<128x16xf32, #tpu.memory_space<vmem>>) target(%dma_start3A_138 : memref<128x16xf32, #tpu.memory_space<vmem_shared>>) target_semaphore(%run_scoped3A_134 : memref<!tpu.dma_semaphore, #tpu.memory_space<semaphore_mem>>)
      %dma_wait3A_139 = arith.constant 0 : i32
      %dma_wait3A_140 = tpu.memref_slice %arg14[%add3A_40, %dma_wait3A_139] : memref<10240x16xf32, #tpu.memory_space<vmem_shared>> -> memref<128x16xf32, #tpu.memory_space<vmem_shared>>
      %dma_wait3A_141 = arith.constant 0 : i32
      %dma_wait3A_142 = tpu.memref_slice %arg14[%add3A_40, %dma_wait3A_141] : memref<10240x16xf32, #tpu.memory_space<vmem_shared>> -> memref<128x16xf32, #tpu.memory_space<vmem_shared>>
      tpu.wait_dma2 semaphore(%run_scoped3A_134 : memref<!tpu.dma_semaphore, #tpu.memory_space<semaphore_mem>>) src(%arg12 : memref<128x16xf32, #tpu.memory_space<vmem>>) dst(%dma_wait3A_142 : memref<128x16xf32, #tpu.memory_space<vmem_shared>>)
      tpu.yield
    }) : () -> ()
    %add3A_41 = arith.constant 512 : i32
    %add3A_42 = arith.addi %mul3A_2, %add3A_41 : i32
    "tpu.region"() ({
      %run_scoped3A_134 = tpu.sem_alloc : memref<!tpu.dma_semaphore, #tpu.memory_space<semaphore_mem>>
      %dma_start3A_135 = arith.constant 0 : i32
      %dma_start3A_136 = tpu.memref_slice %arg14[%add3A_42, %dma_start3A_135] : memref<10240x16xf32, #tpu.memory_space<vmem_shared>> -> memref<128x16xf32, #tpu.memory_space<vmem_shared>>
      %dma_start3A_137 = arith.constant 0 : i32
      %dma_start3A_138 = tpu.memref_slice %arg14[%add3A_42, %dma_start3A_137] : memref<10240x16xf32, #tpu.memory_space<vmem_shared>> -> memref<128x16xf32, #tpu.memory_space<vmem_shared>>
      tpu.enqueue_dma source(%arg12 : memref<128x16xf32, #tpu.memory_space<vmem>>) target(%dma_start3A_138 : memref<128x16xf32, #tpu.memory_space<vmem_shared>>) target_semaphore(%run_scoped3A_134 : memref<!tpu.dma_semaphore, #tpu.memory_space<semaphore_mem>>)
      %dma_wait3A_139 = arith.constant 0 : i32
      %dma_wait3A_140 = tpu.memref_slice %arg14[%add3A_42, %dma_wait3A_139] : memref<10240x16xf32, #tpu.memory_space<vmem_shared>> -> memref<128x16xf32, #tpu.memory_space<vmem_shared>>
      %dma_wait3A_141 = arith.constant 0 : i32
      %dma_wait3A_142 = tpu.memref_slice %arg14[%add3A_42, %dma_wait3A_141] : memref<10240x16xf32, #tpu.memory_space<vmem_shared>> -> memref<128x16xf32, #tpu.memory_space<vmem_shared>>
      tpu.wait_dma2 semaphore(%run_scoped3A_134 : memref<!tpu.dma_semaphore, #tpu.memory_space<semaphore_mem>>) src(%arg12 : memref<128x16xf32, #tpu.memory_space<vmem>>) dst(%dma_wait3A_142 : memref<128x16xf32, #tpu.memory_space<vmem_shared>>)
      tpu.yield
    }) : () -> ()
    %scan3A_43 = arith.constant 0 : i32
    %scan3A_44 = arith.constant 0 : i32
    %scan3A_45 = arith.constant 128 : i32
    %scan3A_46 = arith.addi %scan3A_44, %scan3A_45 : i32
    %scan3A_47 = arith.constant 1 : i32
    %scan3A_48 = scf.for %scan3A_134 = %scan3A_44 to %scan3A_46 step %scan3A_47 iter_args(%scan3A_135 = %scan3A_43) -> (i32)  : i32 {
      %broadcast_in_dim3A = arith.constant 1.000000e+00 : f32
      %broadcast_in_dim3A_136 = vector.broadcast %broadcast_in_dim3A : f32 to vector<16xf32>
      %swap3A = arith.index_cast %scan3A_134 : i32 to index
      %swap3A_137 = arith.constant 0 : index
      %swap3A_138 = tpu.vector_load %arg12[%swap3A, %swap3A_137] {strides = array<i32>} : memref<128x16xf32, #tpu.memory_space<vmem>>, vector<1x16xf32>,
      %swap3A_139 = vector.shape_cast %swap3A_138 : vector<1x16xf32> to vector<16xf32>
      %swap3A_140 = vector.shape_cast %broadcast_in_dim3A_136 : vector<16xf32> to vector<1x16xf32>
      tpu.vector_store %arg12[%swap3A, %swap3A_137], %swap3A_140 {strides = array<i32>} : memref<128x16xf32, #tpu.memory_space<vmem>>, vector<1x16xf32>,
      %scan3A_141 = arith.constant 0 : i32
      scf.yield %scan3A_141 : i32
    }
    %scan3A_49 = arith.constant 128 : i32
    %barrier3A = arith.constant 0 : index
    tpu.barrier barrier_id(%barrier3A)
    %dma_start3A = arith.constant 0 : i32
    %dma_start3A_50 = arith.constant 0 : i32
    %dma_start3A_51 = tpu.memref_slice %arg8[%dma_start3A, %dma_start3A_50] : memref<79x128xi32, #tpu.memory_space<vmem>> -> memref<1x128xi32, #tpu.memory_space<vmem>>
    %dma_start3A_52 = tpu.memref_squeeze %dma_start3A_51 : memref<1x128xi32, #tpu.memory_space<vmem>> -> memref<128xi32, #tpu.memory_space<vmem>>
    %dma_start3A_53 = arith.constant 0 : i32
    %dma_start3A_54 = arith.constant 0 : i32
    %dma_start3A_55 = tpu.memref_slice %arg2[%dma_start3A_53, %dma_start3A_54] : memref<20480x64xf32, #tpu.memory_space<hbm>> -> memref<20480x64xf32, #tpu.memory_space<hbm>>
    tpu.enqueue_indirect_dma source(%dma_start3A_55 : memref<20480x64xf32, #tpu.memory_space<hbm>>) target(%arg10 : memref<128x64xf32, #tpu.memory_space<vmem>>) offsets(%dma_start3A_52 : memref<128xi32, #tpu.memory_space<vmem>>) semaphore(%arg15 : memref<!tpu.dma_semaphore, #tpu.memory_space<semaphore_mem>>)
    %scan3A_56 = arith.constant 0 : i32
    %scan3A_57 = arith.constant 0 : i32
    %scan3A_58 = arith.constant 39 : i32
    %scan3A_59 = arith.addi %scan3A_57, %scan3A_58 : i32
    %scan3A_60 = arith.constant 1 : i32
    %scan3A_61 = scf.for %scan3A_134 = %scan3A_57 to %scan3A_59 step %scan3A_60 iter_args(%scan3A_135 = %scan3A_56) -> (i32)  : i32 {
      %mul3A_136 = arith.constant 2 : i32
      %mul3A_137 = arith.muli %mul3A_136, %scan3A_134 : i32
      %add3A_138 = arith.constant 0 : i32
      %add3A_139 = arith.addi %mul3A_137, %add3A_138 : i32
      %add3A_140 = arith.constant 1 : i32
      %add3A_141 = arith.addi %add3A_139, %add3A_140 : i32
      %dma_start3A_142 = arith.constant 0 : i32
      %dma_start3A_143 = tpu.memref_slice %arg8[%add3A_141, %dma_start3A_142] : memref<79x128xi32, #tpu.memory_space<vmem>> -> memref<1x128xi32, #tpu.memory_space<vmem>>
      %dma_start3A_144 = tpu.memref_squeeze %dma_start3A_143 : memref<1x128xi32, #tpu.memory_space<vmem>> -> memref<128xi32, #tpu.memory_space<vmem>>
      %dma_start3A_145 = arith.constant 0 : i32
      %dma_start3A_146 = arith.constant 0 : i32
      %dma_start3A_147 = tpu.memref_slice %arg2[%dma_start3A_145, %dma_start3A_146] : memref<20480x64xf32, #tpu.memory_space<hbm>> -> memref<20480x64xf32, #tpu.memory_space<hbm>>
      tpu.enqueue_indirect_dma source(%dma_start3A_147 : memref<20480x64xf32, #tpu.memory_space<hbm>>) target(%arg11 : memref<128x64xf32, #tpu.memory_space<vmem>>) offsets(%dma_start3A_144 : memref<128xi32, #tpu.memory_space<vmem>>) semaphore(%arg16 : memref<!tpu.dma_semaphore, #tpu.memory_space<semaphore_mem>>)
      %dma_wait3A_148 = arith.constant 0 : i32
      %dma_wait3A_149 = tpu.memref_slice %arg8[%add3A_139, %dma_wait3A_148] : memref<79x128xi32, #tpu.memory_space<vmem>> -> memref<1x128xi32, #tpu.memory_space<vmem>>
      %dma_wait3A_150 = tpu.memref_squeeze %dma_wait3A_149 : memref<1x128xi32, #tpu.memory_space<vmem>> -> memref<128xi32, #tpu.memory_space<vmem>>
      %dma_wait3A_151 = arith.constant 0 : i32
      %dma_wait3A_152 = arith.constant 0 : i32
      %dma_wait3A_153 = tpu.memref_slice %arg2[%dma_wait3A_151, %dma_wait3A_152] : memref<20480x64xf32, #tpu.memory_space<hbm>> -> memref<20480x64xf32, #tpu.memory_space<hbm>>
      tpu.wait_indirect_dma semaphore(%arg15 : memref<!tpu.dma_semaphore, #tpu.memory_space<semaphore_mem>>) src(%dma_wait3A_153 : memref<20480x64xf32, #tpu.memory_space<hbm>>) dst(%arg10 : memref<128x64xf32, #tpu.memory_space<vmem>>)
      %dma_start3A_154 = arith.constant 0 : i32
      %dma_start3A_155 = tpu.memref_slice %arg9[%add3A_139, %dma_start3A_154] : memref<79x128xi32, #tpu.memory_space<vmem>> -> memref<1x128xi32, #tpu.memory_space<vmem>>
      %dma_start3A_156 = tpu.memref_squeeze %dma_start3A_155 : memref<1x128xi32, #tpu.memory_space<vmem>> -> memref<128xi32, #tpu.memory_space<vmem>>
      %dma_start3A_157 = arith.constant 0 : i32
      %dma_start3A_158 = arith.constant 0 : i32
      %dma_start3A_159 = tpu.memref_slice %arg14[%dma_start3A_157, %dma_start3A_158] : memref<10240x16xf32, #tpu.memory_space<vmem_shared>> -> memref<10240x16xf32, #tpu.memory_space<vmem_shared>>
      tpu.enqueue_indirect_dma source(%arg12 : memref<128x16xf32, #tpu.memory_space<vmem>>) target(%dma_start3A_159 : memref<10240x16xf32, #tpu.memory_space<vmem_shared>>) offsets(%dma_start3A_156 : memref<128xi32, #tpu.memory_space<vmem>>) semaphore(%arg17 : memref<!tpu.dma_semaphore, #tpu.memory_space<semaphore_mem>>) {add = true}
      "tpu.region"() ({
        %run_scoped3A_197 = tpu.sem_alloc : memref<!tpu.dma_semaphore, #tpu.memory_space<semaphore_mem>>
        %dma_start3A_198 = arith.constant 0 : i32
        %dma_start3A_199 = tpu.memref_slice %arg9[%add3A_139, %dma_start3A_198] : memref<79x128xi32, #tpu.memory_space<vmem>> -> memref<1x128xi32, #tpu.memory_space<vmem>>
        %dma_start3A_200 = tpu.memref_squeeze %dma_start3A_199 : memref<1x128xi32, #tpu.memory_space<vmem>> -> memref<128xi32, #tpu.memory_space<vmem>>
        %dma_start3A_201 = arith.constant 0 : i32
        %dma_start3A_202 = arith.constant 0 : i32
        %dma_start3A_203 = tpu.memref_slice %arg13[%dma_start3A_201, %dma_start3A_202] : memref<10240x64xf32, #tpu.memory_space<vmem_shared>> -> memref<10240x64xf32, #tpu.memory_space<vmem_shared>>
        tpu.enqueue_indirect_dma source(%arg10 : memref<128x64xf32, #tpu.memory_space<vmem>>) target(%dma_start3A_203 : memref<10240x64xf32, #tpu.memory_space<vmem_shared>>) offsets(%dma_start3A_200 : memref<128xi32, #tpu.memory_space<vmem>>) semaphore(%run_scoped3A_197 : memref<!tpu.dma_semaphore, #tpu.memory_space<semaphore_mem>>) {add = true}
        %dma_wait3A_204 = arith.constant 0 : i32
        %dma_wait3A_205 = tpu.memref_slice %arg9[%add3A_139, %dma_wait3A_204] : memref<79x128xi32, #tpu.memory_space<vmem>> -> memref<1x128xi32, #tpu.memory_space<vmem>>
        %dma_wait3A_206 = tpu.memref_squeeze %dma_wait3A_205 : memref<1x128xi32, #tpu.memory_space<vmem>> -> memref<128xi32, #tpu.memory_space<vmem>>
        %dma_wait3A_207 = arith.constant 0 : i32
        %dma_wait3A_208 = arith.constant 0 : i32
        %dma_wait3A_209 = tpu.memref_slice %arg13[%dma_wait3A_207, %dma_wait3A_208] : memref<10240x64xf32, #tpu.memory_space<vmem_shared>> -> memref<10240x64xf32, #tpu.memory_space<vmem_shared>>
        tpu.wait_indirect_dma semaphore(%run_scoped3A_197 : memref<!tpu.dma_semaphore, #tpu.memory_space<semaphore_mem>>) src(%arg10 : memref<128x64xf32, #tpu.memory_space<vmem>>) dst(%dma_wait3A_209 : memref<10240x64xf32, #tpu.memory_space<vmem_shared>>)
        tpu.yield
      }) : () -> ()
      %dma_wait3A_160 = arith.constant 0 : i32
      %dma_wait3A_161 = tpu.memref_slice %arg9[%add3A_139, %dma_wait3A_160] : memref<79x128xi32, #tpu.memory_space<vmem>> -> memref<1x128xi32, #tpu.memory_space<vmem>>
      %dma_wait3A_162 = tpu.memref_squeeze %dma_wait3A_161 : memref<1x128xi32, #tpu.memory_space<vmem>> -> memref<128xi32, #tpu.memory_space<vmem>>
      %dma_wait3A_163 = arith.constant 0 : i32
      %dma_wait3A_164 = arith.constant 0 : i32
      %dma_wait3A_165 = tpu.memref_slice %arg14[%dma_wait3A_163, %dma_wait3A_164] : memref<10240x16xf32, #tpu.memory_space<vmem_shared>> -> memref<10240x16xf32, #tpu.memory_space<vmem_shared>>
      tpu.wait_indirect_dma semaphore(%arg17 : memref<!tpu.dma_semaphore, #tpu.memory_space<semaphore_mem>>) src(%arg12 : memref<128x16xf32, #tpu.memory_space<vmem>>) dst(%dma_wait3A_165 : memref<10240x16xf32, #tpu.memory_space<vmem_shared>>)
      %mul3A_166 = arith.constant 2 : i32
      %mul3A_167 = arith.muli %mul3A_166, %scan3A_134 : i32
      %add3A_168 = arith.constant 1 : i32
      %add3A_169 = arith.addi %mul3A_167, %add3A_168 : i32
      %add3A_170 = arith.constant 1 : i32
      %add3A_171 = arith.addi %add3A_169, %add3A_170 : i32
      %dma_start3A_172 = arith.constant 0 : i32
      %dma_start3A_173 = tpu.memref_slice %arg8[%add3A_171, %dma_start3A_172] : memref<79x128xi32, #tpu.memory_space<vmem>> -> memref<1x128xi32, #tpu.memory_space<vmem>>
      %dma_start3A_174 = tpu.memref_squeeze %dma_start3A_173 : memref<1x128xi32, #tpu.memory_space<vmem>> -> memref<128xi32, #tpu.memory_space<vmem>>
      %dma_start3A_175 = arith.constant 0 : i32
      %dma_start3A_176 = arith.constant 0 : i32
      %dma_start3A_177 = tpu.memref_slice %arg2[%dma_start3A_175, %dma_start3A_176] : memref<20480x64xf32, #tpu.memory_space<hbm>> -> memref<20480x64xf32, #tpu.memory_space<hbm>>
      tpu.enqueue_indirect_dma source(%dma_start3A_177 : memref<20480x64xf32, #tpu.memory_space<hbm>>) target(%arg10 : memref<128x64xf32, #tpu.memory_space<vmem>>) offsets(%dma_start3A_174 : memref<128xi32, #tpu.memory_space<vmem>>) semaphore(%arg15 : memref<!tpu.dma_semaphore, #tpu.memory_space<semaphore_mem>>)
      %dma_wait3A_178 = arith.constant 0 : i32
      %dma_wait3A_179 = tpu.memref_slice %arg8[%add3A_169, %dma_wait3A_178] : memref<79x128xi32, #tpu.memory_space<vmem>> -> memref<1x128xi32, #tpu.memory_space<vmem>>
      %dma_wait3A_180 = tpu.memref_squeeze %dma_wait3A_179 : memref<1x128xi32, #tpu.memory_space<vmem>> -> memref<128xi32, #tpu.memory_space<vmem>>
      %dma_wait3A_181 = arith.constant 0 : i32
      %dma_wait3A_182 = arith.constant 0 : i32
      %dma_wait3A_183 = tpu.memref_slice %arg2[%dma_wait3A_181, %dma_wait3A_182] : memref<20480x64xf32, #tpu.memory_space<hbm>> -> memref<20480x64xf32, #tpu.memory_space<hbm>>
      tpu.wait_indirect_dma semaphore(%arg16 : memref<!tpu.dma_semaphore, #tpu.memory_space<semaphore_mem>>) src(%dma_wait3A_183 : memref<20480x64xf32, #tpu.memory_space<hbm>>) dst(%arg11 : memref<128x64xf32, #tpu.memory_space<vmem>>)
      %dma_start3A_184 = arith.constant 0 : i32
      %dma_start3A_185 = tpu.memref_slice %arg9[%add3A_169, %dma_start3A_184] : memref<79x128xi32, #tpu.memory_space<vmem>> -> memref<1x128xi32, #tpu.memory_space<vmem>>
      %dma_start3A_186 = tpu.memref_squeeze %dma_start3A_185 : memref<1x128xi32, #tpu.memory_space<vmem>> -> memref<128xi32, #tpu.memory_space<vmem>>
      %dma_start3A_187 = arith.constant 0 : i32
      %dma_start3A_188 = arith.constant 0 : i32
      %dma_start3A_189 = tpu.memref_slice %arg14[%dma_start3A_187, %dma_start3A_188] : memref<10240x16xf32, #tpu.memory_space<vmem_shared>> -> memref<10240x16xf32, #tpu.memory_space<vmem_shared>>
      tpu.enqueue_indirect_dma source(%arg12 : memref<128x16xf32, #tpu.memory_space<vmem>>) target(%dma_start3A_189 : memref<10240x16xf32, #tpu.memory_space<vmem_shared>>) offsets(%dma_start3A_186 : memref<128xi32, #tpu.memory_space<vmem>>) semaphore(%arg17 : memref<!tpu.dma_semaphore, #tpu.memory_space<semaphore_mem>>) {add = true}
      "tpu.region"() ({
        %run_scoped3A_197 = tpu.sem_alloc : memref<!tpu.dma_semaphore, #tpu.memory_space<semaphore_mem>>
        %dma_start3A_198 = arith.constant 0 : i32
        %dma_start3A_199 = tpu.memref_slice %arg9[%add3A_169, %dma_start3A_198] : memref<79x128xi32, #tpu.memory_space<vmem>> -> memref<1x128xi32, #tpu.memory_space<vmem>>
        %dma_start3A_200 = tpu.memref_squeeze %dma_start3A_199 : memref<1x128xi32, #tpu.memory_space<vmem>> -> memref<128xi32, #tpu.memory_space<vmem>>
        %dma_start3A_201 = arith.constant 0 : i32
        %dma_start3A_202 = arith.constant 0 : i32
        %dma_start3A_203 = tpu.memref_slice %arg13[%dma_start3A_201, %dma_start3A_202] : memref<10240x64xf32, #tpu.memory_space<vmem_shared>> -> memref<10240x64xf32, #tpu.memory_space<vmem_shared>>
        tpu.enqueue_indirect_dma source(%arg11 : memref<128x64xf32, #tpu.memory_space<vmem>>) target(%dma_start3A_203 : memref<10240x64xf32, #tpu.memory_space<vmem_shared>>) offsets(%dma_start3A_200 : memref<128xi32, #tpu.memory_space<vmem>>) semaphore(%run_scoped3A_197 : memref<!tpu.dma_semaphore, #tpu.memory_space<semaphore_mem>>) {add = true}
        %dma_wait3A_204 = arith.constant 0 : i32
        %dma_wait3A_205 = tpu.memref_slice %arg9[%add3A_169, %dma_wait3A_204] : memref<79x128xi32, #tpu.memory_space<vmem>> -> memref<1x128xi32, #tpu.memory_space<vmem>>
        %dma_wait3A_206 = tpu.memref_squeeze %dma_wait3A_205 : memref<1x128xi32, #tpu.memory_space<vmem>> -> memref<128xi32, #tpu.memory_space<vmem>>
        %dma_wait3A_207 = arith.constant 0 : i32
        %dma_wait3A_208 = arith.constant 0 : i32
        %dma_wait3A_209 = tpu.memref_slice %arg13[%dma_wait3A_207, %dma_wait3A_208] : memref<10240x64xf32, #tpu.memory_space<vmem_shared>> -> memref<10240x64xf32, #tpu.memory_space<vmem_shared>>
        tpu.wait_indirect_dma semaphore(%run_scoped3A_197 : memref<!tpu.dma_semaphore, #tpu.memory_space<semaphore_mem>>) src(%arg11 : memref<128x64xf32, #tpu.memory_space<vmem>>) dst(%dma_wait3A_209 : memref<10240x64xf32, #tpu.memory_space<vmem_shared>>)
        tpu.yield
      }) : () -> ()
      %dma_wait3A_190 = arith.constant 0 : i32
      %dma_wait3A_191 = tpu.memref_slice %arg9[%add3A_169, %dma_wait3A_190] : memref<79x128xi32, #tpu.memory_space<vmem>> -> memref<1x128xi32, #tpu.memory_space<vmem>>
      %dma_wait3A_192 = tpu.memref_squeeze %dma_wait3A_191 : memref<1x128xi32, #tpu.memory_space<vmem>> -> memref<128xi32, #tpu.memory_space<vmem>>
      %dma_wait3A_193 = arith.constant 0 : i32
      %dma_wait3A_194 = arith.constant 0 : i32
      %dma_wait3A_195 = tpu.memref_slice %arg14[%dma_wait3A_193, %dma_wait3A_194] : memref<10240x16xf32, #tpu.memory_space<vmem_shared>> -> memref<10240x16xf32, #tpu.memory_space<vmem_shared>>
      tpu.wait_indirect_dma semaphore(%arg17 : memref<!tpu.dma_semaphore, #tpu.memory_space<semaphore_mem>>) src(%arg12 : memref<128x16xf32, #tpu.memory_space<vmem>>) dst(%dma_wait3A_195 : memref<10240x16xf32, #tpu.memory_space<vmem_shared>>)
      %scan3A_196 = arith.constant 0 : i32
      scf.yield %scan3A_196 : i32
    }
    %scan3A_62 = arith.constant 39 : i32
    %dma_wait3A = arith.constant 78 : i32
    %dma_wait3A_63 = arith.constant 0 : i32
    %dma_wait3A_64 = tpu.memref_slice %arg8[%dma_wait3A, %dma_wait3A_63] : memref<79x128xi32, #tpu.memory_space<vmem>> -> memref<1x128xi32, #tpu.memory_space<vmem>>
    %dma_wait3A_65 = tpu.memref_squeeze %dma_wait3A_64 : memref<1x128xi32, #tpu.memory_space<vmem>> -> memref<128xi32, #tpu.memory_space<vmem>>
    %dma_wait3A_66 = arith.constant 0 : i32
    %dma_wait3A_67 = arith.constant 0 : i32
    %dma_wait3A_68 = tpu.memref_slice %arg2[%dma_wait3A_66, %dma_wait3A_67] : memref<20480x64xf32, #tpu.memory_space<hbm>> -> memref<20480x64xf32, #tpu.memory_space<hbm>>
    tpu.wait_indirect_dma semaphore(%arg15 : memref<!tpu.dma_semaphore, #tpu.memory_space<semaphore_mem>>) src(%dma_wait3A_68 : memref<20480x64xf32, #tpu.memory_space<hbm>>) dst(%arg10 : memref<128x64xf32, #tpu.memory_space<vmem>>)
    %dma_start3A_69 = arith.constant 78 : i32
    %dma_start3A_70 = arith.constant 0 : i32
    %dma_start3A_71 = tpu.memref_slice %arg9[%dma_start3A_69, %dma_start3A_70] : memref<79x128xi32, #tpu.memory_space<vmem>> -> memref<1x128xi32, #tpu.memory_space<vmem>>
    %dma_start3A_72 = tpu.memref_squeeze %dma_start3A_71 : memref<1x128xi32, #tpu.memory_space<vmem>> -> memref<128xi32, #tpu.memory_space<vmem>>
    %dma_start3A_73 = arith.constant 0 : i32
    %dma_start3A_74 = arith.constant 0 : i32
    %dma_start3A_75 = tpu.memref_slice %arg14[%dma_start3A_73, %dma_start3A_74] : memref<10240x16xf32, #tpu.memory_space<vmem_shared>> -> memref<10240x16xf32, #tpu.memory_space<vmem_shared>>
    tpu.enqueue_indirect_dma source(%arg12 : memref<128x16xf32, #tpu.memory_space<vmem>>) target(%dma_start3A_75 : memref<10240x16xf32, #tpu.memory_space<vmem_shared>>) offsets(%dma_start3A_72 : memref<128xi32, #tpu.memory_space<vmem>>) semaphore(%arg17 : memref<!tpu.dma_semaphore, #tpu.memory_space<semaphore_mem>>) {add = true}
    %run_scoped3A = arith.constant 78 : i32
    "tpu.region"() ({
      %run_scoped3A_134 = tpu.sem_alloc : memref<!tpu.dma_semaphore, #tpu.memory_space<semaphore_mem>>
      %dma_start3A_135 = arith.constant 0 : i32
      %dma_start3A_136 = tpu.memref_slice %arg9[%run_scoped3A, %dma_start3A_135] : memref<79x128xi32, #tpu.memory_space<vmem>> -> memref<1x128xi32, #tpu.memory_space<vmem>>
      %dma_start3A_137 = tpu.memref_squeeze %dma_start3A_136 : memref<1x128xi32, #tpu.memory_space<vmem>> -> memref<128xi32, #tpu.memory_space<vmem>>
      %dma_start3A_138 = arith.constant 0 : i32
      %dma_start3A_139 = arith.constant 0 : i32
      %dma_start3A_140 = tpu.memref_slice %arg13[%dma_start3A_138, %dma_start3A_139] : memref<10240x64xf32, #tpu.memory_space<vmem_shared>> -> memref<10240x64xf32, #tpu.memory_space<vmem_shared>>
      tpu.enqueue_indirect_dma source(%arg10 : memref<128x64xf32, #tpu.memory_space<vmem>>) target(%dma_start3A_140 : memref<10240x64xf32, #tpu.memory_space<vmem_shared>>) offsets(%dma_start3A_137 : memref<128xi32, #tpu.memory_space<vmem>>) semaphore(%run_scoped3A_134 : memref<!tpu.dma_semaphore, #tpu.memory_space<semaphore_mem>>) {add = true}
      %dma_wait3A_141 = arith.constant 0 : i32
      %dma_wait3A_142 = tpu.memref_slice %arg9[%run_scoped3A, %dma_wait3A_141] : memref<79x128xi32, #tpu.memory_space<vmem>> -> memref<1x128xi32, #tpu.memory_space<vmem>>
      %dma_wait3A_143 = tpu.memref_squeeze %dma_wait3A_142 : memref<1x128xi32, #tpu.memory_space<vmem>> -> memref<128xi32, #tpu.memory_space<vmem>>
      %dma_wait3A_144 = arith.constant 0 : i32
      %dma_wait3A_145 = arith.constant 0 : i32
      %dma_wait3A_146 = tpu.memref_slice %arg13[%dma_wait3A_144, %dma_wait3A_145] : memref<10240x64xf32, #tpu.memory_space<vmem_shared>> -> memref<10240x64xf32, #tpu.memory_space<vmem_shared>>
      tpu.wait_indirect_dma semaphore(%run_scoped3A_134 : memref<!tpu.dma_semaphore, #tpu.memory_space<semaphore_mem>>) src(%arg10 : memref<128x64xf32, #tpu.memory_space<vmem>>) dst(%dma_wait3A_146 : memref<10240x64xf32, #tpu.memory_space<vmem_shared>>)
      tpu.yield
    }) : () -> ()
    %dma_wait3A_76 = arith.constant 78 : i32
    %dma_wait3A_77 = arith.constant 0 : i32
    %dma_wait3A_78 = tpu.memref_slice %arg9[%dma_wait3A_76, %dma_wait3A_77] : memref<79x128xi32, #tpu.memory_space<vmem>> -> memref<1x128xi32, #tpu.memory_space<vmem>>
    %dma_wait3A_79 = tpu.memref_squeeze %dma_wait3A_78 : memref<1x128xi32, #tpu.memory_space<vmem>> -> memref<128xi32, #tpu.memory_space<vmem>>
    %dma_wait3A_80 = arith.constant 0 : i32
    %dma_wait3A_81 = arith.constant 0 : i32
    %dma_wait3A_82 = tpu.memref_slice %arg14[%dma_wait3A_80, %dma_wait3A_81] : memref<10240x16xf32, #tpu.memory_space<vmem_shared>> -> memref<10240x16xf32, #tpu.memory_space<vmem_shared>>
    tpu.wait_indirect_dma semaphore(%arg17 : memref<!tpu.dma_semaphore, #tpu.memory_space<semaphore_mem>>) src(%arg12 : memref<128x16xf32, #tpu.memory_space<vmem>>) dst(%dma_wait3A_82 : memref<10240x16xf32, #tpu.memory_space<vmem_shared>>)
    %barrier3A_83 = arith.constant 0 : index
    tpu.barrier barrier_id(%barrier3A_83)
    %run_scoped3A_84 = arith.constant 0 : i32
    "tpu.region"() ({
      %run_scoped3A_134 = tpu.sem_alloc : memref<!tpu.dma_semaphore, #tpu.memory_space<semaphore_mem>>
      %dma_start3A_135 = arith.constant 0 : i32
      %dma_start3A_136 = arith.constant 0 : i32
      %dma_start3A_137 = arith.constant 0 : i32
      %dma_start3A_138 = arith.constant 0 : i32
      %dma_start3A_139 = tpu.memref_slice %arg5[%arg0, %dma_start3A_135, %dma_start3A_136, %dma_start3A_137, %dma_start3A_138] : memref<2x2x16x640x64xf32, #tpu.memory_space<hbm>> -> memref<1x2x16x640x64xf32, #tpu.memory_space<hbm>>
      %dma_start3A_140 = tpu.memref_squeeze %dma_start3A_139 : memref<1x2x16x640x64xf32, #tpu.memory_space<hbm>> -> memref<2x16x640x64xf32, #tpu.memory_space<hbm>>
      %dma_start3A_141 = arith.constant 0 : i32
      %dma_start3A_142 = arith.constant 0 : i32
      %dma_start3A_143 = arith.constant 0 : i32
      %dma_start3A_144 = tpu.memref_slice %dma_start3A_140[%run_scoped3A_84, %dma_start3A_141, %dma_start3A_142, %dma_start3A_143] : memref<2x16x640x64xf32, #tpu.memory_space<hbm>> -> memref<1x16x640x64xf32, #tpu.memory_space<hbm>>
      %dma_start3A_145 = tpu.memref_squeeze %dma_start3A_144 : memref<1x16x640x64xf32, #tpu.memory_space<hbm>> -> memref<16x640x64xf32, #tpu.memory_space<hbm>>
      %dma_start3A_146 = arith.constant 0 : i32
      %dma_start3A_147 = arith.constant 0 : i32
      %dma_start3A_148 = tpu.memref_slice %dma_start3A_145[%arg1, %dma_start3A_146, %dma_start3A_147] : memref<16x640x64xf32, #tpu.memory_space<hbm>> -> memref<1x640x64xf32, #tpu.memory_space<hbm>>
      %dma_start3A_149 = tpu.memref_squeeze %dma_start3A_148 : memref<1x640x64xf32, #tpu.memory_space<hbm>> -> memref<640x64xf32, #tpu.memory_space<hbm>>
      %dma_start3A_150 = arith.constant 0 : i32
      %dma_start3A_151 = tpu.memref_slice %arg13[%mul3A_2, %dma_start3A_150] : memref<10240x64xf32, #tpu.memory_space<vmem_shared>> -> memref<640x64xf32, #tpu.memory_space<vmem_shared>>
      tpu.enqueue_dma source(%dma_start3A_151 : memref<640x64xf32, #tpu.memory_space<vmem_shared>>) target(%dma_start3A_149 : memref<640x64xf32, #tpu.memory_space<hbm>>) target_semaphore(%run_scoped3A_134 : memref<!tpu.dma_semaphore, #tpu.memory_space<semaphore_mem>>)
      %dma_wait3A_152 = arith.constant 0 : i32
      %dma_wait3A_153 = arith.constant 0 : i32
      %dma_wait3A_154 = arith.constant 0 : i32
      %dma_wait3A_155 = arith.constant 0 : i32
      %dma_wait3A_156 = tpu.memref_slice %arg5[%arg0, %dma_wait3A_152, %dma_wait3A_153, %dma_wait3A_154, %dma_wait3A_155] : memref<2x2x16x640x64xf32, #tpu.memory_space<hbm>> -> memref<1x2x16x640x64xf32, #tpu.memory_space<hbm>>
      %dma_wait3A_157 = tpu.memref_squeeze %dma_wait3A_156 : memref<1x2x16x640x64xf32, #tpu.memory_space<hbm>> -> memref<2x16x640x64xf32, #tpu.memory_space<hbm>>
      %dma_wait3A_158 = arith.constant 0 : i32
      %dma_wait3A_159 = arith.constant 0 : i32
      %dma_wait3A_160 = arith.constant 0 : i32
      %dma_wait3A_161 = tpu.memref_slice %dma_wait3A_157[%run_scoped3A_84, %dma_wait3A_158, %dma_wait3A_159, %dma_wait3A_160] : memref<2x16x640x64xf32, #tpu.memory_space<hbm>> -> memref<1x16x640x64xf32, #tpu.memory_space<hbm>>
      %dma_wait3A_162 = tpu.memref_squeeze %dma_wait3A_161 : memref<1x16x640x64xf32, #tpu.memory_space<hbm>> -> memref<16x640x64xf32, #tpu.memory_space<hbm>>
      %dma_wait3A_163 = arith.constant 0 : i32
      %dma_wait3A_164 = arith.constant 0 : i32
      %dma_wait3A_165 = tpu.memref_slice %dma_wait3A_162[%arg1, %dma_wait3A_163, %dma_wait3A_164] : memref<16x640x64xf32, #tpu.memory_space<hbm>> -> memref<1x640x64xf32, #tpu.memory_space<hbm>>
      %dma_wait3A_166 = tpu.memref_squeeze %dma_wait3A_165 : memref<1x640x64xf32, #tpu.memory_space<hbm>> -> memref<640x64xf32, #tpu.memory_space<hbm>>
      %dma_wait3A_167 = arith.constant 0 : i32
      %dma_wait3A_168 = tpu.memref_slice %arg13[%mul3A_2, %dma_wait3A_167] : memref<10240x64xf32, #tpu.memory_space<vmem_shared>> -> memref<640x64xf32, #tpu.memory_space<vmem_shared>>
      tpu.wait_dma2 semaphore(%run_scoped3A_134 : memref<!tpu.dma_semaphore, #tpu.memory_space<semaphore_mem>>) src(%dma_wait3A_168 : memref<640x64xf32, #tpu.memory_space<vmem_shared>>) dst(%dma_wait3A_166 : memref<640x64xf32, #tpu.memory_space<hbm>>)
      tpu.yield
    }) : () -> ()
    "tpu.region"() ({
      %run_scoped3A_134 = tpu.sem_alloc : memref<!tpu.dma_semaphore, #tpu.memory_space<semaphore_mem>>
      %dma_start3A_135 = arith.constant 0 : i32
      %dma_start3A_136 = arith.constant 0 : i32
      %dma_start3A_137 = arith.constant 0 : i32
      %dma_start3A_138 = tpu.memref_slice %arg6[%arg0, %dma_start3A_135, %dma_start3A_136, %dma_start3A_137] : memref<2x16x640x16xf32, #tpu.memory_space<hbm>> -> memref<1x16x640x16xf32, #tpu.memory_space<hbm>>
      %dma_start3A_139 = tpu.memref_squeeze %dma_start3A_138 : memref<1x16x640x16xf32, #tpu.memory_space<hbm>> -> memref<16x640x16xf32, #tpu.memory_space<hbm>>
      %dma_start3A_140 = arith.constant 0 : i32
      %dma_start3A_141 = arith.constant 0 : i32
      %dma_start3A_142 = tpu.memref_slice %dma_start3A_139[%arg1, %dma_start3A_140, %dma_start3A_141] : memref<16x640x16xf32, #tpu.memory_space<hbm>> -> memref<1x640x16xf32, #tpu.memory_space<hbm>>
      %dma_start3A_143 = tpu.memref_squeeze %dma_start3A_142 : memref<1x640x16xf32, #tpu.memory_space<hbm>> -> memref<640x16xf32, #tpu.memory_space<hbm>>
      %dma_start3A_144 = arith.constant 0 : i32
      %dma_start3A_145 = tpu.memref_slice %arg14[%mul3A_2, %dma_start3A_144] : memref<10240x16xf32, #tpu.memory_space<vmem_shared>> -> memref<640x16xf32, #tpu.memory_space<vmem_shared>>
      tpu.enqueue_dma source(%dma_start3A_145 : memref<640x16xf32, #tpu.memory_space<vmem_shared>>) target(%dma_start3A_143 : memref<640x16xf32, #tpu.memory_space<hbm>>) target_semaphore(%run_scoped3A_134 : memref<!tpu.dma_semaphore, #tpu.memory_space<semaphore_mem>>)
      %dma_wait3A_146 = arith.constant 0 : i32
      %dma_wait3A_147 = arith.constant 0 : i32
      %dma_wait3A_148 = arith.constant 0 : i32
      %dma_wait3A_149 = tpu.memref_slice %arg6[%arg0, %dma_wait3A_146, %dma_wait3A_147, %dma_wait3A_148] : memref<2x16x640x16xf32, #tpu.memory_space<hbm>> -> memref<1x16x640x16xf32, #tpu.memory_space<hbm>>
      %dma_wait3A_150 = tpu.memref_squeeze %dma_wait3A_149 : memref<1x16x640x16xf32, #tpu.memory_space<hbm>> -> memref<16x640x16xf32, #tpu.memory_space<hbm>>
      %dma_wait3A_151 = arith.constant 0 : i32
      %dma_wait3A_152 = arith.constant 0 : i32
      %dma_wait3A_153 = tpu.memref_slice %dma_wait3A_150[%arg1, %dma_wait3A_151, %dma_wait3A_152] : memref<16x640x16xf32, #tpu.memory_space<hbm>> -> memref<1x640x16xf32, #tpu.memory_space<hbm>>
      %dma_wait3A_154 = tpu.memref_squeeze %dma_wait3A_153 : memref<1x640x16xf32, #tpu.memory_space<hbm>> -> memref<640x16xf32, #tpu.memory_space<hbm>>
      %dma_wait3A_155 = arith.constant 0 : i32
      %dma_wait3A_156 = tpu.memref_slice %arg14[%mul3A_2, %dma_wait3A_155] : memref<10240x16xf32, #tpu.memory_space<vmem_shared>> -> memref<640x16xf32, #tpu.memory_space<vmem_shared>>
      tpu.wait_dma2 semaphore(%run_scoped3A_134 : memref<!tpu.dma_semaphore, #tpu.memory_space<semaphore_mem>>) src(%dma_wait3A_156 : memref<640x16xf32, #tpu.memory_space<vmem_shared>>) dst(%dma_wait3A_154 : memref<640x16xf32, #tpu.memory_space<hbm>>)
      tpu.yield
    }) : () -> ()
    %scan3A_85 = arith.constant 0 : i32
    %scan3A_86 = arith.constant 0 : i32
    %scan3A_87 = arith.constant 79 : i32
    %scan3A_88 = arith.addi %scan3A_86, %scan3A_87 : i32
    %scan3A_89 = arith.constant 1 : i32
    %scan3A_90 = scf.for %scan3A_134 = %scan3A_86 to %scan3A_88 step %scan3A_89 iter_args(%scan3A_135 = %scan3A_85) -> (i32)  : i32 {
      %get3A = arith.index_cast %scan3A_134 : i32 to index
      %get3A_136 = arith.constant 0 : index
      %get3A_137 = tpu.vector_load %arg7[%get3A, %get3A_136] {strides = array<i32>} : memref<79x128xi32, #tpu.memory_space<vmem>>, vector<1x16xi32>,
      %get3A_138 = vector.shape_cast %get3A_137 : vector<1x16xi32> to vector<16xi32>
      %mul3A_139 = arith.constant 2 : i32
      %mul3A_140 = vector.broadcast %mul3A_139 : i32 to vector<16xi32>
      %mul3A_141 = arith.muli %get3A_138, %mul3A_140 : vector<16xi32>
      %add3A_142 = arith.constant 1 : i32
      %add3A_143 = vector.broadcast %add3A_142 : i32 to vector<16xi32>
      %add3A_144 = arith.addi %mul3A_141, %add3A_143 : vector<16xi32>
      %swap3A = arith.index_cast %scan3A_134 : i32 to index
      %swap3A_145 = arith.constant 0 : index
      %swap3A_146 = tpu.vector_load %arg8[%swap3A, %swap3A_145] {strides = array<i32>} : memref<79x128xi32, #tpu.memory_space<vmem>>, vector<1x16xi32>,
      %swap3A_147 = vector.shape_cast %swap3A_146 : vector<1x16xi32> to vector<16xi32>
      %swap3A_148 = vector.shape_cast %add3A_144 : vector<16xi32> to vector<1x16xi32>
      tpu.vector_store %arg8[%swap3A, %swap3A_145], %swap3A_148 {strides = array<i32>} : memref<79x128xi32, #tpu.memory_space<vmem>>, vector<1x16xi32>,
      %get3A_149 = arith.index_cast %scan3A_134 : i32 to index
      %get3A_150 = arith.constant 16 : index
      %get3A_151 = tpu.vector_load %arg7[%get3A_149, %get3A_150] {strides = array<i32>} : memref<79x128xi32, #tpu.memory_space<vmem>>, vector<1x16xi32>,
      %get3A_152 = vector.shape_cast %get3A_151 : vector<1x16xi32> to vector<16xi32>
      %mul3A_153 = arith.constant 2 : i32
      %mul3A_154 = vector.broadcast %mul3A_153 : i32 to vector<16xi32>
      %mul3A_155 = arith.muli %get3A_152, %mul3A_154 : vector<16xi32>
      %add3A_156 = arith.constant 1 : i32
      %add3A_157 = vector.broadcast %add3A_156 : i32 to vector<16xi32>
      %add3A_158 = arith.addi %mul3A_155, %add3A_157 : vector<16xi32>
      %swap3A_159 = arith.index_cast %scan3A_134 : i32 to index
      %swap3A_160 = arith.constant 16 : index
      %swap3A_161 = tpu.vector_load %arg8[%swap3A_159, %swap3A_160] {strides = array<i32>} : memref<79x128xi32, #tpu.memory_space<vmem>>, vector<1x16xi32>,
      %swap3A_162 = vector.shape_cast %swap3A_161 : vector<1x16xi32> to vector<16xi32>
      %swap3A_163 = vector.shape_cast %add3A_158 : vector<16xi32> to vector<1x16xi32>
      tpu.vector_store %arg8[%swap3A_159, %swap3A_160], %swap3A_163 {strides = array<i32>} : memref<79x128xi32, #tpu.memory_space<vmem>>, vector<1x16xi32>,
      %get3A_164 = arith.index_cast %scan3A_134 : i32 to index
      %get3A_165 = arith.constant 32 : index
      %get3A_166 = tpu.vector_load %arg7[%get3A_164, %get3A_165] {strides = array<i32>} : memref<79x128xi32, #tpu.memory_space<vmem>>, vector<1x16xi32>,
      %get3A_167 = vector.shape_cast %get3A_166 : vector<1x16xi32> to vector<16xi32>
      %mul3A_168 = arith.constant 2 : i32
      %mul3A_169 = vector.broadcast %mul3A_168 : i32 to vector<16xi32>
      %mul3A_170 = arith.muli %get3A_167, %mul3A_169 : vector<16xi32>
      %add3A_171 = arith.constant 1 : i32
      %add3A_172 = vector.broadcast %add3A_171 : i32 to vector<16xi32>
      %add3A_173 = arith.addi %mul3A_170, %add3A_172 : vector<16xi32>
      %swap3A_174 = arith.index_cast %scan3A_134 : i32 to index
      %swap3A_175 = arith.constant 32 : index
      %swap3A_176 = tpu.vector_load %arg8[%swap3A_174, %swap3A_175] {strides = array<i32>} : memref<79x128xi32, #tpu.memory_space<vmem>>, vector<1x16xi32>,
      %swap3A_177 = vector.shape_cast %swap3A_176 : vector<1x16xi32> to vector<16xi32>
      %swap3A_178 = vector.shape_cast %add3A_173 : vector<16xi32> to vector<1x16xi32>
      tpu.vector_store %arg8[%swap3A_174, %swap3A_175], %swap3A_178 {strides = array<i32>} : memref<79x128xi32, #tpu.memory_space<vmem>>, vector<1x16xi32>,
      %get3A_179 = arith.index_cast %scan3A_134 : i32 to index
      %get3A_180 = arith.constant 48 : index
      %get3A_181 = tpu.vector_load %arg7[%get3A_179, %get3A_180] {strides = array<i32>} : memref<79x128xi32, #tpu.memory_space<vmem>>, vector<1x16xi32>,
      %get3A_182 = vector.shape_cast %get3A_181 : vector<1x16xi32> to vector<16xi32>
      %mul3A_183 = arith.constant 2 : i32
      %mul3A_184 = vector.broadcast %mul3A_183 : i32 to vector<16xi32>
      %mul3A_185 = arith.muli %get3A_182, %mul3A_184 : vector<16xi32>
      %add3A_186 = arith.constant 1 : i32
      %add3A_187 = vector.broadcast %add3A_186 : i32 to vector<16xi32>
      %add3A_188 = arith.addi %mul3A_185, %add3A_187 : vector<16xi32>
      %swap3A_189 = arith.index_cast %scan3A_134 : i32 to index
      %swap3A_190 = arith.constant 48 : index
      %swap3A_191 = tpu.vector_load %arg8[%swap3A_189, %swap3A_190] {strides = array<i32>} : memref<79x128xi32, #tpu.memory_space<vmem>>, vector<1x16xi32>,
      %swap3A_192 = vector.shape_cast %swap3A_191 : vector<1x16xi32> to vector<16xi32>
      %swap3A_193 = vector.shape_cast %add3A_188 : vector<16xi32> to vector<1x16xi32>
      tpu.vector_store %arg8[%swap3A_189, %swap3A_190], %swap3A_193 {strides = array<i32>} : memref<79x128xi32, #tpu.memory_space<vmem>>, vector<1x16xi32>,
      %get3A_194 = arith.index_cast %scan3A_134 : i32 to index
      %get3A_195 = arith.constant 64 : index
      %get3A_196 = tpu.vector_load %arg7[%get3A_194, %get3A_195] {strides = array<i32>} : memref<79x128xi32, #tpu.memory_space<vmem>>, vector<1x16xi32>,
      %get3A_197 = vector.shape_cast %get3A_196 : vector<1x16xi32> to vector<16xi32>
      %mul3A_198 = arith.constant 2 : i32
      %mul3A_199 = vector.broadcast %mul3A_198 : i32 to vector<16xi32>
      %mul3A_200 = arith.muli %get3A_197, %mul3A_199 : vector<16xi32>
      %add3A_201 = arith.constant 1 : i32
      %add3A_202 = vector.broadcast %add3A_201 : i32 to vector<16xi32>
      %add3A_203 = arith.addi %mul3A_200, %add3A_202 : vector<16xi32>
      %swap3A_204 = arith.index_cast %scan3A_134 : i32 to index
      %swap3A_205 = arith.constant 64 : index
      %swap3A_206 = tpu.vector_load %arg8[%swap3A_204, %swap3A_205] {strides = array<i32>} : memref<79x128xi32, #tpu.memory_space<vmem>>, vector<1x16xi32>,
      %swap3A_207 = vector.shape_cast %swap3A_206 : vector<1x16xi32> to vector<16xi32>
      %swap3A_208 = vector.shape_cast %add3A_203 : vector<16xi32> to vector<1x16xi32>
      tpu.vector_store %arg8[%swap3A_204, %swap3A_205], %swap3A_208 {strides = array<i32>} : memref<79x128xi32, #tpu.memory_space<vmem>>, vector<1x16xi32>,
      %get3A_209 = arith.index_cast %scan3A_134 : i32 to index
      %get3A_210 = arith.constant 80 : index
      %get3A_211 = tpu.vector_load %arg7[%get3A_209, %get3A_210] {strides = array<i32>} : memref<79x128xi32, #tpu.memory_space<vmem>>, vector<1x16xi32>,
      %get3A_212 = vector.shape_cast %get3A_211 : vector<1x16xi32> to vector<16xi32>
      %mul3A_213 = arith.constant 2 : i32
      %mul3A_214 = vector.broadcast %mul3A_213 : i32 to vector<16xi32>
      %mul3A_215 = arith.muli %get3A_212, %mul3A_214 : vector<16xi32>
      %add3A_216 = arith.constant 1 : i32
      %add3A_217 = vector.broadcast %add3A_216 : i32 to vector<16xi32>
      %add3A_218 = arith.addi %mul3A_215, %add3A_217 : vector<16xi32>
      %swap3A_219 = arith.index_cast %scan3A_134 : i32 to index
      %swap3A_220 = arith.constant 80 : index
      %swap3A_221 = tpu.vector_load %arg8[%swap3A_219, %swap3A_220] {strides = array<i32>} : memref<79x128xi32, #tpu.memory_space<vmem>>, vector<1x16xi32>,
      %swap3A_222 = vector.shape_cast %swap3A_221 : vector<1x16xi32> to vector<16xi32>
      %swap3A_223 = vector.shape_cast %add3A_218 : vector<16xi32> to vector<1x16xi32>
      tpu.vector_store %arg8[%swap3A_219, %swap3A_220], %swap3A_223 {strides = array<i32>} : memref<79x128xi32, #tpu.memory_space<vmem>>, vector<1x16xi32>,
      %get3A_224 = arith.index_cast %scan3A_134 : i32 to index
      %get3A_225 = arith.constant 96 : index
      %get3A_226 = tpu.vector_load %arg7[%get3A_224, %get3A_225] {strides = array<i32>} : memref<79x128xi32, #tpu.memory_space<vmem>>, vector<1x16xi32>,
      %get3A_227 = vector.shape_cast %get3A_226 : vector<1x16xi32> to vector<16xi32>
      %mul3A_228 = arith.constant 2 : i32
      %mul3A_229 = vector.broadcast %mul3A_228 : i32 to vector<16xi32>
      %mul3A_230 = arith.muli %get3A_227, %mul3A_229 : vector<16xi32>
      %add3A_231 = arith.constant 1 : i32
      %add3A_232 = vector.broadcast %add3A_231 : i32 to vector<16xi32>
      %add3A_233 = arith.addi %mul3A_230, %add3A_232 : vector<16xi32>
      %swap3A_234 = arith.index_cast %scan3A_134 : i32 to index
      %swap3A_235 = arith.constant 96 : index
      %swap3A_236 = tpu.vector_load %arg8[%swap3A_234, %swap3A_235] {strides = array<i32>} : memref<79x128xi32, #tpu.memory_space<vmem>>, vector<1x16xi32>,
      %swap3A_237 = vector.shape_cast %swap3A_236 : vector<1x16xi32> to vector<16xi32>
      %swap3A_238 = vector.shape_cast %add3A_233 : vector<16xi32> to vector<1x16xi32>
      tpu.vector_store %arg8[%swap3A_234, %swap3A_235], %swap3A_238 {strides = array<i32>} : memref<79x128xi32, #tpu.memory_space<vmem>>, vector<1x16xi32>,
      %get3A_239 = arith.index_cast %scan3A_134 : i32 to index
      %get3A_240 = arith.constant 112 : index
      %get3A_241 = tpu.vector_load %arg7[%get3A_239, %get3A_240] {strides = array<i32>} : memref<79x128xi32, #tpu.memory_space<vmem>>, vector<1x16xi32>,
      %get3A_242 = vector.shape_cast %get3A_241 : vector<1x16xi32> to vector<16xi32>
      %mul3A_243 = arith.constant 2 : i32
      %mul3A_244 = vector.broadcast %mul3A_243 : i32 to vector<16xi32>
      %mul3A_245 = arith.muli %get3A_242, %mul3A_244 : vector<16xi32>
      %add3A_246 = arith.constant 1 : i32
      %add3A_247 = vector.broadcast %add3A_246 : i32 to vector<16xi32>
      %add3A_248 = arith.addi %mul3A_245, %add3A_247 : vector<16xi32>
      %swap3A_249 = arith.index_cast %scan3A_134 : i32 to index
      %swap3A_250 = arith.constant 112 : index
      %swap3A_251 = tpu.vector_load %arg8[%swap3A_249, %swap3A_250] {strides = array<i32>} : memref<79x128xi32, #tpu.memory_space<vmem>>, vector<1x16xi32>,
      %swap3A_252 = vector.shape_cast %swap3A_251 : vector<1x16xi32> to vector<16xi32>
      %swap3A_253 = vector.shape_cast %add3A_248 : vector<16xi32> to vector<1x16xi32>
      tpu.vector_store %arg8[%swap3A_249, %swap3A_250], %swap3A_253 {strides = array<i32>} : memref<79x128xi32, #tpu.memory_space<vmem>>, vector<1x16xi32>,
      %scan3A_254 = arith.constant 0 : i32
      scf.yield %scan3A_254 : i32
    }
    %scan3A_91 = arith.constant 79 : i32
    %scan3A_92 = arith.constant 0 : i32
    %scan3A_93 = arith.constant 0 : i32
    %scan3A_94 = arith.constant 128 : i32
    %scan3A_95 = arith.addi %scan3A_93, %scan3A_94 : i32
    %scan3A_96 = arith.constant 1 : i32
    %scan3A_97 = scf.for %scan3A_134 = %scan3A_93 to %scan3A_95 step %scan3A_96 iter_args(%scan3A_135 = %scan3A_92) -> (i32)  : i32 {
      %broadcast_in_dim3A = arith.constant 0.000000e+00 : f32
      %broadcast_in_dim3A_136 = vector.broadcast %broadcast_in_dim3A : f32 to vector<16xf32>
      %swap3A = arith.index_cast %scan3A_134 : i32 to index
      %swap3A_137 = arith.constant 0 : index
      %swap3A_138 = tpu.vector_load %arg10[%swap3A, %swap3A_137] {strides = array<i32>} : memref<128x64xf32, #tpu.memory_space<vmem>>, vector<1x16xf32>,
      %swap3A_139 = vector.shape_cast %swap3A_138 : vector<1x16xf32> to vector<16xf32>
      %swap3A_140 = vector.shape_cast %broadcast_in_dim3A_136 : vector<16xf32> to vector<1x16xf32>
      tpu.vector_store %arg10[%swap3A, %swap3A_137], %swap3A_140 {strides = array<i32>} : memref<128x64xf32, #tpu.memory_space<vmem>>, vector<1x16xf32>,
      %broadcast_in_dim3A_141 = arith.constant 0.000000e+00 : f32
      %broadcast_in_dim3A_142 = vector.broadcast %broadcast_in_dim3A_141 : f32 to vector<16xf32>
      %swap3A_143 = arith.index_cast %scan3A_134 : i32 to index
      %swap3A_144 = arith.constant 16 : index
      %swap3A_145 = tpu.vector_load %arg10[%swap3A_143, %swap3A_144] {strides = array<i32>} : memref<128x64xf32, #tpu.memory_space<vmem>>, vector<1x16xf32>,
      %swap3A_146 = vector.shape_cast %swap3A_145 : vector<1x16xf32> to vector<16xf32>
      %swap3A_147 = vector.shape_cast %broadcast_in_dim3A_142 : vector<16xf32> to vector<1x16xf32>
      tpu.vector_store %arg10[%swap3A_143, %swap3A_144], %swap3A_147 {strides = array<i32>} : memref<128x64xf32, #tpu.memory_space<vmem>>, vector<1x16xf32>,
      %broadcast_in_dim3A_148 = arith.constant 0.000000e+00 : f32
      %broadcast_in_dim3A_149 = vector.broadcast %broadcast_in_dim3A_148 : f32 to vector<16xf32>
      %swap3A_150 = arith.index_cast %scan3A_134 : i32 to index
      %swap3A_151 = arith.constant 32 : index
      %swap3A_152 = tpu.vector_load %arg10[%swap3A_150, %swap3A_151] {strides = array<i32>} : memref<128x64xf32, #tpu.memory_space<vmem>>, vector<1x16xf32>,
      %swap3A_153 = vector.shape_cast %swap3A_152 : vector<1x16xf32> to vector<16xf32>
      %swap3A_154 = vector.shape_cast %broadcast_in_dim3A_149 : vector<16xf32> to vector<1x16xf32>
      tpu.vector_store %arg10[%swap3A_150, %swap3A_151], %swap3A_154 {strides = array<i32>} : memref<128x64xf32, #tpu.memory_space<vmem>>, vector<1x16xf32>,
      %broadcast_in_dim3A_155 = arith.constant 0.000000e+00 : f32
      %broadcast_in_dim3A_156 = vector.broadcast %broadcast_in_dim3A_155 : f32 to vector<16xf32>
      %swap3A_157 = arith.index_cast %scan3A_134 : i32 to index
      %swap3A_158 = arith.constant 48 : index
      %swap3A_159 = tpu.vector_load %arg10[%swap3A_157, %swap3A_158] {strides = array<i32>} : memref<128x64xf32, #tpu.memory_space<vmem>>, vector<1x16xf32>,
      %swap3A_160 = vector.shape_cast %swap3A_159 : vector<1x16xf32> to vector<16xf32>
      %swap3A_161 = vector.shape_cast %broadcast_in_dim3A_156 : vector<16xf32> to vector<1x16xf32>
      tpu.vector_store %arg10[%swap3A_157, %swap3A_158], %swap3A_161 {strides = array<i32>} : memref<128x64xf32, #tpu.memory_space<vmem>>, vector<1x16xf32>,
      %scan3A_162 = arith.constant 0 : i32
      scf.yield %scan3A_162 : i32
    }
    %scan3A_98 = arith.constant 128 : i32
    %add3A_99 = arith.constant 0 : i32
    %add3A_100 = arith.addi %mul3A_2, %add3A_99 : i32
    "tpu.region"() ({
      %run_scoped3A_134 = tpu.sem_alloc : memref<!tpu.dma_semaphore, #tpu.memory_space<semaphore_mem>>
      %dma_start3A_135 = arith.constant 0 : i32
      %dma_start3A_136 = tpu.memref_slice %arg13[%add3A_100, %dma_start3A_135] : memref<10240x64xf32, #tpu.memory_space<vmem_shared>> -> memref<128x64xf32, #tpu.memory_space<vmem_shared>>
      %dma_start3A_137 = arith.constant 0 : i32
      %dma_start3A_138 = tpu.memref_slice %arg13[%add3A_100, %dma_start3A_137] : memref<10240x64xf32, #tpu.memory_space<vmem_shared>> -> memref<128x64xf32, #tpu.memory_space<vmem_shared>>
      tpu.enqueue_dma source(%arg10 : memref<128x64xf32, #tpu.memory_space<vmem>>) target(%dma_start3A_138 : memref<128x64xf32, #tpu.memory_space<vmem_shared>>) target_semaphore(%run_scoped3A_134 : memref<!tpu.dma_semaphore, #tpu.memory_space<semaphore_mem>>)
      %dma_wait3A_139 = arith.constant 0 : i32
      %dma_wait3A_140 = tpu.memref_slice %arg13[%add3A_100, %dma_wait3A_139] : memref<10240x64xf32, #tpu.memory_space<vmem_shared>> -> memref<128x64xf32, #tpu.memory_space<vmem_shared>>
      %dma_wait3A_141 = arith.constant 0 : i32
      %dma_wait3A_142 = tpu.memref_slice %arg13[%add3A_100, %dma_wait3A_141] : memref<10240x64xf32, #tpu.memory_space<vmem_shared>> -> memref<128x64xf32, #tpu.memory_space<vmem_shared>>
      tpu.wait_dma2 semaphore(%run_scoped3A_134 : memref<!tpu.dma_semaphore, #tpu.memory_space<semaphore_mem>>) src(%arg10 : memref<128x64xf32, #tpu.memory_space<vmem>>) dst(%dma_wait3A_142 : memref<128x64xf32, #tpu.memory_space<vmem_shared>>)
      tpu.yield
    }) : () -> ()
    %add3A_101 = arith.constant 128 : i32
    %add3A_102 = arith.addi %mul3A_2, %add3A_101 : i32
    "tpu.region"() ({
      %run_scoped3A_134 = tpu.sem_alloc : memref<!tpu.dma_semaphore, #tpu.memory_space<semaphore_mem>>
      %dma_start3A_135 = arith.constant 0 : i32
      %dma_start3A_136 = tpu.memref_slice %arg13[%add3A_102, %dma_start3A_135] : memref<10240x64xf32, #tpu.memory_space<vmem_shared>> -> memref<128x64xf32, #tpu.memory_space<vmem_shared>>
      %dma_start3A_137 = arith.constant 0 : i32
      %dma_start3A_138 = tpu.memref_slice %arg13[%add3A_102, %dma_start3A_137] : memref<10240x64xf32, #tpu.memory_space<vmem_shared>> -> memref<128x64xf32, #tpu.memory_space<vmem_shared>>
      tpu.enqueue_dma source(%arg10 : memref<128x64xf32, #tpu.memory_space<vmem>>) target(%dma_start3A_138 : memref<128x64xf32, #tpu.memory_space<vmem_shared>>) target_semaphore(%run_scoped3A_134 : memref<!tpu.dma_semaphore, #tpu.memory_space<semaphore_mem>>)
      %dma_wait3A_139 = arith.constant 0 : i32
      %dma_wait3A_140 = tpu.memref_slice %arg13[%add3A_102, %dma_wait3A_139] : memref<10240x64xf32, #tpu.memory_space<vmem_shared>> -> memref<128x64xf32, #tpu.memory_space<vmem_shared>>
      %dma_wait3A_141 = arith.constant 0 : i32
      %dma_wait3A_142 = tpu.memref_slice %arg13[%add3A_102, %dma_wait3A_141] : memref<10240x64xf32, #tpu.memory_space<vmem_shared>> -> memref<128x64xf32, #tpu.memory_space<vmem_shared>>
      tpu.wait_dma2 semaphore(%run_scoped3A_134 : memref<!tpu.dma_semaphore, #tpu.memory_space<semaphore_mem>>) src(%arg10 : memref<128x64xf32, #tpu.memory_space<vmem>>) dst(%dma_wait3A_142 : memref<128x64xf32, #tpu.memory_space<vmem_shared>>)
      tpu.yield
    }) : () -> ()
    %add3A_103 = arith.constant 256 : i32
    %add3A_104 = arith.addi %mul3A_2, %add3A_103 : i32
    "tpu.region"() ({
      %run_scoped3A_134 = tpu.sem_alloc : memref<!tpu.dma_semaphore, #tpu.memory_space<semaphore_mem>>
      %dma_start3A_135 = arith.constant 0 : i32
      %dma_start3A_136 = tpu.memref_slice %arg13[%add3A_104, %dma_start3A_135] : memref<10240x64xf32, #tpu.memory_space<vmem_shared>> -> memref<128x64xf32, #tpu.memory_space<vmem_shared>>
      %dma_start3A_137 = arith.constant 0 : i32
      %dma_start3A_138 = tpu.memref_slice %arg13[%add3A_104, %dma_start3A_137] : memref<10240x64xf32, #tpu.memory_space<vmem_shared>> -> memref<128x64xf32, #tpu.memory_space<vmem_shared>>
      tpu.enqueue_dma source(%arg10 : memref<128x64xf32, #tpu.memory_space<vmem>>) target(%dma_start3A_138 : memref<128x64xf32, #tpu.memory_space<vmem_shared>>) target_semaphore(%run_scoped3A_134 : memref<!tpu.dma_semaphore, #tpu.memory_space<semaphore_mem>>)
      %dma_wait3A_139 = arith.constant 0 : i32
      %dma_wait3A_140 = tpu.memref_slice %arg13[%add3A_104, %dma_wait3A_139] : memref<10240x64xf32, #tpu.memory_space<vmem_shared>> -> memref<128x64xf32, #tpu.memory_space<vmem_shared>>
      %dma_wait3A_141 = arith.constant 0 : i32
      %dma_wait3A_142 = tpu.memref_slice %arg13[%add3A_104, %dma_wait3A_141] : memref<10240x64xf32, #tpu.memory_space<vmem_shared>> -> memref<128x64xf32, #tpu.memory_space<vmem_shared>>
      tpu.wait_dma2 semaphore(%run_scoped3A_134 : memref<!tpu.dma_semaphore, #tpu.memory_space<semaphore_mem>>) src(%arg10 : memref<128x64xf32, #tpu.memory_space<vmem>>) dst(%dma_wait3A_142 : memref<128x64xf32, #tpu.memory_space<vmem_shared>>)
      tpu.yield
    }) : () -> ()
    %add3A_105 = arith.constant 384 : i32
    %add3A_106 = arith.addi %mul3A_2, %add3A_105 : i32
    "tpu.region"() ({
      %run_scoped3A_134 = tpu.sem_alloc : memref<!tpu.dma_semaphore, #tpu.memory_space<semaphore_mem>>
      %dma_start3A_135 = arith.constant 0 : i32
      %dma_start3A_136 = tpu.memref_slice %arg13[%add3A_106, %dma_start3A_135] : memref<10240x64xf32, #tpu.memory_space<vmem_shared>> -> memref<128x64xf32, #tpu.memory_space<vmem_shared>>
      %dma_start3A_137 = arith.constant 0 : i32
      %dma_start3A_138 = tpu.memref_slice %arg13[%add3A_106, %dma_start3A_137] : memref<10240x64xf32, #tpu.memory_space<vmem_shared>> -> memref<128x64xf32, #tpu.memory_space<vmem_shared>>
      tpu.enqueue_dma source(%arg10 : memref<128x64xf32, #tpu.memory_space<vmem>>) target(%dma_start3A_138 : memref<128x64xf32, #tpu.memory_space<vmem_shared>>) target_semaphore(%run_scoped3A_134 : memref<!tpu.dma_semaphore, #tpu.memory_space<semaphore_mem>>)
      %dma_wait3A_139 = arith.constant 0 : i32
      %dma_wait3A_140 = tpu.memref_slice %arg13[%add3A_106, %dma_wait3A_139] : memref<10240x64xf32, #tpu.memory_space<vmem_shared>> -> memref<128x64xf32, #tpu.memory_space<vmem_shared>>
      %dma_wait3A_141 = arith.constant 0 : i32
      %dma_wait3A_142 = tpu.memref_slice %arg13[%add3A_106, %dma_wait3A_141] : memref<10240x64xf32, #tpu.memory_space<vmem_shared>> -> memref<128x64xf32, #tpu.memory_space<vmem_shared>>
      tpu.wait_dma2 semaphore(%run_scoped3A_134 : memref<!tpu.dma_semaphore, #tpu.memory_space<semaphore_mem>>) src(%arg10 : memref<128x64xf32, #tpu.memory_space<vmem>>) dst(%dma_wait3A_142 : memref<128x64xf32, #tpu.memory_space<vmem_shared>>)
      tpu.yield
    }) : () -> ()
    %add3A_107 = arith.constant 512 : i32
    %add3A_108 = arith.addi %mul3A_2, %add3A_107 : i32
    "tpu.region"() ({
      %run_scoped3A_134 = tpu.sem_alloc : memref<!tpu.dma_semaphore, #tpu.memory_space<semaphore_mem>>
      %dma_start3A_135 = arith.constant 0 : i32
      %dma_start3A_136 = tpu.memref_slice %arg13[%add3A_108, %dma_start3A_135] : memref<10240x64xf32, #tpu.memory_space<vmem_shared>> -> memref<128x64xf32, #tpu.memory_space<vmem_shared>>
      %dma_start3A_137 = arith.constant 0 : i32
      %dma_start3A_138 = tpu.memref_slice %arg13[%add3A_108, %dma_start3A_137] : memref<10240x64xf32, #tpu.memory_space<vmem_shared>> -> memref<128x64xf32, #tpu.memory_space<vmem_shared>>
      tpu.enqueue_dma source(%arg10 : memref<128x64xf32, #tpu.memory_space<vmem>>) target(%dma_start3A_138 : memref<128x64xf32, #tpu.memory_space<vmem_shared>>) target_semaphore(%run_scoped3A_134 : memref<!tpu.dma_semaphore, #tpu.memory_space<semaphore_mem>>)
      %dma_wait3A_139 = arith.constant 0 : i32
      %dma_wait3A_140 = tpu.memref_slice %arg13[%add3A_108, %dma_wait3A_139] : memref<10240x64xf32, #tpu.memory_space<vmem_shared>> -> memref<128x64xf32, #tpu.memory_space<vmem_shared>>
      %dma_wait3A_141 = arith.constant 0 : i32
      %dma_wait3A_142 = tpu.memref_slice %arg13[%add3A_108, %dma_wait3A_141] : memref<10240x64xf32, #tpu.memory_space<vmem_shared>> -> memref<128x64xf32, #tpu.memory_space<vmem_shared>>
      tpu.wait_dma2 semaphore(%run_scoped3A_134 : memref<!tpu.dma_semaphore, #tpu.memory_space<semaphore_mem>>) src(%arg10 : memref<128x64xf32, #tpu.memory_space<vmem>>) dst(%dma_wait3A_142 : memref<128x64xf32, #tpu.memory_space<vmem_shared>>)
      tpu.yield
    }) : () -> ()
    %barrier3A_109 = arith.constant 0 : index
    tpu.barrier barrier_id(%barrier3A_109)
    %dma_start3A_110 = arith.constant 0 : i32
    %dma_start3A_111 = arith.constant 0 : i32
    %dma_start3A_112 = tpu.memref_slice %arg8[%dma_start3A_110, %dma_start3A_111] : memref<79x128xi32, #tpu.memory_space<vmem>> -> memref<1x128xi32, #tpu.memory_space<vmem>>
    %dma_start3A_113 = tpu.memref_squeeze %dma_start3A_112 : memref<1x128xi32, #tpu.memory_space<vmem>> -> memref<128xi32, #tpu.memory_space<vmem>>
    %dma_start3A_114 = arith.constant 0 : i32
    %dma_start3A_115 = arith.constant 0 : i32
    %dma_start3A_116 = tpu.memref_slice %arg2[%dma_start3A_114, %dma_start3A_115] : memref<20480x64xf32, #tpu.memory_space<hbm>> -> memref<20480x64xf32, #tpu.memory_space<hbm>>
    tpu.enqueue_indirect_dma source(%dma_start3A_116 : memref<20480x64xf32, #tpu.memory_space<hbm>>) target(%arg10 : memref<128x64xf32, #tpu.memory_space<vmem>>) offsets(%dma_start3A_113 : memref<128xi32, #tpu.memory_space<vmem>>) semaphore(%arg15 : memref<!tpu.dma_semaphore, #tpu.memory_space<semaphore_mem>>)
    %scan3A_117 = arith.constant 0 : i32
    %scan3A_118 = arith.constant 0 : i32
    %scan3A_119 = arith.constant 39 : i32
    %scan3A_120 = arith.addi %scan3A_118, %scan3A_119 : i32
    %scan3A_121 = arith.constant 1 : i32
    %scan3A_122 = scf.for %scan3A_134 = %scan3A_118 to %scan3A_120 step %scan3A_121 iter_args(%scan3A_135 = %scan3A_117) -> (i32)  : i32 {
      %mul3A_136 = arith.constant 2 : i32
      %mul3A_137 = arith.muli %mul3A_136, %scan3A_134 : i32
      %add3A_138 = arith.constant 0 : i32
      %add3A_139 = arith.addi %mul3A_137, %add3A_138 : i32
      %add3A_140 = arith.constant 1 : i32
      %add3A_141 = arith.addi %add3A_139, %add3A_140 : i32
      %dma_start3A_142 = arith.constant 0 : i32
      %dma_start3A_143 = tpu.memref_slice %arg8[%add3A_141, %dma_start3A_142] : memref<79x128xi32, #tpu.memory_space<vmem>> -> memref<1x128xi32, #tpu.memory_space<vmem>>
      %dma_start3A_144 = tpu.memref_squeeze %dma_start3A_143 : memref<1x128xi32, #tpu.memory_space<vmem>> -> memref<128xi32, #tpu.memory_space<vmem>>
      %dma_start3A_145 = arith.constant 0 : i32
      %dma_start3A_146 = arith.constant 0 : i32
      %dma_start3A_147 = tpu.memref_slice %arg2[%dma_start3A_145, %dma_start3A_146] : memref<20480x64xf32, #tpu.memory_space<hbm>> -> memref<20480x64xf32, #tpu.memory_space<hbm>>
      tpu.enqueue_indirect_dma source(%dma_start3A_147 : memref<20480x64xf32, #tpu.memory_space<hbm>>) target(%arg11 : memref<128x64xf32, #tpu.memory_space<vmem>>) offsets(%dma_start3A_144 : memref<128xi32, #tpu.memory_space<vmem>>) semaphore(%arg16 : memref<!tpu.dma_semaphore, #tpu.memory_space<semaphore_mem>>)
      %dma_wait3A_148 = arith.constant 0 : i32
      %dma_wait3A_149 = tpu.memref_slice %arg8[%add3A_139, %dma_wait3A_148] : memref<79x128xi32, #tpu.memory_space<vmem>> -> memref<1x128xi32, #tpu.memory_space<vmem>>
      %dma_wait3A_150 = tpu.memref_squeeze %dma_wait3A_149 : memref<1x128xi32, #tpu.memory_space<vmem>> -> memref<128xi32, #tpu.memory_space<vmem>>
      %dma_wait3A_151 = arith.constant 0 : i32
      %dma_wait3A_152 = arith.constant 0 : i32
      %dma_wait3A_153 = tpu.memref_slice %arg2[%dma_wait3A_151, %dma_wait3A_152] : memref<20480x64xf32, #tpu.memory_space<hbm>> -> memref<20480x64xf32, #tpu.memory_space<hbm>>
      tpu.wait_indirect_dma semaphore(%arg15 : memref<!tpu.dma_semaphore, #tpu.memory_space<semaphore_mem>>) src(%dma_wait3A_153 : memref<20480x64xf32, #tpu.memory_space<hbm>>) dst(%arg10 : memref<128x64xf32, #tpu.memory_space<vmem>>)
      "tpu.region"() ({
        %run_scoped3A_173 = tpu.sem_alloc : memref<!tpu.dma_semaphore, #tpu.memory_space<semaphore_mem>>
        %dma_start3A_174 = arith.constant 0 : i32
        %dma_start3A_175 = tpu.memref_slice %arg9[%add3A_139, %dma_start3A_174] : memref<79x128xi32, #tpu.memory_space<vmem>> -> memref<1x128xi32, #tpu.memory_space<vmem>>
        %dma_start3A_176 = tpu.memref_squeeze %dma_start3A_175 : memref<1x128xi32, #tpu.memory_space<vmem>> -> memref<128xi32, #tpu.memory_space<vmem>>
        %dma_start3A_177 = arith.constant 0 : i32
        %dma_start3A_178 = arith.constant 0 : i32
        %dma_start3A_179 = tpu.memref_slice %arg13[%dma_start3A_177, %dma_start3A_178] : memref<10240x64xf32, #tpu.memory_space<vmem_shared>> -> memref<10240x64xf32, #tpu.memory_space<vmem_shared>>
        tpu.enqueue_indirect_dma source(%arg10 : memref<128x64xf32, #tpu.memory_space<vmem>>) target(%dma_start3A_179 : memref<10240x64xf32, #tpu.memory_space<vmem_shared>>) offsets(%dma_start3A_176 : memref<128xi32, #tpu.memory_space<vmem>>) semaphore(%run_scoped3A_173 : memref<!tpu.dma_semaphore, #tpu.memory_space<semaphore_mem>>) {add = true}
        %dma_wait3A_180 = arith.constant 0 : i32
        %dma_wait3A_181 = tpu.memref_slice %arg9[%add3A_139, %dma_wait3A_180] : memref<79x128xi32, #tpu.memory_space<vmem>> -> memref<1x128xi32, #tpu.memory_space<vmem>>
        %dma_wait3A_182 = tpu.memref_squeeze %dma_wait3A_181 : memref<1x128xi32, #tpu.memory_space<vmem>> -> memref<128xi32, #tpu.memory_space<vmem>>
        %dma_wait3A_183 = arith.constant 0 : i32
        %dma_wait3A_184 = arith.constant 0 : i32
        %dma_wait3A_185 = tpu.memref_slice %arg13[%dma_wait3A_183, %dma_wait3A_184] : memref<10240x64xf32, #tpu.memory_space<vmem_shared>> -> memref<10240x64xf32, #tpu.memory_space<vmem_shared>>
        tpu.wait_indirect_dma semaphore(%run_scoped3A_173 : memref<!tpu.dma_semaphore, #tpu.memory_space<semaphore_mem>>) src(%arg10 : memref<128x64xf32, #tpu.memory_space<vmem>>) dst(%dma_wait3A_185 : memref<10240x64xf32, #tpu.memory_space<vmem_shared>>)
        tpu.yield
      }) : () -> ()
      %mul3A_154 = arith.constant 2 : i32
      %mul3A_155 = arith.muli %mul3A_154, %scan3A_134 : i32
      %add3A_156 = arith.constant 1 : i32
      %add3A_157 = arith.addi %mul3A_155, %add3A_156 : i32
      %add3A_158 = arith.constant 1 : i32
      %add3A_159 = arith.addi %add3A_157, %add3A_158 : i32
      %dma_start3A_160 = arith.constant 0 : i32
      %dma_start3A_161 = tpu.memref_slice %arg8[%add3A_159, %dma_start3A_160] : memref<79x128xi32, #tpu.memory_space<vmem>> -> memref<1x128xi32, #tpu.memory_space<vmem>>
      %dma_start3A_162 = tpu.memref_squeeze %dma_start3A_161 : memref<1x128xi32, #tpu.memory_space<vmem>> -> memref<128xi32, #tpu.memory_space<vmem>>
      %dma_start3A_163 = arith.constant 0 : i32
      %dma_start3A_164 = arith.constant 0 : i32
      %dma_start3A_165 = tpu.memref_slice %arg2[%dma_start3A_163, %dma_start3A_164] : memref<20480x64xf32, #tpu.memory_space<hbm>> -> memref<20480x64xf32, #tpu.memory_space<hbm>>
      tpu.enqueue_indirect_dma source(%dma_start3A_165 : memref<20480x64xf32, #tpu.memory_space<hbm>>) target(%arg10 : memref<128x64xf32, #tpu.memory_space<vmem>>) offsets(%dma_start3A_162 : memref<128xi32, #tpu.memory_space<vmem>>) semaphore(%arg15 : memref<!tpu.dma_semaphore, #tpu.memory_space<semaphore_mem>>)
      %dma_wait3A_166 = arith.constant 0 : i32
      %dma_wait3A_167 = tpu.memref_slice %arg8[%add3A_157, %dma_wait3A_166] : memref<79x128xi32, #tpu.memory_space<vmem>> -> memref<1x128xi32, #tpu.memory_space<vmem>>
      %dma_wait3A_168 = tpu.memref_squeeze %dma_wait3A_167 : memref<1x128xi32, #tpu.memory_space<vmem>> -> memref<128xi32, #tpu.memory_space<vmem>>
      %dma_wait3A_169 = arith.constant 0 : i32
      %dma_wait3A_170 = arith.constant 0 : i32
      %dma_wait3A_171 = tpu.memref_slice %arg2[%dma_wait3A_169, %dma_wait3A_170] : memref<20480x64xf32, #tpu.memory_space<hbm>> -> memref<20480x64xf32, #tpu.memory_space<hbm>>
      tpu.wait_indirect_dma semaphore(%arg16 : memref<!tpu.dma_semaphore, #tpu.memory_space<semaphore_mem>>) src(%dma_wait3A_171 : memref<20480x64xf32, #tpu.memory_space<hbm>>) dst(%arg11 : memref<128x64xf32, #tpu.memory_space<vmem>>)
      "tpu.region"() ({
        %run_scoped3A_173 = tpu.sem_alloc : memref<!tpu.dma_semaphore, #tpu.memory_space<semaphore_mem>>
        %dma_start3A_174 = arith.constant 0 : i32
        %dma_start3A_175 = tpu.memref_slice %arg9[%add3A_157, %dma_start3A_174] : memref<79x128xi32, #tpu.memory_space<vmem>> -> memref<1x128xi32, #tpu.memory_space<vmem>>
        %dma_start3A_176 = tpu.memref_squeeze %dma_start3A_175 : memref<1x128xi32, #tpu.memory_space<vmem>> -> memref<128xi32, #tpu.memory_space<vmem>>
        %dma_start3A_177 = arith.constant 0 : i32
        %dma_start3A_178 = arith.constant 0 : i32
        %dma_start3A_179 = tpu.memref_slice %arg13[%dma_start3A_177, %dma_start3A_178] : memref<10240x64xf32, #tpu.memory_space<vmem_shared>> -> memref<10240x64xf32, #tpu.memory_space<vmem_shared>>
        tpu.enqueue_indirect_dma source(%arg11 : memref<128x64xf32, #tpu.memory_space<vmem>>) target(%dma_start3A_179 : memref<10240x64xf32, #tpu.memory_space<vmem_shared>>) offsets(%dma_start3A_176 : memref<128xi32, #tpu.memory_space<vmem>>) semaphore(%run_scoped3A_173 : memref<!tpu.dma_semaphore, #tpu.memory_space<semaphore_mem>>) {add = true}
        %dma_wait3A_180 = arith.constant 0 : i32
        %dma_wait3A_181 = tpu.memref_slice %arg9[%add3A_157, %dma_wait3A_180] : memref<79x128xi32, #tpu.memory_space<vmem>> -> memref<1x128xi32, #tpu.memory_space<vmem>>
        %dma_wait3A_182 = tpu.memref_squeeze %dma_wait3A_181 : memref<1x128xi32, #tpu.memory_space<vmem>> -> memref<128xi32, #tpu.memory_space<vmem>>
        %dma_wait3A_183 = arith.constant 0 : i32
        %dma_wait3A_184 = arith.constant 0 : i32
        %dma_wait3A_185 = tpu.memref_slice %arg13[%dma_wait3A_183, %dma_wait3A_184] : memref<10240x64xf32, #tpu.memory_space<vmem_shared>> -> memref<10240x64xf32, #tpu.memory_space<vmem_shared>>
        tpu.wait_indirect_dma semaphore(%run_scoped3A_173 : memref<!tpu.dma_semaphore, #tpu.memory_space<semaphore_mem>>) src(%arg11 : memref<128x64xf32, #tpu.memory_space<vmem>>) dst(%dma_wait3A_185 : memref<10240x64xf32, #tpu.memory_space<vmem_shared>>)
        tpu.yield
      }) : () -> ()
      %scan3A_172 = arith.constant 0 : i32
      scf.yield %scan3A_172 : i32
    }
    %scan3A_123 = arith.constant 39 : i32
    %dma_wait3A_124 = arith.constant 78 : i32
    %dma_wait3A_125 = arith.constant 0 : i32
    %dma_wait3A_126 = tpu.memref_slice %arg8[%dma_wait3A_124, %dma_wait3A_125] : memref<79x128xi32, #tpu.memory_space<vmem>> -> memref<1x128xi32, #tpu.memory_space<vmem>>
    %dma_wait3A_127 = tpu.memref_squeeze %dma_wait3A_126 : memref<1x128xi32, #tpu.memory_space<vmem>> -> memref<128xi32, #tpu.memory_space<vmem>>
    %dma_wait3A_128 = arith.constant 0 : i32
    %dma_wait3A_129 = arith.constant 0 : i32
    %dma_wait3A_130 = tpu.memref_slice %arg2[%dma_wait3A_128, %dma_wait3A_129] : memref<20480x64xf32, #tpu.memory_space<hbm>> -> memref<20480x64xf32, #tpu.memory_space<hbm>>
    tpu.wait_indirect_dma semaphore(%arg15 : memref<!tpu.dma_semaphore, #tpu.memory_space<semaphore_mem>>) src(%dma_wait3A_130 : memref<20480x64xf32, #tpu.memory_space<hbm>>) dst(%arg10 : memref<128x64xf32, #tpu.memory_space<vmem>>)
    %run_scoped3A_131 = arith.constant 78 : i32
    "tpu.region"() ({
      %run_scoped3A_134 = tpu.sem_alloc : memref<!tpu.dma_semaphore, #tpu.memory_space<semaphore_mem>>
      %dma_start3A_135 = arith.constant 0 : i32
      %dma_start3A_136 = tpu.memref_slice %arg9[%run_scoped3A_131, %dma_start3A_135] : memref<79x128xi32, #tpu.memory_space<vmem>> -> memref<1x128xi32, #tpu.memory_space<vmem>>
      %dma_start3A_137 = tpu.memref_squeeze %dma_start3A_136 : memref<1x128xi32, #tpu.memory_space<vmem>> -> memref<128xi32, #tpu.memory_space<vmem>>
      %dma_start3A_138 = arith.constant 0 : i32
      %dma_start3A_139 = arith.constant 0 : i32
      %dma_start3A_140 = tpu.memref_slice %arg13[%dma_start3A_138, %dma_start3A_139] : memref<10240x64xf32, #tpu.memory_space<vmem_shared>> -> memref<10240x64xf32, #tpu.memory_space<vmem_shared>>
      tpu.enqueue_indirect_dma source(%arg10 : memref<128x64xf32, #tpu.memory_space<vmem>>) target(%dma_start3A_140 : memref<10240x64xf32, #tpu.memory_space<vmem_shared>>) offsets(%dma_start3A_137 : memref<128xi32, #tpu.memory_space<vmem>>) semaphore(%run_scoped3A_134 : memref<!tpu.dma_semaphore, #tpu.memory_space<semaphore_mem>>) {add = true}
      %dma_wait3A_141 = arith.constant 0 : i32
      %dma_wait3A_142 = tpu.memref_slice %arg9[%run_scoped3A_131, %dma_wait3A_141] : memref<79x128xi32, #tpu.memory_space<vmem>> -> memref<1x128xi32, #tpu.memory_space<vmem>>
      %dma_wait3A_143 = tpu.memref_squeeze %dma_wait3A_142 : memref<1x128xi32, #tpu.memory_space<vmem>> -> memref<128xi32, #tpu.memory_space<vmem>>
      %dma_wait3A_144 = arith.constant 0 : i32
      %dma_wait3A_145 = arith.constant 0 : i32
      %dma_wait3A_146 = tpu.memref_slice %arg13[%dma_wait3A_144, %dma_wait3A_145] : memref<10240x64xf32, #tpu.memory_space<vmem_shared>> -> memref<10240x64xf32, #tpu.memory_space<vmem_shared>>
      tpu.wait_indirect_dma semaphore(%run_scoped3A_134 : memref<!tpu.dma_semaphore, #tpu.memory_space<semaphore_mem>>) src(%arg10 : memref<128x64xf32, #tpu.memory_space<vmem>>) dst(%dma_wait3A_146 : memref<10240x64xf32, #tpu.memory_space<vmem_shared>>)
      tpu.yield
    }) : () -> ()
    %barrier3A_132 = arith.constant 0 : index
    tpu.barrier barrier_id(%barrier3A_132)
    %run_scoped3A_133 = arith.constant 1 : i32
    "tpu.region"() ({
      %run_scoped3A_134 = tpu.sem_alloc : memref<!tpu.dma_semaphore, #tpu.memory_space<semaphore_mem>>
      %dma_start3A_135 = arith.constant 0 : i32
      %dma_start3A_136 = arith.constant 0 : i32
      %dma_start3A_137 = arith.constant 0 : i32
      %dma_start3A_138 = arith.constant 0 : i32
      %dma_start3A_139 = tpu.memref_slice %arg5[%arg0, %dma_start3A_135, %dma_start3A_136, %dma_start3A_137, %dma_start3A_138] : memref<2x2x16x640x64xf32, #tpu.memory_space<hbm>> -> memref<1x2x16x640x64xf32, #tpu.memory_space<hbm>>
      %dma_start3A_140 = tpu.memref_squeeze %dma_start3A_139 : memref<1x2x16x640x64xf32, #tpu.memory_space<hbm>> -> memref<2x16x640x64xf32, #tpu.memory_space<hbm>>
      %dma_start3A_141 = arith.constant 0 : i32
      %dma_start3A_142 = arith.constant 0 : i32
      %dma_start3A_143 = arith.constant 0 : i32
      %dma_start3A_144 = tpu.memref_slice %dma_start3A_140[%run_scoped3A_133, %dma_start3A_141, %dma_start3A_142, %dma_start3A_143] : memref<2x16x640x64xf32, #tpu.memory_space<hbm>> -> memref<1x16x640x64xf32, #tpu.memory_space<hbm>>
      %dma_start3A_145 = tpu.memref_squeeze %dma_start3A_144 : memref<1x16x640x64xf32, #tpu.memory_space<hbm>> -> memref<16x640x64xf32, #tpu.memory_space<hbm>>
      %dma_start3A_146 = arith.constant 0 : i32
      %dma_start3A_147 = arith.constant 0 : i32
      %dma_start3A_148 = tpu.memref_slice %dma_start3A_145[%arg1, %dma_start3A_146, %dma_start3A_147] : memref<16x640x64xf32, #tpu.memory_space<hbm>> -> memref<1x640x64xf32, #tpu.memory_space<hbm>>
      %dma_start3A_149 = tpu.memref_squeeze %dma_start3A_148 : memref<1x640x64xf32, #tpu.memory_space<hbm>> -> memref<640x64xf32, #tpu.memory_space<hbm>>
      %dma_start3A_150 = arith.constant 0 : i32
      %dma_start3A_151 = tpu.memref_slice %arg13[%mul3A_2, %dma_start3A_150] : memref<10240x64xf32, #tpu.memory_space<vmem_shared>> -> memref<640x64xf32, #tpu.memory_space<vmem_shared>>
      tpu.enqueue_dma source(%dma_start3A_151 : memref<640x64xf32, #tpu.memory_space<vmem_shared>>) target(%dma_start3A_149 : memref<640x64xf32, #tpu.memory_space<hbm>>) target_semaphore(%run_scoped3A_134 : memref<!tpu.dma_semaphore, #tpu.memory_space<semaphore_mem>>)
      %dma_wait3A_152 = arith.constant 0 : i32
      %dma_wait3A_153 = arith.constant 0 : i32
      %dma_wait3A_154 = arith.constant 0 : i32
      %dma_wait3A_155 = arith.constant 0 : i32
      %dma_wait3A_156 = tpu.memref_slice %arg5[%arg0, %dma_wait3A_152, %dma_wait3A_153, %dma_wait3A_154, %dma_wait3A_155] : memref<2x2x16x640x64xf32, #tpu.memory_space<hbm>> -> memref<1x2x16x640x64xf32, #tpu.memory_space<hbm>>
      %dma_wait3A_157 = tpu.memref_squeeze %dma_wait3A_156 : memref<1x2x16x640x64xf32, #tpu.memory_space<hbm>> -> memref<2x16x640x64xf32, #tpu.memory_space<hbm>>
      %dma_wait3A_158 = arith.constant 0 : i32
      %dma_wait3A_159 = arith.constant 0 : i32
      %dma_wait3A_160 = arith.constant 0 : i32
      %dma_wait3A_161 = tpu.memref_slice %dma_wait3A_157[%run_scoped3A_133, %dma_wait3A_158, %dma_wait3A_159, %dma_wait3A_160] : memref<2x16x640x64xf32, #tpu.memory_space<hbm>> -> memref<1x16x640x64xf32, #tpu.memory_space<hbm>>
      %dma_wait3A_162 = tpu.memref_squeeze %dma_wait3A_161 : memref<1x16x640x64xf32, #tpu.memory_space<hbm>> -> memref<16x640x64xf32, #tpu.memory_space<hbm>>
      %dma_wait3A_163 = arith.constant 0 : i32
      %dma_wait3A_164 = arith.constant 0 : i32
      %dma_wait3A_165 = tpu.memref_slice %dma_wait3A_162[%arg1, %dma_wait3A_163, %dma_wait3A_164] : memref<16x640x64xf32, #tpu.memory_space<hbm>> -> memref<1x640x64xf32, #tpu.memory_space<hbm>>
      %dma_wait3A_166 = tpu.memref_squeeze %dma_wait3A_165 : memref<1x640x64xf32, #tpu.memory_space<hbm>> -> memref<640x64xf32, #tpu.memory_space<hbm>>
      %dma_wait3A_167 = arith.constant 0 : i32
      %dma_wait3A_168 = tpu.memref_slice %arg13[%mul3A_2, %dma_wait3A_167] : memref<10240x64xf32, #tpu.memory_space<vmem_shared>> -> memref<640x64xf32, #tpu.memory_space<vmem_shared>>
      tpu.wait_dma2 semaphore(%run_scoped3A_134 : memref<!tpu.dma_semaphore, #tpu.memory_space<semaphore_mem>>) src(%dma_wait3A_168 : memref<640x64xf32, #tpu.memory_space<vmem_shared>>) dst(%dma_wait3A_166 : memref<640x64xf32, #tpu.memory_space<hbm>>)
      tpu.yield
    }) : () -> ()
    return
  }
}

#map = affine_map<(d0, d1) -> (0, 0)>
#map1 = affine_map<(d0, d1) -> (0, 0, 0)>
#map2 = affine_map<(d0, d1) -> (0, 0, 0, 0, 0)>
module attributes {stable_mosaic.version = 14 : i64} {
  func.func @body(%arg0: i32, %arg1: i32, %arg2: memref<20480x64xf32, #tpu.memory_space<hbm>>, %arg3: memref<32x79x128xi32, #tpu.memory_space<hbm>>, %arg4: memref<32x79x128xi32, #tpu.memory_space<hbm>>, %arg5: memref<2x2x16x640x64xf32, #tpu.memory_space<hbm>>, %arg6: memref<79x128xi32, #tpu.memory_space<vmem>>, %arg7: memref<79x128xi32, #tpu.memory_space<vmem>>, %arg8: memref<79x128xi32, #tpu.memory_space<vmem>>, %arg9: memref<128x64xf32, #tpu.memory_space<vmem>>, %arg10: memref<128x64xf32, #tpu.memory_space<vmem>>, %arg11: memref<10240x64xf32, #tpu.memory_space<vmem_shared>>, %arg12: memref<!tpu.dma_semaphore, #tpu.memory_space<semaphore_mem>>, %arg13: memref<!tpu.dma_semaphore, #tpu.memory_space<semaphore_mem>>) attributes {dimension_semantics = [#tpu.dimension_semantics<core_parallel>, #tpu.dimension_semantics<subcore_parallel>], iteration_bounds = array<i64: 2, 16>, scalar_prefetch = 0 : i64, scratch_operands = 8 : i64, tpu.core_type = #tpu.core_type<sc_vector_subcore>, window_params = [{transform_indices = #map}, {transform_indices = #map1}, {transform_indices = #map1}, {transform_indices = #map2}]} {
    %mul3A = arith.constant 2 : i32
    %mul3A_0 = arith.muli %arg1, %mul3A : i32
    %add3A = arith.addi %mul3A_0, %arg0 : i32
    %mul3A_1 = arith.constant 640 : i32
    %mul3A_2 = arith.muli %arg1, %mul3A_1 : i32
    "tpu.region"() ({
      %run_scoped3A_96 = tpu.sem_alloc : memref<!tpu.dma_semaphore, #tpu.memory_space<semaphore_mem>>
      %dma_start3A_97 = arith.constant 0 : i32
      %dma_start3A_98 = arith.constant 0 : i32
      %dma_start3A_99 = tpu.memref_slice %arg3[%add3A, %dma_start3A_97, %dma_start3A_98] : memref<32x79x128xi32, #tpu.memory_space<hbm>> -> memref<1x79x128xi32, #tpu.memory_space<hbm>>
      %dma_start3A_100 = tpu.memref_squeeze %dma_start3A_99 : memref<1x79x128xi32, #tpu.memory_space<hbm>> -> memref<79x128xi32, #tpu.memory_space<hbm>>
      %dma_start3A_101 = arith.constant 0 : i32
      %dma_start3A_102 = arith.constant 0 : i32
      %dma_start3A_103 = tpu.memref_slice %arg3[%add3A, %dma_start3A_101, %dma_start3A_102] : memref<32x79x128xi32, #tpu.memory_space<hbm>> -> memref<1x79x128xi32, #tpu.memory_space<hbm>>
      %dma_start3A_104 = tpu.memref_squeeze %dma_start3A_103 : memref<1x79x128xi32, #tpu.memory_space<hbm>> -> memref<79x128xi32, #tpu.memory_space<hbm>>
      tpu.enqueue_dma source(%dma_start3A_104 : memref<79x128xi32, #tpu.memory_space<hbm>>) target(%arg6 : memref<79x128xi32, #tpu.memory_space<vmem>>) target_semaphore(%run_scoped3A_96 : memref<!tpu.dma_semaphore, #tpu.memory_space<semaphore_mem>>)
      %dma_wait3A_105 = arith.constant 0 : i32
      %dma_wait3A_106 = arith.constant 0 : i32
      %dma_wait3A_107 = tpu.memref_slice %arg3[%add3A, %dma_wait3A_105, %dma_wait3A_106] : memref<32x79x128xi32, #tpu.memory_space<hbm>> -> memref<1x79x128xi32, #tpu.memory_space<hbm>>
      %dma_wait3A_108 = tpu.memref_squeeze %dma_wait3A_107 : memref<1x79x128xi32, #tpu.memory_space<hbm>> -> memref<79x128xi32, #tpu.memory_space<hbm>>
      %dma_wait3A_109 = arith.constant 0 : i32
      %dma_wait3A_110 = arith.constant 0 : i32
      %dma_wait3A_111 = tpu.memref_slice %arg3[%add3A, %dma_wait3A_109, %dma_wait3A_110] : memref<32x79x128xi32, #tpu.memory_space<hbm>> -> memref<1x79x128xi32, #tpu.memory_space<hbm>>
      %dma_wait3A_112 = tpu.memref_squeeze %dma_wait3A_111 : memref<1x79x128xi32, #tpu.memory_space<hbm>> -> memref<79x128xi32, #tpu.memory_space<hbm>>
      tpu.wait_dma2 semaphore(%run_scoped3A_96 : memref<!tpu.dma_semaphore, #tpu.memory_space<semaphore_mem>>) src(%dma_wait3A_112 : memref<79x128xi32, #tpu.memory_space<hbm>>) dst(%arg6 : memref<79x128xi32, #tpu.memory_space<vmem>>)
      tpu.yield
    }) : () -> ()
    "tpu.region"() ({
      %run_scoped3A_96 = tpu.sem_alloc : memref<!tpu.dma_semaphore, #tpu.memory_space<semaphore_mem>>
      %dma_start3A_97 = arith.constant 0 : i32
      %dma_start3A_98 = arith.constant 0 : i32
      %dma_start3A_99 = tpu.memref_slice %arg4[%add3A, %dma_start3A_97, %dma_start3A_98] : memref<32x79x128xi32, #tpu.memory_space<hbm>> -> memref<1x79x128xi32, #tpu.memory_space<hbm>>
      %dma_start3A_100 = tpu.memref_squeeze %dma_start3A_99 : memref<1x79x128xi32, #tpu.memory_space<hbm>> -> memref<79x128xi32, #tpu.memory_space<hbm>>
      %dma_start3A_101 = arith.constant 0 : i32
      %dma_start3A_102 = arith.constant 0 : i32
      %dma_start3A_103 = tpu.memref_slice %arg4[%add3A, %dma_start3A_101, %dma_start3A_102] : memref<32x79x128xi32, #tpu.memory_space<hbm>> -> memref<1x79x128xi32, #tpu.memory_space<hbm>>
      %dma_start3A_104 = tpu.memref_squeeze %dma_start3A_103 : memref<1x79x128xi32, #tpu.memory_space<hbm>> -> memref<79x128xi32, #tpu.memory_space<hbm>>
      tpu.enqueue_dma source(%dma_start3A_104 : memref<79x128xi32, #tpu.memory_space<hbm>>) target(%arg8 : memref<79x128xi32, #tpu.memory_space<vmem>>) target_semaphore(%run_scoped3A_96 : memref<!tpu.dma_semaphore, #tpu.memory_space<semaphore_mem>>)
      %dma_wait3A_105 = arith.constant 0 : i32
      %dma_wait3A_106 = arith.constant 0 : i32
      %dma_wait3A_107 = tpu.memref_slice %arg4[%add3A, %dma_wait3A_105, %dma_wait3A_106] : memref<32x79x128xi32, #tpu.memory_space<hbm>> -> memref<1x79x128xi32, #tpu.memory_space<hbm>>
      %dma_wait3A_108 = tpu.memref_squeeze %dma_wait3A_107 : memref<1x79x128xi32, #tpu.memory_space<hbm>> -> memref<79x128xi32, #tpu.memory_space<hbm>>
      %dma_wait3A_109 = arith.constant 0 : i32
      %dma_wait3A_110 = arith.constant 0 : i32
      %dma_wait3A_111 = tpu.memref_slice %arg4[%add3A, %dma_wait3A_109, %dma_wait3A_110] : memref<32x79x128xi32, #tpu.memory_space<hbm>> -> memref<1x79x128xi32, #tpu.memory_space<hbm>>
      %dma_wait3A_112 = tpu.memref_squeeze %dma_wait3A_111 : memref<1x79x128xi32, #tpu.memory_space<hbm>> -> memref<79x128xi32, #tpu.memory_space<hbm>>
      tpu.wait_dma2 semaphore(%run_scoped3A_96 : memref<!tpu.dma_semaphore, #tpu.memory_space<semaphore_mem>>) src(%dma_wait3A_112 : memref<79x128xi32, #tpu.memory_space<hbm>>) dst(%arg8 : memref<79x128xi32, #tpu.memory_space<vmem>>)
      tpu.yield
    }) : () -> ()
    %scan3A = arith.constant 0 : i32
    %scan3A_3 = arith.constant 0 : i32
    %scan3A_4 = arith.constant 79 : i32
    %scan3A_5 = arith.addi %scan3A_3, %scan3A_4 : i32
    %scan3A_6 = arith.constant 1 : i32
    %scan3A_7 = scf.for %scan3A_96 = %scan3A_3 to %scan3A_5 step %scan3A_6 iter_args(%scan3A_97 = %scan3A) -> (i32)  : i32 {
      %get3A = arith.index_cast %scan3A_96 : i32 to index
      %get3A_98 = arith.constant 0 : index
      %get3A_99 = tpu.vector_load %arg6[%get3A, %get3A_98] {strides = array<i32>} : memref<79x128xi32, #tpu.memory_space<vmem>>, vector<1x16xi32>,
      %get3A_100 = vector.shape_cast %get3A_99 : vector<1x16xi32> to vector<16xi32>
      %mul3A_101 = arith.constant 2 : i32
      %mul3A_102 = vector.broadcast %mul3A_101 : i32 to vector<16xi32>
      %mul3A_103 = arith.muli %get3A_100, %mul3A_102 : vector<16xi32>
      %add3A_104 = arith.constant 0 : i32
      %add3A_105 = vector.broadcast %add3A_104 : i32 to vector<16xi32>
      %add3A_106 = arith.addi %mul3A_103, %add3A_105 : vector<16xi32>
      %swap3A = arith.index_cast %scan3A_96 : i32 to index
      %swap3A_107 = arith.constant 0 : index
      %swap3A_108 = tpu.vector_load %arg7[%swap3A, %swap3A_107] {strides = array<i32>} : memref<79x128xi32, #tpu.memory_space<vmem>>, vector<1x16xi32>,
      %swap3A_109 = vector.shape_cast %swap3A_108 : vector<1x16xi32> to vector<16xi32>
      %swap3A_110 = vector.shape_cast %add3A_106 : vector<16xi32> to vector<1x16xi32>
      tpu.vector_store %arg7[%swap3A, %swap3A_107], %swap3A_110 {strides = array<i32>} : memref<79x128xi32, #tpu.memory_space<vmem>>, vector<1x16xi32>,
      %get3A_111 = arith.index_cast %scan3A_96 : i32 to index
      %get3A_112 = arith.constant 16 : index
      %get3A_113 = tpu.vector_load %arg6[%get3A_111, %get3A_112] {strides = array<i32>} : memref<79x128xi32, #tpu.memory_space<vmem>>, vector<1x16xi32>,
      %get3A_114 = vector.shape_cast %get3A_113 : vector<1x16xi32> to vector<16xi32>
      %mul3A_115 = arith.constant 2 : i32
      %mul3A_116 = vector.broadcast %mul3A_115 : i32 to vector<16xi32>
      %mul3A_117 = arith.muli %get3A_114, %mul3A_116 : vector<16xi32>
      %add3A_118 = arith.constant 0 : i32
      %add3A_119 = vector.broadcast %add3A_118 : i32 to vector<16xi32>
      %add3A_120 = arith.addi %mul3A_117, %add3A_119 : vector<16xi32>
      %swap3A_121 = arith.index_cast %scan3A_96 : i32 to index
      %swap3A_122 = arith.constant 16 : index
      %swap3A_123 = tpu.vector_load %arg7[%swap3A_121, %swap3A_122] {strides = array<i32>} : memref<79x128xi32, #tpu.memory_space<vmem>>, vector<1x16xi32>,
      %swap3A_124 = vector.shape_cast %swap3A_123 : vector<1x16xi32> to vector<16xi32>
      %swap3A_125 = vector.shape_cast %add3A_120 : vector<16xi32> to vector<1x16xi32>
      tpu.vector_store %arg7[%swap3A_121, %swap3A_122], %swap3A_125 {strides = array<i32>} : memref<79x128xi32, #tpu.memory_space<vmem>>, vector<1x16xi32>,
      %get3A_126 = arith.index_cast %scan3A_96 : i32 to index
      %get3A_127 = arith.constant 32 : index
      %get3A_128 = tpu.vector_load %arg6[%get3A_126, %get3A_127] {strides = array<i32>} : memref<79x128xi32, #tpu.memory_space<vmem>>, vector<1x16xi32>,
      %get3A_129 = vector.shape_cast %get3A_128 : vector<1x16xi32> to vector<16xi32>
      %mul3A_130 = arith.constant 2 : i32
      %mul3A_131 = vector.broadcast %mul3A_130 : i32 to vector<16xi32>
      %mul3A_132 = arith.muli %get3A_129, %mul3A_131 : vector<16xi32>
      %add3A_133 = arith.constant 0 : i32
      %add3A_134 = vector.broadcast %add3A_133 : i32 to vector<16xi32>
      %add3A_135 = arith.addi %mul3A_132, %add3A_134 : vector<16xi32>
      %swap3A_136 = arith.index_cast %scan3A_96 : i32 to index
      %swap3A_137 = arith.constant 32 : index
      %swap3A_138 = tpu.vector_load %arg7[%swap3A_136, %swap3A_137] {strides = array<i32>} : memref<79x128xi32, #tpu.memory_space<vmem>>, vector<1x16xi32>,
      %swap3A_139 = vector.shape_cast %swap3A_138 : vector<1x16xi32> to vector<16xi32>
      %swap3A_140 = vector.shape_cast %add3A_135 : vector<16xi32> to vector<1x16xi32>
      tpu.vector_store %arg7[%swap3A_136, %swap3A_137], %swap3A_140 {strides = array<i32>} : memref<79x128xi32, #tpu.memory_space<vmem>>, vector<1x16xi32>,
      %get3A_141 = arith.index_cast %scan3A_96 : i32 to index
      %get3A_142 = arith.constant 48 : index
      %get3A_143 = tpu.vector_load %arg6[%get3A_141, %get3A_142] {strides = array<i32>} : memref<79x128xi32, #tpu.memory_space<vmem>>, vector<1x16xi32>,
      %get3A_144 = vector.shape_cast %get3A_143 : vector<1x16xi32> to vector<16xi32>
      %mul3A_145 = arith.constant 2 : i32
      %mul3A_146 = vector.broadcast %mul3A_145 : i32 to vector<16xi32>
      %mul3A_147 = arith.muli %get3A_144, %mul3A_146 : vector<16xi32>
      %add3A_148 = arith.constant 0 : i32
      %add3A_149 = vector.broadcast %add3A_148 : i32 to vector<16xi32>
      %add3A_150 = arith.addi %mul3A_147, %add3A_149 : vector<16xi32>
      %swap3A_151 = arith.index_cast %scan3A_96 : i32 to index
      %swap3A_152 = arith.constant 48 : index
      %swap3A_153 = tpu.vector_load %arg7[%swap3A_151, %swap3A_152] {strides = array<i32>} : memref<79x128xi32, #tpu.memory_space<vmem>>, vector<1x16xi32>,
      %swap3A_154 = vector.shape_cast %swap3A_153 : vector<1x16xi32> to vector<16xi32>
      %swap3A_155 = vector.shape_cast %add3A_150 : vector<16xi32> to vector<1x16xi32>
      tpu.vector_store %arg7[%swap3A_151, %swap3A_152], %swap3A_155 {strides = array<i32>} : memref<79x128xi32, #tpu.memory_space<vmem>>, vector<1x16xi32>,
      %get3A_156 = arith.index_cast %scan3A_96 : i32 to index
      %get3A_157 = arith.constant 64 : index
      %get3A_158 = tpu.vector_load %arg6[%get3A_156, %get3A_157] {strides = array<i32>} : memref<79x128xi32, #tpu.memory_space<vmem>>, vector<1x16xi32>,
      %get3A_159 = vector.shape_cast %get3A_158 : vector<1x16xi32> to vector<16xi32>
      %mul3A_160 = arith.constant 2 : i32
      %mul3A_161 = vector.broadcast %mul3A_160 : i32 to vector<16xi32>
      %mul3A_162 = arith.muli %get3A_159, %mul3A_161 : vector<16xi32>
      %add3A_163 = arith.constant 0 : i32
      %add3A_164 = vector.broadcast %add3A_163 : i32 to vector<16xi32>
      %add3A_165 = arith.addi %mul3A_162, %add3A_164 : vector<16xi32>
      %swap3A_166 = arith.index_cast %scan3A_96 : i32 to index
      %swap3A_167 = arith.constant 64 : index
      %swap3A_168 = tpu.vector_load %arg7[%swap3A_166, %swap3A_167] {strides = array<i32>} : memref<79x128xi32, #tpu.memory_space<vmem>>, vector<1x16xi32>,
      %swap3A_169 = vector.shape_cast %swap3A_168 : vector<1x16xi32> to vector<16xi32>
      %swap3A_170 = vector.shape_cast %add3A_165 : vector<16xi32> to vector<1x16xi32>
      tpu.vector_store %arg7[%swap3A_166, %swap3A_167], %swap3A_170 {strides = array<i32>} : memref<79x128xi32, #tpu.memory_space<vmem>>, vector<1x16xi32>,
      %get3A_171 = arith.index_cast %scan3A_96 : i32 to index
      %get3A_172 = arith.constant 80 : index
      %get3A_173 = tpu.vector_load %arg6[%get3A_171, %get3A_172] {strides = array<i32>} : memref<79x128xi32, #tpu.memory_space<vmem>>, vector<1x16xi32>,
      %get3A_174 = vector.shape_cast %get3A_173 : vector<1x16xi32> to vector<16xi32>
      %mul3A_175 = arith.constant 2 : i32
      %mul3A_176 = vector.broadcast %mul3A_175 : i32 to vector<16xi32>
      %mul3A_177 = arith.muli %get3A_174, %mul3A_176 : vector<16xi32>
      %add3A_178 = arith.constant 0 : i32
      %add3A_179 = vector.broadcast %add3A_178 : i32 to vector<16xi32>
      %add3A_180 = arith.addi %mul3A_177, %add3A_179 : vector<16xi32>
      %swap3A_181 = arith.index_cast %scan3A_96 : i32 to index
      %swap3A_182 = arith.constant 80 : index
      %swap3A_183 = tpu.vector_load %arg7[%swap3A_181, %swap3A_182] {strides = array<i32>} : memref<79x128xi32, #tpu.memory_space<vmem>>, vector<1x16xi32>,
      %swap3A_184 = vector.shape_cast %swap3A_183 : vector<1x16xi32> to vector<16xi32>
      %swap3A_185 = vector.shape_cast %add3A_180 : vector<16xi32> to vector<1x16xi32>
      tpu.vector_store %arg7[%swap3A_181, %swap3A_182], %swap3A_185 {strides = array<i32>} : memref<79x128xi32, #tpu.memory_space<vmem>>, vector<1x16xi32>,
      %get3A_186 = arith.index_cast %scan3A_96 : i32 to index
      %get3A_187 = arith.constant 96 : index
      %get3A_188 = tpu.vector_load %arg6[%get3A_186, %get3A_187] {strides = array<i32>} : memref<79x128xi32, #tpu.memory_space<vmem>>, vector<1x16xi32>,
      %get3A_189 = vector.shape_cast %get3A_188 : vector<1x16xi32> to vector<16xi32>
      %mul3A_190 = arith.constant 2 : i32
      %mul3A_191 = vector.broadcast %mul3A_190 : i32 to vector<16xi32>
      %mul3A_192 = arith.muli %get3A_189, %mul3A_191 : vector<16xi32>
      %add3A_193 = arith.constant 0 : i32
      %add3A_194 = vector.broadcast %add3A_193 : i32 to vector<16xi32>
      %add3A_195 = arith.addi %mul3A_192, %add3A_194 : vector<16xi32>
      %swap3A_196 = arith.index_cast %scan3A_96 : i32 to index
      %swap3A_197 = arith.constant 96 : index
      %swap3A_198 = tpu.vector_load %arg7[%swap3A_196, %swap3A_197] {strides = array<i32>} : memref<79x128xi32, #tpu.memory_space<vmem>>, vector<1x16xi32>,
      %swap3A_199 = vector.shape_cast %swap3A_198 : vector<1x16xi32> to vector<16xi32>
      %swap3A_200 = vector.shape_cast %add3A_195 : vector<16xi32> to vector<1x16xi32>
      tpu.vector_store %arg7[%swap3A_196, %swap3A_197], %swap3A_200 {strides = array<i32>} : memref<79x128xi32, #tpu.memory_space<vmem>>, vector<1x16xi32>,
      %get3A_201 = arith.index_cast %scan3A_96 : i32 to index
      %get3A_202 = arith.constant 112 : index
      %get3A_203 = tpu.vector_load %arg6[%get3A_201, %get3A_202] {strides = array<i32>} : memref<79x128xi32, #tpu.memory_space<vmem>>, vector<1x16xi32>,
      %get3A_204 = vector.shape_cast %get3A_203 : vector<1x16xi32> to vector<16xi32>
      %mul3A_205 = arith.constant 2 : i32
      %mul3A_206 = vector.broadcast %mul3A_205 : i32 to vector<16xi32>
      %mul3A_207 = arith.muli %get3A_204, %mul3A_206 : vector<16xi32>
      %add3A_208 = arith.constant 0 : i32
      %add3A_209 = vector.broadcast %add3A_208 : i32 to vector<16xi32>
      %add3A_210 = arith.addi %mul3A_207, %add3A_209 : vector<16xi32>
      %swap3A_211 = arith.index_cast %scan3A_96 : i32 to index
      %swap3A_212 = arith.constant 112 : index
      %swap3A_213 = tpu.vector_load %arg7[%swap3A_211, %swap3A_212] {strides = array<i32>} : memref<79x128xi32, #tpu.memory_space<vmem>>, vector<1x16xi32>,
      %swap3A_214 = vector.shape_cast %swap3A_213 : vector<1x16xi32> to vector<16xi32>
      %swap3A_215 = vector.shape_cast %add3A_210 : vector<16xi32> to vector<1x16xi32>
      tpu.vector_store %arg7[%swap3A_211, %swap3A_212], %swap3A_215 {strides = array<i32>} : memref<79x128xi32, #tpu.memory_space<vmem>>, vector<1x16xi32>,
      %scan3A_216 = arith.constant 0 : i32
      scf.yield %scan3A_216 : i32
    }
    %scan3A_8 = arith.constant 79 : i32
    %scan3A_9 = arith.constant 0 : i32
    %scan3A_10 = arith.constant 0 : i32
    %scan3A_11 = arith.constant 128 : i32
    %scan3A_12 = arith.addi %scan3A_10, %scan3A_11 : i32
    %scan3A_13 = arith.constant 1 : i32
    %scan3A_14 = scf.for %scan3A_96 = %scan3A_10 to %scan3A_12 step %scan3A_13 iter_args(%scan3A_97 = %scan3A_9) -> (i32)  : i32 {
      %broadcast_in_dim3A = arith.constant 0.000000e+00 : f32
      %broadcast_in_dim3A_98 = vector.broadcast %broadcast_in_dim3A : f32 to vector<16xf32>
      %swap3A = arith.index_cast %scan3A_96 : i32 to index
      %swap3A_99 = arith.constant 0 : index
      %swap3A_100 = tpu.vector_load %arg9[%swap3A, %swap3A_99] {strides = array<i32>} : memref<128x64xf32, #tpu.memory_space<vmem>>, vector<1x16xf32>,
      %swap3A_101 = vector.shape_cast %swap3A_100 : vector<1x16xf32> to vector<16xf32>
      %swap3A_102 = vector.shape_cast %broadcast_in_dim3A_98 : vector<16xf32> to vector<1x16xf32>
      tpu.vector_store %arg9[%swap3A, %swap3A_99], %swap3A_102 {strides = array<i32>} : memref<128x64xf32, #tpu.memory_space<vmem>>, vector<1x16xf32>,
      %broadcast_in_dim3A_103 = arith.constant 0.000000e+00 : f32
      %broadcast_in_dim3A_104 = vector.broadcast %broadcast_in_dim3A_103 : f32 to vector<16xf32>
      %swap3A_105 = arith.index_cast %scan3A_96 : i32 to index
      %swap3A_106 = arith.constant 16 : index
      %swap3A_107 = tpu.vector_load %arg9[%swap3A_105, %swap3A_106] {strides = array<i32>} : memref<128x64xf32, #tpu.memory_space<vmem>>, vector<1x16xf32>,
      %swap3A_108 = vector.shape_cast %swap3A_107 : vector<1x16xf32> to vector<16xf32>
      %swap3A_109 = vector.shape_cast %broadcast_in_dim3A_104 : vector<16xf32> to vector<1x16xf32>
      tpu.vector_store %arg9[%swap3A_105, %swap3A_106], %swap3A_109 {strides = array<i32>} : memref<128x64xf32, #tpu.memory_space<vmem>>, vector<1x16xf32>,
      %broadcast_in_dim3A_110 = arith.constant 0.000000e+00 : f32
      %broadcast_in_dim3A_111 = vector.broadcast %broadcast_in_dim3A_110 : f32 to vector<16xf32>
      %swap3A_112 = arith.index_cast %scan3A_96 : i32 to index
      %swap3A_113 = arith.constant 32 : index
      %swap3A_114 = tpu.vector_load %arg9[%swap3A_112, %swap3A_113] {strides = array<i32>} : memref<128x64xf32, #tpu.memory_space<vmem>>, vector<1x16xf32>,
      %swap3A_115 = vector.shape_cast %swap3A_114 : vector<1x16xf32> to vector<16xf32>
      %swap3A_116 = vector.shape_cast %broadcast_in_dim3A_111 : vector<16xf32> to vector<1x16xf32>
      tpu.vector_store %arg9[%swap3A_112, %swap3A_113], %swap3A_116 {strides = array<i32>} : memref<128x64xf32, #tpu.memory_space<vmem>>, vector<1x16xf32>,
      %broadcast_in_dim3A_117 = arith.constant 0.000000e+00 : f32
      %broadcast_in_dim3A_118 = vector.broadcast %broadcast_in_dim3A_117 : f32 to vector<16xf32>
      %swap3A_119 = arith.index_cast %scan3A_96 : i32 to index
      %swap3A_120 = arith.constant 48 : index
      %swap3A_121 = tpu.vector_load %arg9[%swap3A_119, %swap3A_120] {strides = array<i32>} : memref<128x64xf32, #tpu.memory_space<vmem>>, vector<1x16xf32>,
      %swap3A_122 = vector.shape_cast %swap3A_121 : vector<1x16xf32> to vector<16xf32>
      %swap3A_123 = vector.shape_cast %broadcast_in_dim3A_118 : vector<16xf32> to vector<1x16xf32>
      tpu.vector_store %arg9[%swap3A_119, %swap3A_120], %swap3A_123 {strides = array<i32>} : memref<128x64xf32, #tpu.memory_space<vmem>>, vector<1x16xf32>,
      %scan3A_124 = arith.constant 0 : i32
      scf.yield %scan3A_124 : i32
    }
    %scan3A_15 = arith.constant 128 : i32
    %add3A_16 = arith.constant 0 : i32
    %add3A_17 = arith.addi %mul3A_2, %add3A_16 : i32
    "tpu.region"() ({
      %run_scoped3A_96 = tpu.sem_alloc : memref<!tpu.dma_semaphore, #tpu.memory_space<semaphore_mem>>
      %dma_start3A_97 = arith.constant 0 : i32
      %dma_start3A_98 = tpu.memref_slice %arg11[%add3A_17, %dma_start3A_97] : memref<10240x64xf32, #tpu.memory_space<vmem_shared>> -> memref<128x64xf32, #tpu.memory_space<vmem_shared>>
      %dma_start3A_99 = arith.constant 0 : i32
      %dma_start3A_100 = tpu.memref_slice %arg11[%add3A_17, %dma_start3A_99] : memref<10240x64xf32, #tpu.memory_space<vmem_shared>> -> memref<128x64xf32, #tpu.memory_space<vmem_shared>>
      tpu.enqueue_dma source(%arg9 : memref<128x64xf32, #tpu.memory_space<vmem>>) target(%dma_start3A_100 : memref<128x64xf32, #tpu.memory_space<vmem_shared>>) target_semaphore(%run_scoped3A_96 : memref<!tpu.dma_semaphore, #tpu.memory_space<semaphore_mem>>)
      %dma_wait3A_101 = arith.constant 0 : i32
      %dma_wait3A_102 = tpu.memref_slice %arg11[%add3A_17, %dma_wait3A_101] : memref<10240x64xf32, #tpu.memory_space<vmem_shared>> -> memref<128x64xf32, #tpu.memory_space<vmem_shared>>
      %dma_wait3A_103 = arith.constant 0 : i32
      %dma_wait3A_104 = tpu.memref_slice %arg11[%add3A_17, %dma_wait3A_103] : memref<10240x64xf32, #tpu.memory_space<vmem_shared>> -> memref<128x64xf32, #tpu.memory_space<vmem_shared>>
      tpu.wait_dma2 semaphore(%run_scoped3A_96 : memref<!tpu.dma_semaphore, #tpu.memory_space<semaphore_mem>>) src(%arg9 : memref<128x64xf32, #tpu.memory_space<vmem>>) dst(%dma_wait3A_104 : memref<128x64xf32, #tpu.memory_space<vmem_shared>>)
      tpu.yield
    }) : () -> ()
    %add3A_18 = arith.constant 128 : i32
    %add3A_19 = arith.addi %mul3A_2, %add3A_18 : i32
    "tpu.region"() ({
      %run_scoped3A_96 = tpu.sem_alloc : memref<!tpu.dma_semaphore, #tpu.memory_space<semaphore_mem>>
      %dma_start3A_97 = arith.constant 0 : i32
      %dma_start3A_98 = tpu.memref_slice %arg11[%add3A_19, %dma_start3A_97] : memref<10240x64xf32, #tpu.memory_space<vmem_shared>> -> memref<128x64xf32, #tpu.memory_space<vmem_shared>>
      %dma_start3A_99 = arith.constant 0 : i32
      %dma_start3A_100 = tpu.memref_slice %arg11[%add3A_19, %dma_start3A_99] : memref<10240x64xf32, #tpu.memory_space<vmem_shared>> -> memref<128x64xf32, #tpu.memory_space<vmem_shared>>
      tpu.enqueue_dma source(%arg9 : memref<128x64xf32, #tpu.memory_space<vmem>>) target(%dma_start3A_100 : memref<128x64xf32, #tpu.memory_space<vmem_shared>>) target_semaphore(%run_scoped3A_96 : memref<!tpu.dma_semaphore, #tpu.memory_space<semaphore_mem>>)
      %dma_wait3A_101 = arith.constant 0 : i32
      %dma_wait3A_102 = tpu.memref_slice %arg11[%add3A_19, %dma_wait3A_101] : memref<10240x64xf32, #tpu.memory_space<vmem_shared>> -> memref<128x64xf32, #tpu.memory_space<vmem_shared>>
      %dma_wait3A_103 = arith.constant 0 : i32
      %dma_wait3A_104 = tpu.memref_slice %arg11[%add3A_19, %dma_wait3A_103] : memref<10240x64xf32, #tpu.memory_space<vmem_shared>> -> memref<128x64xf32, #tpu.memory_space<vmem_shared>>
      tpu.wait_dma2 semaphore(%run_scoped3A_96 : memref<!tpu.dma_semaphore, #tpu.memory_space<semaphore_mem>>) src(%arg9 : memref<128x64xf32, #tpu.memory_space<vmem>>) dst(%dma_wait3A_104 : memref<128x64xf32, #tpu.memory_space<vmem_shared>>)
      tpu.yield
    }) : () -> ()
    %add3A_20 = arith.constant 256 : i32
    %add3A_21 = arith.addi %mul3A_2, %add3A_20 : i32
    "tpu.region"() ({
      %run_scoped3A_96 = tpu.sem_alloc : memref<!tpu.dma_semaphore, #tpu.memory_space<semaphore_mem>>
      %dma_start3A_97 = arith.constant 0 : i32
      %dma_start3A_98 = tpu.memref_slice %arg11[%add3A_21, %dma_start3A_97] : memref<10240x64xf32, #tpu.memory_space<vmem_shared>> -> memref<128x64xf32, #tpu.memory_space<vmem_shared>>
      %dma_start3A_99 = arith.constant 0 : i32
      %dma_start3A_100 = tpu.memref_slice %arg11[%add3A_21, %dma_start3A_99] : memref<10240x64xf32, #tpu.memory_space<vmem_shared>> -> memref<128x64xf32, #tpu.memory_space<vmem_shared>>
      tpu.enqueue_dma source(%arg9 : memref<128x64xf32, #tpu.memory_space<vmem>>) target(%dma_start3A_100 : memref<128x64xf32, #tpu.memory_space<vmem_shared>>) target_semaphore(%run_scoped3A_96 : memref<!tpu.dma_semaphore, #tpu.memory_space<semaphore_mem>>)
      %dma_wait3A_101 = arith.constant 0 : i32
      %dma_wait3A_102 = tpu.memref_slice %arg11[%add3A_21, %dma_wait3A_101] : memref<10240x64xf32, #tpu.memory_space<vmem_shared>> -> memref<128x64xf32, #tpu.memory_space<vmem_shared>>
      %dma_wait3A_103 = arith.constant 0 : i32
      %dma_wait3A_104 = tpu.memref_slice %arg11[%add3A_21, %dma_wait3A_103] : memref<10240x64xf32, #tpu.memory_space<vmem_shared>> -> memref<128x64xf32, #tpu.memory_space<vmem_shared>>
      tpu.wait_dma2 semaphore(%run_scoped3A_96 : memref<!tpu.dma_semaphore, #tpu.memory_space<semaphore_mem>>) src(%arg9 : memref<128x64xf32, #tpu.memory_space<vmem>>) dst(%dma_wait3A_104 : memref<128x64xf32, #tpu.memory_space<vmem_shared>>)
      tpu.yield
    }) : () -> ()
    %add3A_22 = arith.constant 384 : i32
    %add3A_23 = arith.addi %mul3A_2, %add3A_22 : i32
    "tpu.region"() ({
      %run_scoped3A_96 = tpu.sem_alloc : memref<!tpu.dma_semaphore, #tpu.memory_space<semaphore_mem>>
      %dma_start3A_97 = arith.constant 0 : i32
      %dma_start3A_98 = tpu.memref_slice %arg11[%add3A_23, %dma_start3A_97] : memref<10240x64xf32, #tpu.memory_space<vmem_shared>> -> memref<128x64xf32, #tpu.memory_space<vmem_shared>>
      %dma_start3A_99 = arith.constant 0 : i32
      %dma_start3A_100 = tpu.memref_slice %arg11[%add3A_23, %dma_start3A_99] : memref<10240x64xf32, #tpu.memory_space<vmem_shared>> -> memref<128x64xf32, #tpu.memory_space<vmem_shared>>
      tpu.enqueue_dma source(%arg9 : memref<128x64xf32, #tpu.memory_space<vmem>>) target(%dma_start3A_100 : memref<128x64xf32, #tpu.memory_space<vmem_shared>>) target_semaphore(%run_scoped3A_96 : memref<!tpu.dma_semaphore, #tpu.memory_space<semaphore_mem>>)
      %dma_wait3A_101 = arith.constant 0 : i32
      %dma_wait3A_102 = tpu.memref_slice %arg11[%add3A_23, %dma_wait3A_101] : memref<10240x64xf32, #tpu.memory_space<vmem_shared>> -> memref<128x64xf32, #tpu.memory_space<vmem_shared>>
      %dma_wait3A_103 = arith.constant 0 : i32
      %dma_wait3A_104 = tpu.memref_slice %arg11[%add3A_23, %dma_wait3A_103] : memref<10240x64xf32, #tpu.memory_space<vmem_shared>> -> memref<128x64xf32, #tpu.memory_space<vmem_shared>>
      tpu.wait_dma2 semaphore(%run_scoped3A_96 : memref<!tpu.dma_semaphore, #tpu.memory_space<semaphore_mem>>) src(%arg9 : memref<128x64xf32, #tpu.memory_space<vmem>>) dst(%dma_wait3A_104 : memref<128x64xf32, #tpu.memory_space<vmem_shared>>)
      tpu.yield
    }) : () -> ()
    %add3A_24 = arith.constant 512 : i32
    %add3A_25 = arith.addi %mul3A_2, %add3A_24 : i32
    "tpu.region"() ({
      %run_scoped3A_96 = tpu.sem_alloc : memref<!tpu.dma_semaphore, #tpu.memory_space<semaphore_mem>>
      %dma_start3A_97 = arith.constant 0 : i32
      %dma_start3A_98 = tpu.memref_slice %arg11[%add3A_25, %dma_start3A_97] : memref<10240x64xf32, #tpu.memory_space<vmem_shared>> -> memref<128x64xf32, #tpu.memory_space<vmem_shared>>
      %dma_start3A_99 = arith.constant 0 : i32
      %dma_start3A_100 = tpu.memref_slice %arg11[%add3A_25, %dma_start3A_99] : memref<10240x64xf32, #tpu.memory_space<vmem_shared>> -> memref<128x64xf32, #tpu.memory_space<vmem_shared>>
      tpu.enqueue_dma source(%arg9 : memref<128x64xf32, #tpu.memory_space<vmem>>) target(%dma_start3A_100 : memref<128x64xf32, #tpu.memory_space<vmem_shared>>) target_semaphore(%run_scoped3A_96 : memref<!tpu.dma_semaphore, #tpu.memory_space<semaphore_mem>>)
      %dma_wait3A_101 = arith.constant 0 : i32
      %dma_wait3A_102 = tpu.memref_slice %arg11[%add3A_25, %dma_wait3A_101] : memref<10240x64xf32, #tpu.memory_space<vmem_shared>> -> memref<128x64xf32, #tpu.memory_space<vmem_shared>>
      %dma_wait3A_103 = arith.constant 0 : i32
      %dma_wait3A_104 = tpu.memref_slice %arg11[%add3A_25, %dma_wait3A_103] : memref<10240x64xf32, #tpu.memory_space<vmem_shared>> -> memref<128x64xf32, #tpu.memory_space<vmem_shared>>
      tpu.wait_dma2 semaphore(%run_scoped3A_96 : memref<!tpu.dma_semaphore, #tpu.memory_space<semaphore_mem>>) src(%arg9 : memref<128x64xf32, #tpu.memory_space<vmem>>) dst(%dma_wait3A_104 : memref<128x64xf32, #tpu.memory_space<vmem_shared>>)
      tpu.yield
    }) : () -> ()
    %barrier3A = arith.constant 0 : index
    tpu.barrier barrier_id(%barrier3A)
    %dma_start3A = arith.constant 0 : i32
    %dma_start3A_26 = arith.constant 0 : i32
    %dma_start3A_27 = tpu.memref_slice %arg7[%dma_start3A, %dma_start3A_26] : memref<79x128xi32, #tpu.memory_space<vmem>> -> memref<1x128xi32, #tpu.memory_space<vmem>>
    %dma_start3A_28 = tpu.memref_squeeze %dma_start3A_27 : memref<1x128xi32, #tpu.memory_space<vmem>> -> memref<128xi32, #tpu.memory_space<vmem>>
    %dma_start3A_29 = arith.constant 0 : i32
    %dma_start3A_30 = arith.constant 0 : i32
    %dma_start3A_31 = tpu.memref_slice %arg2[%dma_start3A_29, %dma_start3A_30] : memref<20480x64xf32, #tpu.memory_space<hbm>> -> memref<20480x64xf32, #tpu.memory_space<hbm>>
    tpu.enqueue_indirect_dma source(%dma_start3A_31 : memref<20480x64xf32, #tpu.memory_space<hbm>>) target(%arg9 : memref<128x64xf32, #tpu.memory_space<vmem>>) offsets(%dma_start3A_28 : memref<128xi32, #tpu.memory_space<vmem>>) semaphore(%arg12 : memref<!tpu.dma_semaphore, #tpu.memory_space<semaphore_mem>>)
    %scan3A_32 = arith.constant 0 : i32
    %scan3A_33 = arith.constant 0 : i32
    %scan3A_34 = arith.constant 39 : i32
    %scan3A_35 = arith.addi %scan3A_33, %scan3A_34 : i32
    %scan3A_36 = arith.constant 1 : i32
    %scan3A_37 = scf.for %scan3A_96 = %scan3A_33 to %scan3A_35 step %scan3A_36 iter_args(%scan3A_97 = %scan3A_32) -> (i32)  : i32 {
      %mul3A_98 = arith.constant 2 : i32
      %mul3A_99 = arith.muli %mul3A_98, %scan3A_96 : i32
      %add3A_100 = arith.constant 0 : i32
      %add3A_101 = arith.addi %mul3A_99, %add3A_100 : i32
      %add3A_102 = arith.constant 1 : i32
      %add3A_103 = arith.addi %add3A_101, %add3A_102 : i32
      %dma_start3A_104 = arith.constant 0 : i32
      %dma_start3A_105 = tpu.memref_slice %arg7[%add3A_103, %dma_start3A_104] : memref<79x128xi32, #tpu.memory_space<vmem>> -> memref<1x128xi32, #tpu.memory_space<vmem>>
      %dma_start3A_106 = tpu.memref_squeeze %dma_start3A_105 : memref<1x128xi32, #tpu.memory_space<vmem>> -> memref<128xi32, #tpu.memory_space<vmem>>
      %dma_start3A_107 = arith.constant 0 : i32
      %dma_start3A_108 = arith.constant 0 : i32
      %dma_start3A_109 = tpu.memref_slice %arg2[%dma_start3A_107, %dma_start3A_108] : memref<20480x64xf32, #tpu.memory_space<hbm>> -> memref<20480x64xf32, #tpu.memory_space<hbm>>
      tpu.enqueue_indirect_dma source(%dma_start3A_109 : memref<20480x64xf32, #tpu.memory_space<hbm>>) target(%arg10 : memref<128x64xf32, #tpu.memory_space<vmem>>) offsets(%dma_start3A_106 : memref<128xi32, #tpu.memory_space<vmem>>) semaphore(%arg13 : memref<!tpu.dma_semaphore, #tpu.memory_space<semaphore_mem>>)
      %dma_wait3A_110 = arith.constant 0 : i32
      %dma_wait3A_111 = tpu.memref_slice %arg7[%add3A_101, %dma_wait3A_110] : memref<79x128xi32, #tpu.memory_space<vmem>> -> memref<1x128xi32, #tpu.memory_space<vmem>>
      %dma_wait3A_112 = tpu.memref_squeeze %dma_wait3A_111 : memref<1x128xi32, #tpu.memory_space<vmem>> -> memref<128xi32, #tpu.memory_space<vmem>>
      %dma_wait3A_113 = arith.constant 0 : i32
      %dma_wait3A_114 = arith.constant 0 : i32
      %dma_wait3A_115 = tpu.memref_slice %arg2[%dma_wait3A_113, %dma_wait3A_114] : memref<20480x64xf32, #tpu.memory_space<hbm>> -> memref<20480x64xf32, #tpu.memory_space<hbm>>
      tpu.wait_indirect_dma semaphore(%arg12 : memref<!tpu.dma_semaphore, #tpu.memory_space<semaphore_mem>>) src(%dma_wait3A_115 : memref<20480x64xf32, #tpu.memory_space<hbm>>) dst(%arg9 : memref<128x64xf32, #tpu.memory_space<vmem>>)
      "tpu.region"() ({
        %run_scoped3A_135 = tpu.sem_alloc : memref<!tpu.dma_semaphore, #tpu.memory_space<semaphore_mem>>
        %dma_start3A_136 = arith.constant 0 : i32
        %dma_start3A_137 = tpu.memref_slice %arg8[%add3A_101, %dma_start3A_136] : memref<79x128xi32, #tpu.memory_space<vmem>> -> memref<1x128xi32, #tpu.memory_space<vmem>>
        %dma_start3A_138 = tpu.memref_squeeze %dma_start3A_137 : memref<1x128xi32, #tpu.memory_space<vmem>> -> memref<128xi32, #tpu.memory_space<vmem>>
        %dma_start3A_139 = arith.constant 0 : i32
        %dma_start3A_140 = arith.constant 0 : i32
        %dma_start3A_141 = tpu.memref_slice %arg11[%dma_start3A_139, %dma_start3A_140] : memref<10240x64xf32, #tpu.memory_space<vmem_shared>> -> memref<10240x64xf32, #tpu.memory_space<vmem_shared>>
        tpu.enqueue_indirect_dma source(%arg9 : memref<128x64xf32, #tpu.memory_space<vmem>>) target(%dma_start3A_141 : memref<10240x64xf32, #tpu.memory_space<vmem_shared>>) offsets(%dma_start3A_138 : memref<128xi32, #tpu.memory_space<vmem>>) semaphore(%run_scoped3A_135 : memref<!tpu.dma_semaphore, #tpu.memory_space<semaphore_mem>>) {add = true}
        %dma_wait3A_142 = arith.constant 0 : i32
        %dma_wait3A_143 = tpu.memref_slice %arg8[%add3A_101, %dma_wait3A_142] : memref<79x128xi32, #tpu.memory_space<vmem>> -> memref<1x128xi32, #tpu.memory_space<vmem>>
        %dma_wait3A_144 = tpu.memref_squeeze %dma_wait3A_143 : memref<1x128xi32, #tpu.memory_space<vmem>> -> memref<128xi32, #tpu.memory_space<vmem>>
        %dma_wait3A_145 = arith.constant 0 : i32
        %dma_wait3A_146 = arith.constant 0 : i32
        %dma_wait3A_147 = tpu.memref_slice %arg11[%dma_wait3A_145, %dma_wait3A_146] : memref<10240x64xf32, #tpu.memory_space<vmem_shared>> -> memref<10240x64xf32, #tpu.memory_space<vmem_shared>>
        tpu.wait_indirect_dma semaphore(%run_scoped3A_135 : memref<!tpu.dma_semaphore, #tpu.memory_space<semaphore_mem>>) src(%arg9 : memref<128x64xf32, #tpu.memory_space<vmem>>) dst(%dma_wait3A_147 : memref<10240x64xf32, #tpu.memory_space<vmem_shared>>)
        tpu.yield
      }) : () -> ()
      %mul3A_116 = arith.constant 2 : i32
      %mul3A_117 = arith.muli %mul3A_116, %scan3A_96 : i32
      %add3A_118 = arith.constant 1 : i32
      %add3A_119 = arith.addi %mul3A_117, %add3A_118 : i32
      %add3A_120 = arith.constant 1 : i32
      %add3A_121 = arith.addi %add3A_119, %add3A_120 : i32
      %dma_start3A_122 = arith.constant 0 : i32
      %dma_start3A_123 = tpu.memref_slice %arg7[%add3A_121, %dma_start3A_122] : memref<79x128xi32, #tpu.memory_space<vmem>> -> memref<1x128xi32, #tpu.memory_space<vmem>>
      %dma_start3A_124 = tpu.memref_squeeze %dma_start3A_123 : memref<1x128xi32, #tpu.memory_space<vmem>> -> memref<128xi32, #tpu.memory_space<vmem>>
      %dma_start3A_125 = arith.constant 0 : i32
      %dma_start3A_126 = arith.constant 0 : i32
      %dma_start3A_127 = tpu.memref_slice %arg2[%dma_start3A_125, %dma_start3A_126] : memref<20480x64xf32, #tpu.memory_space<hbm>> -> memref<20480x64xf32, #tpu.memory_space<hbm>>
      tpu.enqueue_indirect_dma source(%dma_start3A_127 : memref<20480x64xf32, #tpu.memory_space<hbm>>) target(%arg9 : memref<128x64xf32, #tpu.memory_space<vmem>>) offsets(%dma_start3A_124 : memref<128xi32, #tpu.memory_space<vmem>>) semaphore(%arg12 : memref<!tpu.dma_semaphore, #tpu.memory_space<semaphore_mem>>)
      %dma_wait3A_128 = arith.constant 0 : i32
      %dma_wait3A_129 = tpu.memref_slice %arg7[%add3A_119, %dma_wait3A_128] : memref<79x128xi32, #tpu.memory_space<vmem>> -> memref<1x128xi32, #tpu.memory_space<vmem>>
      %dma_wait3A_130 = tpu.memref_squeeze %dma_wait3A_129 : memref<1x128xi32, #tpu.memory_space<vmem>> -> memref<128xi32, #tpu.memory_space<vmem>>
      %dma_wait3A_131 = arith.constant 0 : i32
      %dma_wait3A_132 = arith.constant 0 : i32
      %dma_wait3A_133 = tpu.memref_slice %arg2[%dma_wait3A_131, %dma_wait3A_132] : memref<20480x64xf32, #tpu.memory_space<hbm>> -> memref<20480x64xf32, #tpu.memory_space<hbm>>
      tpu.wait_indirect_dma semaphore(%arg13 : memref<!tpu.dma_semaphore, #tpu.memory_space<semaphore_mem>>) src(%dma_wait3A_133 : memref<20480x64xf32, #tpu.memory_space<hbm>>) dst(%arg10 : memref<128x64xf32, #tpu.memory_space<vmem>>)
      "tpu.region"() ({
        %run_scoped3A_135 = tpu.sem_alloc : memref<!tpu.dma_semaphore, #tpu.memory_space<semaphore_mem>>
        %dma_start3A_136 = arith.constant 0 : i32
        %dma_start3A_137 = tpu.memref_slice %arg8[%add3A_119, %dma_start3A_136] : memref<79x128xi32, #tpu.memory_space<vmem>> -> memref<1x128xi32, #tpu.memory_space<vmem>>
        %dma_start3A_138 = tpu.memref_squeeze %dma_start3A_137 : memref<1x128xi32, #tpu.memory_space<vmem>> -> memref<128xi32, #tpu.memory_space<vmem>>
        %dma_start3A_139 = arith.constant 0 : i32
        %dma_start3A_140 = arith.constant 0 : i32
        %dma_start3A_141 = tpu.memref_slice %arg11[%dma_start3A_139, %dma_start3A_140] : memref<10240x64xf32, #tpu.memory_space<vmem_shared>> -> memref<10240x64xf32, #tpu.memory_space<vmem_shared>>
        tpu.enqueue_indirect_dma source(%arg10 : memref<128x64xf32, #tpu.memory_space<vmem>>) target(%dma_start3A_141 : memref<10240x64xf32, #tpu.memory_space<vmem_shared>>) offsets(%dma_start3A_138 : memref<128xi32, #tpu.memory_space<vmem>>) semaphore(%run_scoped3A_135 : memref<!tpu.dma_semaphore, #tpu.memory_space<semaphore_mem>>) {add = true}
        %dma_wait3A_142 = arith.constant 0 : i32
        %dma_wait3A_143 = tpu.memref_slice %arg8[%add3A_119, %dma_wait3A_142] : memref<79x128xi32, #tpu.memory_space<vmem>> -> memref<1x128xi32, #tpu.memory_space<vmem>>
        %dma_wait3A_144 = tpu.memref_squeeze %dma_wait3A_143 : memref<1x128xi32, #tpu.memory_space<vmem>> -> memref<128xi32, #tpu.memory_space<vmem>>
        %dma_wait3A_145 = arith.constant 0 : i32
        %dma_wait3A_146 = arith.constant 0 : i32
        %dma_wait3A_147 = tpu.memref_slice %arg11[%dma_wait3A_145, %dma_wait3A_146] : memref<10240x64xf32, #tpu.memory_space<vmem_shared>> -> memref<10240x64xf32, #tpu.memory_space<vmem_shared>>
        tpu.wait_indirect_dma semaphore(%run_scoped3A_135 : memref<!tpu.dma_semaphore, #tpu.memory_space<semaphore_mem>>) src(%arg10 : memref<128x64xf32, #tpu.memory_space<vmem>>) dst(%dma_wait3A_147 : memref<10240x64xf32, #tpu.memory_space<vmem_shared>>)
        tpu.yield
      }) : () -> ()
      %scan3A_134 = arith.constant 0 : i32
      scf.yield %scan3A_134 : i32
    }
    %scan3A_38 = arith.constant 39 : i32
    %dma_wait3A = arith.constant 78 : i32
    %dma_wait3A_39 = arith.constant 0 : i32
    %dma_wait3A_40 = tpu.memref_slice %arg7[%dma_wait3A, %dma_wait3A_39] : memref<79x128xi32, #tpu.memory_space<vmem>> -> memref<1x128xi32, #tpu.memory_space<vmem>>
    %dma_wait3A_41 = tpu.memref_squeeze %dma_wait3A_40 : memref<1x128xi32, #tpu.memory_space<vmem>> -> memref<128xi32, #tpu.memory_space<vmem>>
    %dma_wait3A_42 = arith.constant 0 : i32
    %dma_wait3A_43 = arith.constant 0 : i32
    %dma_wait3A_44 = tpu.memref_slice %arg2[%dma_wait3A_42, %dma_wait3A_43] : memref<20480x64xf32, #tpu.memory_space<hbm>> -> memref<20480x64xf32, #tpu.memory_space<hbm>>
    tpu.wait_indirect_dma semaphore(%arg12 : memref<!tpu.dma_semaphore, #tpu.memory_space<semaphore_mem>>) src(%dma_wait3A_44 : memref<20480x64xf32, #tpu.memory_space<hbm>>) dst(%arg9 : memref<128x64xf32, #tpu.memory_space<vmem>>)
    %run_scoped3A = arith.constant 78 : i32
    "tpu.region"() ({
      %run_scoped3A_96 = tpu.sem_alloc : memref<!tpu.dma_semaphore, #tpu.memory_space<semaphore_mem>>
      %dma_start3A_97 = arith.constant 0 : i32
      %dma_start3A_98 = tpu.memref_slice %arg8[%run_scoped3A, %dma_start3A_97] : memref<79x128xi32, #tpu.memory_space<vmem>> -> memref<1x128xi32, #tpu.memory_space<vmem>>
      %dma_start3A_99 = tpu.memref_squeeze %dma_start3A_98 : memref<1x128xi32, #tpu.memory_space<vmem>> -> memref<128xi32, #tpu.memory_space<vmem>>
      %dma_start3A_100 = arith.constant 0 : i32
      %dma_start3A_101 = arith.constant 0 : i32
      %dma_start3A_102 = tpu.memref_slice %arg11[%dma_start3A_100, %dma_start3A_101] : memref<10240x64xf32, #tpu.memory_space<vmem_shared>> -> memref<10240x64xf32, #tpu.memory_space<vmem_shared>>
      tpu.enqueue_indirect_dma source(%arg9 : memref<128x64xf32, #tpu.memory_space<vmem>>) target(%dma_start3A_102 : memref<10240x64xf32, #tpu.memory_space<vmem_shared>>) offsets(%dma_start3A_99 : memref<128xi32, #tpu.memory_space<vmem>>) semaphore(%run_scoped3A_96 : memref<!tpu.dma_semaphore, #tpu.memory_space<semaphore_mem>>) {add = true}
      %dma_wait3A_103 = arith.constant 0 : i32
      %dma_wait3A_104 = tpu.memref_slice %arg8[%run_scoped3A, %dma_wait3A_103] : memref<79x128xi32, #tpu.memory_space<vmem>> -> memref<1x128xi32, #tpu.memory_space<vmem>>
      %dma_wait3A_105 = tpu.memref_squeeze %dma_wait3A_104 : memref<1x128xi32, #tpu.memory_space<vmem>> -> memref<128xi32, #tpu.memory_space<vmem>>
      %dma_wait3A_106 = arith.constant 0 : i32
      %dma_wait3A_107 = arith.constant 0 : i32
      %dma_wait3A_108 = tpu.memref_slice %arg11[%dma_wait3A_106, %dma_wait3A_107] : memref<10240x64xf32, #tpu.memory_space<vmem_shared>> -> memref<10240x64xf32, #tpu.memory_space<vmem_shared>>
      tpu.wait_indirect_dma semaphore(%run_scoped3A_96 : memref<!tpu.dma_semaphore, #tpu.memory_space<semaphore_mem>>) src(%arg9 : memref<128x64xf32, #tpu.memory_space<vmem>>) dst(%dma_wait3A_108 : memref<10240x64xf32, #tpu.memory_space<vmem_shared>>)
      tpu.yield
    }) : () -> ()
    %barrier3A_45 = arith.constant 0 : index
    tpu.barrier barrier_id(%barrier3A_45)
    %run_scoped3A_46 = arith.constant 0 : i32
    "tpu.region"() ({
      %run_scoped3A_96 = tpu.sem_alloc : memref<!tpu.dma_semaphore, #tpu.memory_space<semaphore_mem>>
      %dma_start3A_97 = arith.constant 0 : i32
      %dma_start3A_98 = arith.constant 0 : i32
      %dma_start3A_99 = arith.constant 0 : i32
      %dma_start3A_100 = arith.constant 0 : i32
      %dma_start3A_101 = tpu.memref_slice %arg5[%arg0, %dma_start3A_97, %dma_start3A_98, %dma_start3A_99, %dma_start3A_100] : memref<2x2x16x640x64xf32, #tpu.memory_space<hbm>> -> memref<1x2x16x640x64xf32, #tpu.memory_space<hbm>>
      %dma_start3A_102 = tpu.memref_squeeze %dma_start3A_101 : memref<1x2x16x640x64xf32, #tpu.memory_space<hbm>> -> memref<2x16x640x64xf32, #tpu.memory_space<hbm>>
      %dma_start3A_103 = arith.constant 0 : i32
      %dma_start3A_104 = arith.constant 0 : i32
      %dma_start3A_105 = arith.constant 0 : i32
      %dma_start3A_106 = tpu.memref_slice %dma_start3A_102[%run_scoped3A_46, %dma_start3A_103, %dma_start3A_104, %dma_start3A_105] : memref<2x16x640x64xf32, #tpu.memory_space<hbm>> -> memref<1x16x640x64xf32, #tpu.memory_space<hbm>>
      %dma_start3A_107 = tpu.memref_squeeze %dma_start3A_106 : memref<1x16x640x64xf32, #tpu.memory_space<hbm>> -> memref<16x640x64xf32, #tpu.memory_space<hbm>>
      %dma_start3A_108 = arith.constant 0 : i32
      %dma_start3A_109 = arith.constant 0 : i32
      %dma_start3A_110 = tpu.memref_slice %dma_start3A_107[%arg1, %dma_start3A_108, %dma_start3A_109] : memref<16x640x64xf32, #tpu.memory_space<hbm>> -> memref<1x640x64xf32, #tpu.memory_space<hbm>>
      %dma_start3A_111 = tpu.memref_squeeze %dma_start3A_110 : memref<1x640x64xf32, #tpu.memory_space<hbm>> -> memref<640x64xf32, #tpu.memory_space<hbm>>
      %dma_start3A_112 = arith.constant 0 : i32
      %dma_start3A_113 = tpu.memref_slice %arg11[%mul3A_2, %dma_start3A_112] : memref<10240x64xf32, #tpu.memory_space<vmem_shared>> -> memref<640x64xf32, #tpu.memory_space<vmem_shared>>
      tpu.enqueue_dma source(%dma_start3A_113 : memref<640x64xf32, #tpu.memory_space<vmem_shared>>) target(%dma_start3A_111 : memref<640x64xf32, #tpu.memory_space<hbm>>) target_semaphore(%run_scoped3A_96 : memref<!tpu.dma_semaphore, #tpu.memory_space<semaphore_mem>>)
      %dma_wait3A_114 = arith.constant 0 : i32
      %dma_wait3A_115 = arith.constant 0 : i32
      %dma_wait3A_116 = arith.constant 0 : i32
      %dma_wait3A_117 = arith.constant 0 : i32
      %dma_wait3A_118 = tpu.memref_slice %arg5[%arg0, %dma_wait3A_114, %dma_wait3A_115, %dma_wait3A_116, %dma_wait3A_117] : memref<2x2x16x640x64xf32, #tpu.memory_space<hbm>> -> memref<1x2x16x640x64xf32, #tpu.memory_space<hbm>>
      %dma_wait3A_119 = tpu.memref_squeeze %dma_wait3A_118 : memref<1x2x16x640x64xf32, #tpu.memory_space<hbm>> -> memref<2x16x640x64xf32, #tpu.memory_space<hbm>>
      %dma_wait3A_120 = arith.constant 0 : i32
      %dma_wait3A_121 = arith.constant 0 : i32
      %dma_wait3A_122 = arith.constant 0 : i32
      %dma_wait3A_123 = tpu.memref_slice %dma_wait3A_119[%run_scoped3A_46, %dma_wait3A_120, %dma_wait3A_121, %dma_wait3A_122] : memref<2x16x640x64xf32, #tpu.memory_space<hbm>> -> memref<1x16x640x64xf32, #tpu.memory_space<hbm>>
      %dma_wait3A_124 = tpu.memref_squeeze %dma_wait3A_123 : memref<1x16x640x64xf32, #tpu.memory_space<hbm>> -> memref<16x640x64xf32, #tpu.memory_space<hbm>>
      %dma_wait3A_125 = arith.constant 0 : i32
      %dma_wait3A_126 = arith.constant 0 : i32
      %dma_wait3A_127 = tpu.memref_slice %dma_wait3A_124[%arg1, %dma_wait3A_125, %dma_wait3A_126] : memref<16x640x64xf32, #tpu.memory_space<hbm>> -> memref<1x640x64xf32, #tpu.memory_space<hbm>>
      %dma_wait3A_128 = tpu.memref_squeeze %dma_wait3A_127 : memref<1x640x64xf32, #tpu.memory_space<hbm>> -> memref<640x64xf32, #tpu.memory_space<hbm>>
      %dma_wait3A_129 = arith.constant 0 : i32
      %dma_wait3A_130 = tpu.memref_slice %arg11[%mul3A_2, %dma_wait3A_129] : memref<10240x64xf32, #tpu.memory_space<vmem_shared>> -> memref<640x64xf32, #tpu.memory_space<vmem_shared>>
      tpu.wait_dma2 semaphore(%run_scoped3A_96 : memref<!tpu.dma_semaphore, #tpu.memory_space<semaphore_mem>>) src(%dma_wait3A_130 : memref<640x64xf32, #tpu.memory_space<vmem_shared>>) dst(%dma_wait3A_128 : memref<640x64xf32, #tpu.memory_space<hbm>>)
      tpu.yield
    }) : () -> ()
    %scan3A_47 = arith.constant 0 : i32
    %scan3A_48 = arith.constant 0 : i32
    %scan3A_49 = arith.constant 79 : i32
    %scan3A_50 = arith.addi %scan3A_48, %scan3A_49 : i32
    %scan3A_51 = arith.constant 1 : i32
    %scan3A_52 = scf.for %scan3A_96 = %scan3A_48 to %scan3A_50 step %scan3A_51 iter_args(%scan3A_97 = %scan3A_47) -> (i32)  : i32 {
      %get3A = arith.index_cast %scan3A_96 : i32 to index
      %get3A_98 = arith.constant 0 : index
      %get3A_99 = tpu.vector_load %arg6[%get3A, %get3A_98] {strides = array<i32>} : memref<79x128xi32, #tpu.memory_space<vmem>>, vector<1x16xi32>,
      %get3A_100 = vector.shape_cast %get3A_99 : vector<1x16xi32> to vector<16xi32>
      %mul3A_101 = arith.constant 2 : i32
      %mul3A_102 = vector.broadcast %mul3A_101 : i32 to vector<16xi32>
      %mul3A_103 = arith.muli %get3A_100, %mul3A_102 : vector<16xi32>
      %add3A_104 = arith.constant 1 : i32
      %add3A_105 = vector.broadcast %add3A_104 : i32 to vector<16xi32>
      %add3A_106 = arith.addi %mul3A_103, %add3A_105 : vector<16xi32>
      %swap3A = arith.index_cast %scan3A_96 : i32 to index
      %swap3A_107 = arith.constant 0 : index
      %swap3A_108 = tpu.vector_load %arg7[%swap3A, %swap3A_107] {strides = array<i32>} : memref<79x128xi32, #tpu.memory_space<vmem>>, vector<1x16xi32>,
      %swap3A_109 = vector.shape_cast %swap3A_108 : vector<1x16xi32> to vector<16xi32>
      %swap3A_110 = vector.shape_cast %add3A_106 : vector<16xi32> to vector<1x16xi32>
      tpu.vector_store %arg7[%swap3A, %swap3A_107], %swap3A_110 {strides = array<i32>} : memref<79x128xi32, #tpu.memory_space<vmem>>, vector<1x16xi32>,
      %get3A_111 = arith.index_cast %scan3A_96 : i32 to index
      %get3A_112 = arith.constant 16 : index
      %get3A_113 = tpu.vector_load %arg6[%get3A_111, %get3A_112] {strides = array<i32>} : memref<79x128xi32, #tpu.memory_space<vmem>>, vector<1x16xi32>,
      %get3A_114 = vector.shape_cast %get3A_113 : vector<1x16xi32> to vector<16xi32>
      %mul3A_115 = arith.constant 2 : i32
      %mul3A_116 = vector.broadcast %mul3A_115 : i32 to vector<16xi32>
      %mul3A_117 = arith.muli %get3A_114, %mul3A_116 : vector<16xi32>
      %add3A_118 = arith.constant 1 : i32
      %add3A_119 = vector.broadcast %add3A_118 : i32 to vector<16xi32>
      %add3A_120 = arith.addi %mul3A_117, %add3A_119 : vector<16xi32>
      %swap3A_121 = arith.index_cast %scan3A_96 : i32 to index
      %swap3A_122 = arith.constant 16 : index
      %swap3A_123 = tpu.vector_load %arg7[%swap3A_121, %swap3A_122] {strides = array<i32>} : memref<79x128xi32, #tpu.memory_space<vmem>>, vector<1x16xi32>,
      %swap3A_124 = vector.shape_cast %swap3A_123 : vector<1x16xi32> to vector<16xi32>
      %swap3A_125 = vector.shape_cast %add3A_120 : vector<16xi32> to vector<1x16xi32>
      tpu.vector_store %arg7[%swap3A_121, %swap3A_122], %swap3A_125 {strides = array<i32>} : memref<79x128xi32, #tpu.memory_space<vmem>>, vector<1x16xi32>,
      %get3A_126 = arith.index_cast %scan3A_96 : i32 to index
      %get3A_127 = arith.constant 32 : index
      %get3A_128 = tpu.vector_load %arg6[%get3A_126, %get3A_127] {strides = array<i32>} : memref<79x128xi32, #tpu.memory_space<vmem>>, vector<1x16xi32>,
      %get3A_129 = vector.shape_cast %get3A_128 : vector<1x16xi32> to vector<16xi32>
      %mul3A_130 = arith.constant 2 : i32
      %mul3A_131 = vector.broadcast %mul3A_130 : i32 to vector<16xi32>
      %mul3A_132 = arith.muli %get3A_129, %mul3A_131 : vector<16xi32>
      %add3A_133 = arith.constant 1 : i32
      %add3A_134 = vector.broadcast %add3A_133 : i32 to vector<16xi32>
      %add3A_135 = arith.addi %mul3A_132, %add3A_134 : vector<16xi32>
      %swap3A_136 = arith.index_cast %scan3A_96 : i32 to index
      %swap3A_137 = arith.constant 32 : index
      %swap3A_138 = tpu.vector_load %arg7[%swap3A_136, %swap3A_137] {strides = array<i32>} : memref<79x128xi32, #tpu.memory_space<vmem>>, vector<1x16xi32>,
      %swap3A_139 = vector.shape_cast %swap3A_138 : vector<1x16xi32> to vector<16xi32>
      %swap3A_140 = vector.shape_cast %add3A_135 : vector<16xi32> to vector<1x16xi32>
      tpu.vector_store %arg7[%swap3A_136, %swap3A_137], %swap3A_140 {strides = array<i32>} : memref<79x128xi32, #tpu.memory_space<vmem>>, vector<1x16xi32>,
      %get3A_141 = arith.index_cast %scan3A_96 : i32 to index
      %get3A_142 = arith.constant 48 : index
      %get3A_143 = tpu.vector_load %arg6[%get3A_141, %get3A_142] {strides = array<i32>} : memref<79x128xi32, #tpu.memory_space<vmem>>, vector<1x16xi32>,
      %get3A_144 = vector.shape_cast %get3A_143 : vector<1x16xi32> to vector<16xi32>
      %mul3A_145 = arith.constant 2 : i32
      %mul3A_146 = vector.broadcast %mul3A_145 : i32 to vector<16xi32>
      %mul3A_147 = arith.muli %get3A_144, %mul3A_146 : vector<16xi32>
      %add3A_148 = arith.constant 1 : i32
      %add3A_149 = vector.broadcast %add3A_148 : i32 to vector<16xi32>
      %add3A_150 = arith.addi %mul3A_147, %add3A_149 : vector<16xi32>
      %swap3A_151 = arith.index_cast %scan3A_96 : i32 to index
      %swap3A_152 = arith.constant 48 : index
      %swap3A_153 = tpu.vector_load %arg7[%swap3A_151, %swap3A_152] {strides = array<i32>} : memref<79x128xi32, #tpu.memory_space<vmem>>, vector<1x16xi32>,
      %swap3A_154 = vector.shape_cast %swap3A_153 : vector<1x16xi32> to vector<16xi32>
      %swap3A_155 = vector.shape_cast %add3A_150 : vector<16xi32> to vector<1x16xi32>
      tpu.vector_store %arg7[%swap3A_151, %swap3A_152], %swap3A_155 {strides = array<i32>} : memref<79x128xi32, #tpu.memory_space<vmem>>, vector<1x16xi32>,
      %get3A_156 = arith.index_cast %scan3A_96 : i32 to index
      %get3A_157 = arith.constant 64 : index
      %get3A_158 = tpu.vector_load %arg6[%get3A_156, %get3A_157] {strides = array<i32>} : memref<79x128xi32, #tpu.memory_space<vmem>>, vector<1x16xi32>,
      %get3A_159 = vector.shape_cast %get3A_158 : vector<1x16xi32> to vector<16xi32>
      %mul3A_160 = arith.constant 2 : i32
      %mul3A_161 = vector.broadcast %mul3A_160 : i32 to vector<16xi32>
      %mul3A_162 = arith.muli %get3A_159, %mul3A_161 : vector<16xi32>
      %add3A_163 = arith.constant 1 : i32
      %add3A_164 = vector.broadcast %add3A_163 : i32 to vector<16xi32>
      %add3A_165 = arith.addi %mul3A_162, %add3A_164 : vector<16xi32>
      %swap3A_166 = arith.index_cast %scan3A_96 : i32 to index
      %swap3A_167 = arith.constant 64 : index
      %swap3A_168 = tpu.vector_load %arg7[%swap3A_166, %swap3A_167] {strides = array<i32>} : memref<79x128xi32, #tpu.memory_space<vmem>>, vector<1x16xi32>,
      %swap3A_169 = vector.shape_cast %swap3A_168 : vector<1x16xi32> to vector<16xi32>
      %swap3A_170 = vector.shape_cast %add3A_165 : vector<16xi32> to vector<1x16xi32>
      tpu.vector_store %arg7[%swap3A_166, %swap3A_167], %swap3A_170 {strides = array<i32>} : memref<79x128xi32, #tpu.memory_space<vmem>>, vector<1x16xi32>,
      %get3A_171 = arith.index_cast %scan3A_96 : i32 to index
      %get3A_172 = arith.constant 80 : index
      %get3A_173 = tpu.vector_load %arg6[%get3A_171, %get3A_172] {strides = array<i32>} : memref<79x128xi32, #tpu.memory_space<vmem>>, vector<1x16xi32>,
      %get3A_174 = vector.shape_cast %get3A_173 : vector<1x16xi32> to vector<16xi32>
      %mul3A_175 = arith.constant 2 : i32
      %mul3A_176 = vector.broadcast %mul3A_175 : i32 to vector<16xi32>
      %mul3A_177 = arith.muli %get3A_174, %mul3A_176 : vector<16xi32>
      %add3A_178 = arith.constant 1 : i32
      %add3A_179 = vector.broadcast %add3A_178 : i32 to vector<16xi32>
      %add3A_180 = arith.addi %mul3A_177, %add3A_179 : vector<16xi32>
      %swap3A_181 = arith.index_cast %scan3A_96 : i32 to index
      %swap3A_182 = arith.constant 80 : index
      %swap3A_183 = tpu.vector_load %arg7[%swap3A_181, %swap3A_182] {strides = array<i32>} : memref<79x128xi32, #tpu.memory_space<vmem>>, vector<1x16xi32>,
      %swap3A_184 = vector.shape_cast %swap3A_183 : vector<1x16xi32> to vector<16xi32>
      %swap3A_185 = vector.shape_cast %add3A_180 : vector<16xi32> to vector<1x16xi32>
      tpu.vector_store %arg7[%swap3A_181, %swap3A_182], %swap3A_185 {strides = array<i32>} : memref<79x128xi32, #tpu.memory_space<vmem>>, vector<1x16xi32>,
      %get3A_186 = arith.index_cast %scan3A_96 : i32 to index
      %get3A_187 = arith.constant 96 : index
      %get3A_188 = tpu.vector_load %arg6[%get3A_186, %get3A_187] {strides = array<i32>} : memref<79x128xi32, #tpu.memory_space<vmem>>, vector<1x16xi32>,
      %get3A_189 = vector.shape_cast %get3A_188 : vector<1x16xi32> to vector<16xi32>
      %mul3A_190 = arith.constant 2 : i32
      %mul3A_191 = vector.broadcast %mul3A_190 : i32 to vector<16xi32>
      %mul3A_192 = arith.muli %get3A_189, %mul3A_191 : vector<16xi32>
      %add3A_193 = arith.constant 1 : i32
      %add3A_194 = vector.broadcast %add3A_193 : i32 to vector<16xi32>
      %add3A_195 = arith.addi %mul3A_192, %add3A_194 : vector<16xi32>
      %swap3A_196 = arith.index_cast %scan3A_96 : i32 to index
      %swap3A_197 = arith.constant 96 : index
      %swap3A_198 = tpu.vector_load %arg7[%swap3A_196, %swap3A_197] {strides = array<i32>} : memref<79x128xi32, #tpu.memory_space<vmem>>, vector<1x16xi32>,
      %swap3A_199 = vector.shape_cast %swap3A_198 : vector<1x16xi32> to vector<16xi32>
      %swap3A_200 = vector.shape_cast %add3A_195 : vector<16xi32> to vector<1x16xi32>
      tpu.vector_store %arg7[%swap3A_196, %swap3A_197], %swap3A_200 {strides = array<i32>} : memref<79x128xi32, #tpu.memory_space<vmem>>, vector<1x16xi32>,
      %get3A_201 = arith.index_cast %scan3A_96 : i32 to index
      %get3A_202 = arith.constant 112 : index
      %get3A_203 = tpu.vector_load %arg6[%get3A_201, %get3A_202] {strides = array<i32>} : memref<79x128xi32, #tpu.memory_space<vmem>>, vector<1x16xi32>,
      %get3A_204 = vector.shape_cast %get3A_203 : vector<1x16xi32> to vector<16xi32>
      %mul3A_205 = arith.constant 2 : i32
      %mul3A_206 = vector.broadcast %mul3A_205 : i32 to vector<16xi32>
      %mul3A_207 = arith.muli %get3A_204, %mul3A_206 : vector<16xi32>
      %add3A_208 = arith.constant 1 : i32
      %add3A_209 = vector.broadcast %add3A_208 : i32 to vector<16xi32>
      %add3A_210 = arith.addi %mul3A_207, %add3A_209 : vector<16xi32>
      %swap3A_211 = arith.index_cast %scan3A_96 : i32 to index
      %swap3A_212 = arith.constant 112 : index
      %swap3A_213 = tpu.vector_load %arg7[%swap3A_211, %swap3A_212] {strides = array<i32>} : memref<79x128xi32, #tpu.memory_space<vmem>>, vector<1x16xi32>,
      %swap3A_214 = vector.shape_cast %swap3A_213 : vector<1x16xi32> to vector<16xi32>
      %swap3A_215 = vector.shape_cast %add3A_210 : vector<16xi32> to vector<1x16xi32>
      tpu.vector_store %arg7[%swap3A_211, %swap3A_212], %swap3A_215 {strides = array<i32>} : memref<79x128xi32, #tpu.memory_space<vmem>>, vector<1x16xi32>,
      %scan3A_216 = arith.constant 0 : i32
      scf.yield %scan3A_216 : i32
    }
    %scan3A_53 = arith.constant 79 : i32
    %scan3A_54 = arith.constant 0 : i32
    %scan3A_55 = arith.constant 0 : i32
    %scan3A_56 = arith.constant 128 : i32
    %scan3A_57 = arith.addi %scan3A_55, %scan3A_56 : i32
    %scan3A_58 = arith.constant 1 : i32
    %scan3A_59 = scf.for %scan3A_96 = %scan3A_55 to %scan3A_57 step %scan3A_58 iter_args(%scan3A_97 = %scan3A_54) -> (i32)  : i32 {
      %broadcast_in_dim3A = arith.constant 0.000000e+00 : f32
      %broadcast_in_dim3A_98 = vector.broadcast %broadcast_in_dim3A : f32 to vector<16xf32>
      %swap3A = arith.index_cast %scan3A_96 : i32 to index
      %swap3A_99 = arith.constant 0 : index
      %swap3A_100 = tpu.vector_load %arg9[%swap3A, %swap3A_99] {strides = array<i32>} : memref<128x64xf32, #tpu.memory_space<vmem>>, vector<1x16xf32>,
      %swap3A_101 = vector.shape_cast %swap3A_100 : vector<1x16xf32> to vector<16xf32>
      %swap3A_102 = vector.shape_cast %broadcast_in_dim3A_98 : vector<16xf32> to vector<1x16xf32>
      tpu.vector_store %arg9[%swap3A, %swap3A_99], %swap3A_102 {strides = array<i32>} : memref<128x64xf32, #tpu.memory_space<vmem>>, vector<1x16xf32>,
      %broadcast_in_dim3A_103 = arith.constant 0.000000e+00 : f32
      %broadcast_in_dim3A_104 = vector.broadcast %broadcast_in_dim3A_103 : f32 to vector<16xf32>
      %swap3A_105 = arith.index_cast %scan3A_96 : i32 to index
      %swap3A_106 = arith.constant 16 : index
      %swap3A_107 = tpu.vector_load %arg9[%swap3A_105, %swap3A_106] {strides = array<i32>} : memref<128x64xf32, #tpu.memory_space<vmem>>, vector<1x16xf32>,
      %swap3A_108 = vector.shape_cast %swap3A_107 : vector<1x16xf32> to vector<16xf32>
      %swap3A_109 = vector.shape_cast %broadcast_in_dim3A_104 : vector<16xf32> to vector<1x16xf32>
      tpu.vector_store %arg9[%swap3A_105, %swap3A_106], %swap3A_109 {strides = array<i32>} : memref<128x64xf32, #tpu.memory_space<vmem>>, vector<1x16xf32>,
      %broadcast_in_dim3A_110 = arith.constant 0.000000e+00 : f32
      %broadcast_in_dim3A_111 = vector.broadcast %broadcast_in_dim3A_110 : f32 to vector<16xf32>
      %swap3A_112 = arith.index_cast %scan3A_96 : i32 to index
      %swap3A_113 = arith.constant 32 : index
      %swap3A_114 = tpu.vector_load %arg9[%swap3A_112, %swap3A_113] {strides = array<i32>} : memref<128x64xf32, #tpu.memory_space<vmem>>, vector<1x16xf32>,
      %swap3A_115 = vector.shape_cast %swap3A_114 : vector<1x16xf32> to vector<16xf32>
      %swap3A_116 = vector.shape_cast %broadcast_in_dim3A_111 : vector<16xf32> to vector<1x16xf32>
      tpu.vector_store %arg9[%swap3A_112, %swap3A_113], %swap3A_116 {strides = array<i32>} : memref<128x64xf32, #tpu.memory_space<vmem>>, vector<1x16xf32>,
      %broadcast_in_dim3A_117 = arith.constant 0.000000e+00 : f32
      %broadcast_in_dim3A_118 = vector.broadcast %broadcast_in_dim3A_117 : f32 to vector<16xf32>
      %swap3A_119 = arith.index_cast %scan3A_96 : i32 to index
      %swap3A_120 = arith.constant 48 : index
      %swap3A_121 = tpu.vector_load %arg9[%swap3A_119, %swap3A_120] {strides = array<i32>} : memref<128x64xf32, #tpu.memory_space<vmem>>, vector<1x16xf32>,
      %swap3A_122 = vector.shape_cast %swap3A_121 : vector<1x16xf32> to vector<16xf32>
      %swap3A_123 = vector.shape_cast %broadcast_in_dim3A_118 : vector<16xf32> to vector<1x16xf32>
      tpu.vector_store %arg9[%swap3A_119, %swap3A_120], %swap3A_123 {strides = array<i32>} : memref<128x64xf32, #tpu.memory_space<vmem>>, vector<1x16xf32>,
      %scan3A_124 = arith.constant 0 : i32
      scf.yield %scan3A_124 : i32
    }
    %scan3A_60 = arith.constant 128 : i32
    %add3A_61 = arith.constant 0 : i32
    %add3A_62 = arith.addi %mul3A_2, %add3A_61 : i32
    "tpu.region"() ({
      %run_scoped3A_96 = tpu.sem_alloc : memref<!tpu.dma_semaphore, #tpu.memory_space<semaphore_mem>>
      %dma_start3A_97 = arith.constant 0 : i32
      %dma_start3A_98 = tpu.memref_slice %arg11[%add3A_62, %dma_start3A_97] : memref<10240x64xf32, #tpu.memory_space<vmem_shared>> -> memref<128x64xf32, #tpu.memory_space<vmem_shared>>
      %dma_start3A_99 = arith.constant 0 : i32
      %dma_start3A_100 = tpu.memref_slice %arg11[%add3A_62, %dma_start3A_99] : memref<10240x64xf32, #tpu.memory_space<vmem_shared>> -> memref<128x64xf32, #tpu.memory_space<vmem_shared>>
      tpu.enqueue_dma source(%arg9 : memref<128x64xf32, #tpu.memory_space<vmem>>) target(%dma_start3A_100 : memref<128x64xf32, #tpu.memory_space<vmem_shared>>) target_semaphore(%run_scoped3A_96 : memref<!tpu.dma_semaphore, #tpu.memory_space<semaphore_mem>>)
      %dma_wait3A_101 = arith.constant 0 : i32
      %dma_wait3A_102 = tpu.memref_slice %arg11[%add3A_62, %dma_wait3A_101] : memref<10240x64xf32, #tpu.memory_space<vmem_shared>> -> memref<128x64xf32, #tpu.memory_space<vmem_shared>>
      %dma_wait3A_103 = arith.constant 0 : i32
      %dma_wait3A_104 = tpu.memref_slice %arg11[%add3A_62, %dma_wait3A_103] : memref<10240x64xf32, #tpu.memory_space<vmem_shared>> -> memref<128x64xf32, #tpu.memory_space<vmem_shared>>
      tpu.wait_dma2 semaphore(%run_scoped3A_96 : memref<!tpu.dma_semaphore, #tpu.memory_space<semaphore_mem>>) src(%arg9 : memref<128x64xf32, #tpu.memory_space<vmem>>) dst(%dma_wait3A_104 : memref<128x64xf32, #tpu.memory_space<vmem_shared>>)
      tpu.yield
    }) : () -> ()
    %add3A_63 = arith.constant 128 : i32
    %add3A_64 = arith.addi %mul3A_2, %add3A_63 : i32
    "tpu.region"() ({
      %run_scoped3A_96 = tpu.sem_alloc : memref<!tpu.dma_semaphore, #tpu.memory_space<semaphore_mem>>
      %dma_start3A_97 = arith.constant 0 : i32
      %dma_start3A_98 = tpu.memref_slice %arg11[%add3A_64, %dma_start3A_97] : memref<10240x64xf32, #tpu.memory_space<vmem_shared>> -> memref<128x64xf32, #tpu.memory_space<vmem_shared>>
      %dma_start3A_99 = arith.constant 0 : i32
      %dma_start3A_100 = tpu.memref_slice %arg11[%add3A_64, %dma_start3A_99] : memref<10240x64xf32, #tpu.memory_space<vmem_shared>> -> memref<128x64xf32, #tpu.memory_space<vmem_shared>>
      tpu.enqueue_dma source(%arg9 : memref<128x64xf32, #tpu.memory_space<vmem>>) target(%dma_start3A_100 : memref<128x64xf32, #tpu.memory_space<vmem_shared>>) target_semaphore(%run_scoped3A_96 : memref<!tpu.dma_semaphore, #tpu.memory_space<semaphore_mem>>)
      %dma_wait3A_101 = arith.constant 0 : i32
      %dma_wait3A_102 = tpu.memref_slice %arg11[%add3A_64, %dma_wait3A_101] : memref<10240x64xf32, #tpu.memory_space<vmem_shared>> -> memref<128x64xf32, #tpu.memory_space<vmem_shared>>
      %dma_wait3A_103 = arith.constant 0 : i32
      %dma_wait3A_104 = tpu.memref_slice %arg11[%add3A_64, %dma_wait3A_103] : memref<10240x64xf32, #tpu.memory_space<vmem_shared>> -> memref<128x64xf32, #tpu.memory_space<vmem_shared>>
      tpu.wait_dma2 semaphore(%run_scoped3A_96 : memref<!tpu.dma_semaphore, #tpu.memory_space<semaphore_mem>>) src(%arg9 : memref<128x64xf32, #tpu.memory_space<vmem>>) dst(%dma_wait3A_104 : memref<128x64xf32, #tpu.memory_space<vmem_shared>>)
      tpu.yield
    }) : () -> ()
    %add3A_65 = arith.constant 256 : i32
    %add3A_66 = arith.addi %mul3A_2, %add3A_65 : i32
    "tpu.region"() ({
      %run_scoped3A_96 = tpu.sem_alloc : memref<!tpu.dma_semaphore, #tpu.memory_space<semaphore_mem>>
      %dma_start3A_97 = arith.constant 0 : i32
      %dma_start3A_98 = tpu.memref_slice %arg11[%add3A_66, %dma_start3A_97] : memref<10240x64xf32, #tpu.memory_space<vmem_shared>> -> memref<128x64xf32, #tpu.memory_space<vmem_shared>>
      %dma_start3A_99 = arith.constant 0 : i32
      %dma_start3A_100 = tpu.memref_slice %arg11[%add3A_66, %dma_start3A_99] : memref<10240x64xf32, #tpu.memory_space<vmem_shared>> -> memref<128x64xf32, #tpu.memory_space<vmem_shared>>
      tpu.enqueue_dma source(%arg9 : memref<128x64xf32, #tpu.memory_space<vmem>>) target(%dma_start3A_100 : memref<128x64xf32, #tpu.memory_space<vmem_shared>>) target_semaphore(%run_scoped3A_96 : memref<!tpu.dma_semaphore, #tpu.memory_space<semaphore_mem>>)
      %dma_wait3A_101 = arith.constant 0 : i32
      %dma_wait3A_102 = tpu.memref_slice %arg11[%add3A_66, %dma_wait3A_101] : memref<10240x64xf32, #tpu.memory_space<vmem_shared>> -> memref<128x64xf32, #tpu.memory_space<vmem_shared>>
      %dma_wait3A_103 = arith.constant 0 : i32
      %dma_wait3A_104 = tpu.memref_slice %arg11[%add3A_66, %dma_wait3A_103] : memref<10240x64xf32, #tpu.memory_space<vmem_shared>> -> memref<128x64xf32, #tpu.memory_space<vmem_shared>>
      tpu.wait_dma2 semaphore(%run_scoped3A_96 : memref<!tpu.dma_semaphore, #tpu.memory_space<semaphore_mem>>) src(%arg9 : memref<128x64xf32, #tpu.memory_space<vmem>>) dst(%dma_wait3A_104 : memref<128x64xf32, #tpu.memory_space<vmem_shared>>)
      tpu.yield
    }) : () -> ()
    %add3A_67 = arith.constant 384 : i32
    %add3A_68 = arith.addi %mul3A_2, %add3A_67 : i32
    "tpu.region"() ({
      %run_scoped3A_96 = tpu.sem_alloc : memref<!tpu.dma_semaphore, #tpu.memory_space<semaphore_mem>>
      %dma_start3A_97 = arith.constant 0 : i32
      %dma_start3A_98 = tpu.memref_slice %arg11[%add3A_68, %dma_start3A_97] : memref<10240x64xf32, #tpu.memory_space<vmem_shared>> -> memref<128x64xf32, #tpu.memory_space<vmem_shared>>
      %dma_start3A_99 = arith.constant 0 : i32
      %dma_start3A_100 = tpu.memref_slice %arg11[%add3A_68, %dma_start3A_99] : memref<10240x64xf32, #tpu.memory_space<vmem_shared>> -> memref<128x64xf32, #tpu.memory_space<vmem_shared>>
      tpu.enqueue_dma source(%arg9 : memref<128x64xf32, #tpu.memory_space<vmem>>) target(%dma_start3A_100 : memref<128x64xf32, #tpu.memory_space<vmem_shared>>) target_semaphore(%run_scoped3A_96 : memref<!tpu.dma_semaphore, #tpu.memory_space<semaphore_mem>>)
      %dma_wait3A_101 = arith.constant 0 : i32
      %dma_wait3A_102 = tpu.memref_slice %arg11[%add3A_68, %dma_wait3A_101] : memref<10240x64xf32, #tpu.memory_space<vmem_shared>> -> memref<128x64xf32, #tpu.memory_space<vmem_shared>>
      %dma_wait3A_103 = arith.constant 0 : i32
      %dma_wait3A_104 = tpu.memref_slice %arg11[%add3A_68, %dma_wait3A_103] : memref<10240x64xf32, #tpu.memory_space<vmem_shared>> -> memref<128x64xf32, #tpu.memory_space<vmem_shared>>
      tpu.wait_dma2 semaphore(%run_scoped3A_96 : memref<!tpu.dma_semaphore, #tpu.memory_space<semaphore_mem>>) src(%arg9 : memref<128x64xf32, #tpu.memory_space<vmem>>) dst(%dma_wait3A_104 : memref<128x64xf32, #tpu.memory_space<vmem_shared>>)
      tpu.yield
    }) : () -> ()
    %add3A_69 = arith.constant 512 : i32
    %add3A_70 = arith.addi %mul3A_2, %add3A_69 : i32
    "tpu.region"() ({
      %run_scoped3A_96 = tpu.sem_alloc : memref<!tpu.dma_semaphore, #tpu.memory_space<semaphore_mem>>
      %dma_start3A_97 = arith.constant 0 : i32
      %dma_start3A_98 = tpu.memref_slice %arg11[%add3A_70, %dma_start3A_97] : memref<10240x64xf32, #tpu.memory_space<vmem_shared>> -> memref<128x64xf32, #tpu.memory_space<vmem_shared>>
      %dma_start3A_99 = arith.constant 0 : i32
      %dma_start3A_100 = tpu.memref_slice %arg11[%add3A_70, %dma_start3A_99] : memref<10240x64xf32, #tpu.memory_space<vmem_shared>> -> memref<128x64xf32, #tpu.memory_space<vmem_shared>>
      tpu.enqueue_dma source(%arg9 : memref<128x64xf32, #tpu.memory_space<vmem>>) target(%dma_start3A_100 : memref<128x64xf32, #tpu.memory_space<vmem_shared>>) target_semaphore(%run_scoped3A_96 : memref<!tpu.dma_semaphore, #tpu.memory_space<semaphore_mem>>)
      %dma_wait3A_101 = arith.constant 0 : i32
      %dma_wait3A_102 = tpu.memref_slice %arg11[%add3A_70, %dma_wait3A_101] : memref<10240x64xf32, #tpu.memory_space<vmem_shared>> -> memref<128x64xf32, #tpu.memory_space<vmem_shared>>
      %dma_wait3A_103 = arith.constant 0 : i32
      %dma_wait3A_104 = tpu.memref_slice %arg11[%add3A_70, %dma_wait3A_103] : memref<10240x64xf32, #tpu.memory_space<vmem_shared>> -> memref<128x64xf32, #tpu.memory_space<vmem_shared>>
      tpu.wait_dma2 semaphore(%run_scoped3A_96 : memref<!tpu.dma_semaphore, #tpu.memory_space<semaphore_mem>>) src(%arg9 : memref<128x64xf32, #tpu.memory_space<vmem>>) dst(%dma_wait3A_104 : memref<128x64xf32, #tpu.memory_space<vmem_shared>>)
      tpu.yield
    }) : () -> ()
    %barrier3A_71 = arith.constant 0 : index
    tpu.barrier barrier_id(%barrier3A_71)
    %dma_start3A_72 = arith.constant 0 : i32
    %dma_start3A_73 = arith.constant 0 : i32
    %dma_start3A_74 = tpu.memref_slice %arg7[%dma_start3A_72, %dma_start3A_73] : memref<79x128xi32, #tpu.memory_space<vmem>> -> memref<1x128xi32, #tpu.memory_space<vmem>>
    %dma_start3A_75 = tpu.memref_squeeze %dma_start3A_74 : memref<1x128xi32, #tpu.memory_space<vmem>> -> memref<128xi32, #tpu.memory_space<vmem>>
    %dma_start3A_76 = arith.constant 0 : i32
    %dma_start3A_77 = arith.constant 0 : i32
    %dma_start3A_78 = tpu.memref_slice %arg2[%dma_start3A_76, %dma_start3A_77] : memref<20480x64xf32, #tpu.memory_space<hbm>> -> memref<20480x64xf32, #tpu.memory_space<hbm>>
    tpu.enqueue_indirect_dma source(%dma_start3A_78 : memref<20480x64xf32, #tpu.memory_space<hbm>>) target(%arg9 : memref<128x64xf32, #tpu.memory_space<vmem>>) offsets(%dma_start3A_75 : memref<128xi32, #tpu.memory_space<vmem>>) semaphore(%arg12 : memref<!tpu.dma_semaphore, #tpu.memory_space<semaphore_mem>>)
    %scan3A_79 = arith.constant 0 : i32
    %scan3A_80 = arith.constant 0 : i32
    %scan3A_81 = arith.constant 39 : i32
    %scan3A_82 = arith.addi %scan3A_80, %scan3A_81 : i32
    %scan3A_83 = arith.constant 1 : i32
    %scan3A_84 = scf.for %scan3A_96 = %scan3A_80 to %scan3A_82 step %scan3A_83 iter_args(%scan3A_97 = %scan3A_79) -> (i32)  : i32 {
      %mul3A_98 = arith.constant 2 : i32
      %mul3A_99 = arith.muli %mul3A_98, %scan3A_96 : i32
      %add3A_100 = arith.constant 0 : i32
      %add3A_101 = arith.addi %mul3A_99, %add3A_100 : i32
      %add3A_102 = arith.constant 1 : i32
      %add3A_103 = arith.addi %add3A_101, %add3A_102 : i32
      %dma_start3A_104 = arith.constant 0 : i32
      %dma_start3A_105 = tpu.memref_slice %arg7[%add3A_103, %dma_start3A_104] : memref<79x128xi32, #tpu.memory_space<vmem>> -> memref<1x128xi32, #tpu.memory_space<vmem>>
      %dma_start3A_106 = tpu.memref_squeeze %dma_start3A_105 : memref<1x128xi32, #tpu.memory_space<vmem>> -> memref<128xi32, #tpu.memory_space<vmem>>
      %dma_start3A_107 = arith.constant 0 : i32
      %dma_start3A_108 = arith.constant 0 : i32
      %dma_start3A_109 = tpu.memref_slice %arg2[%dma_start3A_107, %dma_start3A_108] : memref<20480x64xf32, #tpu.memory_space<hbm>> -> memref<20480x64xf32, #tpu.memory_space<hbm>>
      tpu.enqueue_indirect_dma source(%dma_start3A_109 : memref<20480x64xf32, #tpu.memory_space<hbm>>) target(%arg10 : memref<128x64xf32, #tpu.memory_space<vmem>>) offsets(%dma_start3A_106 : memref<128xi32, #tpu.memory_space<vmem>>) semaphore(%arg13 : memref<!tpu.dma_semaphore, #tpu.memory_space<semaphore_mem>>)
      %dma_wait3A_110 = arith.constant 0 : i32
      %dma_wait3A_111 = tpu.memref_slice %arg7[%add3A_101, %dma_wait3A_110] : memref<79x128xi32, #tpu.memory_space<vmem>> -> memref<1x128xi32, #tpu.memory_space<vmem>>
      %dma_wait3A_112 = tpu.memref_squeeze %dma_wait3A_111 : memref<1x128xi32, #tpu.memory_space<vmem>> -> memref<128xi32, #tpu.memory_space<vmem>>
      %dma_wait3A_113 = arith.constant 0 : i32
      %dma_wait3A_114 = arith.constant 0 : i32
      %dma_wait3A_115 = tpu.memref_slice %arg2[%dma_wait3A_113, %dma_wait3A_114] : memref<20480x64xf32, #tpu.memory_space<hbm>> -> memref<20480x64xf32, #tpu.memory_space<hbm>>
      tpu.wait_indirect_dma semaphore(%arg12 : memref<!tpu.dma_semaphore, #tpu.memory_space<semaphore_mem>>) src(%dma_wait3A_115 : memref<20480x64xf32, #tpu.memory_space<hbm>>) dst(%arg9 : memref<128x64xf32, #tpu.memory_space<vmem>>)
      "tpu.region"() ({
        %run_scoped3A_135 = tpu.sem_alloc : memref<!tpu.dma_semaphore, #tpu.memory_space<semaphore_mem>>
        %dma_start3A_136 = arith.constant 0 : i32
        %dma_start3A_137 = tpu.memref_slice %arg8[%add3A_101, %dma_start3A_136] : memref<79x128xi32, #tpu.memory_space<vmem>> -> memref<1x128xi32, #tpu.memory_space<vmem>>
        %dma_start3A_138 = tpu.memref_squeeze %dma_start3A_137 : memref<1x128xi32, #tpu.memory_space<vmem>> -> memref<128xi32, #tpu.memory_space<vmem>>
        %dma_start3A_139 = arith.constant 0 : i32
        %dma_start3A_140 = arith.constant 0 : i32
        %dma_start3A_141 = tpu.memref_slice %arg11[%dma_start3A_139, %dma_start3A_140] : memref<10240x64xf32, #tpu.memory_space<vmem_shared>> -> memref<10240x64xf32, #tpu.memory_space<vmem_shared>>
        tpu.enqueue_indirect_dma source(%arg9 : memref<128x64xf32, #tpu.memory_space<vmem>>) target(%dma_start3A_141 : memref<10240x64xf32, #tpu.memory_space<vmem_shared>>) offsets(%dma_start3A_138 : memref<128xi32, #tpu.memory_space<vmem>>) semaphore(%run_scoped3A_135 : memref<!tpu.dma_semaphore, #tpu.memory_space<semaphore_mem>>) {add = true}
        %dma_wait3A_142 = arith.constant 0 : i32
        %dma_wait3A_143 = tpu.memref_slice %arg8[%add3A_101, %dma_wait3A_142] : memref<79x128xi32, #tpu.memory_space<vmem>> -> memref<1x128xi32, #tpu.memory_space<vmem>>
        %dma_wait3A_144 = tpu.memref_squeeze %dma_wait3A_143 : memref<1x128xi32, #tpu.memory_space<vmem>> -> memref<128xi32, #tpu.memory_space<vmem>>
        %dma_wait3A_145 = arith.constant 0 : i32
        %dma_wait3A_146 = arith.constant 0 : i32
        %dma_wait3A_147 = tpu.memref_slice %arg11[%dma_wait3A_145, %dma_wait3A_146] : memref<10240x64xf32, #tpu.memory_space<vmem_shared>> -> memref<10240x64xf32, #tpu.memory_space<vmem_shared>>
        tpu.wait_indirect_dma semaphore(%run_scoped3A_135 : memref<!tpu.dma_semaphore, #tpu.memory_space<semaphore_mem>>) src(%arg9 : memref<128x64xf32, #tpu.memory_space<vmem>>) dst(%dma_wait3A_147 : memref<10240x64xf32, #tpu.memory_space<vmem_shared>>)
        tpu.yield
      }) : () -> ()
      %mul3A_116 = arith.constant 2 : i32
      %mul3A_117 = arith.muli %mul3A_116, %scan3A_96 : i32
      %add3A_118 = arith.constant 1 : i32
      %add3A_119 = arith.addi %mul3A_117, %add3A_118 : i32
      %add3A_120 = arith.constant 1 : i32
      %add3A_121 = arith.addi %add3A_119, %add3A_120 : i32
      %dma_start3A_122 = arith.constant 0 : i32
      %dma_start3A_123 = tpu.memref_slice %arg7[%add3A_121, %dma_start3A_122] : memref<79x128xi32, #tpu.memory_space<vmem>> -> memref<1x128xi32, #tpu.memory_space<vmem>>
      %dma_start3A_124 = tpu.memref_squeeze %dma_start3A_123 : memref<1x128xi32, #tpu.memory_space<vmem>> -> memref<128xi32, #tpu.memory_space<vmem>>
      %dma_start3A_125 = arith.constant 0 : i32
      %dma_start3A_126 = arith.constant 0 : i32
      %dma_start3A_127 = tpu.memref_slice %arg2[%dma_start3A_125, %dma_start3A_126] : memref<20480x64xf32, #tpu.memory_space<hbm>> -> memref<20480x64xf32, #tpu.memory_space<hbm>>
      tpu.enqueue_indirect_dma source(%dma_start3A_127 : memref<20480x64xf32, #tpu.memory_space<hbm>>) target(%arg9 : memref<128x64xf32, #tpu.memory_space<vmem>>) offsets(%dma_start3A_124 : memref<128xi32, #tpu.memory_space<vmem>>) semaphore(%arg12 : memref<!tpu.dma_semaphore, #tpu.memory_space<semaphore_mem>>)
      %dma_wait3A_128 = arith.constant 0 : i32
      %dma_wait3A_129 = tpu.memref_slice %arg7[%add3A_119, %dma_wait3A_128] : memref<79x128xi32, #tpu.memory_space<vmem>> -> memref<1x128xi32, #tpu.memory_space<vmem>>
      %dma_wait3A_130 = tpu.memref_squeeze %dma_wait3A_129 : memref<1x128xi32, #tpu.memory_space<vmem>> -> memref<128xi32, #tpu.memory_space<vmem>>
      %dma_wait3A_131 = arith.constant 0 : i32
      %dma_wait3A_132 = arith.constant 0 : i32
      %dma_wait3A_133 = tpu.memref_slice %arg2[%dma_wait3A_131, %dma_wait3A_132] : memref<20480x64xf32, #tpu.memory_space<hbm>> -> memref<20480x64xf32, #tpu.memory_space<hbm>>
      tpu.wait_indirect_dma semaphore(%arg13 : memref<!tpu.dma_semaphore, #tpu.memory_space<semaphore_mem>>) src(%dma_wait3A_133 : memref<20480x64xf32, #tpu.memory_space<hbm>>) dst(%arg10 : memref<128x64xf32, #tpu.memory_space<vmem>>)
      "tpu.region"() ({
        %run_scoped3A_135 = tpu.sem_alloc : memref<!tpu.dma_semaphore, #tpu.memory_space<semaphore_mem>>
        %dma_start3A_136 = arith.constant 0 : i32
        %dma_start3A_137 = tpu.memref_slice %arg8[%add3A_119, %dma_start3A_136] : memref<79x128xi32, #tpu.memory_space<vmem>> -> memref<1x128xi32, #tpu.memory_space<vmem>>
        %dma_start3A_138 = tpu.memref_squeeze %dma_start3A_137 : memref<1x128xi32, #tpu.memory_space<vmem>> -> memref<128xi32, #tpu.memory_space<vmem>>
        %dma_start3A_139 = arith.constant 0 : i32
        %dma_start3A_140 = arith.constant 0 : i32
        %dma_start3A_141 = tpu.memref_slice %arg11[%dma_start3A_139, %dma_start3A_140] : memref<10240x64xf32, #tpu.memory_space<vmem_shared>> -> memref<10240x64xf32, #tpu.memory_space<vmem_shared>>
        tpu.enqueue_indirect_dma source(%arg10 : memref<128x64xf32, #tpu.memory_space<vmem>>) target(%dma_start3A_141 : memref<10240x64xf32, #tpu.memory_space<vmem_shared>>) offsets(%dma_start3A_138 : memref<128xi32, #tpu.memory_space<vmem>>) semaphore(%run_scoped3A_135 : memref<!tpu.dma_semaphore, #tpu.memory_space<semaphore_mem>>) {add = true}
        %dma_wait3A_142 = arith.constant 0 : i32
        %dma_wait3A_143 = tpu.memref_slice %arg8[%add3A_119, %dma_wait3A_142] : memref<79x128xi32, #tpu.memory_space<vmem>> -> memref<1x128xi32, #tpu.memory_space<vmem>>
        %dma_wait3A_144 = tpu.memref_squeeze %dma_wait3A_143 : memref<1x128xi32, #tpu.memory_space<vmem>> -> memref<128xi32, #tpu.memory_space<vmem>>
        %dma_wait3A_145 = arith.constant 0 : i32
        %dma_wait3A_146 = arith.constant 0 : i32
        %dma_wait3A_147 = tpu.memref_slice %arg11[%dma_wait3A_145, %dma_wait3A_146] : memref<10240x64xf32, #tpu.memory_space<vmem_shared>> -> memref<10240x64xf32, #tpu.memory_space<vmem_shared>>
        tpu.wait_indirect_dma semaphore(%run_scoped3A_135 : memref<!tpu.dma_semaphore, #tpu.memory_space<semaphore_mem>>) src(%arg10 : memref<128x64xf32, #tpu.memory_space<vmem>>) dst(%dma_wait3A_147 : memref<10240x64xf32, #tpu.memory_space<vmem_shared>>)
        tpu.yield
      }) : () -> ()
      %scan3A_134 = arith.constant 0 : i32
      scf.yield %scan3A_134 : i32
    }
    %scan3A_85 = arith.constant 39 : i32
    %dma_wait3A_86 = arith.constant 78 : i32
    %dma_wait3A_87 = arith.constant 0 : i32
    %dma_wait3A_88 = tpu.memref_slice %arg7[%dma_wait3A_86, %dma_wait3A_87] : memref<79x128xi32, #tpu.memory_space<vmem>> -> memref<1x128xi32, #tpu.memory_space<vmem>>
    %dma_wait3A_89 = tpu.memref_squeeze %dma_wait3A_88 : memref<1x128xi32, #tpu.memory_space<vmem>> -> memref<128xi32, #tpu.memory_space<vmem>>
    %dma_wait3A_90 = arith.constant 0 : i32
    %dma_wait3A_91 = arith.constant 0 : i32
    %dma_wait3A_92 = tpu.memref_slice %arg2[%dma_wait3A_90, %dma_wait3A_91] : memref<20480x64xf32, #tpu.memory_space<hbm>> -> memref<20480x64xf32, #tpu.memory_space<hbm>>
    tpu.wait_indirect_dma semaphore(%arg12 : memref<!tpu.dma_semaphore, #tpu.memory_space<semaphore_mem>>) src(%dma_wait3A_92 : memref<20480x64xf32, #tpu.memory_space<hbm>>) dst(%arg9 : memref<128x64xf32, #tpu.memory_space<vmem>>)
    %run_scoped3A_93 = arith.constant 78 : i32
    "tpu.region"() ({
      %run_scoped3A_96 = tpu.sem_alloc : memref<!tpu.dma_semaphore, #tpu.memory_space<semaphore_mem>>
      %dma_start3A_97 = arith.constant 0 : i32
      %dma_start3A_98 = tpu.memref_slice %arg8[%run_scoped3A_93, %dma_start3A_97] : memref<79x128xi32, #tpu.memory_space<vmem>> -> memref<1x128xi32, #tpu.memory_space<vmem>>
      %dma_start3A_99 = tpu.memref_squeeze %dma_start3A_98 : memref<1x128xi32, #tpu.memory_space<vmem>> -> memref<128xi32, #tpu.memory_space<vmem>>
      %dma_start3A_100 = arith.constant 0 : i32
      %dma_start3A_101 = arith.constant 0 : i32
      %dma_start3A_102 = tpu.memref_slice %arg11[%dma_start3A_100, %dma_start3A_101] : memref<10240x64xf32, #tpu.memory_space<vmem_shared>> -> memref<10240x64xf32, #tpu.memory_space<vmem_shared>>
      tpu.enqueue_indirect_dma source(%arg9 : memref<128x64xf32, #tpu.memory_space<vmem>>) target(%dma_start3A_102 : memref<10240x64xf32, #tpu.memory_space<vmem_shared>>) offsets(%dma_start3A_99 : memref<128xi32, #tpu.memory_space<vmem>>) semaphore(%run_scoped3A_96 : memref<!tpu.dma_semaphore, #tpu.memory_space<semaphore_mem>>) {add = true}
      %dma_wait3A_103 = arith.constant 0 : i32
      %dma_wait3A_104 = tpu.memref_slice %arg8[%run_scoped3A_93, %dma_wait3A_103] : memref<79x128xi32, #tpu.memory_space<vmem>> -> memref<1x128xi32, #tpu.memory_space<vmem>>
      %dma_wait3A_105 = tpu.memref_squeeze %dma_wait3A_104 : memref<1x128xi32, #tpu.memory_space<vmem>> -> memref<128xi32, #tpu.memory_space<vmem>>
      %dma_wait3A_106 = arith.constant 0 : i32
      %dma_wait3A_107 = arith.constant 0 : i32
      %dma_wait3A_108 = tpu.memref_slice %arg11[%dma_wait3A_106, %dma_wait3A_107] : memref<10240x64xf32, #tpu.memory_space<vmem_shared>> -> memref<10240x64xf32, #tpu.memory_space<vmem_shared>>
      tpu.wait_indirect_dma semaphore(%run_scoped3A_96 : memref<!tpu.dma_semaphore, #tpu.memory_space<semaphore_mem>>) src(%arg9 : memref<128x64xf32, #tpu.memory_space<vmem>>) dst(%dma_wait3A_108 : memref<10240x64xf32, #tpu.memory_space<vmem_shared>>)
      tpu.yield
    }) : () -> ()
    %barrier3A_94 = arith.constant 0 : index
    tpu.barrier barrier_id(%barrier3A_94)
    %run_scoped3A_95 = arith.constant 1 : i32
    "tpu.region"() ({
      %run_scoped3A_96 = tpu.sem_alloc : memref<!tpu.dma_semaphore, #tpu.memory_space<semaphore_mem>>
      %dma_start3A_97 = arith.constant 0 : i32
      %dma_start3A_98 = arith.constant 0 : i32
      %dma_start3A_99 = arith.constant 0 : i32
      %dma_start3A_100 = arith.constant 0 : i32
      %dma_start3A_101 = tpu.memref_slice %arg5[%arg0, %dma_start3A_97, %dma_start3A_98, %dma_start3A_99, %dma_start3A_100] : memref<2x2x16x640x64xf32, #tpu.memory_space<hbm>> -> memref<1x2x16x640x64xf32, #tpu.memory_space<hbm>>
      %dma_start3A_102 = tpu.memref_squeeze %dma_start3A_101 : memref<1x2x16x640x64xf32, #tpu.memory_space<hbm>> -> memref<2x16x640x64xf32, #tpu.memory_space<hbm>>
      %dma_start3A_103 = arith.constant 0 : i32
      %dma_start3A_104 = arith.constant 0 : i32
      %dma_start3A_105 = arith.constant 0 : i32
      %dma_start3A_106 = tpu.memref_slice %dma_start3A_102[%run_scoped3A_95, %dma_start3A_103, %dma_start3A_104, %dma_start3A_105] : memref<2x16x640x64xf32, #tpu.memory_space<hbm>> -> memref<1x16x640x64xf32, #tpu.memory_space<hbm>>
      %dma_start3A_107 = tpu.memref_squeeze %dma_start3A_106 : memref<1x16x640x64xf32, #tpu.memory_space<hbm>> -> memref<16x640x64xf32, #tpu.memory_space<hbm>>
      %dma_start3A_108 = arith.constant 0 : i32
      %dma_start3A_109 = arith.constant 0 : i32
      %dma_start3A_110 = tpu.memref_slice %dma_start3A_107[%arg1, %dma_start3A_108, %dma_start3A_109] : memref<16x640x64xf32, #tpu.memory_space<hbm>> -> memref<1x640x64xf32, #tpu.memory_space<hbm>>
      %dma_start3A_111 = tpu.memref_squeeze %dma_start3A_110 : memref<1x640x64xf32, #tpu.memory_space<hbm>> -> memref<640x64xf32, #tpu.memory_space<hbm>>
      %dma_start3A_112 = arith.constant 0 : i32
      %dma_start3A_113 = tpu.memref_slice %arg11[%mul3A_2, %dma_start3A_112] : memref<10240x64xf32, #tpu.memory_space<vmem_shared>> -> memref<640x64xf32, #tpu.memory_space<vmem_shared>>
      tpu.enqueue_dma source(%dma_start3A_113 : memref<640x64xf32, #tpu.memory_space<vmem_shared>>) target(%dma_start3A_111 : memref<640x64xf32, #tpu.memory_space<hbm>>) target_semaphore(%run_scoped3A_96 : memref<!tpu.dma_semaphore, #tpu.memory_space<semaphore_mem>>)
      %dma_wait3A_114 = arith.constant 0 : i32
      %dma_wait3A_115 = arith.constant 0 : i32
      %dma_wait3A_116 = arith.constant 0 : i32
      %dma_wait3A_117 = arith.constant 0 : i32
      %dma_wait3A_118 = tpu.memref_slice %arg5[%arg0, %dma_wait3A_114, %dma_wait3A_115, %dma_wait3A_116, %dma_wait3A_117] : memref<2x2x16x640x64xf32, #tpu.memory_space<hbm>> -> memref<1x2x16x640x64xf32, #tpu.memory_space<hbm>>
      %dma_wait3A_119 = tpu.memref_squeeze %dma_wait3A_118 : memref<1x2x16x640x64xf32, #tpu.memory_space<hbm>> -> memref<2x16x640x64xf32, #tpu.memory_space<hbm>>
      %dma_wait3A_120 = arith.constant 0 : i32
      %dma_wait3A_121 = arith.constant 0 : i32
      %dma_wait3A_122 = arith.constant 0 : i32
      %dma_wait3A_123 = tpu.memref_slice %dma_wait3A_119[%run_scoped3A_95, %dma_wait3A_120, %dma_wait3A_121, %dma_wait3A_122] : memref<2x16x640x64xf32, #tpu.memory_space<hbm>> -> memref<1x16x640x64xf32, #tpu.memory_space<hbm>>
      %dma_wait3A_124 = tpu.memref_squeeze %dma_wait3A_123 : memref<1x16x640x64xf32, #tpu.memory_space<hbm>> -> memref<16x640x64xf32, #tpu.memory_space<hbm>>
      %dma_wait3A_125 = arith.constant 0 : i32
      %dma_wait3A_126 = arith.constant 0 : i32
      %dma_wait3A_127 = tpu.memref_slice %dma_wait3A_124[%arg1, %dma_wait3A_125, %dma_wait3A_126] : memref<16x640x64xf32, #tpu.memory_space<hbm>> -> memref<1x640x64xf32, #tpu.memory_space<hbm>>
      %dma_wait3A_128 = tpu.memref_squeeze %dma_wait3A_127 : memref<1x640x64xf32, #tpu.memory_space<hbm>> -> memref<640x64xf32, #tpu.memory_space<hbm>>
      %dma_wait3A_129 = arith.constant 0 : i32
      %dma_wait3A_130 = tpu.memref_slice %arg11[%mul3A_2, %dma_wait3A_129] : memref<10240x64xf32, #tpu.memory_space<vmem_shared>> -> memref<640x64xf32, #tpu.memory_space<vmem_shared>>
      tpu.wait_dma2 semaphore(%run_scoped3A_96 : memref<!tpu.dma_semaphore, #tpu.memory_space<semaphore_mem>>) src(%dma_wait3A_130 : memref<640x64xf32, #tpu.memory_space<vmem_shared>>) dst(%dma_wait3A_128 : memref<640x64xf32, #tpu.memory_space<hbm>>)
      tpu.yield
    }) : () -> ()
    return
  }
}

#map = affine_map<(d0, d1) -> (0, 0)>
#map1 = affine_map<(d0, d1) -> (0, 0, 0)>
#map2 = affine_map<(d0, d1) -> (0, 0, 0, 0, 0)>
module attributes {stable_mosaic.version = 14 : i64} {
  func.func @body(%arg0: i32, %arg1: i32, %arg2: memref<20480x64xf32, #tpu.memory_space<hbm>>, %arg3: memref<32x79x128xi32, #tpu.memory_space<hbm>>, %arg4: memref<32x79x128xi32, #tpu.memory_space<hbm>>, %arg5: memref<2x2x16x640x64xf32, #tpu.memory_space<hbm>>, %arg6: memref<79x128xi32, #tpu.memory_space<vmem>>, %arg7: memref<79x128xi32, #tpu.memory_space<vmem>>, %arg8: memref<79x128xi32, #tpu.memory_space<vmem>>, %arg9: memref<128x64xf32, #tpu.memory_space<vmem>>, %arg10: memref<128x64xf32, #tpu.memory_space<vmem>>, %arg11: memref<10240x64xf32, #tpu.memory_space<vmem_shared>>, %arg12: memref<!tpu.dma_semaphore, #tpu.memory_space<semaphore_mem>>, %arg13: memref<!tpu.dma_semaphore, #tpu.memory_space<semaphore_mem>>) attributes {dimension_semantics = [#tpu.dimension_semantics<core_parallel>, #tpu.dimension_semantics<subcore_parallel>], iteration_bounds = array<i64: 2, 16>, scalar_prefetch = 0 : i64, scratch_operands = 8 : i64, tpu.core_type = #tpu.core_type<sc_vector_subcore>, window_params = [{transform_indices = #map}, {transform_indices = #map1}, {transform_indices = #map1}, {transform_indices = #map2}]} {
    %mul3A = arith.constant 2 : i32
    %mul3A_0 = arith.muli %arg1, %mul3A : i32
    %add3A = arith.addi %mul3A_0, %arg0 : i32
    %mul3A_1 = arith.constant 640 : i32
    %mul3A_2 = arith.muli %arg1, %mul3A_1 : i32
    "tpu.region"() ({
      %run_scoped3A_96 = tpu.sem_alloc : memref<!tpu.dma_semaphore, #tpu.memory_space<semaphore_mem>>
      %dma_start3A_97 = arith.constant 0 : i32
      %dma_start3A_98 = arith.constant 0 : i32
      %dma_start3A_99 = tpu.memref_slice %arg3[%add3A, %dma_start3A_97, %dma_start3A_98] : memref<32x79x128xi32, #tpu.memory_space<hbm>> -> memref<1x79x128xi32, #tpu.memory_space<hbm>>
      %dma_start3A_100 = tpu.memref_squeeze %dma_start3A_99 : memref<1x79x128xi32, #tpu.memory_space<hbm>> -> memref<79x128xi32, #tpu.memory_space<hbm>>
      %dma_start3A_101 = arith.constant 0 : i32
      %dma_start3A_102 = arith.constant 0 : i32
      %dma_start3A_103 = tpu.memref_slice %arg3[%add3A, %dma_start3A_101, %dma_start3A_102] : memref<32x79x128xi32, #tpu.memory_space<hbm>> -> memref<1x79x128xi32, #tpu.memory_space<hbm>>
      %dma_start3A_104 = tpu.memref_squeeze %dma_start3A_103 : memref<1x79x128xi32, #tpu.memory_space<hbm>> -> memref<79x128xi32, #tpu.memory_space<hbm>>
      tpu.enqueue_dma source(%dma_start3A_104 : memref<79x128xi32, #tpu.memory_space<hbm>>) target(%arg6 : memref<79x128xi32, #tpu.memory_space<vmem>>) target_semaphore(%run_scoped3A_96 : memref<!tpu.dma_semaphore, #tpu.memory_space<semaphore_mem>>)
      %dma_wait3A_105 = arith.constant 0 : i32
      %dma_wait3A_106 = arith.constant 0 : i32
      %dma_wait3A_107 = tpu.memref_slice %arg3[%add3A, %dma_wait3A_105, %dma_wait3A_106] : memref<32x79x128xi32, #tpu.memory_space<hbm>> -> memref<1x79x128xi32, #tpu.memory_space<hbm>>
      %dma_wait3A_108 = tpu.memref_squeeze %dma_wait3A_107 : memref<1x79x128xi32, #tpu.memory_space<hbm>> -> memref<79x128xi32, #tpu.memory_space<hbm>>
      %dma_wait3A_109 = arith.constant 0 : i32
      %dma_wait3A_110 = arith.constant 0 : i32
      %dma_wait3A_111 = tpu.memref_slice %arg3[%add3A, %dma_wait3A_109, %dma_wait3A_110] : memref<32x79x128xi32, #tpu.memory_space<hbm>> -> memref<1x79x128xi32, #tpu.memory_space<hbm>>
      %dma_wait3A_112 = tpu.memref_squeeze %dma_wait3A_111 : memref<1x79x128xi32, #tpu.memory_space<hbm>> -> memref<79x128xi32, #tpu.memory_space<hbm>>
      tpu.wait_dma2 semaphore(%run_scoped3A_96 : memref<!tpu.dma_semaphore, #tpu.memory_space<semaphore_mem>>) src(%dma_wait3A_112 : memref<79x128xi32, #tpu.memory_space<hbm>>) dst(%arg6 : memref<79x128xi32, #tpu.memory_space<vmem>>)
      tpu.yield
    }) : () -> ()
    "tpu.region"() ({
      %run_scoped3A_96 = tpu.sem_alloc : memref<!tpu.dma_semaphore, #tpu.memory_space<semaphore_mem>>
      %dma_start3A_97 = arith.constant 0 : i32
      %dma_start3A_98 = arith.constant 0 : i32
      %dma_start3A_99 = tpu.memref_slice %arg4[%add3A, %dma_start3A_97, %dma_start3A_98] : memref<32x79x128xi32, #tpu.memory_space<hbm>> -> memref<1x79x128xi32, #tpu.memory_space<hbm>>
      %dma_start3A_100 = tpu.memref_squeeze %dma_start3A_99 : memref<1x79x128xi32, #tpu.memory_space<hbm>> -> memref<79x128xi32, #tpu.memory_space<hbm>>
      %dma_start3A_101 = arith.constant 0 : i32
      %dma_start3A_102 = arith.constant 0 : i32
      %dma_start3A_103 = tpu.memref_slice %arg4[%add3A, %dma_start3A_101, %dma_start3A_102] : memref<32x79x128xi32, #tpu.memory_space<hbm>> -> memref<1x79x128xi32, #tpu.memory_space<hbm>>
      %dma_start3A_104 = tpu.memref_squeeze %dma_start3A_103 : memref<1x79x128xi32, #tpu.memory_space<hbm>> -> memref<79x128xi32, #tpu.memory_space<hbm>>
      tpu.enqueue_dma source(%dma_start3A_104 : memref<79x128xi32, #tpu.memory_space<hbm>>) target(%arg8 : memref<79x128xi32, #tpu.memory_space<vmem>>) target_semaphore(%run_scoped3A_96 : memref<!tpu.dma_semaphore, #tpu.memory_space<semaphore_mem>>)
      %dma_wait3A_105 = arith.constant 0 : i32
      %dma_wait3A_106 = arith.constant 0 : i32
      %dma_wait3A_107 = tpu.memref_slice %arg4[%add3A, %dma_wait3A_105, %dma_wait3A_106] : memref<32x79x128xi32, #tpu.memory_space<hbm>> -> memref<1x79x128xi32, #tpu.memory_space<hbm>>
      %dma_wait3A_108 = tpu.memref_squeeze %dma_wait3A_107 : memref<1x79x128xi32, #tpu.memory_space<hbm>> -> memref<79x128xi32, #tpu.memory_space<hbm>>
      %dma_wait3A_109 = arith.constant 0 : i32
      %dma_wait3A_110 = arith.constant 0 : i32
      %dma_wait3A_111 = tpu.memref_slice %arg4[%add3A, %dma_wait3A_109, %dma_wait3A_110] : memref<32x79x128xi32, #tpu.memory_space<hbm>> -> memref<1x79x128xi32, #tpu.memory_space<hbm>>
      %dma_wait3A_112 = tpu.memref_squeeze %dma_wait3A_111 : memref<1x79x128xi32, #tpu.memory_space<hbm>> -> memref<79x128xi32, #tpu.memory_space<hbm>>
      tpu.wait_dma2 semaphore(%run_scoped3A_96 : memref<!tpu.dma_semaphore, #tpu.memory_space<semaphore_mem>>) src(%dma_wait3A_112 : memref<79x128xi32, #tpu.memory_space<hbm>>) dst(%arg8 : memref<79x128xi32, #tpu.memory_space<vmem>>)
      tpu.yield
    }) : () -> ()
    %scan3A = arith.constant 0 : i32
    %scan3A_3 = arith.constant 0 : i32
    %scan3A_4 = arith.constant 79 : i32
    %scan3A_5 = arith.addi %scan3A_3, %scan3A_4 : i32
    %scan3A_6 = arith.constant 1 : i32
    %scan3A_7 = scf.for %scan3A_96 = %scan3A_3 to %scan3A_5 step %scan3A_6 iter_args(%scan3A_97 = %scan3A) -> (i32)  : i32 {
      %get3A = arith.index_cast %scan3A_96 : i32 to index
      %get3A_98 = arith.constant 0 : index
      %get3A_99 = tpu.vector_load %arg6[%get3A, %get3A_98] {strides = array<i32>} : memref<79x128xi32, #tpu.memory_space<vmem>>, vector<1x16xi32>,
      %get3A_100 = vector.shape_cast %get3A_99 : vector<1x16xi32> to vector<16xi32>
      %mul3A_101 = arith.constant 2 : i32
      %mul3A_102 = vector.broadcast %mul3A_101 : i32 to vector<16xi32>
      %mul3A_103 = arith.muli %get3A_100, %mul3A_102 : vector<16xi32>
      %add3A_104 = arith.constant 0 : i32
      %add3A_105 = vector.broadcast %add3A_104 : i32 to vector<16xi32>
      %add3A_106 = arith.addi %mul3A_103, %add3A_105 : vector<16xi32>
      %swap3A = arith.index_cast %scan3A_96 : i32 to index
      %swap3A_107 = arith.constant 0 : index
      %swap3A_108 = tpu.vector_load %arg7[%swap3A, %swap3A_107] {strides = array<i32>} : memref<79x128xi32, #tpu.memory_space<vmem>>, vector<1x16xi32>,
      %swap3A_109 = vector.shape_cast %swap3A_108 : vector<1x16xi32> to vector<16xi32>
      %swap3A_110 = vector.shape_cast %add3A_106 : vector<16xi32> to vector<1x16xi32>
      tpu.vector_store %arg7[%swap3A, %swap3A_107], %swap3A_110 {strides = array<i32>} : memref<79x128xi32, #tpu.memory_space<vmem>>, vector<1x16xi32>,
      %get3A_111 = arith.index_cast %scan3A_96 : i32 to index
      %get3A_112 = arith.constant 16 : index
      %get3A_113 = tpu.vector_load %arg6[%get3A_111, %get3A_112] {strides = array<i32>} : memref<79x128xi32, #tpu.memory_space<vmem>>, vector<1x16xi32>,
      %get3A_114 = vector.shape_cast %get3A_113 : vector<1x16xi32> to vector<16xi32>
      %mul3A_115 = arith.constant 2 : i32
      %mul3A_116 = vector.broadcast %mul3A_115 : i32 to vector<16xi32>
      %mul3A_117 = arith.muli %get3A_114, %mul3A_116 : vector<16xi32>
      %add3A_118 = arith.constant 0 : i32
      %add3A_119 = vector.broadcast %add3A_118 : i32 to vector<16xi32>
      %add3A_120 = arith.addi %mul3A_117, %add3A_119 : vector<16xi32>
      %swap3A_121 = arith.index_cast %scan3A_96 : i32 to index
      %swap3A_122 = arith.constant 16 : index
      %swap3A_123 = tpu.vector_load %arg7[%swap3A_121, %swap3A_122] {strides = array<i32>} : memref<79x128xi32, #tpu.memory_space<vmem>>, vector<1x16xi32>,
      %swap3A_124 = vector.shape_cast %swap3A_123 : vector<1x16xi32> to vector<16xi32>
      %swap3A_125 = vector.shape_cast %add3A_120 : vector<16xi32> to vector<1x16xi32>
      tpu.vector_store %arg7[%swap3A_121, %swap3A_122], %swap3A_125 {strides = array<i32>} : memref<79x128xi32, #tpu.memory_space<vmem>>, vector<1x16xi32>,
      %get3A_126 = arith.index_cast %scan3A_96 : i32 to index
      %get3A_127 = arith.constant 32 : index
      %get3A_128 = tpu.vector_load %arg6[%get3A_126, %get3A_127] {strides = array<i32>} : memref<79x128xi32, #tpu.memory_space<vmem>>, vector<1x16xi32>,
      %get3A_129 = vector.shape_cast %get3A_128 : vector<1x16xi32> to vector<16xi32>
      %mul3A_130 = arith.constant 2 : i32
      %mul3A_131 = vector.broadcast %mul3A_130 : i32 to vector<16xi32>
      %mul3A_132 = arith.muli %get3A_129, %mul3A_131 : vector<16xi32>
      %add3A_133 = arith.constant 0 : i32
      %add3A_134 = vector.broadcast %add3A_133 : i32 to vector<16xi32>
      %add3A_135 = arith.addi %mul3A_132, %add3A_134 : vector<16xi32>
      %swap3A_136 = arith.index_cast %scan3A_96 : i32 to index
      %swap3A_137 = arith.constant 32 : index
      %swap3A_138 = tpu.vector_load %arg7[%swap3A_136, %swap3A_137] {strides = array<i32>} : memref<79x128xi32, #tpu.memory_space<vmem>>, vector<1x16xi32>,
      %swap3A_139 = vector.shape_cast %swap3A_138 : vector<1x16xi32> to vector<16xi32>
      %swap3A_140 = vector.shape_cast %add3A_135 : vector<16xi32> to vector<1x16xi32>
      tpu.vector_store %arg7[%swap3A_136, %swap3A_137], %swap3A_140 {strides = array<i32>} : memref<79x128xi32, #tpu.memory_space<vmem>>, vector<1x16xi32>,
      %get3A_141 = arith.index_cast %scan3A_96 : i32 to index
      %get3A_142 = arith.constant 48 : index
      %get3A_143 = tpu.vector_load %arg6[%get3A_141, %get3A_142] {strides = array<i32>} : memref<79x128xi32, #tpu.memory_space<vmem>>, vector<1x16xi32>,
      %get3A_144 = vector.shape_cast %get3A_143 : vector<1x16xi32> to vector<16xi32>
      %mul3A_145 = arith.constant 2 : i32
      %mul3A_146 = vector.broadcast %mul3A_145 : i32 to vector<16xi32>
      %mul3A_147 = arith.muli %get3A_144, %mul3A_146 : vector<16xi32>
      %add3A_148 = arith.constant 0 : i32
      %add3A_149 = vector.broadcast %add3A_148 : i32 to vector<16xi32>
      %add3A_150 = arith.addi %mul3A_147, %add3A_149 : vector<16xi32>
      %swap3A_151 = arith.index_cast %scan3A_96 : i32 to index
      %swap3A_152 = arith.constant 48 : index
      %swap3A_153 = tpu.vector_load %arg7[%swap3A_151, %swap3A_152] {strides = array<i32>} : memref<79x128xi32, #tpu.memory_space<vmem>>, vector<1x16xi32>,
      %swap3A_154 = vector.shape_cast %swap3A_153 : vector<1x16xi32> to vector<16xi32>
      %swap3A_155 = vector.shape_cast %add3A_150 : vector<16xi32> to vector<1x16xi32>
      tpu.vector_store %arg7[%swap3A_151, %swap3A_152], %swap3A_155 {strides = array<i32>} : memref<79x128xi32, #tpu.memory_space<vmem>>, vector<1x16xi32>,
      %get3A_156 = arith.index_cast %scan3A_96 : i32 to index
      %get3A_157 = arith.constant 64 : index
      %get3A_158 = tpu.vector_load %arg6[%get3A_156, %get3A_157] {strides = array<i32>} : memref<79x128xi32, #tpu.memory_space<vmem>>, vector<1x16xi32>,
      %get3A_159 = vector.shape_cast %get3A_158 : vector<1x16xi32> to vector<16xi32>
      %mul3A_160 = arith.constant 2 : i32
      %mul3A_161 = vector.broadcast %mul3A_160 : i32 to vector<16xi32>
      %mul3A_162 = arith.muli %get3A_159, %mul3A_161 : vector<16xi32>
      %add3A_163 = arith.constant 0 : i32
      %add3A_164 = vector.broadcast %add3A_163 : i32 to vector<16xi32>
      %add3A_165 = arith.addi %mul3A_162, %add3A_164 : vector<16xi32>
      %swap3A_166 = arith.index_cast %scan3A_96 : i32 to index
      %swap3A_167 = arith.constant 64 : index
      %swap3A_168 = tpu.vector_load %arg7[%swap3A_166, %swap3A_167] {strides = array<i32>} : memref<79x128xi32, #tpu.memory_space<vmem>>, vector<1x16xi32>,
      %swap3A_169 = vector.shape_cast %swap3A_168 : vector<1x16xi32> to vector<16xi32>
      %swap3A_170 = vector.shape_cast %add3A_165 : vector<16xi32> to vector<1x16xi32>
      tpu.vector_store %arg7[%swap3A_166, %swap3A_167], %swap3A_170 {strides = array<i32>} : memref<79x128xi32, #tpu.memory_space<vmem>>, vector<1x16xi32>,
      %get3A_171 = arith.index_cast %scan3A_96 : i32 to index
      %get3A_172 = arith.constant 80 : index
      %get3A_173 = tpu.vector_load %arg6[%get3A_171, %get3A_172] {strides = array<i32>} : memref<79x128xi32, #tpu.memory_space<vmem>>, vector<1x16xi32>,
      %get3A_174 = vector.shape_cast %get3A_173 : vector<1x16xi32> to vector<16xi32>
      %mul3A_175 = arith.constant 2 : i32
      %mul3A_176 = vector.broadcast %mul3A_175 : i32 to vector<16xi32>
      %mul3A_177 = arith.muli %get3A_174, %mul3A_176 : vector<16xi32>
      %add3A_178 = arith.constant 0 : i32
      %add3A_179 = vector.broadcast %add3A_178 : i32 to vector<16xi32>
      %add3A_180 = arith.addi %mul3A_177, %add3A_179 : vector<16xi32>
      %swap3A_181 = arith.index_cast %scan3A_96 : i32 to index
      %swap3A_182 = arith.constant 80 : index
      %swap3A_183 = tpu.vector_load %arg7[%swap3A_181, %swap3A_182] {strides = array<i32>} : memref<79x128xi32, #tpu.memory_space<vmem>>, vector<1x16xi32>,
      %swap3A_184 = vector.shape_cast %swap3A_183 : vector<1x16xi32> to vector<16xi32>
      %swap3A_185 = vector.shape_cast %add3A_180 : vector<16xi32> to vector<1x16xi32>
      tpu.vector_store %arg7[%swap3A_181, %swap3A_182], %swap3A_185 {strides = array<i32>} : memref<79x128xi32, #tpu.memory_space<vmem>>, vector<1x16xi32>,
      %get3A_186 = arith.index_cast %scan3A_96 : i32 to index
      %get3A_187 = arith.constant 96 : index
      %get3A_188 = tpu.vector_load %arg6[%get3A_186, %get3A_187] {strides = array<i32>} : memref<79x128xi32, #tpu.memory_space<vmem>>, vector<1x16xi32>,
      %get3A_189 = vector.shape_cast %get3A_188 : vector<1x16xi32> to vector<16xi32>
      %mul3A_190 = arith.constant 2 : i32
      %mul3A_191 = vector.broadcast %mul3A_190 : i32 to vector<16xi32>
      %mul3A_192 = arith.muli %get3A_189, %mul3A_191 : vector<16xi32>
      %add3A_193 = arith.constant 0 : i32
      %add3A_194 = vector.broadcast %add3A_193 : i32 to vector<16xi32>
      %add3A_195 = arith.addi %mul3A_192, %add3A_194 : vector<16xi32>
      %swap3A_196 = arith.index_cast %scan3A_96 : i32 to index
      %swap3A_197 = arith.constant 96 : index
      %swap3A_198 = tpu.vector_load %arg7[%swap3A_196, %swap3A_197] {strides = array<i32>} : memref<79x128xi32, #tpu.memory_space<vmem>>, vector<1x16xi32>,
      %swap3A_199 = vector.shape_cast %swap3A_198 : vector<1x16xi32> to vector<16xi32>
      %swap3A_200 = vector.shape_cast %add3A_195 : vector<16xi32> to vector<1x16xi32>
      tpu.vector_store %arg7[%swap3A_196, %swap3A_197], %swap3A_200 {strides = array<i32>} : memref<79x128xi32, #tpu.memory_space<vmem>>, vector<1x16xi32>,
      %get3A_201 = arith.index_cast %scan3A_96 : i32 to index
      %get3A_202 = arith.constant 112 : index
      %get3A_203 = tpu.vector_load %arg6[%get3A_201, %get3A_202] {strides = array<i32>} : memref<79x128xi32, #tpu.memory_space<vmem>>, vector<1x16xi32>,
      %get3A_204 = vector.shape_cast %get3A_203 : vector<1x16xi32> to vector<16xi32>
      %mul3A_205 = arith.constant 2 : i32
      %mul3A_206 = vector.broadcast %mul3A_205 : i32 to vector<16xi32>
      %mul3A_207 = arith.muli %get3A_204, %mul3A_206 : vector<16xi32>
      %add3A_208 = arith.constant 0 : i32
      %add3A_209 = vector.broadcast %add3A_208 : i32 to vector<16xi32>
      %add3A_210 = arith.addi %mul3A_207, %add3A_209 : vector<16xi32>
      %swap3A_211 = arith.index_cast %scan3A_96 : i32 to index
      %swap3A_212 = arith.constant 112 : index
      %swap3A_213 = tpu.vector_load %arg7[%swap3A_211, %swap3A_212] {strides = array<i32>} : memref<79x128xi32, #tpu.memory_space<vmem>>, vector<1x16xi32>,
      %swap3A_214 = vector.shape_cast %swap3A_213 : vector<1x16xi32> to vector<16xi32>
      %swap3A_215 = vector.shape_cast %add3A_210 : vector<16xi32> to vector<1x16xi32>
      tpu.vector_store %arg7[%swap3A_211, %swap3A_212], %swap3A_215 {strides = array<i32>} : memref<79x128xi32, #tpu.memory_space<vmem>>, vector<1x16xi32>,
      %scan3A_216 = arith.constant 0 : i32
      scf.yield %scan3A_216 : i32
    }
    %scan3A_8 = arith.constant 79 : i32
    %scan3A_9 = arith.constant 0 : i32
    %scan3A_10 = arith.constant 0 : i32
    %scan3A_11 = arith.constant 128 : i32
    %scan3A_12 = arith.addi %scan3A_10, %scan3A_11 : i32
    %scan3A_13 = arith.constant 1 : i32
    %scan3A_14 = scf.for %scan3A_96 = %scan3A_10 to %scan3A_12 step %scan3A_13 iter_args(%scan3A_97 = %scan3A_9) -> (i32)  : i32 {
      %broadcast_in_dim3A = arith.constant 0.000000e+00 : f32
      %broadcast_in_dim3A_98 = vector.broadcast %broadcast_in_dim3A : f32 to vector<16xf32>
      %swap3A = arith.index_cast %scan3A_96 : i32 to index
      %swap3A_99 = arith.constant 0 : index
      %swap3A_100 = tpu.vector_load %arg9[%swap3A, %swap3A_99] {strides = array<i32>} : memref<128x64xf32, #tpu.memory_space<vmem>>, vector<1x16xf32>,
      %swap3A_101 = vector.shape_cast %swap3A_100 : vector<1x16xf32> to vector<16xf32>
      %swap3A_102 = vector.shape_cast %broadcast_in_dim3A_98 : vector<16xf32> to vector<1x16xf32>
      tpu.vector_store %arg9[%swap3A, %swap3A_99], %swap3A_102 {strides = array<i32>} : memref<128x64xf32, #tpu.memory_space<vmem>>, vector<1x16xf32>,
      %broadcast_in_dim3A_103 = arith.constant 0.000000e+00 : f32
      %broadcast_in_dim3A_104 = vector.broadcast %broadcast_in_dim3A_103 : f32 to vector<16xf32>
      %swap3A_105 = arith.index_cast %scan3A_96 : i32 to index
      %swap3A_106 = arith.constant 16 : index
      %swap3A_107 = tpu.vector_load %arg9[%swap3A_105, %swap3A_106] {strides = array<i32>} : memref<128x64xf32, #tpu.memory_space<vmem>>, vector<1x16xf32>,
      %swap3A_108 = vector.shape_cast %swap3A_107 : vector<1x16xf32> to vector<16xf32>
      %swap3A_109 = vector.shape_cast %broadcast_in_dim3A_104 : vector<16xf32> to vector<1x16xf32>
      tpu.vector_store %arg9[%swap3A_105, %swap3A_106], %swap3A_109 {strides = array<i32>} : memref<128x64xf32, #tpu.memory_space<vmem>>, vector<1x16xf32>,
      %broadcast_in_dim3A_110 = arith.constant 0.000000e+00 : f32
      %broadcast_in_dim3A_111 = vector.broadcast %broadcast_in_dim3A_110 : f32 to vector<16xf32>
      %swap3A_112 = arith.index_cast %scan3A_96 : i32 to index
      %swap3A_113 = arith.constant 32 : index
      %swap3A_114 = tpu.vector_load %arg9[%swap3A_112, %swap3A_113] {strides = array<i32>} : memref<128x64xf32, #tpu.memory_space<vmem>>, vector<1x16xf32>,
      %swap3A_115 = vector.shape_cast %swap3A_114 : vector<1x16xf32> to vector<16xf32>
      %swap3A_116 = vector.shape_cast %broadcast_in_dim3A_111 : vector<16xf32> to vector<1x16xf32>
      tpu.vector_store %arg9[%swap3A_112, %swap3A_113], %swap3A_116 {strides = array<i32>} : memref<128x64xf32, #tpu.memory_space<vmem>>, vector<1x16xf32>,
      %broadcast_in_dim3A_117 = arith.constant 0.000000e+00 : f32
      %broadcast_in_dim3A_118 = vector.broadcast %broadcast_in_dim3A_117 : f32 to vector<16xf32>
      %swap3A_119 = arith.index_cast %scan3A_96 : i32 to index
      %swap3A_120 = arith.constant 48 : index
      %swap3A_121 = tpu.vector_load %arg9[%swap3A_119, %swap3A_120] {strides = array<i32>} : memref<128x64xf32, #tpu.memory_space<vmem>>, vector<1x16xf32>,
      %swap3A_122 = vector.shape_cast %swap3A_121 : vector<1x16xf32> to vector<16xf32>
      %swap3A_123 = vector.shape_cast %broadcast_in_dim3A_118 : vector<16xf32> to vector<1x16xf32>
      tpu.vector_store %arg9[%swap3A_119, %swap3A_120], %swap3A_123 {strides = array<i32>} : memref<128x64xf32, #tpu.memory_space<vmem>>, vector<1x16xf32>,
      %scan3A_124 = arith.constant 0 : i32
      scf.yield %scan3A_124 : i32
    }
    %scan3A_15 = arith.constant 128 : i32
    %add3A_16 = arith.constant 0 : i32
    %add3A_17 = arith.addi %mul3A_2, %add3A_16 : i32
    "tpu.region"() ({
      %run_scoped3A_96 = tpu.sem_alloc : memref<!tpu.dma_semaphore, #tpu.memory_space<semaphore_mem>>
      %dma_start3A_97 = arith.constant 0 : i32
      %dma_start3A_98 = tpu.memref_slice %arg11[%add3A_17, %dma_start3A_97] : memref<10240x64xf32, #tpu.memory_space<vmem_shared>> -> memref<128x64xf32, #tpu.memory_space<vmem_shared>>
      %dma_start3A_99 = arith.constant 0 : i32
      %dma_start3A_100 = tpu.memref_slice %arg11[%add3A_17, %dma_start3A_99] : memref<10240x64xf32, #tpu.memory_space<vmem_shared>> -> memref<128x64xf32, #tpu.memory_space<vmem_shared>>
      tpu.enqueue_dma source(%arg9 : memref<128x64xf32, #tpu.memory_space<vmem>>) target(%dma_start3A_100 : memref<128x64xf32, #tpu.memory_space<vmem_shared>>) target_semaphore(%run_scoped3A_96 : memref<!tpu.dma_semaphore, #tpu.memory_space<semaphore_mem>>)
      %dma_wait3A_101 = arith.constant 0 : i32
      %dma_wait3A_102 = tpu.memref_slice %arg11[%add3A_17, %dma_wait3A_101] : memref<10240x64xf32, #tpu.memory_space<vmem_shared>> -> memref<128x64xf32, #tpu.memory_space<vmem_shared>>
      %dma_wait3A_103 = arith.constant 0 : i32
      %dma_wait3A_104 = tpu.memref_slice %arg11[%add3A_17, %dma_wait3A_103] : memref<10240x64xf32, #tpu.memory_space<vmem_shared>> -> memref<128x64xf32, #tpu.memory_space<vmem_shared>>
      tpu.wait_dma2 semaphore(%run_scoped3A_96 : memref<!tpu.dma_semaphore, #tpu.memory_space<semaphore_mem>>) src(%arg9 : memref<128x64xf32, #tpu.memory_space<vmem>>) dst(%dma_wait3A_104 : memref<128x64xf32, #tpu.memory_space<vmem_shared>>)
      tpu.yield
    }) : () -> ()
    %add3A_18 = arith.constant 128 : i32
    %add3A_19 = arith.addi %mul3A_2, %add3A_18 : i32
    "tpu.region"() ({
      %run_scoped3A_96 = tpu.sem_alloc : memref<!tpu.dma_semaphore, #tpu.memory_space<semaphore_mem>>
      %dma_start3A_97 = arith.constant 0 : i32
      %dma_start3A_98 = tpu.memref_slice %arg11[%add3A_19, %dma_start3A_97] : memref<10240x64xf32, #tpu.memory_space<vmem_shared>> -> memref<128x64xf32, #tpu.memory_space<vmem_shared>>
      %dma_start3A_99 = arith.constant 0 : i32
      %dma_start3A_100 = tpu.memref_slice %arg11[%add3A_19, %dma_start3A_99] : memref<10240x64xf32, #tpu.memory_space<vmem_shared>> -> memref<128x64xf32, #tpu.memory_space<vmem_shared>>
      tpu.enqueue_dma source(%arg9 : memref<128x64xf32, #tpu.memory_space<vmem>>) target(%dma_start3A_100 : memref<128x64xf32, #tpu.memory_space<vmem_shared>>) target_semaphore(%run_scoped3A_96 : memref<!tpu.dma_semaphore, #tpu.memory_space<semaphore_mem>>)
      %dma_wait3A_101 = arith.constant 0 : i32
      %dma_wait3A_102 = tpu.memref_slice %arg11[%add3A_19, %dma_wait3A_101] : memref<10240x64xf32, #tpu.memory_space<vmem_shared>> -> memref<128x64xf32, #tpu.memory_space<vmem_shared>>
      %dma_wait3A_103 = arith.constant 0 : i32
      %dma_wait3A_104 = tpu.memref_slice %arg11[%add3A_19, %dma_wait3A_103] : memref<10240x64xf32, #tpu.memory_space<vmem_shared>> -> memref<128x64xf32, #tpu.memory_space<vmem_shared>>
      tpu.wait_dma2 semaphore(%run_scoped3A_96 : memref<!tpu.dma_semaphore, #tpu.memory_space<semaphore_mem>>) src(%arg9 : memref<128x64xf32, #tpu.memory_space<vmem>>) dst(%dma_wait3A_104 : memref<128x64xf32, #tpu.memory_space<vmem_shared>>)
      tpu.yield
    }) : () -> ()
    %add3A_20 = arith.constant 256 : i32
    %add3A_21 = arith.addi %mul3A_2, %add3A_20 : i32
    "tpu.region"() ({
      %run_scoped3A_96 = tpu.sem_alloc : memref<!tpu.dma_semaphore, #tpu.memory_space<semaphore_mem>>
      %dma_start3A_97 = arith.constant 0 : i32
      %dma_start3A_98 = tpu.memref_slice %arg11[%add3A_21, %dma_start3A_97] : memref<10240x64xf32, #tpu.memory_space<vmem_shared>> -> memref<128x64xf32, #tpu.memory_space<vmem_shared>>
      %dma_start3A_99 = arith.constant 0 : i32
      %dma_start3A_100 = tpu.memref_slice %arg11[%add3A_21, %dma_start3A_99] : memref<10240x64xf32, #tpu.memory_space<vmem_shared>> -> memref<128x64xf32, #tpu.memory_space<vmem_shared>>
      tpu.enqueue_dma source(%arg9 : memref<128x64xf32, #tpu.memory_space<vmem>>) target(%dma_start3A_100 : memref<128x64xf32, #tpu.memory_space<vmem_shared>>) target_semaphore(%run_scoped3A_96 : memref<!tpu.dma_semaphore, #tpu.memory_space<semaphore_mem>>)
      %dma_wait3A_101 = arith.constant 0 : i32
      %dma_wait3A_102 = tpu.memref_slice %arg11[%add3A_21, %dma_wait3A_101] : memref<10240x64xf32, #tpu.memory_space<vmem_shared>> -> memref<128x64xf32, #tpu.memory_space<vmem_shared>>
      %dma_wait3A_103 = arith.constant 0 : i32
      %dma_wait3A_104 = tpu.memref_slice %arg11[%add3A_21, %dma_wait3A_103] : memref<10240x64xf32, #tpu.memory_space<vmem_shared>> -> memref<128x64xf32, #tpu.memory_space<vmem_shared>>
      tpu.wait_dma2 semaphore(%run_scoped3A_96 : memref<!tpu.dma_semaphore, #tpu.memory_space<semaphore_mem>>) src(%arg9 : memref<128x64xf32, #tpu.memory_space<vmem>>) dst(%dma_wait3A_104 : memref<128x64xf32, #tpu.memory_space<vmem_shared>>)
      tpu.yield
    }) : () -> ()
    %add3A_22 = arith.constant 384 : i32
    %add3A_23 = arith.addi %mul3A_2, %add3A_22 : i32
    "tpu.region"() ({
      %run_scoped3A_96 = tpu.sem_alloc : memref<!tpu.dma_semaphore, #tpu.memory_space<semaphore_mem>>
      %dma_start3A_97 = arith.constant 0 : i32
      %dma_start3A_98 = tpu.memref_slice %arg11[%add3A_23, %dma_start3A_97] : memref<10240x64xf32, #tpu.memory_space<vmem_shared>> -> memref<128x64xf32, #tpu.memory_space<vmem_shared>>
      %dma_start3A_99 = arith.constant 0 : i32
      %dma_start3A_100 = tpu.memref_slice %arg11[%add3A_23, %dma_start3A_99] : memref<10240x64xf32, #tpu.memory_space<vmem_shared>> -> memref<128x64xf32, #tpu.memory_space<vmem_shared>>
      tpu.enqueue_dma source(%arg9 : memref<128x64xf32, #tpu.memory_space<vmem>>) target(%dma_start3A_100 : memref<128x64xf32, #tpu.memory_space<vmem_shared>>) target_semaphore(%run_scoped3A_96 : memref<!tpu.dma_semaphore, #tpu.memory_space<semaphore_mem>>)
      %dma_wait3A_101 = arith.constant 0 : i32
      %dma_wait3A_102 = tpu.memref_slice %arg11[%add3A_23, %dma_wait3A_101] : memref<10240x64xf32, #tpu.memory_space<vmem_shared>> -> memref<128x64xf32, #tpu.memory_space<vmem_shared>>
      %dma_wait3A_103 = arith.constant 0 : i32
      %dma_wait3A_104 = tpu.memref_slice %arg11[%add3A_23, %dma_wait3A_103] : memref<10240x64xf32, #tpu.memory_space<vmem_shared>> -> memref<128x64xf32, #tpu.memory_space<vmem_shared>>
      tpu.wait_dma2 semaphore(%run_scoped3A_96 : memref<!tpu.dma_semaphore, #tpu.memory_space<semaphore_mem>>) src(%arg9 : memref<128x64xf32, #tpu.memory_space<vmem>>) dst(%dma_wait3A_104 : memref<128x64xf32, #tpu.memory_space<vmem_shared>>)
      tpu.yield
    }) : () -> ()
    %add3A_24 = arith.constant 512 : i32
    %add3A_25 = arith.addi %mul3A_2, %add3A_24 : i32
    "tpu.region"() ({
      %run_scoped3A_96 = tpu.sem_alloc : memref<!tpu.dma_semaphore, #tpu.memory_space<semaphore_mem>>
      %dma_start3A_97 = arith.constant 0 : i32
      %dma_start3A_98 = tpu.memref_slice %arg11[%add3A_25, %dma_start3A_97] : memref<10240x64xf32, #tpu.memory_space<vmem_shared>> -> memref<128x64xf32, #tpu.memory_space<vmem_shared>>
      %dma_start3A_99 = arith.constant 0 : i32
      %dma_start3A_100 = tpu.memref_slice %arg11[%add3A_25, %dma_start3A_99] : memref<10240x64xf32, #tpu.memory_space<vmem_shared>> -> memref<128x64xf32, #tpu.memory_space<vmem_shared>>
      tpu.enqueue_dma source(%arg9 : memref<128x64xf32, #tpu.memory_space<vmem>>) target(%dma_start3A_100 : memref<128x64xf32, #tpu.memory_space<vmem_shared>>) target_semaphore(%run_scoped3A_96 : memref<!tpu.dma_semaphore, #tpu.memory_space<semaphore_mem>>)
      %dma_wait3A_101 = arith.constant 0 : i32
      %dma_wait3A_102 = tpu.memref_slice %arg11[%add3A_25, %dma_wait3A_101] : memref<10240x64xf32, #tpu.memory_space<vmem_shared>> -> memref<128x64xf32, #tpu.memory_space<vmem_shared>>
      %dma_wait3A_103 = arith.constant 0 : i32
      %dma_wait3A_104 = tpu.memref_slice %arg11[%add3A_25, %dma_wait3A_103] : memref<10240x64xf32, #tpu.memory_space<vmem_shared>> -> memref<128x64xf32, #tpu.memory_space<vmem_shared>>
      tpu.wait_dma2 semaphore(%run_scoped3A_96 : memref<!tpu.dma_semaphore, #tpu.memory_space<semaphore_mem>>) src(%arg9 : memref<128x64xf32, #tpu.memory_space<vmem>>) dst(%dma_wait3A_104 : memref<128x64xf32, #tpu.memory_space<vmem_shared>>)
      tpu.yield
    }) : () -> ()
    %barrier3A = arith.constant 0 : index
    tpu.barrier barrier_id(%barrier3A)
    %dma_start3A = arith.constant 0 : i32
    %dma_start3A_26 = arith.constant 0 : i32
    %dma_start3A_27 = tpu.memref_slice %arg7[%dma_start3A, %dma_start3A_26] : memref<79x128xi32, #tpu.memory_space<vmem>> -> memref<1x128xi32, #tpu.memory_space<vmem>>
    %dma_start3A_28 = tpu.memref_squeeze %dma_start3A_27 : memref<1x128xi32, #tpu.memory_space<vmem>> -> memref<128xi32, #tpu.memory_space<vmem>>
    %dma_start3A_29 = arith.constant 0 : i32
    %dma_start3A_30 = arith.constant 0 : i32
    %dma_start3A_31 = tpu.memref_slice %arg2[%dma_start3A_29, %dma_start3A_30] : memref<20480x64xf32, #tpu.memory_space<hbm>> -> memref<20480x64xf32, #tpu.memory_space<hbm>>
    tpu.enqueue_indirect_dma source(%dma_start3A_31 : memref<20480x64xf32, #tpu.memory_space<hbm>>) target(%arg9 : memref<128x64xf32, #tpu.memory_space<vmem>>) offsets(%dma_start3A_28 : memref<128xi32, #tpu.memory_space<vmem>>) semaphore(%arg12 : memref<!tpu.dma_semaphore, #tpu.memory_space<semaphore_mem>>)
    %scan3A_32 = arith.constant 0 : i32
    %scan3A_33 = arith.constant 0 : i32
    %scan3A_34 = arith.constant 39 : i32
    %scan3A_35 = arith.addi %scan3A_33, %scan3A_34 : i32
    %scan3A_36 = arith.constant 1 : i32
    %scan3A_37 = scf.for %scan3A_96 = %scan3A_33 to %scan3A_35 step %scan3A_36 iter_args(%scan3A_97 = %scan3A_32) -> (i32)  : i32 {
      %mul3A_98 = arith.constant 2 : i32
      %mul3A_99 = arith.muli %mul3A_98, %scan3A_96 : i32
      %add3A_100 = arith.constant 0 : i32
      %add3A_101 = arith.addi %mul3A_99, %add3A_100 : i32
      %add3A_102 = arith.constant 1 : i32
      %add3A_103 = arith.addi %add3A_101, %add3A_102 : i32
      %dma_start3A_104 = arith.constant 0 : i32
      %dma_start3A_105 = tpu.memref_slice %arg7[%add3A_103, %dma_start3A_104] : memref<79x128xi32, #tpu.memory_space<vmem>> -> memref<1x128xi32, #tpu.memory_space<vmem>>
      %dma_start3A_106 = tpu.memref_squeeze %dma_start3A_105 : memref<1x128xi32, #tpu.memory_space<vmem>> -> memref<128xi32, #tpu.memory_space<vmem>>
      %dma_start3A_107 = arith.constant 0 : i32
      %dma_start3A_108 = arith.constant 0 : i32
      %dma_start3A_109 = tpu.memref_slice %arg2[%dma_start3A_107, %dma_start3A_108] : memref<20480x64xf32, #tpu.memory_space<hbm>> -> memref<20480x64xf32, #tpu.memory_space<hbm>>
      tpu.enqueue_indirect_dma source(%dma_start3A_109 : memref<20480x64xf32, #tpu.memory_space<hbm>>) target(%arg10 : memref<128x64xf32, #tpu.memory_space<vmem>>) offsets(%dma_start3A_106 : memref<128xi32, #tpu.memory_space<vmem>>) semaphore(%arg13 : memref<!tpu.dma_semaphore, #tpu.memory_space<semaphore_mem>>)
      %dma_wait3A_110 = arith.constant 0 : i32
      %dma_wait3A_111 = tpu.memref_slice %arg7[%add3A_101, %dma_wait3A_110] : memref<79x128xi32, #tpu.memory_space<vmem>> -> memref<1x128xi32, #tpu.memory_space<vmem>>
      %dma_wait3A_112 = tpu.memref_squeeze %dma_wait3A_111 : memref<1x128xi32, #tpu.memory_space<vmem>> -> memref<128xi32, #tpu.memory_space<vmem>>
      %dma_wait3A_113 = arith.constant 0 : i32
      %dma_wait3A_114 = arith.constant 0 : i32
      %dma_wait3A_115 = tpu.memref_slice %arg2[%dma_wait3A_113, %dma_wait3A_114] : memref<20480x64xf32, #tpu.memory_space<hbm>> -> memref<20480x64xf32, #tpu.memory_space<hbm>>
      tpu.wait_indirect_dma semaphore(%arg12 : memref<!tpu.dma_semaphore, #tpu.memory_space<semaphore_mem>>) src(%dma_wait3A_115 : memref<20480x64xf32, #tpu.memory_space<hbm>>) dst(%arg9 : memref<128x64xf32, #tpu.memory_space<vmem>>)
      "tpu.region"() ({
        %run_scoped3A_135 = tpu.sem_alloc : memref<!tpu.dma_semaphore, #tpu.memory_space<semaphore_mem>>
        %dma_start3A_136 = arith.constant 0 : i32
        %dma_start3A_137 = tpu.memref_slice %arg8[%add3A_101, %dma_start3A_136] : memref<79x128xi32, #tpu.memory_space<vmem>> -> memref<1x128xi32, #tpu.memory_space<vmem>>
        %dma_start3A_138 = tpu.memref_squeeze %dma_start3A_137 : memref<1x128xi32, #tpu.memory_space<vmem>> -> memref<128xi32, #tpu.memory_space<vmem>>
        %dma_start3A_139 = arith.constant 0 : i32
        %dma_start3A_140 = arith.constant 0 : i32
        %dma_start3A_141 = tpu.memref_slice %arg11[%dma_start3A_139, %dma_start3A_140] : memref<10240x64xf32, #tpu.memory_space<vmem_shared>> -> memref<10240x64xf32, #tpu.memory_space<vmem_shared>>
        tpu.enqueue_indirect_dma source(%arg9 : memref<128x64xf32, #tpu.memory_space<vmem>>) target(%dma_start3A_141 : memref<10240x64xf32, #tpu.memory_space<vmem_shared>>) offsets(%dma_start3A_138 : memref<128xi32, #tpu.memory_space<vmem>>) semaphore(%run_scoped3A_135 : memref<!tpu.dma_semaphore, #tpu.memory_space<semaphore_mem>>) {add = true}
        %dma_wait3A_142 = arith.constant 0 : i32
        %dma_wait3A_143 = tpu.memref_slice %arg8[%add3A_101, %dma_wait3A_142] : memref<79x128xi32, #tpu.memory_space<vmem>> -> memref<1x128xi32, #tpu.memory_space<vmem>>
        %dma_wait3A_144 = tpu.memref_squeeze %dma_wait3A_143 : memref<1x128xi32, #tpu.memory_space<vmem>> -> memref<128xi32, #tpu.memory_space<vmem>>
        %dma_wait3A_145 = arith.constant 0 : i32
        %dma_wait3A_146 = arith.constant 0 : i32
        %dma_wait3A_147 = tpu.memref_slice %arg11[%dma_wait3A_145, %dma_wait3A_146] : memref<10240x64xf32, #tpu.memory_space<vmem_shared>> -> memref<10240x64xf32, #tpu.memory_space<vmem_shared>>
        tpu.wait_indirect_dma semaphore(%run_scoped3A_135 : memref<!tpu.dma_semaphore, #tpu.memory_space<semaphore_mem>>) src(%arg9 : memref<128x64xf32, #tpu.memory_space<vmem>>) dst(%dma_wait3A_147 : memref<10240x64xf32, #tpu.memory_space<vmem_shared>>)
        tpu.yield
      }) : () -> ()
      %mul3A_116 = arith.constant 2 : i32
      %mul3A_117 = arith.muli %mul3A_116, %scan3A_96 : i32
      %add3A_118 = arith.constant 1 : i32
      %add3A_119 = arith.addi %mul3A_117, %add3A_118 : i32
      %add3A_120 = arith.constant 1 : i32
      %add3A_121 = arith.addi %add3A_119, %add3A_120 : i32
      %dma_start3A_122 = arith.constant 0 : i32
      %dma_start3A_123 = tpu.memref_slice %arg7[%add3A_121, %dma_start3A_122] : memref<79x128xi32, #tpu.memory_space<vmem>> -> memref<1x128xi32, #tpu.memory_space<vmem>>
      %dma_start3A_124 = tpu.memref_squeeze %dma_start3A_123 : memref<1x128xi32, #tpu.memory_space<vmem>> -> memref<128xi32, #tpu.memory_space<vmem>>
      %dma_start3A_125 = arith.constant 0 : i32
      %dma_start3A_126 = arith.constant 0 : i32
      %dma_start3A_127 = tpu.memref_slice %arg2[%dma_start3A_125, %dma_start3A_126] : memref<20480x64xf32, #tpu.memory_space<hbm>> -> memref<20480x64xf32, #tpu.memory_space<hbm>>
      tpu.enqueue_indirect_dma source(%dma_start3A_127 : memref<20480x64xf32, #tpu.memory_space<hbm>>) target(%arg9 : memref<128x64xf32, #tpu.memory_space<vmem>>) offsets(%dma_start3A_124 : memref<128xi32, #tpu.memory_space<vmem>>) semaphore(%arg12 : memref<!tpu.dma_semaphore, #tpu.memory_space<semaphore_mem>>)
      %dma_wait3A_128 = arith.constant 0 : i32
      %dma_wait3A_129 = tpu.memref_slice %arg7[%add3A_119, %dma_wait3A_128] : memref<79x128xi32, #tpu.memory_space<vmem>> -> memref<1x128xi32, #tpu.memory_space<vmem>>
      %dma_wait3A_130 = tpu.memref_squeeze %dma_wait3A_129 : memref<1x128xi32, #tpu.memory_space<vmem>> -> memref<128xi32, #tpu.memory_space<vmem>>
      %dma_wait3A_131 = arith.constant 0 : i32
      %dma_wait3A_132 = arith.constant 0 : i32
      %dma_wait3A_133 = tpu.memref_slice %arg2[%dma_wait3A_131, %dma_wait3A_132] : memref<20480x64xf32, #tpu.memory_space<hbm>> -> memref<20480x64xf32, #tpu.memory_space<hbm>>
      tpu.wait_indirect_dma semaphore(%arg13 : memref<!tpu.dma_semaphore, #tpu.memory_space<semaphore_mem>>) src(%dma_wait3A_133 : memref<20480x64xf32, #tpu.memory_space<hbm>>) dst(%arg10 : memref<128x64xf32, #tpu.memory_space<vmem>>)
      "tpu.region"() ({
        %run_scoped3A_135 = tpu.sem_alloc : memref<!tpu.dma_semaphore, #tpu.memory_space<semaphore_mem>>
        %dma_start3A_136 = arith.constant 0 : i32
        %dma_start3A_137 = tpu.memref_slice %arg8[%add3A_119, %dma_start3A_136] : memref<79x128xi32, #tpu.memory_space<vmem>> -> memref<1x128xi32, #tpu.memory_space<vmem>>
        %dma_start3A_138 = tpu.memref_squeeze %dma_start3A_137 : memref<1x128xi32, #tpu.memory_space<vmem>> -> memref<128xi32, #tpu.memory_space<vmem>>
        %dma_start3A_139 = arith.constant 0 : i32
        %dma_start3A_140 = arith.constant 0 : i32
        %dma_start3A_141 = tpu.memref_slice %arg11[%dma_start3A_139, %dma_start3A_140] : memref<10240x64xf32, #tpu.memory_space<vmem_shared>> -> memref<10240x64xf32, #tpu.memory_space<vmem_shared>>
        tpu.enqueue_indirect_dma source(%arg10 : memref<128x64xf32, #tpu.memory_space<vmem>>) target(%dma_start3A_141 : memref<10240x64xf32, #tpu.memory_space<vmem_shared>>) offsets(%dma_start3A_138 : memref<128xi32, #tpu.memory_space<vmem>>) semaphore(%run_scoped3A_135 : memref<!tpu.dma_semaphore, #tpu.memory_space<semaphore_mem>>) {add = true}
        %dma_wait3A_142 = arith.constant 0 : i32
        %dma_wait3A_143 = tpu.memref_slice %arg8[%add3A_119, %dma_wait3A_142] : memref<79x128xi32, #tpu.memory_space<vmem>> -> memref<1x128xi32, #tpu.memory_space<vmem>>
        %dma_wait3A_144 = tpu.memref_squeeze %dma_wait3A_143 : memref<1x128xi32, #tpu.memory_space<vmem>> -> memref<128xi32, #tpu.memory_space<vmem>>
        %dma_wait3A_145 = arith.constant 0 : i32
        %dma_wait3A_146 = arith.constant 0 : i32
        %dma_wait3A_147 = tpu.memref_slice %arg11[%dma_wait3A_145, %dma_wait3A_146] : memref<10240x64xf32, #tpu.memory_space<vmem_shared>> -> memref<10240x64xf32, #tpu.memory_space<vmem_shared>>
        tpu.wait_indirect_dma semaphore(%run_scoped3A_135 : memref<!tpu.dma_semaphore, #tpu.memory_space<semaphore_mem>>) src(%arg10 : memref<128x64xf32, #tpu.memory_space<vmem>>) dst(%dma_wait3A_147 : memref<10240x64xf32, #tpu.memory_space<vmem_shared>>)
        tpu.yield
      }) : () -> ()
      %scan3A_134 = arith.constant 0 : i32
      scf.yield %scan3A_134 : i32
    }
    %scan3A_38 = arith.constant 39 : i32
    %dma_wait3A = arith.constant 78 : i32
    %dma_wait3A_39 = arith.constant 0 : i32
    %dma_wait3A_40 = tpu.memref_slice %arg7[%dma_wait3A, %dma_wait3A_39] : memref<79x128xi32, #tpu.memory_space<vmem>> -> memref<1x128xi32, #tpu.memory_space<vmem>>
    %dma_wait3A_41 = tpu.memref_squeeze %dma_wait3A_40 : memref<1x128xi32, #tpu.memory_space<vmem>> -> memref<128xi32, #tpu.memory_space<vmem>>
    %dma_wait3A_42 = arith.constant 0 : i32
    %dma_wait3A_43 = arith.constant 0 : i32
    %dma_wait3A_44 = tpu.memref_slice %arg2[%dma_wait3A_42, %dma_wait3A_43] : memref<20480x64xf32, #tpu.memory_space<hbm>> -> memref<20480x64xf32, #tpu.memory_space<hbm>>
    tpu.wait_indirect_dma semaphore(%arg12 : memref<!tpu.dma_semaphore, #tpu.memory_space<semaphore_mem>>) src(%dma_wait3A_44 : memref<20480x64xf32, #tpu.memory_space<hbm>>) dst(%arg9 : memref<128x64xf32, #tpu.memory_space<vmem>>)
    %run_scoped3A = arith.constant 78 : i32
    "tpu.region"() ({
      %run_scoped3A_96 = tpu.sem_alloc : memref<!tpu.dma_semaphore, #tpu.memory_space<semaphore_mem>>
      %dma_start3A_97 = arith.constant 0 : i32
      %dma_start3A_98 = tpu.memref_slice %arg8[%run_scoped3A, %dma_start3A_97] : memref<79x128xi32, #tpu.memory_space<vmem>> -> memref<1x128xi32, #tpu.memory_space<vmem>>
      %dma_start3A_99 = tpu.memref_squeeze %dma_start3A_98 : memref<1x128xi32, #tpu.memory_space<vmem>> -> memref<128xi32, #tpu.memory_space<vmem>>
      %dma_start3A_100 = arith.constant 0 : i32
      %dma_start3A_101 = arith.constant 0 : i32
      %dma_start3A_102 = tpu.memref_slice %arg11[%dma_start3A_100, %dma_start3A_101] : memref<10240x64xf32, #tpu.memory_space<vmem_shared>> -> memref<10240x64xf32, #tpu.memory_space<vmem_shared>>
      tpu.enqueue_indirect_dma source(%arg9 : memref<128x64xf32, #tpu.memory_space<vmem>>) target(%dma_start3A_102 : memref<10240x64xf32, #tpu.memory_space<vmem_shared>>) offsets(%dma_start3A_99 : memref<128xi32, #tpu.memory_space<vmem>>) semaphore(%run_scoped3A_96 : memref<!tpu.dma_semaphore, #tpu.memory_space<semaphore_mem>>) {add = true}
      %dma_wait3A_103 = arith.constant 0 : i32
      %dma_wait3A_104 = tpu.memref_slice %arg8[%run_scoped3A, %dma_wait3A_103] : memref<79x128xi32, #tpu.memory_space<vmem>> -> memref<1x128xi32, #tpu.memory_space<vmem>>
      %dma_wait3A_105 = tpu.memref_squeeze %dma_wait3A_104 : memref<1x128xi32, #tpu.memory_space<vmem>> -> memref<128xi32, #tpu.memory_space<vmem>>
      %dma_wait3A_106 = arith.constant 0 : i32
      %dma_wait3A_107 = arith.constant 0 : i32
      %dma_wait3A_108 = tpu.memref_slice %arg11[%dma_wait3A_106, %dma_wait3A_107] : memref<10240x64xf32, #tpu.memory_space<vmem_shared>> -> memref<10240x64xf32, #tpu.memory_space<vmem_shared>>
      tpu.wait_indirect_dma semaphore(%run_scoped3A_96 : memref<!tpu.dma_semaphore, #tpu.memory_space<semaphore_mem>>) src(%arg9 : memref<128x64xf32, #tpu.memory_space<vmem>>) dst(%dma_wait3A_108 : memref<10240x64xf32, #tpu.memory_space<vmem_shared>>)
      tpu.yield
    }) : () -> ()
    %barrier3A_45 = arith.constant 0 : index
    tpu.barrier barrier_id(%barrier3A_45)
    %run_scoped3A_46 = arith.constant 0 : i32
    "tpu.region"() ({
      %run_scoped3A_96 = tpu.sem_alloc : memref<!tpu.dma_semaphore, #tpu.memory_space<semaphore_mem>>
      %dma_start3A_97 = arith.constant 0 : i32
      %dma_start3A_98 = arith.constant 0 : i32
      %dma_start3A_99 = arith.constant 0 : i32
      %dma_start3A_100 = arith.constant 0 : i32
      %dma_start3A_101 = tpu.memref_slice %arg5[%arg0, %dma_start3A_97, %dma_start3A_98, %dma_start3A_99, %dma_start3A_100] : memref<2x2x16x640x64xf32, #tpu.memory_space<hbm>> -> memref<1x2x16x640x64xf32, #tpu.memory_space<hbm>>
      %dma_start3A_102 = tpu.memref_squeeze %dma_start3A_101 : memref<1x2x16x640x64xf32, #tpu.memory_space<hbm>> -> memref<2x16x640x64xf32, #tpu.memory_space<hbm>>
      %dma_start3A_103 = arith.constant 0 : i32
      %dma_start3A_104 = arith.constant 0 : i32
      %dma_start3A_105 = arith.constant 0 : i32
      %dma_start3A_106 = tpu.memref_slice %dma_start3A_102[%run_scoped3A_46, %dma_start3A_103, %dma_start3A_104, %dma_start3A_105] : memref<2x16x640x64xf32, #tpu.memory_space<hbm>> -> memref<1x16x640x64xf32, #tpu.memory_space<hbm>>
      %dma_start3A_107 = tpu.memref_squeeze %dma_start3A_106 : memref<1x16x640x64xf32, #tpu.memory_space<hbm>> -> memref<16x640x64xf32, #tpu.memory_space<hbm>>
      %dma_start3A_108 = arith.constant 0 : i32
      %dma_start3A_109 = arith.constant 0 : i32
      %dma_start3A_110 = tpu.memref_slice %dma_start3A_107[%arg1, %dma_start3A_108, %dma_start3A_109] : memref<16x640x64xf32, #tpu.memory_space<hbm>> -> memref<1x640x64xf32, #tpu.memory_space<hbm>>
      %dma_start3A_111 = tpu.memref_squeeze %dma_start3A_110 : memref<1x640x64xf32, #tpu.memory_space<hbm>> -> memref<640x64xf32, #tpu.memory_space<hbm>>
      %dma_start3A_112 = arith.constant 0 : i32
      %dma_start3A_113 = tpu.memref_slice %arg11[%mul3A_2, %dma_start3A_112] : memref<10240x64xf32, #tpu.memory_space<vmem_shared>> -> memref<640x64xf32, #tpu.memory_space<vmem_shared>>
      tpu.enqueue_dma source(%dma_start3A_113 : memref<640x64xf32, #tpu.memory_space<vmem_shared>>) target(%dma_start3A_111 : memref<640x64xf32, #tpu.memory_space<hbm>>) target_semaphore(%run_scoped3A_96 : memref<!tpu.dma_semaphore, #tpu.memory_space<semaphore_mem>>)
      %dma_wait3A_114 = arith.constant 0 : i32
      %dma_wait3A_115 = arith.constant 0 : i32
      %dma_wait3A_116 = arith.constant 0 : i32
      %dma_wait3A_117 = arith.constant 0 : i32
      %dma_wait3A_118 = tpu.memref_slice %arg5[%arg0, %dma_wait3A_114, %dma_wait3A_115, %dma_wait3A_116, %dma_wait3A_117] : memref<2x2x16x640x64xf32, #tpu.memory_space<hbm>> -> memref<1x2x16x640x64xf32, #tpu.memory_space<hbm>>
      %dma_wait3A_119 = tpu.memref_squeeze %dma_wait3A_118 : memref<1x2x16x640x64xf32, #tpu.memory_space<hbm>> -> memref<2x16x640x64xf32, #tpu.memory_space<hbm>>
      %dma_wait3A_120 = arith.constant 0 : i32
      %dma_wait3A_121 = arith.constant 0 : i32
      %dma_wait3A_122 = arith.constant 0 : i32
      %dma_wait3A_123 = tpu.memref_slice %dma_wait3A_119[%run_scoped3A_46, %dma_wait3A_120, %dma_wait3A_121, %dma_wait3A_122] : memref<2x16x640x64xf32, #tpu.memory_space<hbm>> -> memref<1x16x640x64xf32, #tpu.memory_space<hbm>>
      %dma_wait3A_124 = tpu.memref_squeeze %dma_wait3A_123 : memref<1x16x640x64xf32, #tpu.memory_space<hbm>> -> memref<16x640x64xf32, #tpu.memory_space<hbm>>
      %dma_wait3A_125 = arith.constant 0 : i32
      %dma_wait3A_126 = arith.constant 0 : i32
      %dma_wait3A_127 = tpu.memref_slice %dma_wait3A_124[%arg1, %dma_wait3A_125, %dma_wait3A_126] : memref<16x640x64xf32, #tpu.memory_space<hbm>> -> memref<1x640x64xf32, #tpu.memory_space<hbm>>
      %dma_wait3A_128 = tpu.memref_squeeze %dma_wait3A_127 : memref<1x640x64xf32, #tpu.memory_space<hbm>> -> memref<640x64xf32, #tpu.memory_space<hbm>>
      %dma_wait3A_129 = arith.constant 0 : i32
      %dma_wait3A_130 = tpu.memref_slice %arg11[%mul3A_2, %dma_wait3A_129] : memref<10240x64xf32, #tpu.memory_space<vmem_shared>> -> memref<640x64xf32, #tpu.memory_space<vmem_shared>>
      tpu.wait_dma2 semaphore(%run_scoped3A_96 : memref<!tpu.dma_semaphore, #tpu.memory_space<semaphore_mem>>) src(%dma_wait3A_130 : memref<640x64xf32, #tpu.memory_space<vmem_shared>>) dst(%dma_wait3A_128 : memref<640x64xf32, #tpu.memory_space<hbm>>)
      tpu.yield
    }) : () -> ()
    %scan3A_47 = arith.constant 0 : i32
    %scan3A_48 = arith.constant 0 : i32
    %scan3A_49 = arith.constant 79 : i32
    %scan3A_50 = arith.addi %scan3A_48, %scan3A_49 : i32
    %scan3A_51 = arith.constant 1 : i32
    %scan3A_52 = scf.for %scan3A_96 = %scan3A_48 to %scan3A_50 step %scan3A_51 iter_args(%scan3A_97 = %scan3A_47) -> (i32)  : i32 {
      %get3A = arith.index_cast %scan3A_96 : i32 to index
      %get3A_98 = arith.constant 0 : index
      %get3A_99 = tpu.vector_load %arg6[%get3A, %get3A_98] {strides = array<i32>} : memref<79x128xi32, #tpu.memory_space<vmem>>, vector<1x16xi32>,
      %get3A_100 = vector.shape_cast %get3A_99 : vector<1x16xi32> to vector<16xi32>
      %mul3A_101 = arith.constant 2 : i32
      %mul3A_102 = vector.broadcast %mul3A_101 : i32 to vector<16xi32>
      %mul3A_103 = arith.muli %get3A_100, %mul3A_102 : vector<16xi32>
      %add3A_104 = arith.constant 1 : i32
      %add3A_105 = vector.broadcast %add3A_104 : i32 to vector<16xi32>
      %add3A_106 = arith.addi %mul3A_103, %add3A_105 : vector<16xi32>
      %swap3A = arith.index_cast %scan3A_96 : i32 to index
      %swap3A_107 = arith.constant 0 : index
      %swap3A_108 = tpu.vector_load %arg7[%swap3A, %swap3A_107] {strides = array<i32>} : memref<79x128xi32, #tpu.memory_space<vmem>>, vector<1x16xi32>,
      %swap3A_109 = vector.shape_cast %swap3A_108 : vector<1x16xi32> to vector<16xi32>
      %swap3A_110 = vector.shape_cast %add3A_106 : vector<16xi32> to vector<1x16xi32>
      tpu.vector_store %arg7[%swap3A, %swap3A_107], %swap3A_110 {strides = array<i32>} : memref<79x128xi32, #tpu.memory_space<vmem>>, vector<1x16xi32>,
      %get3A_111 = arith.index_cast %scan3A_96 : i32 to index
      %get3A_112 = arith.constant 16 : index
      %get3A_113 = tpu.vector_load %arg6[%get3A_111, %get3A_112] {strides = array<i32>} : memref<79x128xi32, #tpu.memory_space<vmem>>, vector<1x16xi32>,
      %get3A_114 = vector.shape_cast %get3A_113 : vector<1x16xi32> to vector<16xi32>
      %mul3A_115 = arith.constant 2 : i32
      %mul3A_116 = vector.broadcast %mul3A_115 : i32 to vector<16xi32>
      %mul3A_117 = arith.muli %get3A_114, %mul3A_116 : vector<16xi32>
      %add3A_118 = arith.constant 1 : i32
      %add3A_119 = vector.broadcast %add3A_118 : i32 to vector<16xi32>
      %add3A_120 = arith.addi %mul3A_117, %add3A_119 : vector<16xi32>
      %swap3A_121 = arith.index_cast %scan3A_96 : i32 to index
      %swap3A_122 = arith.constant 16 : index
      %swap3A_123 = tpu.vector_load %arg7[%swap3A_121, %swap3A_122] {strides = array<i32>} : memref<79x128xi32, #tpu.memory_space<vmem>>, vector<1x16xi32>,
      %swap3A_124 = vector.shape_cast %swap3A_123 : vector<1x16xi32> to vector<16xi32>
      %swap3A_125 = vector.shape_cast %add3A_120 : vector<16xi32> to vector<1x16xi32>
      tpu.vector_store %arg7[%swap3A_121, %swap3A_122], %swap3A_125 {strides = array<i32>} : memref<79x128xi32, #tpu.memory_space<vmem>>, vector<1x16xi32>,
      %get3A_126 = arith.index_cast %scan3A_96 : i32 to index
      %get3A_127 = arith.constant 32 : index
      %get3A_128 = tpu.vector_load %arg6[%get3A_126, %get3A_127] {strides = array<i32>} : memref<79x128xi32, #tpu.memory_space<vmem>>, vector<1x16xi32>,
      %get3A_129 = vector.shape_cast %get3A_128 : vector<1x16xi32> to vector<16xi32>
      %mul3A_130 = arith.constant 2 : i32
      %mul3A_131 = vector.broadcast %mul3A_130 : i32 to vector<16xi32>
      %mul3A_132 = arith.muli %get3A_129, %mul3A_131 : vector<16xi32>
      %add3A_133 = arith.constant 1 : i32
      %add3A_134 = vector.broadcast %add3A_133 : i32 to vector<16xi32>
      %add3A_135 = arith.addi %mul3A_132, %add3A_134 : vector<16xi32>
      %swap3A_136 = arith.index_cast %scan3A_96 : i32 to index
      %swap3A_137 = arith.constant 32 : index
      %swap3A_138 = tpu.vector_load %arg7[%swap3A_136, %swap3A_137] {strides = array<i32>} : memref<79x128xi32, #tpu.memory_space<vmem>>, vector<1x16xi32>,
      %swap3A_139 = vector.shape_cast %swap3A_138 : vector<1x16xi32> to vector<16xi32>
      %swap3A_140 = vector.shape_cast %add3A_135 : vector<16xi32> to vector<1x16xi32>
      tpu.vector_store %arg7[%swap3A_136, %swap3A_137], %swap3A_140 {strides = array<i32>} : memref<79x128xi32, #tpu.memory_space<vmem>>, vector<1x16xi32>,
      %get3A_141 = arith.index_cast %scan3A_96 : i32 to index
      %get3A_142 = arith.constant 48 : index
      %get3A_143 = tpu.vector_load %arg6[%get3A_141, %get3A_142] {strides = array<i32>} : memref<79x128xi32, #tpu.memory_space<vmem>>, vector<1x16xi32>,
      %get3A_144 = vector.shape_cast %get3A_143 : vector<1x16xi32> to vector<16xi32>
      %mul3A_145 = arith.constant 2 : i32
      %mul3A_146 = vector.broadcast %mul3A_145 : i32 to vector<16xi32>
      %mul3A_147 = arith.muli %get3A_144, %mul3A_146 : vector<16xi32>
      %add3A_148 = arith.constant 1 : i32
      %add3A_149 = vector.broadcast %add3A_148 : i32 to vector<16xi32>
      %add3A_150 = arith.addi %mul3A_147, %add3A_149 : vector<16xi32>
      %swap3A_151 = arith.index_cast %scan3A_96 : i32 to index
      %swap3A_152 = arith.constant 48 : index
      %swap3A_153 = tpu.vector_load %arg7[%swap3A_151, %swap3A_152] {strides = array<i32>} : memref<79x128xi32, #tpu.memory_space<vmem>>, vector<1x16xi32>,
      %swap3A_154 = vector.shape_cast %swap3A_153 : vector<1x16xi32> to vector<16xi32>
      %swap3A_155 = vector.shape_cast %add3A_150 : vector<16xi32> to vector<1x16xi32>
      tpu.vector_store %arg7[%swap3A_151, %swap3A_152], %swap3A_155 {strides = array<i32>} : memref<79x128xi32, #tpu.memory_space<vmem>>, vector<1x16xi32>,
      %get3A_156 = arith.index_cast %scan3A_96 : i32 to index
      %get3A_157 = arith.constant 64 : index
      %get3A_158 = tpu.vector_load %arg6[%get3A_156, %get3A_157] {strides = array<i32>} : memref<79x128xi32, #tpu.memory_space<vmem>>, vector<1x16xi32>,
      %get3A_159 = vector.shape_cast %get3A_158 : vector<1x16xi32> to vector<16xi32>
      %mul3A_160 = arith.constant 2 : i32
      %mul3A_161 = vector.broadcast %mul3A_160 : i32 to vector<16xi32>
      %mul3A_162 = arith.muli %get3A_159, %mul3A_161 : vector<16xi32>
      %add3A_163 = arith.constant 1 : i32
      %add3A_164 = vector.broadcast %add3A_163 : i32 to vector<16xi32>
      %add3A_165 = arith.addi %mul3A_162, %add3A_164 : vector<16xi32>
      %swap3A_166 = arith.index_cast %scan3A_96 : i32 to index
      %swap3A_167 = arith.constant 64 : index
      %swap3A_168 = tpu.vector_load %arg7[%swap3A_166, %swap3A_167] {strides = array<i32>} : memref<79x128xi32, #tpu.memory_space<vmem>>, vector<1x16xi32>,
      %swap3A_169 = vector.shape_cast %swap3A_168 : vector<1x16xi32> to vector<16xi32>
      %swap3A_170 = vector.shape_cast %add3A_165 : vector<16xi32> to vector<1x16xi32>
      tpu.vector_store %arg7[%swap3A_166, %swap3A_167], %swap3A_170 {strides = array<i32>} : memref<79x128xi32, #tpu.memory_space<vmem>>, vector<1x16xi32>,
      %get3A_171 = arith.index_cast %scan3A_96 : i32 to index
      %get3A_172 = arith.constant 80 : index
      %get3A_173 = tpu.vector_load %arg6[%get3A_171, %get3A_172] {strides = array<i32>} : memref<79x128xi32, #tpu.memory_space<vmem>>, vector<1x16xi32>,
      %get3A_174 = vector.shape_cast %get3A_173 : vector<1x16xi32> to vector<16xi32>
      %mul3A_175 = arith.constant 2 : i32
      %mul3A_176 = vector.broadcast %mul3A_175 : i32 to vector<16xi32>
      %mul3A_177 = arith.muli %get3A_174, %mul3A_176 : vector<16xi32>
      %add3A_178 = arith.constant 1 : i32
      %add3A_179 = vector.broadcast %add3A_178 : i32 to vector<16xi32>
      %add3A_180 = arith.addi %mul3A_177, %add3A_179 : vector<16xi32>
      %swap3A_181 = arith.index_cast %scan3A_96 : i32 to index
      %swap3A_182 = arith.constant 80 : index
      %swap3A_183 = tpu.vector_load %arg7[%swap3A_181, %swap3A_182] {strides = array<i32>} : memref<79x128xi32, #tpu.memory_space<vmem>>, vector<1x16xi32>,
      %swap3A_184 = vector.shape_cast %swap3A_183 : vector<1x16xi32> to vector<16xi32>
      %swap3A_185 = vector.shape_cast %add3A_180 : vector<16xi32> to vector<1x16xi32>
      tpu.vector_store %arg7[%swap3A_181, %swap3A_182], %swap3A_185 {strides = array<i32>} : memref<79x128xi32, #tpu.memory_space<vmem>>, vector<1x16xi32>,
      %get3A_186 = arith.index_cast %scan3A_96 : i32 to index
      %get3A_187 = arith.constant 96 : index
      %get3A_188 = tpu.vector_load %arg6[%get3A_186, %get3A_187] {strides = array<i32>} : memref<79x128xi32, #tpu.memory_space<vmem>>, vector<1x16xi32>,
      %get3A_189 = vector.shape_cast %get3A_188 : vector<1x16xi32> to vector<16xi32>
      %mul3A_190 = arith.constant 2 : i32
      %mul3A_191 = vector.broadcast %mul3A_190 : i32 to vector<16xi32>
      %mul3A_192 = arith.muli %get3A_189, %mul3A_191 : vector<16xi32>
      %add3A_193 = arith.constant 1 : i32
      %add3A_194 = vector.broadcast %add3A_193 : i32 to vector<16xi32>
      %add3A_195 = arith.addi %mul3A_192, %add3A_194 : vector<16xi32>
      %swap3A_196 = arith.index_cast %scan3A_96 : i32 to index
      %swap3A_197 = arith.constant 96 : index
      %swap3A_198 = tpu.vector_load %arg7[%swap3A_196, %swap3A_197] {strides = array<i32>} : memref<79x128xi32, #tpu.memory_space<vmem>>, vector<1x16xi32>,
      %swap3A_199 = vector.shape_cast %swap3A_198 : vector<1x16xi32> to vector<16xi32>
      %swap3A_200 = vector.shape_cast %add3A_195 : vector<16xi32> to vector<1x16xi32>
      tpu.vector_store %arg7[%swap3A_196, %swap3A_197], %swap3A_200 {strides = array<i32>} : memref<79x128xi32, #tpu.memory_space<vmem>>, vector<1x16xi32>,
      %get3A_201 = arith.index_cast %scan3A_96 : i32 to index
      %get3A_202 = arith.constant 112 : index
      %get3A_203 = tpu.vector_load %arg6[%get3A_201, %get3A_202] {strides = array<i32>} : memref<79x128xi32, #tpu.memory_space<vmem>>, vector<1x16xi32>,
      %get3A_204 = vector.shape_cast %get3A_203 : vector<1x16xi32> to vector<16xi32>
      %mul3A_205 = arith.constant 2 : i32
      %mul3A_206 = vector.broadcast %mul3A_205 : i32 to vector<16xi32>
      %mul3A_207 = arith.muli %get3A_204, %mul3A_206 : vector<16xi32>
      %add3A_208 = arith.constant 1 : i32
      %add3A_209 = vector.broadcast %add3A_208 : i32 to vector<16xi32>
      %add3A_210 = arith.addi %mul3A_207, %add3A_209 : vector<16xi32>
      %swap3A_211 = arith.index_cast %scan3A_96 : i32 to index
      %swap3A_212 = arith.constant 112 : index
      %swap3A_213 = tpu.vector_load %arg7[%swap3A_211, %swap3A_212] {strides = array<i32>} : memref<79x128xi32, #tpu.memory_space<vmem>>, vector<1x16xi32>,
      %swap3A_214 = vector.shape_cast %swap3A_213 : vector<1x16xi32> to vector<16xi32>
      %swap3A_215 = vector.shape_cast %add3A_210 : vector<16xi32> to vector<1x16xi32>
      tpu.vector_store %arg7[%swap3A_211, %swap3A_212], %swap3A_215 {strides = array<i32>} : memref<79x128xi32, #tpu.memory_space<vmem>>, vector<1x16xi32>,
      %scan3A_216 = arith.constant 0 : i32
      scf.yield %scan3A_216 : i32
    }
    %scan3A_53 = arith.constant 79 : i32
    %scan3A_54 = arith.constant 0 : i32
    %scan3A_55 = arith.constant 0 : i32
    %scan3A_56 = arith.constant 128 : i32
    %scan3A_57 = arith.addi %scan3A_55, %scan3A_56 : i32
    %scan3A_58 = arith.constant 1 : i32
    %scan3A_59 = scf.for %scan3A_96 = %scan3A_55 to %scan3A_57 step %scan3A_58 iter_args(%scan3A_97 = %scan3A_54) -> (i32)  : i32 {
      %broadcast_in_dim3A = arith.constant 0.000000e+00 : f32
      %broadcast_in_dim3A_98 = vector.broadcast %broadcast_in_dim3A : f32 to vector<16xf32>
      %swap3A = arith.index_cast %scan3A_96 : i32 to index
      %swap3A_99 = arith.constant 0 : index
      %swap3A_100 = tpu.vector_load %arg9[%swap3A, %swap3A_99] {strides = array<i32>} : memref<128x64xf32, #tpu.memory_space<vmem>>, vector<1x16xf32>,
      %swap3A_101 = vector.shape_cast %swap3A_100 : vector<1x16xf32> to vector<16xf32>
      %swap3A_102 = vector.shape_cast %broadcast_in_dim3A_98 : vector<16xf32> to vector<1x16xf32>
      tpu.vector_store %arg9[%swap3A, %swap3A_99], %swap3A_102 {strides = array<i32>} : memref<128x64xf32, #tpu.memory_space<vmem>>, vector<1x16xf32>,
      %broadcast_in_dim3A_103 = arith.constant 0.000000e+00 : f32
      %broadcast_in_dim3A_104 = vector.broadcast %broadcast_in_dim3A_103 : f32 to vector<16xf32>
      %swap3A_105 = arith.index_cast %scan3A_96 : i32 to index
      %swap3A_106 = arith.constant 16 : index
      %swap3A_107 = tpu.vector_load %arg9[%swap3A_105, %swap3A_106] {strides = array<i32>} : memref<128x64xf32, #tpu.memory_space<vmem>>, vector<1x16xf32>,
      %swap3A_108 = vector.shape_cast %swap3A_107 : vector<1x16xf32> to vector<16xf32>
      %swap3A_109 = vector.shape_cast %broadcast_in_dim3A_104 : vector<16xf32> to vector<1x16xf32>
      tpu.vector_store %arg9[%swap3A_105, %swap3A_106], %swap3A_109 {strides = array<i32>} : memref<128x64xf32, #tpu.memory_space<vmem>>, vector<1x16xf32>,
      %broadcast_in_dim3A_110 = arith.constant 0.000000e+00 : f32
      %broadcast_in_dim3A_111 = vector.broadcast %broadcast_in_dim3A_110 : f32 to vector<16xf32>
      %swap3A_112 = arith.index_cast %scan3A_96 : i32 to index
      %swap3A_113 = arith.constant 32 : index
      %swap3A_114 = tpu.vector_load %arg9[%swap3A_112, %swap3A_113] {strides = array<i32>} : memref<128x64xf32, #tpu.memory_space<vmem>>, vector<1x16xf32>,
      %swap3A_115 = vector.shape_cast %swap3A_114 : vector<1x16xf32> to vector<16xf32>
      %swap3A_116 = vector.shape_cast %broadcast_in_dim3A_111 : vector<16xf32> to vector<1x16xf32>
      tpu.vector_store %arg9[%swap3A_112, %swap3A_113], %swap3A_116 {strides = array<i32>} : memref<128x64xf32, #tpu.memory_space<vmem>>, vector<1x16xf32>,
      %broadcast_in_dim3A_117 = arith.constant 0.000000e+00 : f32
      %broadcast_in_dim3A_118 = vector.broadcast %broadcast_in_dim3A_117 : f32 to vector<16xf32>
      %swap3A_119 = arith.index_cast %scan3A_96 : i32 to index
      %swap3A_120 = arith.constant 48 : index
      %swap3A_121 = tpu.vector_load %arg9[%swap3A_119, %swap3A_120] {strides = array<i32>} : memref<128x64xf32, #tpu.memory_space<vmem>>, vector<1x16xf32>,
      %swap3A_122 = vector.shape_cast %swap3A_121 : vector<1x16xf32> to vector<16xf32>
      %swap3A_123 = vector.shape_cast %broadcast_in_dim3A_118 : vector<16xf32> to vector<1x16xf32>
      tpu.vector_store %arg9[%swap3A_119, %swap3A_120], %swap3A_123 {strides = array<i32>} : memref<128x64xf32, #tpu.memory_space<vmem>>, vector<1x16xf32>,
      %scan3A_124 = arith.constant 0 : i32
      scf.yield %scan3A_124 : i32
    }
    %scan3A_60 = arith.constant 128 : i32
    %add3A_61 = arith.constant 0 : i32
    %add3A_62 = arith.addi %mul3A_2, %add3A_61 : i32
    "tpu.region"() ({
      %run_scoped3A_96 = tpu.sem_alloc : memref<!tpu.dma_semaphore, #tpu.memory_space<semaphore_mem>>
      %dma_start3A_97 = arith.constant 0 : i32
      %dma_start3A_98 = tpu.memref_slice %arg11[%add3A_62, %dma_start3A_97] : memref<10240x64xf32, #tpu.memory_space<vmem_shared>> -> memref<128x64xf32, #tpu.memory_space<vmem_shared>>
      %dma_start3A_99 = arith.constant 0 : i32
      %dma_start3A_100 = tpu.memref_slice %arg11[%add3A_62, %dma_start3A_99] : memref<10240x64xf32, #tpu.memory_space<vmem_shared>> -> memref<128x64xf32, #tpu.memory_space<vmem_shared>>
      tpu.enqueue_dma source(%arg9 : memref<128x64xf32, #tpu.memory_space<vmem>>) target(%dma_start3A_100 : memref<128x64xf32, #tpu.memory_space<vmem_shared>>) target_semaphore(%run_scoped3A_96 : memref<!tpu.dma_semaphore, #tpu.memory_space<semaphore_mem>>)
      %dma_wait3A_101 = arith.constant 0 : i32
      %dma_wait3A_102 = tpu.memref_slice %arg11[%add3A_62, %dma_wait3A_101] : memref<10240x64xf32, #tpu.memory_space<vmem_shared>> -> memref<128x64xf32, #tpu.memory_space<vmem_shared>>
      %dma_wait3A_103 = arith.constant 0 : i32
      %dma_wait3A_104 = tpu.memref_slice %arg11[%add3A_62, %dma_wait3A_103] : memref<10240x64xf32, #tpu.memory_space<vmem_shared>> -> memref<128x64xf32, #tpu.memory_space<vmem_shared>>
      tpu.wait_dma2 semaphore(%run_scoped3A_96 : memref<!tpu.dma_semaphore, #tpu.memory_space<semaphore_mem>>) src(%arg9 : memref<128x64xf32, #tpu.memory_space<vmem>>) dst(%dma_wait3A_104 : memref<128x64xf32, #tpu.memory_space<vmem_shared>>)
      tpu.yield
    }) : () -> ()
    %add3A_63 = arith.constant 128 : i32
    %add3A_64 = arith.addi %mul3A_2, %add3A_63 : i32
    "tpu.region"() ({
      %run_scoped3A_96 = tpu.sem_alloc : memref<!tpu.dma_semaphore, #tpu.memory_space<semaphore_mem>>
      %dma_start3A_97 = arith.constant 0 : i32
      %dma_start3A_98 = tpu.memref_slice %arg11[%add3A_64, %dma_start3A_97] : memref<10240x64xf32, #tpu.memory_space<vmem_shared>> -> memref<128x64xf32, #tpu.memory_space<vmem_shared>>
      %dma_start3A_99 = arith.constant 0 : i32
      %dma_start3A_100 = tpu.memref_slice %arg11[%add3A_64, %dma_start3A_99] : memref<10240x64xf32, #tpu.memory_space<vmem_shared>> -> memref<128x64xf32, #tpu.memory_space<vmem_shared>>
      tpu.enqueue_dma source(%arg9 : memref<128x64xf32, #tpu.memory_space<vmem>>) target(%dma_start3A_100 : memref<128x64xf32, #tpu.memory_space<vmem_shared>>) target_semaphore(%run_scoped3A_96 : memref<!tpu.dma_semaphore, #tpu.memory_space<semaphore_mem>>)
      %dma_wait3A_101 = arith.constant 0 : i32
      %dma_wait3A_102 = tpu.memref_slice %arg11[%add3A_64, %dma_wait3A_101] : memref<10240x64xf32, #tpu.memory_space<vmem_shared>> -> memref<128x64xf32, #tpu.memory_space<vmem_shared>>
      %dma_wait3A_103 = arith.constant 0 : i32
      %dma_wait3A_104 = tpu.memref_slice %arg11[%add3A_64, %dma_wait3A_103] : memref<10240x64xf32, #tpu.memory_space<vmem_shared>> -> memref<128x64xf32, #tpu.memory_space<vmem_shared>>
      tpu.wait_dma2 semaphore(%run_scoped3A_96 : memref<!tpu.dma_semaphore, #tpu.memory_space<semaphore_mem>>) src(%arg9 : memref<128x64xf32, #tpu.memory_space<vmem>>) dst(%dma_wait3A_104 : memref<128x64xf32, #tpu.memory_space<vmem_shared>>)
      tpu.yield
    }) : () -> ()
    %add3A_65 = arith.constant 256 : i32
    %add3A_66 = arith.addi %mul3A_2, %add3A_65 : i32
    "tpu.region"() ({
      %run_scoped3A_96 = tpu.sem_alloc : memref<!tpu.dma_semaphore, #tpu.memory_space<semaphore_mem>>
      %dma_start3A_97 = arith.constant 0 : i32
      %dma_start3A_98 = tpu.memref_slice %arg11[%add3A_66, %dma_start3A_97] : memref<10240x64xf32, #tpu.memory_space<vmem_shared>> -> memref<128x64xf32, #tpu.memory_space<vmem_shared>>
      %dma_start3A_99 = arith.constant 0 : i32
      %dma_start3A_100 = tpu.memref_slice %arg11[%add3A_66, %dma_start3A_99] : memref<10240x64xf32, #tpu.memory_space<vmem_shared>> -> memref<128x64xf32, #tpu.memory_space<vmem_shared>>
      tpu.enqueue_dma source(%arg9 : memref<128x64xf32, #tpu.memory_space<vmem>>) target(%dma_start3A_100 : memref<128x64xf32, #tpu.memory_space<vmem_shared>>) target_semaphore(%run_scoped3A_96 : memref<!tpu.dma_semaphore, #tpu.memory_space<semaphore_mem>>)
      %dma_wait3A_101 = arith.constant 0 : i32
      %dma_wait3A_102 = tpu.memref_slice %arg11[%add3A_66, %dma_wait3A_101] : memref<10240x64xf32, #tpu.memory_space<vmem_shared>> -> memref<128x64xf32, #tpu.memory_space<vmem_shared>>
      %dma_wait3A_103 = arith.constant 0 : i32
      %dma_wait3A_104 = tpu.memref_slice %arg11[%add3A_66, %dma_wait3A_103] : memref<10240x64xf32, #tpu.memory_space<vmem_shared>> -> memref<128x64xf32, #tpu.memory_space<vmem_shared>>
      tpu.wait_dma2 semaphore(%run_scoped3A_96 : memref<!tpu.dma_semaphore, #tpu.memory_space<semaphore_mem>>) src(%arg9 : memref<128x64xf32, #tpu.memory_space<vmem>>) dst(%dma_wait3A_104 : memref<128x64xf32, #tpu.memory_space<vmem_shared>>)
      tpu.yield
    }) : () -> ()
    %add3A_67 = arith.constant 384 : i32
    %add3A_68 = arith.addi %mul3A_2, %add3A_67 : i32
    "tpu.region"() ({
      %run_scoped3A_96 = tpu.sem_alloc : memref<!tpu.dma_semaphore, #tpu.memory_space<semaphore_mem>>
      %dma_start3A_97 = arith.constant 0 : i32
      %dma_start3A_98 = tpu.memref_slice %arg11[%add3A_68, %dma_start3A_97] : memref<10240x64xf32, #tpu.memory_space<vmem_shared>> -> memref<128x64xf32, #tpu.memory_space<vmem_shared>>
      %dma_start3A_99 = arith.constant 0 : i32
      %dma_start3A_100 = tpu.memref_slice %arg11[%add3A_68, %dma_start3A_99] : memref<10240x64xf32, #tpu.memory_space<vmem_shared>> -> memref<128x64xf32, #tpu.memory_space<vmem_shared>>
      tpu.enqueue_dma source(%arg9 : memref<128x64xf32, #tpu.memory_space<vmem>>) target(%dma_start3A_100 : memref<128x64xf32, #tpu.memory_space<vmem_shared>>) target_semaphore(%run_scoped3A_96 : memref<!tpu.dma_semaphore, #tpu.memory_space<semaphore_mem>>)
      %dma_wait3A_101 = arith.constant 0 : i32
      %dma_wait3A_102 = tpu.memref_slice %arg11[%add3A_68, %dma_wait3A_101] : memref<10240x64xf32, #tpu.memory_space<vmem_shared>> -> memref<128x64xf32, #tpu.memory_space<vmem_shared>>
      %dma_wait3A_103 = arith.constant 0 : i32
      %dma_wait3A_104 = tpu.memref_slice %arg11[%add3A_68, %dma_wait3A_103] : memref<10240x64xf32, #tpu.memory_space<vmem_shared>> -> memref<128x64xf32, #tpu.memory_space<vmem_shared>>
      tpu.wait_dma2 semaphore(%run_scoped3A_96 : memref<!tpu.dma_semaphore, #tpu.memory_space<semaphore_mem>>) src(%arg9 : memref<128x64xf32, #tpu.memory_space<vmem>>) dst(%dma_wait3A_104 : memref<128x64xf32, #tpu.memory_space<vmem_shared>>)
      tpu.yield
    }) : () -> ()
    %add3A_69 = arith.constant 512 : i32
    %add3A_70 = arith.addi %mul3A_2, %add3A_69 : i32
    "tpu.region"() ({
      %run_scoped3A_96 = tpu.sem_alloc : memref<!tpu.dma_semaphore, #tpu.memory_space<semaphore_mem>>
      %dma_start3A_97 = arith.constant 0 : i32
      %dma_start3A_98 = tpu.memref_slice %arg11[%add3A_70, %dma_start3A_97] : memref<10240x64xf32, #tpu.memory_space<vmem_shared>> -> memref<128x64xf32, #tpu.memory_space<vmem_shared>>
      %dma_start3A_99 = arith.constant 0 : i32
      %dma_start3A_100 = tpu.memref_slice %arg11[%add3A_70, %dma_start3A_99] : memref<10240x64xf32, #tpu.memory_space<vmem_shared>> -> memref<128x64xf32, #tpu.memory_space<vmem_shared>>
      tpu.enqueue_dma source(%arg9 : memref<128x64xf32, #tpu.memory_space<vmem>>) target(%dma_start3A_100 : memref<128x64xf32, #tpu.memory_space<vmem_shared>>) target_semaphore(%run_scoped3A_96 : memref<!tpu.dma_semaphore, #tpu.memory_space<semaphore_mem>>)
      %dma_wait3A_101 = arith.constant 0 : i32
      %dma_wait3A_102 = tpu.memref_slice %arg11[%add3A_70, %dma_wait3A_101] : memref<10240x64xf32, #tpu.memory_space<vmem_shared>> -> memref<128x64xf32, #tpu.memory_space<vmem_shared>>
      %dma_wait3A_103 = arith.constant 0 : i32
      %dma_wait3A_104 = tpu.memref_slice %arg11[%add3A_70, %dma_wait3A_103] : memref<10240x64xf32, #tpu.memory_space<vmem_shared>> -> memref<128x64xf32, #tpu.memory_space<vmem_shared>>
      tpu.wait_dma2 semaphore(%run_scoped3A_96 : memref<!tpu.dma_semaphore, #tpu.memory_space<semaphore_mem>>) src(%arg9 : memref<128x64xf32, #tpu.memory_space<vmem>>) dst(%dma_wait3A_104 : memref<128x64xf32, #tpu.memory_space<vmem_shared>>)
      tpu.yield
    }) : () -> ()
    %barrier3A_71 = arith.constant 0 : index
    tpu.barrier barrier_id(%barrier3A_71)
    %dma_start3A_72 = arith.constant 0 : i32
    %dma_start3A_73 = arith.constant 0 : i32
    %dma_start3A_74 = tpu.memref_slice %arg7[%dma_start3A_72, %dma_start3A_73] : memref<79x128xi32, #tpu.memory_space<vmem>> -> memref<1x128xi32, #tpu.memory_space<vmem>>
    %dma_start3A_75 = tpu.memref_squeeze %dma_start3A_74 : memref<1x128xi32, #tpu.memory_space<vmem>> -> memref<128xi32, #tpu.memory_space<vmem>>
    %dma_start3A_76 = arith.constant 0 : i32
    %dma_start3A_77 = arith.constant 0 : i32
    %dma_start3A_78 = tpu.memref_slice %arg2[%dma_start3A_76, %dma_start3A_77] : memref<20480x64xf32, #tpu.memory_space<hbm>> -> memref<20480x64xf32, #tpu.memory_space<hbm>>
    tpu.enqueue_indirect_dma source(%dma_start3A_78 : memref<20480x64xf32, #tpu.memory_space<hbm>>) target(%arg9 : memref<128x64xf32, #tpu.memory_space<vmem>>) offsets(%dma_start3A_75 : memref<128xi32, #tpu.memory_space<vmem>>) semaphore(%arg12 : memref<!tpu.dma_semaphore, #tpu.memory_space<semaphore_mem>>)
    %scan3A_79 = arith.constant 0 : i32
    %scan3A_80 = arith.constant 0 : i32
    %scan3A_81 = arith.constant 39 : i32
    %scan3A_82 = arith.addi %scan3A_80, %scan3A_81 : i32
    %scan3A_83 = arith.constant 1 : i32
    %scan3A_84 = scf.for %scan3A_96 = %scan3A_80 to %scan3A_82 step %scan3A_83 iter_args(%scan3A_97 = %scan3A_79) -> (i32)  : i32 {
      %mul3A_98 = arith.constant 2 : i32
      %mul3A_99 = arith.muli %mul3A_98, %scan3A_96 : i32
      %add3A_100 = arith.constant 0 : i32
      %add3A_101 = arith.addi %mul3A_99, %add3A_100 : i32
      %add3A_102 = arith.constant 1 : i32
      %add3A_103 = arith.addi %add3A_101, %add3A_102 : i32
      %dma_start3A_104 = arith.constant 0 : i32
      %dma_start3A_105 = tpu.memref_slice %arg7[%add3A_103, %dma_start3A_104] : memref<79x128xi32, #tpu.memory_space<vmem>> -> memref<1x128xi32, #tpu.memory_space<vmem>>
      %dma_start3A_106 = tpu.memref_squeeze %dma_start3A_105 : memref<1x128xi32, #tpu.memory_space<vmem>> -> memref<128xi32, #tpu.memory_space<vmem>>
      %dma_start3A_107 = arith.constant 0 : i32
      %dma_start3A_108 = arith.constant 0 : i32
      %dma_start3A_109 = tpu.memref_slice %arg2[%dma_start3A_107, %dma_start3A_108] : memref<20480x64xf32, #tpu.memory_space<hbm>> -> memref<20480x64xf32, #tpu.memory_space<hbm>>
      tpu.enqueue_indirect_dma source(%dma_start3A_109 : memref<20480x64xf32, #tpu.memory_space<hbm>>) target(%arg10 : memref<128x64xf32, #tpu.memory_space<vmem>>) offsets(%dma_start3A_106 : memref<128xi32, #tpu.memory_space<vmem>>) semaphore(%arg13 : memref<!tpu.dma_semaphore, #tpu.memory_space<semaphore_mem>>)
      %dma_wait3A_110 = arith.constant 0 : i32
      %dma_wait3A_111 = tpu.memref_slice %arg7[%add3A_101, %dma_wait3A_110] : memref<79x128xi32, #tpu.memory_space<vmem>> -> memref<1x128xi32, #tpu.memory_space<vmem>>
      %dma_wait3A_112 = tpu.memref_squeeze %dma_wait3A_111 : memref<1x128xi32, #tpu.memory_space<vmem>> -> memref<128xi32, #tpu.memory_space<vmem>>
      %dma_wait3A_113 = arith.constant 0 : i32
      %dma_wait3A_114 = arith.constant 0 : i32
      %dma_wait3A_115 = tpu.memref_slice %arg2[%dma_wait3A_113, %dma_wait3A_114] : memref<20480x64xf32, #tpu.memory_space<hbm>> -> memref<20480x64xf32, #tpu.memory_space<hbm>>
      tpu.wait_indirect_dma semaphore(%arg12 : memref<!tpu.dma_semaphore, #tpu.memory_space<semaphore_mem>>) src(%dma_wait3A_115 : memref<20480x64xf32, #tpu.memory_space<hbm>>) dst(%arg9 : memref<128x64xf32, #tpu.memory_space<vmem>>)
      "tpu.region"() ({
        %run_scoped3A_135 = tpu.sem_alloc : memref<!tpu.dma_semaphore, #tpu.memory_space<semaphore_mem>>
        %dma_start3A_136 = arith.constant 0 : i32
        %dma_start3A_137 = tpu.memref_slice %arg8[%add3A_101, %dma_start3A_136] : memref<79x128xi32, #tpu.memory_space<vmem>> -> memref<1x128xi32, #tpu.memory_space<vmem>>
        %dma_start3A_138 = tpu.memref_squeeze %dma_start3A_137 : memref<1x128xi32, #tpu.memory_space<vmem>> -> memref<128xi32, #tpu.memory_space<vmem>>
        %dma_start3A_139 = arith.constant 0 : i32
        %dma_start3A_140 = arith.constant 0 : i32
        %dma_start3A_141 = tpu.memref_slice %arg11[%dma_start3A_139, %dma_start3A_140] : memref<10240x64xf32, #tpu.memory_space<vmem_shared>> -> memref<10240x64xf32, #tpu.memory_space<vmem_shared>>
        tpu.enqueue_indirect_dma source(%arg9 : memref<128x64xf32, #tpu.memory_space<vmem>>) target(%dma_start3A_141 : memref<10240x64xf32, #tpu.memory_space<vmem_shared>>) offsets(%dma_start3A_138 : memref<128xi32, #tpu.memory_space<vmem>>) semaphore(%run_scoped3A_135 : memref<!tpu.dma_semaphore, #tpu.memory_space<semaphore_mem>>) {add = true}
        %dma_wait3A_142 = arith.constant 0 : i32
        %dma_wait3A_143 = tpu.memref_slice %arg8[%add3A_101, %dma_wait3A_142] : memref<79x128xi32, #tpu.memory_space<vmem>> -> memref<1x128xi32, #tpu.memory_space<vmem>>
        %dma_wait3A_144 = tpu.memref_squeeze %dma_wait3A_143 : memref<1x128xi32, #tpu.memory_space<vmem>> -> memref<128xi32, #tpu.memory_space<vmem>>
        %dma_wait3A_145 = arith.constant 0 : i32
        %dma_wait3A_146 = arith.constant 0 : i32
        %dma_wait3A_147 = tpu.memref_slice %arg11[%dma_wait3A_145, %dma_wait3A_146] : memref<10240x64xf32, #tpu.memory_space<vmem_shared>> -> memref<10240x64xf32, #tpu.memory_space<vmem_shared>>
        tpu.wait_indirect_dma semaphore(%run_scoped3A_135 : memref<!tpu.dma_semaphore, #tpu.memory_space<semaphore_mem>>) src(%arg9 : memref<128x64xf32, #tpu.memory_space<vmem>>) dst(%dma_wait3A_147 : memref<10240x64xf32, #tpu.memory_space<vmem_shared>>)
        tpu.yield
      }) : () -> ()
      %mul3A_116 = arith.constant 2 : i32
      %mul3A_117 = arith.muli %mul3A_116, %scan3A_96 : i32
      %add3A_118 = arith.constant 1 : i32
      %add3A_119 = arith.addi %mul3A_117, %add3A_118 : i32
      %add3A_120 = arith.constant 1 : i32
      %add3A_121 = arith.addi %add3A_119, %add3A_120 : i32
      %dma_start3A_122 = arith.constant 0 : i32
      %dma_start3A_123 = tpu.memref_slice %arg7[%add3A_121, %dma_start3A_122] : memref<79x128xi32, #tpu.memory_space<vmem>> -> memref<1x128xi32, #tpu.memory_space<vmem>>
      %dma_start3A_124 = tpu.memref_squeeze %dma_start3A_123 : memref<1x128xi32, #tpu.memory_space<vmem>> -> memref<128xi32, #tpu.memory_space<vmem>>
      %dma_start3A_125 = arith.constant 0 : i32
      %dma_start3A_126 = arith.constant 0 : i32
      %dma_start3A_127 = tpu.memref_slice %arg2[%dma_start3A_125, %dma_start3A_126] : memref<20480x64xf32, #tpu.memory_space<hbm>> -> memref<20480x64xf32, #tpu.memory_space<hbm>>
      tpu.enqueue_indirect_dma source(%dma_start3A_127 : memref<20480x64xf32, #tpu.memory_space<hbm>>) target(%arg9 : memref<128x64xf32, #tpu.memory_space<vmem>>) offsets(%dma_start3A_124 : memref<128xi32, #tpu.memory_space<vmem>>) semaphore(%arg12 : memref<!tpu.dma_semaphore, #tpu.memory_space<semaphore_mem>>)
      %dma_wait3A_128 = arith.constant 0 : i32
      %dma_wait3A_129 = tpu.memref_slice %arg7[%add3A_119, %dma_wait3A_128] : memref<79x128xi32, #tpu.memory_space<vmem>> -> memref<1x128xi32, #tpu.memory_space<vmem>>
      %dma_wait3A_130 = tpu.memref_squeeze %dma_wait3A_129 : memref<1x128xi32, #tpu.memory_space<vmem>> -> memref<128xi32, #tpu.memory_space<vmem>>
      %dma_wait3A_131 = arith.constant 0 : i32
      %dma_wait3A_132 = arith.constant 0 : i32
      %dma_wait3A_133 = tpu.memref_slice %arg2[%dma_wait3A_131, %dma_wait3A_132] : memref<20480x64xf32, #tpu.memory_space<hbm>> -> memref<20480x64xf32, #tpu.memory_space<hbm>>
      tpu.wait_indirect_dma semaphore(%arg13 : memref<!tpu.dma_semaphore, #tpu.memory_space<semaphore_mem>>) src(%dma_wait3A_133 : memref<20480x64xf32, #tpu.memory_space<hbm>>) dst(%arg10 : memref<128x64xf32, #tpu.memory_space<vmem>>)
      "tpu.region"() ({
        %run_scoped3A_135 = tpu.sem_alloc : memref<!tpu.dma_semaphore, #tpu.memory_space<semaphore_mem>>
        %dma_start3A_136 = arith.constant 0 : i32
        %dma_start3A_137 = tpu.memref_slice %arg8[%add3A_119, %dma_start3A_136] : memref<79x128xi32, #tpu.memory_space<vmem>> -> memref<1x128xi32, #tpu.memory_space<vmem>>
        %dma_start3A_138 = tpu.memref_squeeze %dma_start3A_137 : memref<1x128xi32, #tpu.memory_space<vmem>> -> memref<128xi32, #tpu.memory_space<vmem>>
        %dma_start3A_139 = arith.constant 0 : i32
        %dma_start3A_140 = arith.constant 0 : i32
        %dma_start3A_141 = tpu.memref_slice %arg11[%dma_start3A_139, %dma_start3A_140] : memref<10240x64xf32, #tpu.memory_space<vmem_shared>> -> memref<10240x64xf32, #tpu.memory_space<vmem_shared>>
        tpu.enqueue_indirect_dma source(%arg10 : memref<128x64xf32, #tpu.memory_space<vmem>>) target(%dma_start3A_141 : memref<10240x64xf32, #tpu.memory_space<vmem_shared>>) offsets(%dma_start3A_138 : memref<128xi32, #tpu.memory_space<vmem>>) semaphore(%run_scoped3A_135 : memref<!tpu.dma_semaphore, #tpu.memory_space<semaphore_mem>>) {add = true}
        %dma_wait3A_142 = arith.constant 0 : i32
        %dma_wait3A_143 = tpu.memref_slice %arg8[%add3A_119, %dma_wait3A_142] : memref<79x128xi32, #tpu.memory_space<vmem>> -> memref<1x128xi32, #tpu.memory_space<vmem>>
        %dma_wait3A_144 = tpu.memref_squeeze %dma_wait3A_143 : memref<1x128xi32, #tpu.memory_space<vmem>> -> memref<128xi32, #tpu.memory_space<vmem>>
        %dma_wait3A_145 = arith.constant 0 : i32
        %dma_wait3A_146 = arith.constant 0 : i32
        %dma_wait3A_147 = tpu.memref_slice %arg11[%dma_wait3A_145, %dma_wait3A_146] : memref<10240x64xf32, #tpu.memory_space<vmem_shared>> -> memref<10240x64xf32, #tpu.memory_space<vmem_shared>>
        tpu.wait_indirect_dma semaphore(%run_scoped3A_135 : memref<!tpu.dma_semaphore, #tpu.memory_space<semaphore_mem>>) src(%arg10 : memref<128x64xf32, #tpu.memory_space<vmem>>) dst(%dma_wait3A_147 : memref<10240x64xf32, #tpu.memory_space<vmem_shared>>)
        tpu.yield
      }) : () -> ()
      %scan3A_134 = arith.constant 0 : i32
      scf.yield %scan3A_134 : i32
    }
    %scan3A_85 = arith.constant 39 : i32
    %dma_wait3A_86 = arith.constant 78 : i32
    %dma_wait3A_87 = arith.constant 0 : i32
    %dma_wait3A_88 = tpu.memref_slice %arg7[%dma_wait3A_86, %dma_wait3A_87] : memref<79x128xi32, #tpu.memory_space<vmem>> -> memref<1x128xi32, #tpu.memory_space<vmem>>
    %dma_wait3A_89 = tpu.memref_squeeze %dma_wait3A_88 : memref<1x128xi32, #tpu.memory_space<vmem>> -> memref<128xi32, #tpu.memory_space<vmem>>
    %dma_wait3A_90 = arith.constant 0 : i32
    %dma_wait3A_91 = arith.constant 0 : i32
    %dma_wait3A_92 = tpu.memref_slice %arg2[%dma_wait3A_90, %dma_wait3A_91] : memref<20480x64xf32, #tpu.memory_space<hbm>> -> memref<20480x64xf32, #tpu.memory_space<hbm>>
    tpu.wait_indirect_dma semaphore(%arg12 : memref<!tpu.dma_semaphore, #tpu.memory_space<semaphore_mem>>) src(%dma_wait3A_92 : memref<20480x64xf32, #tpu.memory_space<hbm>>) dst(%arg9 : memref<128x64xf32, #tpu.memory_space<vmem>>)
    %run_scoped3A_93 = arith.constant 78 : i32
    "tpu.region"() ({
      %run_scoped3A_96 = tpu.sem_alloc : memref<!tpu.dma_semaphore, #tpu.memory_space<semaphore_mem>>
      %dma_start3A_97 = arith.constant 0 : i32
      %dma_start3A_98 = tpu.memref_slice %arg8[%run_scoped3A_93, %dma_start3A_97] : memref<79x128xi32, #tpu.memory_space<vmem>> -> memref<1x128xi32, #tpu.memory_space<vmem>>
      %dma_start3A_99 = tpu.memref_squeeze %dma_start3A_98 : memref<1x128xi32, #tpu.memory_space<vmem>> -> memref<128xi32, #tpu.memory_space<vmem>>
      %dma_start3A_100 = arith.constant 0 : i32
      %dma_start3A_101 = arith.constant 0 : i32
      %dma_start3A_102 = tpu.memref_slice %arg11[%dma_start3A_100, %dma_start3A_101] : memref<10240x64xf32, #tpu.memory_space<vmem_shared>> -> memref<10240x64xf32, #tpu.memory_space<vmem_shared>>
      tpu.enqueue_indirect_dma source(%arg9 : memref<128x64xf32, #tpu.memory_space<vmem>>) target(%dma_start3A_102 : memref<10240x64xf32, #tpu.memory_space<vmem_shared>>) offsets(%dma_start3A_99 : memref<128xi32, #tpu.memory_space<vmem>>) semaphore(%run_scoped3A_96 : memref<!tpu.dma_semaphore, #tpu.memory_space<semaphore_mem>>) {add = true}
      %dma_wait3A_103 = arith.constant 0 : i32
      %dma_wait3A_104 = tpu.memref_slice %arg8[%run_scoped3A_93, %dma_wait3A_103] : memref<79x128xi32, #tpu.memory_space<vmem>> -> memref<1x128xi32, #tpu.memory_space<vmem>>
      %dma_wait3A_105 = tpu.memref_squeeze %dma_wait3A_104 : memref<1x128xi32, #tpu.memory_space<vmem>> -> memref<128xi32, #tpu.memory_space<vmem>>
      %dma_wait3A_106 = arith.constant 0 : i32
      %dma_wait3A_107 = arith.constant 0 : i32
      %dma_wait3A_108 = tpu.memref_slice %arg11[%dma_wait3A_106, %dma_wait3A_107] : memref<10240x64xf32, #tpu.memory_space<vmem_shared>> -> memref<10240x64xf32, #tpu.memory_space<vmem_shared>>
      tpu.wait_indirect_dma semaphore(%run_scoped3A_96 : memref<!tpu.dma_semaphore, #tpu.memory_space<semaphore_mem>>) src(%arg9 : memref<128x64xf32, #tpu.memory_space<vmem>>) dst(%dma_wait3A_108 : memref<10240x64xf32, #tpu.memory_space<vmem_shared>>)
      tpu.yield
    }) : () -> ()
    %barrier3A_94 = arith.constant 0 : index
    tpu.barrier barrier_id(%barrier3A_94)
    %run_scoped3A_95 = arith.constant 1 : i32
    "tpu.region"() ({
      %run_scoped3A_96 = tpu.sem_alloc : memref<!tpu.dma_semaphore, #tpu.memory_space<semaphore_mem>>
      %dma_start3A_97 = arith.constant 0 : i32
      %dma_start3A_98 = arith.constant 0 : i32
      %dma_start3A_99 = arith.constant 0 : i32
      %dma_start3A_100 = arith.constant 0 : i32
      %dma_start3A_101 = tpu.memref_slice %arg5[%arg0, %dma_start3A_97, %dma_start3A_98, %dma_start3A_99, %dma_start3A_100] : memref<2x2x16x640x64xf32, #tpu.memory_space<hbm>> -> memref<1x2x16x640x64xf32, #tpu.memory_space<hbm>>
      %dma_start3A_102 = tpu.memref_squeeze %dma_start3A_101 : memref<1x2x16x640x64xf32, #tpu.memory_space<hbm>> -> memref<2x16x640x64xf32, #tpu.memory_space<hbm>>
      %dma_start3A_103 = arith.constant 0 : i32
      %dma_start3A_104 = arith.constant 0 : i32
      %dma_start3A_105 = arith.constant 0 : i32
      %dma_start3A_106 = tpu.memref_slice %dma_start3A_102[%run_scoped3A_95, %dma_start3A_103, %dma_start3A_104, %dma_start3A_105] : memref<2x16x640x64xf32, #tpu.memory_space<hbm>> -> memref<1x16x640x64xf32, #tpu.memory_space<hbm>>
      %dma_start3A_107 = tpu.memref_squeeze %dma_start3A_106 : memref<1x16x640x64xf32, #tpu.memory_space<hbm>> -> memref<16x640x64xf32, #tpu.memory_space<hbm>>
      %dma_start3A_108 = arith.constant 0 : i32
      %dma_start3A_109 = arith.constant 0 : i32
      %dma_start3A_110 = tpu.memref_slice %dma_start3A_107[%arg1, %dma_start3A_108, %dma_start3A_109] : memref<16x640x64xf32, #tpu.memory_space<hbm>> -> memref<1x640x64xf32, #tpu.memory_space<hbm>>
      %dma_start3A_111 = tpu.memref_squeeze %dma_start3A_110 : memref<1x640x64xf32, #tpu.memory_space<hbm>> -> memref<640x64xf32, #tpu.memory_space<hbm>>
      %dma_start3A_112 = arith.constant 0 : i32
      %dma_start3A_113 = tpu.memref_slice %arg11[%mul3A_2, %dma_start3A_112] : memref<10240x64xf32, #tpu.memory_space<vmem_shared>> -> memref<640x64xf32, #tpu.memory_space<vmem_shared>>
      tpu.enqueue_dma source(%dma_start3A_113 : memref<640x64xf32, #tpu.memory_space<vmem_shared>>) target(%dma_start3A_111 : memref<640x64xf32, #tpu.memory_space<hbm>>) target_semaphore(%run_scoped3A_96 : memref<!tpu.dma_semaphore, #tpu.memory_space<semaphore_mem>>)
      %dma_wait3A_114 = arith.constant 0 : i32
      %dma_wait3A_115 = arith.constant 0 : i32
      %dma_wait3A_116 = arith.constant 0 : i32
      %dma_wait3A_117 = arith.constant 0 : i32
      %dma_wait3A_118 = tpu.memref_slice %arg5[%arg0, %dma_wait3A_114, %dma_wait3A_115, %dma_wait3A_116, %dma_wait3A_117] : memref<2x2x16x640x64xf32, #tpu.memory_space<hbm>> -> memref<1x2x16x640x64xf32, #tpu.memory_space<hbm>>
      %dma_wait3A_119 = tpu.memref_squeeze %dma_wait3A_118 : memref<1x2x16x640x64xf32, #tpu.memory_space<hbm>> -> memref<2x16x640x64xf32, #tpu.memory_space<hbm>>
      %dma_wait3A_120 = arith.constant 0 : i32
      %dma_wait3A_121 = arith.constant 0 : i32
      %dma_wait3A_122 = arith.constant 0 : i32
      %dma_wait3A_123 = tpu.memref_slice %dma_wait3A_119[%run_scoped3A_95, %dma_wait3A_120, %dma_wait3A_121, %dma_wait3A_122] : memref<2x16x640x64xf32, #tpu.memory_space<hbm>> -> memref<1x16x640x64xf32, #tpu.memory_space<hbm>>
      %dma_wait3A_124 = tpu.memref_squeeze %dma_wait3A_123 : memref<1x16x640x64xf32, #tpu.memory_space<hbm>> -> memref<16x640x64xf32, #tpu.memory_space<hbm>>
      %dma_wait3A_125 = arith.constant 0 : i32
      %dma_wait3A_126 = arith.constant 0 : i32
      %dma_wait3A_127 = tpu.memref_slice %dma_wait3A_124[%arg1, %dma_wait3A_125, %dma_wait3A_126] : memref<16x640x64xf32, #tpu.memory_space<hbm>> -> memref<1x640x64xf32, #tpu.memory_space<hbm>>
      %dma_wait3A_128 = tpu.memref_squeeze %dma_wait3A_127 : memref<1x640x64xf32, #tpu.memory_space<hbm>> -> memref<640x64xf32, #tpu.memory_space<hbm>>
      %dma_wait3A_129 = arith.constant 0 : i32
      %dma_wait3A_130 = tpu.memref_slice %arg11[%mul3A_2, %dma_wait3A_129] : memref<10240x64xf32, #tpu.memory_space<vmem_shared>> -> memref<640x64xf32, #tpu.memory_space<vmem_shared>>
      tpu.wait_dma2 semaphore(%run_scoped3A_96 : memref<!tpu.dma_semaphore, #tpu.memory_space<semaphore_mem>>) src(%dma_wait3A_130 : memref<640x64xf32, #tpu.memory_space<vmem_shared>>) dst(%dma_wait3A_128 : memref<640x64xf32, #tpu.memory_space<hbm>>)
      tpu.yield
    }) : () -> ()
    return
  }
}

module attributes {stable_mosaic.version = 14 : i64} {
  func.func @body(%arg0: i32, %arg1: memref<2x2x512x64xf32, #tpu.memory_space<vmem>>, %arg2: memref<2x512x16xf32, #tpu.memory_space<vmem>>, %arg3: memref<512x128xf32, #tpu.memory_space<vmem>>, %arg4: memref<128x128xf32, #tpu.memory_space<vmem>>, %arg5: memref<128x128xf32, #tpu.memory_space<vmem>>, %arg6: memref<1x128xf32, #tpu.memory_space<vmem>>, %arg7: memref<1x128xf32, #tpu.memory_space<vmem>>, %arg8: memref<1x128xf32, #tpu.memory_space<vmem>>, %arg9: memref<512x128xf32, #tpu.memory_space<vmem>>) attributes {dimension_semantics = [#tpu.dimension_semantics<arbitrary>], iteration_bounds = array<i64: 20>, scalar_prefetch = 0 : i64, scratch_operands = 0 : i64, tpu.core_type = #tpu.core_type<tc>, window_params = [{transform_indices = @transform_0, window_bounds = array<i64: 2, 2, 512, 64>}, {transform_indices = @transform_1, window_bounds = array<i64: 2, 512, 16>}, {transform_indices = @transform_2, window_bounds = array<i64: 512, 128>}, {pipeline_mode = #tpu.pipeline_mode<synchronous>, transform_indices = @transform_3, window_bounds = array<i64: 128, 128>}, {pipeline_mode = #tpu.pipeline_mode<synchronous>, transform_indices = @transform_4, window_bounds = array<i64: 128, 128>}, {pipeline_mode = #tpu.pipeline_mode<synchronous>, transform_indices = @transform_5, window_bounds = array<i64: 1, 128>}, {pipeline_mode = #tpu.pipeline_mode<synchronous>, transform_indices = @transform_6, window_bounds = array<i64: 1, 128>}, {pipeline_mode = #tpu.pipeline_mode<synchronous>, transform_indices = @transform_7, window_bounds = array<i64: 1, 128>}, {transform_indices = @transform_8, window_bounds = array<i64: 512, 128>}]} {
    %get3A = arith.constant 0 : index
    %get3A_0 = arith.constant 0 : index
    %get3A_1 = arith.constant 0 : index
    %get3A_2 = vector.load %arg2[%get3A, %get3A_0, %get3A_1] : memref<2x512x16xf32, #tpu.memory_space<vmem>>, vector<1x512x1xf32>
    %get3A_3 = vector.shape_cast %get3A_2 : vector<1x512x1xf32> to vector<512x1xf32>
    %get3A_4 = arith.constant 1 : index
    %get3A_5 = arith.constant 0 : index
    %get3A_6 = arith.constant 0 : index
    %get3A_7 = vector.load %arg2[%get3A_4, %get3A_5, %get3A_6] : memref<2x512x16xf32, #tpu.memory_space<vmem>>, vector<1x512x1xf32>
    %get3A_8 = vector.shape_cast %get3A_7 : vector<1x512x1xf32> to vector<512x1xf32>
    %add3A = arith.addf %get3A_3, %get3A_8 : vector<512x1xf32>
    %max3A = arith.constant 1.000000e+00 : f32
    %max3A_9 = vector.broadcast %max3A : f32 to vector<512x1xf32>
    %max3A_10 = arith.maximumf %add3A, %max3A_9 : vector<512x1xf32>
    %div3A = arith.constant 1.000000e+00 : f32
    %div3A_11 = vector.broadcast %div3A : f32 to vector<512x1xf32>
    %div3A_12 = arith.divf %div3A_11, %max3A_10 : vector<512x1xf32>
    %get3A_13 = arith.constant 0 : index
    %get3A_14 = arith.constant 0 : index
    %get3A_15 = arith.constant 0 : index
    %get3A_16 = arith.constant 0 : index
    %get3A_17 = vector.load %arg1[%get3A_13, %get3A_14, %get3A_15, %get3A_16] : memref<2x2x512x64xf32, #tpu.memory_space<vmem>>, vector<1x1x512x64xf32>
    %get3A_18 = vector.shape_cast %get3A_17 : vector<1x1x512x64xf32> to vector<512x64xf32>
    %get3A_19 = arith.constant 1 : index
    %get3A_20 = arith.constant 0 : index
    %get3A_21 = arith.constant 0 : index
    %get3A_22 = arith.constant 0 : index
    %get3A_23 = vector.load %arg1[%get3A_19, %get3A_20, %get3A_21, %get3A_22] : memref<2x2x512x64xf32, #tpu.memory_space<vmem>>, vector<1x1x512x64xf32>
    %get3A_24 = vector.shape_cast %get3A_23 : vector<1x1x512x64xf32> to vector<512x64xf32>
    %add3A_25 = arith.addf %get3A_18, %get3A_24 : vector<512x64xf32>
    %get3A_26 = arith.constant 0 : index
    %get3A_27 = arith.constant 1 : index
    %get3A_28 = arith.constant 0 : index
    %get3A_29 = arith.constant 0 : index
    %get3A_30 = vector.load %arg1[%get3A_26, %get3A_27, %get3A_28, %get3A_29] : memref<2x2x512x64xf32, #tpu.memory_space<vmem>>, vector<1x1x512x64xf32>
    %get3A_31 = vector.shape_cast %get3A_30 : vector<1x1x512x64xf32> to vector<512x64xf32>
    %get3A_32 = arith.constant 1 : index
    %get3A_33 = arith.constant 1 : index
    %get3A_34 = arith.constant 0 : index
    %get3A_35 = arith.constant 0 : index
    %get3A_36 = vector.load %arg1[%get3A_32, %get3A_33, %get3A_34, %get3A_35] : memref<2x2x512x64xf32, #tpu.memory_space<vmem>>, vector<1x1x512x64xf32>
    %get3A_37 = vector.shape_cast %get3A_36 : vector<1x1x512x64xf32> to vector<512x64xf32>
    %add3A_38 = arith.addf %get3A_31, %get3A_37 : vector<512x64xf32>
    %concatenate3A = tpu.concatenate %add3A_25, %add3A_38 in 1 : vector<512x64xf32>, vector<512x64xf32> -> vector<512x128xf32>
    %mul3A = vector.broadcast %div3A_12 : vector<512x1xf32> to vector<512x128xf32>
    %mul3A_39 = arith.mulf %concatenate3A, %mul3A : vector<512x128xf32>
    %get3A_40 = arith.constant 0 : index
    %get3A_41 = arith.constant 0 : index
    %get3A_42 = vector.load %arg4[%get3A_40, %get3A_41] : memref<128x128xf32, #tpu.memory_space<vmem>>, vector<128x128xf32>
    %dot_general3A = arith.constant dense<0.000000e+00> : vector<512x128xf32>
    %dot_general3A_43 = tpu.matmul %mul3A_39, %get3A_42, %dot_general3A {dimension_numbers = #tpu.dot_dimension_numbers<[1], [1], [0], [0], [0, 0, 1, 0], [], []>, transpose_lhs_hint = false} : vector<512x128xf32>, vector<128x128xf32>, vector<512x128xf32> -> vector<512x128xf32>
    %get3A_44 = arith.constant 0 : index
    %get3A_45 = arith.constant 0 : index
    %get3A_46 = vector.load %arg3[%get3A_44, %get3A_45] : memref<512x128xf32, #tpu.memory_space<vmem>>, vector<512x128xf32>
    %get3A_47 = arith.constant 0 : index
    %get3A_48 = arith.constant 0 : index
    %get3A_49 = vector.load %arg5[%get3A_47, %get3A_48] : memref<128x128xf32, #tpu.memory_space<vmem>>, vector<128x128xf32>
    %dot_general3A_50 = arith.constant dense<0.000000e+00> : vector<512x128xf32>
    %dot_general3A_51 = tpu.matmul %get3A_46, %get3A_49, %dot_general3A_50 {dimension_numbers = #tpu.dot_dimension_numbers<[1], [1], [0], [0], [0, 0, 1, 0], [], []>, transpose_lhs_hint = false} : vector<512x128xf32>, vector<128x128xf32>, vector<512x128xf32> -> vector<512x128xf32>
    %add3A_52 = arith.addf %dot_general3A_43, %dot_general3A_51 : vector<512x128xf32>
    %get3A_53 = arith.constant 0 : index
    %get3A_54 = arith.constant 0 : index
    %get3A_55 = vector.load %arg6[%get3A_53, %get3A_54] : memref<1x128xf32, #tpu.memory_space<vmem>>, vector<1x128xf32>
    %add3A_56 = vector.broadcast %get3A_55 : vector<1x128xf32> to vector<512x128xf32>
    %add3A_57 = arith.addf %add3A_52, %add3A_56 : vector<512x128xf32>
    %get3A_58 = arith.constant 0 : index
    %get3A_59 = arith.constant 0 : index
    %get3A_60 = vector.load %arg7[%get3A_58, %get3A_59] : memref<1x128xf32, #tpu.memory_space<vmem>>, vector<1x128xf32>
    %mul3A_61 = vector.broadcast %get3A_60 : vector<1x128xf32> to vector<512x128xf32>
    %mul3A_62 = arith.mulf %add3A_57, %mul3A_61 : vector<512x128xf32>
    %get3A_63 = arith.constant 0 : index
    %get3A_64 = arith.constant 0 : index
    %get3A_65 = vector.load %arg8[%get3A_63, %get3A_64] : memref<1x128xf32, #tpu.memory_space<vmem>>, vector<1x128xf32>
    %add3A_66 = vector.broadcast %get3A_65 : vector<1x128xf32> to vector<512x128xf32>
    %add3A_67 = arith.addf %mul3A_62, %add3A_66 : vector<512x128xf32>
    %max3A_68 = arith.constant 0.000000e+00 : f32
    %max3A_69 = vector.broadcast %max3A_68 : f32 to vector<512x128xf32>
    %max3A_70 = arith.maximumf %add3A_67, %max3A_69 : vector<512x128xf32>
    %swap3A = arith.constant 0 : index
    %swap3A_71 = arith.constant 0 : index
    %swap3A_72 = vector.load %arg9[%swap3A, %swap3A_71] : memref<512x128xf32, #tpu.memory_space<vmem>>, vector<512x128xf32>
    tpu.vector_store %arg9[%swap3A, %swap3A_71], %max3A_70 {strides = array<i32>} : memref<512x128xf32, #tpu.memory_space<vmem>>, vector<512x128xf32>,
    return
  }
  func.func @transform_0(%arg0: i32) -> (i32, i32, i32, i32) {
    %c0_i32 = arith.constant 0 : i32
    %c0_i32_0 = arith.constant 0 : i32
    %c0_i32_1 = arith.constant 0 : i32
    %c0_i32_2 = arith.constant 0 : i32
    return %c0_i32, %c0_i32_0, %arg0, %c0_i32_1 : i32, i32, i32, i32
  }
  func.func @transform_1(%arg0: i32) -> (i32, i32, i32) {
    %c0_i32 = arith.constant 0 : i32
    %c0_i32_0 = arith.constant 0 : i32
    %c0_i32_1 = arith.constant 0 : i32
    return %c0_i32, %arg0, %c0_i32_0 : i32, i32, i32
  }
  func.func @transform_2(%arg0: i32) -> (i32, i32) {
    %c0_i32 = arith.constant 0 : i32
    %c0_i32_0 = arith.constant 0 : i32
    return %arg0, %c0_i32 : i32, i32
  }
  func.func @transform_3(%arg0: i32) -> (i32, i32) {
    %c0_i32 = arith.constant 0 : i32
    %c0_i32_0 = arith.constant 0 : i32
    %c0_i32_1 = arith.constant 0 : i32
    return %c0_i32, %c0_i32_0 : i32, i32
  }
  func.func @transform_4(%arg0: i32) -> (i32, i32) {
    %c0_i32 = arith.constant 0 : i32
    %c0_i32_0 = arith.constant 0 : i32
    %c0_i32_1 = arith.constant 0 : i32
    return %c0_i32, %c0_i32_0 : i32, i32
  }
  func.func @transform_5(%arg0: i32) -> (i32, i32) {
    %c0_i32 = arith.constant 0 : i32
    %c0_i32_0 = arith.constant 0 : i32
    %c0_i32_1 = arith.constant 0 : i32
    return %c0_i32, %c0_i32_0 : i32, i32
  }
  func.func @transform_6(%arg0: i32) -> (i32, i32) {
    %c0_i32 = arith.constant 0 : i32
    %c0_i32_0 = arith.constant 0 : i32
    %c0_i32_1 = arith.constant 0 : i32
    return %c0_i32, %c0_i32_0 : i32, i32
  }
  func.func @transform_7(%arg0: i32) -> (i32, i32) {
    %c0_i32 = arith.constant 0 : i32
    %c0_i32_0 = arith.constant 0 : i32
    %c0_i32_1 = arith.constant 0 : i32
    return %c0_i32, %c0_i32_0 : i32, i32
  }
  func.func @transform_8(%arg0: i32) -> (i32, i32) {
    %c0_i32 = arith.constant 0 : i32
    %c0_i32_0 = arith.constant 0 : i32
    return %arg0, %c0_i32 : i32, i32
  }
}

module attributes {stable_mosaic.version = 14 : i64} {
  func.func @body(%arg0: i32, %arg1: memref<2x2x512x64xf32, #tpu.memory_space<vmem>>, %arg2: memref<2x512x16xf32, #tpu.memory_space<vmem>>, %arg3: memref<512x128xf32, #tpu.memory_space<vmem>>, %arg4: memref<64x128xf32, #tpu.memory_space<vmem>>, %arg5: memref<64x128xf32, #tpu.memory_space<vmem>>, %arg6: memref<1x64xf32, #tpu.memory_space<vmem>>, %arg7: memref<1x64xf32, #tpu.memory_space<vmem>>, %arg8: memref<1x64xf32, #tpu.memory_space<vmem>>, %arg9: memref<512x64xf32, #tpu.memory_space<vmem>>) attributes {dimension_semantics = [#tpu.dimension_semantics<arbitrary>], iteration_bounds = array<i64: 20>, scalar_prefetch = 0 : i64, scratch_operands = 0 : i64, tpu.core_type = #tpu.core_type<tc>, window_params = [{transform_indices = @transform_0, window_bounds = array<i64: 2, 2, 512, 64>}, {transform_indices = @transform_1, window_bounds = array<i64: 2, 512, 16>}, {transform_indices = @transform_2, window_bounds = array<i64: 512, 128>}, {pipeline_mode = #tpu.pipeline_mode<synchronous>, transform_indices = @transform_3, window_bounds = array<i64: 64, 128>}, {pipeline_mode = #tpu.pipeline_mode<synchronous>, transform_indices = @transform_4, window_bounds = array<i64: 64, 128>}, {pipeline_mode = #tpu.pipeline_mode<synchronous>, transform_indices = @transform_5, window_bounds = array<i64: 1, 64>}, {pipeline_mode = #tpu.pipeline_mode<synchronous>, transform_indices = @transform_6, window_bounds = array<i64: 1, 64>}, {pipeline_mode = #tpu.pipeline_mode<synchronous>, transform_indices = @transform_7, window_bounds = array<i64: 1, 64>}, {transform_indices = @transform_8, window_bounds = array<i64: 512, 64>}]} {
    %get3A = arith.constant 0 : index
    %get3A_0 = arith.constant 0 : index
    %get3A_1 = arith.constant 0 : index
    %get3A_2 = vector.load %arg2[%get3A, %get3A_0, %get3A_1] : memref<2x512x16xf32, #tpu.memory_space<vmem>>, vector<1x512x1xf32>
    %get3A_3 = vector.shape_cast %get3A_2 : vector<1x512x1xf32> to vector<512x1xf32>
    %get3A_4 = arith.constant 1 : index
    %get3A_5 = arith.constant 0 : index
    %get3A_6 = arith.constant 0 : index
    %get3A_7 = vector.load %arg2[%get3A_4, %get3A_5, %get3A_6] : memref<2x512x16xf32, #tpu.memory_space<vmem>>, vector<1x512x1xf32>
    %get3A_8 = vector.shape_cast %get3A_7 : vector<1x512x1xf32> to vector<512x1xf32>
    %add3A = arith.addf %get3A_3, %get3A_8 : vector<512x1xf32>
    %max3A = arith.constant 1.000000e+00 : f32
    %max3A_9 = vector.broadcast %max3A : f32 to vector<512x1xf32>
    %max3A_10 = arith.maximumf %add3A, %max3A_9 : vector<512x1xf32>
    %div3A = arith.constant 1.000000e+00 : f32
    %div3A_11 = vector.broadcast %div3A : f32 to vector<512x1xf32>
    %div3A_12 = arith.divf %div3A_11, %max3A_10 : vector<512x1xf32>
    %get3A_13 = arith.constant 0 : index
    %get3A_14 = arith.constant 0 : index
    %get3A_15 = arith.constant 0 : index
    %get3A_16 = arith.constant 0 : index
    %get3A_17 = vector.load %arg1[%get3A_13, %get3A_14, %get3A_15, %get3A_16] : memref<2x2x512x64xf32, #tpu.memory_space<vmem>>, vector<1x1x512x64xf32>
    %get3A_18 = vector.shape_cast %get3A_17 : vector<1x1x512x64xf32> to vector<512x64xf32>
    %get3A_19 = arith.constant 1 : index
    %get3A_20 = arith.constant 0 : index
    %get3A_21 = arith.constant 0 : index
    %get3A_22 = arith.constant 0 : index
    %get3A_23 = vector.load %arg1[%get3A_19, %get3A_20, %get3A_21, %get3A_22] : memref<2x2x512x64xf32, #tpu.memory_space<vmem>>, vector<1x1x512x64xf32>
    %get3A_24 = vector.shape_cast %get3A_23 : vector<1x1x512x64xf32> to vector<512x64xf32>
    %add3A_25 = arith.addf %get3A_18, %get3A_24 : vector<512x64xf32>
    %get3A_26 = arith.constant 0 : index
    %get3A_27 = arith.constant 1 : index
    %get3A_28 = arith.constant 0 : index
    %get3A_29 = arith.constant 0 : index
    %get3A_30 = vector.load %arg1[%get3A_26, %get3A_27, %get3A_28, %get3A_29] : memref<2x2x512x64xf32, #tpu.memory_space<vmem>>, vector<1x1x512x64xf32>
    %get3A_31 = vector.shape_cast %get3A_30 : vector<1x1x512x64xf32> to vector<512x64xf32>
    %get3A_32 = arith.constant 1 : index
    %get3A_33 = arith.constant 1 : index
    %get3A_34 = arith.constant 0 : index
    %get3A_35 = arith.constant 0 : index
    %get3A_36 = vector.load %arg1[%get3A_32, %get3A_33, %get3A_34, %get3A_35] : memref<2x2x512x64xf32, #tpu.memory_space<vmem>>, vector<1x1x512x64xf32>
    %get3A_37 = vector.shape_cast %get3A_36 : vector<1x1x512x64xf32> to vector<512x64xf32>
    %add3A_38 = arith.addf %get3A_31, %get3A_37 : vector<512x64xf32>
    %concatenate3A = tpu.concatenate %add3A_25, %add3A_38 in 1 : vector<512x64xf32>, vector<512x64xf32> -> vector<512x128xf32>
    %mul3A = vector.broadcast %div3A_12 : vector<512x1xf32> to vector<512x128xf32>
    %mul3A_39 = arith.mulf %concatenate3A, %mul3A : vector<512x128xf32>
    %get3A_40 = arith.constant 0 : index
    %get3A_41 = arith.constant 0 : index
    %get3A_42 = vector.load %arg4[%get3A_40, %get3A_41] : memref<64x128xf32, #tpu.memory_space<vmem>>, vector<64x128xf32>
    %dot_general3A = arith.constant dense<0.000000e+00> : vector<512x64xf32>
    %dot_general3A_43 = tpu.matmul %mul3A_39, %get3A_42, %dot_general3A {dimension_numbers = #tpu.dot_dimension_numbers<[1], [1], [0], [0], [0, 0, 1, 0], [], []>, transpose_lhs_hint = false} : vector<512x128xf32>, vector<64x128xf32>, vector<512x64xf32> -> vector<512x64xf32>
    %get3A_44 = arith.constant 0 : index
    %get3A_45 = arith.constant 0 : index
    %get3A_46 = vector.load %arg3[%get3A_44, %get3A_45] : memref<512x128xf32, #tpu.memory_space<vmem>>, vector<512x128xf32>
    %get3A_47 = arith.constant 0 : index
    %get3A_48 = arith.constant 0 : index
    %get3A_49 = vector.load %arg5[%get3A_47, %get3A_48] : memref<64x128xf32, #tpu.memory_space<vmem>>, vector<64x128xf32>
    %dot_general3A_50 = arith.constant dense<0.000000e+00> : vector<512x64xf32>
    %dot_general3A_51 = tpu.matmul %get3A_46, %get3A_49, %dot_general3A_50 {dimension_numbers = #tpu.dot_dimension_numbers<[1], [1], [0], [0], [0, 0, 1, 0], [], []>, transpose_lhs_hint = false} : vector<512x128xf32>, vector<64x128xf32>, vector<512x64xf32> -> vector<512x64xf32>
    %add3A_52 = arith.addf %dot_general3A_43, %dot_general3A_51 : vector<512x64xf32>
    %get3A_53 = arith.constant 0 : index
    %get3A_54 = arith.constant 0 : index
    %get3A_55 = vector.load %arg6[%get3A_53, %get3A_54] : memref<1x64xf32, #tpu.memory_space<vmem>>, vector<1x64xf32>
    %add3A_56 = vector.broadcast %get3A_55 : vector<1x64xf32> to vector<512x64xf32>
    %add3A_57 = arith.addf %add3A_52, %add3A_56 : vector<512x64xf32>
    %get3A_58 = arith.constant 0 : index
    %get3A_59 = arith.constant 0 : index
    %get3A_60 = vector.load %arg7[%get3A_58, %get3A_59] : memref<1x64xf32, #tpu.memory_space<vmem>>, vector<1x64xf32>
    %mul3A_61 = vector.broadcast %get3A_60 : vector<1x64xf32> to vector<512x64xf32>
    %mul3A_62 = arith.mulf %add3A_57, %mul3A_61 : vector<512x64xf32>
    %get3A_63 = arith.constant 0 : index
    %get3A_64 = arith.constant 0 : index
    %get3A_65 = vector.load %arg8[%get3A_63, %get3A_64] : memref<1x64xf32, #tpu.memory_space<vmem>>, vector<1x64xf32>
    %add3A_66 = vector.broadcast %get3A_65 : vector<1x64xf32> to vector<512x64xf32>
    %add3A_67 = arith.addf %mul3A_62, %add3A_66 : vector<512x64xf32>
    %mul3A_68 = arith.mulf %add3A_67, %add3A_67 : vector<512x64xf32>
    %reduce_sum3A = arith.constant dense<0.000000e+00> : vector<512xf32>
    %reduce_sum3A_69 = vector.multi_reduction <add>, %mul3A_68, %reduce_sum3A [1] : vector<512x64xf32> to vector<512xf32>
    %broadcast_in_dim3A = vector.shape_cast %reduce_sum3A_69 : vector<512xf32> to vector<512x1xf32>
    %sqrt3A = math.sqrt %broadcast_in_dim3A : vector<512x1xf32>
    %max3A_70 = arith.constant 9.99999996E-13 : f32
    %max3A_71 = vector.broadcast %max3A_70 : f32 to vector<512x1xf32>
    %max3A_72 = arith.maximumf %sqrt3A, %max3A_71 : vector<512x1xf32>
    %div3A_73 = vector.broadcast %max3A_72 : vector<512x1xf32> to vector<512x64xf32>
    %div3A_74 = arith.divf %add3A_67, %div3A_73 : vector<512x64xf32>
    %swap3A = arith.constant 0 : index
    %swap3A_75 = arith.constant 0 : index
    %swap3A_76 = vector.load %arg9[%swap3A, %swap3A_75] : memref<512x64xf32, #tpu.memory_space<vmem>>, vector<512x64xf32>
    tpu.vector_store %arg9[%swap3A, %swap3A_75], %div3A_74 {strides = array<i32>} : memref<512x64xf32, #tpu.memory_space<vmem>>, vector<512x64xf32>,
    return
  }
  func.func @transform_0(%arg0: i32) -> (i32, i32, i32, i32) {
    %c0_i32 = arith.constant 0 : i32
    %c0_i32_0 = arith.constant 0 : i32
    %c0_i32_1 = arith.constant 0 : i32
    %c0_i32_2 = arith.constant 0 : i32
    return %c0_i32, %c0_i32_0, %arg0, %c0_i32_1 : i32, i32, i32, i32
  }
  func.func @transform_1(%arg0: i32) -> (i32, i32, i32) {
    %c0_i32 = arith.constant 0 : i32
    %c0_i32_0 = arith.constant 0 : i32
    %c0_i32_1 = arith.constant 0 : i32
    return %c0_i32, %arg0, %c0_i32_0 : i32, i32, i32
  }
  func.func @transform_2(%arg0: i32) -> (i32, i32) {
    %c0_i32 = arith.constant 0 : i32
    %c0_i32_0 = arith.constant 0 : i32
    return %arg0, %c0_i32 : i32, i32
  }
  func.func @transform_3(%arg0: i32) -> (i32, i32) {
    %c0_i32 = arith.constant 0 : i32
    %c0_i32_0 = arith.constant 0 : i32
    %c0_i32_1 = arith.constant 0 : i32
    return %c0_i32, %c0_i32_0 : i32, i32
  }
  func.func @transform_4(%arg0: i32) -> (i32, i32) {
    %c0_i32 = arith.constant 0 : i32
    %c0_i32_0 = arith.constant 0 : i32
    %c0_i32_1 = arith.constant 0 : i32
    return %c0_i32, %c0_i32_0 : i32, i32
  }
  func.func @transform_5(%arg0: i32) -> (i32, i32) {
    %c0_i32 = arith.constant 0 : i32
    %c0_i32_0 = arith.constant 0 : i32
    %c0_i32_1 = arith.constant 0 : i32
    return %c0_i32, %c0_i32_0 : i32, i32
  }
  func.func @transform_6(%arg0: i32) -> (i32, i32) {
    %c0_i32 = arith.constant 0 : i32
    %c0_i32_0 = arith.constant 0 : i32
    %c0_i32_1 = arith.constant 0 : i32
    return %c0_i32, %c0_i32_0 : i32, i32
  }
  func.func @transform_7(%arg0: i32) -> (i32, i32) {
    %c0_i32 = arith.constant 0 : i32
    %c0_i32_0 = arith.constant 0 : i32
    %c0_i32_1 = arith.constant 0 : i32
    return %c0_i32, %c0_i32_0 : i32, i32
  }
  func.func @transform_8(%arg0: i32) -> (i32, i32) {
    %c0_i32 = arith.constant 0 : i32
    %c0_i32_0 = arith.constant 0 : i32
    return %arg0, %c0_i32 : i32, i32
  }
}

</mosaic_0001>

<sc_bundles>
// kernel: kernel.11.cloned.1.call-start
scs
__scs_entry_jumppad:
0x0: {  	(pc) =	sbr.rel $0x88, $3  }
0x1: {  	(tag) =	ssettag $0x0;
	lr =	simm.s32 $0x1  }
0x2: {  	[smem:$0x3F90] =	sst lr;
	_ =	strace $0xD0000000  }
0x3: {  	_ = 	snop  }
0x4: {  	_ = 	snop  }
0x5: {  	_ = 	snop  }
0x6: {  	_ = 	snop  }
0x7: {  	_ = 	snop  }
__scs_overlays_trampoline_lowered:
0x8: {  	[smem:$0x3F9F] =	sst s0  }
0x9: {  	[smem:$0x3FA0] =	sst s1  }
0xa: {  	[smem:$0x3FA1] =	sst s2  }
0xb: {  	[smem:$0x3FA2] =	sst s3  }
0xc: {  	[smem:$0x3FA3] =	sst s4  }
0xd: {  	[smem:$0x3FA4] =	sst s5  }
0xe: {  	[smem:$0x3FA5] =	sst s6  }
0xf: {  	[smem:$0x3FA6] =	sst s7  }
0x10: {  	[smem:$0x3FA7] =	sst s8  }
0x11: {  	[smem:$0x3FA8] =	sst s9;
	s0 =	simm.s32 @!p0 $0x0  }
0x12: {  	s1 =	sld [smem:$0x3F8E];
	s0 =	simm.s32 @p0 $0x1  }
0x13: {  	[smem:$0x3FA9] =	sst s0;
	s0 =	simm.s32 @!p1 $0x0  }
0x14: {  	s2 =	sld [smem:$0x3F8D];
	s0 =	simm.s32 @p1 $0x1  }
0x15: {  	[smem:$0x3FAA] =	sst s0;
	s0 =	simm.s32 @!p2 $0x0  }
0x16: {  	s3 =	sld [smem:$0x3FDB];
	s0 =	simm.s32 @p2 $0x1  }
0x17: {  	s4 =	simm.s32 $0x1BF5;
	[smem:$0x3FAC] =	sst s0  }
0x18: {  	s0 =	sld [smem:$0x3F8F];
	_ =	swait.ge [sflag:s4], $0x0  }
0x19: {  	s7 =	sld [smem:$0x3F90]  }
0x1a: {  	s8 =	sadd.s32 $0xFFFFE003, lr  }
0x1b: {  	s9 =	sadd.s32 $0xFFFFFEF7, lr;
	s5 =	simm.s32 $0xFFFFFFFF;
	p2 =	slt.u32 s8, $0xFFFFF086  }
0x1c: {  	p1 =	slt.u32 s9, $0xF7A;
	s5 =	simm.s32 @!p2 $0x0  }
0x1d: {  	s5 =	simm.s32 @p1 $0x1;
	p0 =	seq.s32 s7, s2  }
0x1e: {  	s7 =	smul.u32 @!p0 $0xF7A, s2;
	p2 =	seq.s32 @!p0 s5, $0x0  }
0x1f: {  	s9 =	smul.u32 $0xF7A, s1;
	s8 =	simm.s32 @!p0 $0x1BF5;
	p2 =	por !p2, p0  }
0x20: {  	[sflag:s8] =	ssyncset.s32 @!p0 $0xFFFFF086;
	s6 =	sadd.s32 @!p0 s3, s7;
	s7 =	simm.s32 @!p0 $0x108  }
0x21: {  	s3 =	sadd.s32 s3, s9;
	s6 =	sadd.s32 @!p0 $0x88, s6;
	s7 =	simm.s32 @p2 $0x1082  }
0x22: {  	[simem:s7], [sflag:s8] =	dma.local @!p0 [hbm:s6], $0xF7A  }
0x23: {  	s9 =	sor.u32 $0xD0000000, s2;
	s6 =	simm.s32 $0x108;
	_ =	swait.ge @!p0 [sflag:s8], $0x0  }
0x24: {  	s3 =	sadd.s32 $0x88, s3;
	s6 =	simm.s32 @!p1 $0x1082;
	[sflag:s4] =	ssyncset.s32 $0xFFFFF086  }
0x25: {  	[simem:s6], [sflag:s4] =	dma.local [hbm:s3], $0xF7A  }
0x26: {  	[smem:$0x3F90] =	sst s1;
	(tag) =	ssettag s2;
	_ =	strace s9  }
0x27: {  	s1 =	sld [smem:$0x3FA0]  }
0x28: {  	s2 =	sld [smem:$0x3FA1]  }
0x29: {  	s4 =	sld [smem:$0x3FA3]  }
0x2a: {  	p0 =	seq.s32 s5, $0x0;
	s5 =	sld [smem:$0x3FA4]  }
0x2b: {  	s6 =	sld [smem:$0x3FA5]  }
0x2c: {  	s7 =	sld [smem:$0x3FA6]  }
0x2d: {  	s3 =	simm.s32 $0x108;
	s8 =	sld [smem:$0x3FA7]  }
0x2e: {  	s3 =	simm.s32 @!p0 $0x1082;
	s9 =	sld [smem:$0x3FA8]  }
0x2f: {  	lr =	sadd.s32 s0, s3;
	s0 =	sld [smem:$0x3F9F]  }
0x30: {  	s3 =	sld [smem:$0x3FA2]  }
0x31: {  	[smem:$0x3FAB] =	sst s10  }
0x32: {  	s10 =	sld [smem:$0x3FA9];
	_ =	sdelay $0x3  }
0x33: {  	p0 =	seq.s32 s10, $0x1;
	s10 =	sld [smem:$0x3FAB];
	_ =	sdelay $0x3  }
0x34: {  	[smem:$0x3FAB] =	sst s10  }
0x35: {  	s10 =	sld [smem:$0x3FAA];
	_ =	sdelay $0x3  }
0x36: {  	p1 =	seq.s32 s10, $0x1;
	s10 =	sld [smem:$0x3FAB];
	_ =	sdelay $0x3  }
0x37: {  	[smem:$0x3FAB] =	sst s10  }
0x38: {  	s10 =	sld [smem:$0x3FAC]  }
0x39: {  	_ = 	snop;
	(pc) =	sbr.ind lr, $3  }
0x3a: {  	_ = 	snop  }
0x3b: {  	_ = 	snop  }
0x3c: {  	p2 =	seq.s32 s10, $0x1;
	s10 =	sld [smem:$0x3FAB]  }
0x3d: {  	_ =	shalt  }
0x3e: {  	_ =	shalt  }
0x3f: {  	_ =	shalt  }
0x40: {  	_ =	shalt  }
0x41: {  	_ =	shalt  }
0x42: {  	_ =	shalt  }
0x43: {  	_ =	shalt  }
0x44: {  	_ =	shalt  }
0x45: {  	_ =	shalt  }
0x46: {  	_ =	shalt  }
0x47: {  	_ =	shalt  }
0x48: {  	_ =	shalt  }
0x49: {  	_ =	shalt  }
0x4a: {  	_ =	shalt  }
0x4b: {  	_ =	shalt  }
0x4c: {  	_ =	shalt  }
0x4d: {  	_ =	shalt  }
0x4e: {  	_ =	shalt  }
0x4f: {  	_ =	shalt  }
0x50: {  	_ =	shalt  }
0x51: {  	_ =	shalt  }
0x52: {  	_ =	shalt  }
0x53: {  	_ =	shalt  }
0x54: {  	_ =	shalt  }
0x55: {  	_ =	shalt  }
0x56: {  	_ =	shalt  }
0x57: {  	_ =	shalt  }
0x58: {  	_ =	shalt  }
0x59: {  	_ =	shalt  }
0x5a: {  	_ =	shalt  }
0x5b: {  	_ =	shalt  }
0x5c: {  	_ =	shalt  }
0x5d: {  	_ =	shalt  }
0x5e: {  	_ =	shalt  }
0x5f: {  	_ =	shalt  }
0x60: {  	_ =	shalt  }
0x61: {  	_ =	shalt  }
0x62: {  	_ =	shalt  }
0x63: {  	_ =	shalt  }
0x64: {  	_ =	shalt  }
0x65: {  	_ =	shalt  }
0x66: {  	_ =	shalt  }
0x67: {  	_ =	shalt  }
0x68: {  	_ =	shalt  }
0x69: {  	_ =	shalt  }
0x6a: {  	_ =	shalt  }
0x6b: {  	_ =	shalt  }
0x6c: {  	_ =	shalt  }
0x6d: {  	_ =	shalt  }
0x6e: {  	_ =	shalt  }
0x6f: {  	_ =	shalt  }
0x70: {  	_ =	shalt  }
0x71: {  	_ =	shalt  }
0x72: {  	_ =	shalt  }
0x73: {  	_ =	shalt  }
0x74: {  	_ =	shalt  }
0x75: {  	_ =	shalt  }
0x76: {  	_ =	shalt  }
0x77: {  	_ =	shalt  }
0x78: {  	_ =	shalt  }
0x79: {  	_ =	shalt  }
0x7a: {  	_ =	shalt  }
0x7b: {  	_ =	shalt  }
0x7c: {  	_ =	shalt  }
0x7d: {  	_ =	shalt  }
0x7e: {  	_ =	shalt  }
0x7f: {  	_ =	shalt  }
0x80: {  	_ =	shalt  }
0x81: {  	_ =	shalt  }
0x82: {  	_ =	shalt  }
0x83: {  	_ =	shalt  }
0x84: {  	_ =	shalt  }
0x85: {  	_ =	shalt  }
0x86: {  	_ =	shalt  }
0x87: {  	_ =	shalt  }
.Lfunc_end0:
.L_simem_size_0:
called_computation.1_lowered:
.L_overlay_start_0:
0x88: {  	s2 =	sld [smem:$0x3FD9]  }
0x89: {  	s3 =	sld [smem:$0x3FFE];
	_ =	sdelay $0x1  }
0x8a: {  	s1 =	srdreg.scid  }
0x8b: {  	s0 =	sand.u32 $0x1, s1  }
0x8c: {  	s16 =	sshll.u32 s0, $0xA;
	s2 =	sadd.s32 s3, s2  }
0x8d: {  	s2 =	sadd.s32 s2, s16  }
0x8e: {  	[smem:$0x3FB7] =	sst s2  }
0x8f: {  	_ = 	snop  }
0x90: {  	(tm) =	ssettm $0x1  }
0x91: {  	s17 =	sld [smem:$0x3FFB];
	_ =	sdelay $0x3  }
0x92: {  	_ =	strace s17  }
0x93: {  	s2 =	sld [smem:$0x3FFC];
	_ =	sdelay $0x3  }
0x94: {  	_ =	strace s2  }
0x95: {  	s2 =	sld [smem:$0x3FFD];
	_ =	sdelay $0x3  }
0x96: {  	_ =	strace s2  }
0x97: {  	_ =	strace $0x8FFFFFFF  }
0x98: {  	s18 =	sld [smem:$0x3FDB];
	_ =	sdelay $0x1  }
0x99: {  	s19 =	simm.s32 $_scs_section_size  }
0x9a: {  	s4 =	simm.s32 $_size__tile_overlayer_lowered;
	s5 =	simm.s32 $_tile_overlayer_lowered  }
0x9b: {  	s22 =	simm.s32 $0x1BFF;
	s21 =	sshll.u32 s5, $0x1;
	s2 =	sadd.s32 s19, s18  }
0x9c: {  	s6 =	simm.s32 $0x0;
	s20 =	sshll.u32 s4, $0x1;
	s4 =	sadd.s32 s21, s2  }
0x9d: {  	[timem:s6], [sflag:s22] =	dma.local [hbm:s4], s20  }
0x9e: {  	_ =	swait.ge [sflag:s22], s20  }
0x9f: {  	s3 =	ssub.s32 $0x0, s20;
	[sflag:s22] =	ssyncset.done $0x0  }
0xa0: {  	[sflag:s22] =	ssyncadd.s32 s3;
	_ =	sdelay $0x1  }
0xa1: {  	s23 =	simm.s32 $0x1B8B  }
0xa2: {  	_ =	swait.ge [sflag:s23], $0x1  }
0xa3: {  	[sflag:s23] =	ssyncset.done $0x0  }
0xa4: {  	s25 =	simm.s32 $0x1B8E;
	s24 =	sld [smem:$0x3FFE];
	[sflag:s23] =	ssyncadd.s32 $0xFFFFFFFF  }
0xa5: {  	s26 =	simm.s32 $execute0_lowered;
	[smem:$0x3FD2] =	sst s25  }
0xa6: {  	s4 =	sshll.u32 s26, $0x1;
	_ =	strace $0x80000049;
	[dreg:$0x1] =	wrdreg $0xFFFFFFFF  }
0xa7: {  	s28 =	simm.s32 $_size_execute0_lowered;
	s2 =	sadd.s32 s2, s4;
	[dreg:$0x0] =	wrdreg $0x0  }
0xa8: {  	s4 =	sshll.u32 s28, $0x1;
	[dreg:$0x2] =	wrdreg s2  }
0xa9: {  	[dreg:$0x3] =	wrdreg s4  }
0xaa: {  	[dreg:$0x4] =	wrdreg $0xC0  }
0xab: {  	_ =	task [dreg:s6], $0x5FFFF  }
0xac: {  	[dreg:$0x1] =	wrdreg $0xFFFFFFFF  }
0xad: {  	[dreg:$0x0] =	wrdreg $0x60  }
0xae: {  	[dreg:$0x2] =	wrdreg s24  }
0xaf: {  	[dreg:$0x3] =	wrdreg $0xB6800  }
0xb0: {  	[dreg:$0x4] =	wrdreg $0x9  }
0xb1: {  	_ =	task.clear_ibuf [dreg:s6], $0x5FFFF;
	_ =	strace $0x90000049  }
0xb2: {  	s29 =	simm.s32 $0x9;
	_ =	strace $0x8000004B  }
0xb3: {  	_ =	swait.ge [sflag:s29], $0x1  }
0xb4: {  	[sflag:s29] =	ssyncadd.s32 $0xFFFFFFFF  }
0xb5: {  	_ =	strace $0x9000004B  }
0xb6: {  	_ =	sfence  }
0xb7: {  	s30 =	sld [smem:$0x0];
	_ =	sdelay $0x2  }
0xb8: {  	s31 =	sshll.u32 s1, $0xD;
	s1 =	sshrl.u32 s1, $0x2  }
0xb9: {  	s3 =	sand.u32 $0x4000, s31;
	s1 =	sadd.s32 s1, s30  }
0xba: {  	s0 =	sor.u32 s3, s0;
	s1 =	sshll.u32 s1, $0x11  }
0xbb: {  	s0 =	sor.u32 s1, s0  }
0xbc: {  	s0 =	sadd.s32 $0x8F2B, s0  }
0xbd: {  	[sflag:s0] =	ssyncadd.remote.s32 $0x1  }
0xbe: {  	_ =	sfence.sel $0xFFFF  }
0xbf: {  	[dreg:$0x0] =	wrdreg $0xFFFFFFFF;
	(pc) =	sbr.abs _section_cstart, $3  }
0xc0: {  	[dreg:$0x1] =	wrdreg $0xFFFFFFFF  }
0xc1: {  	_ =	task.clear_ibuf [dreg:s6], $0x2FFFF;
	_ =	strace $0x9FFFFFFF  }
0xc2: {  	(tm) =	ssettm $0x7FFFFFFF  }
0xc3: {  	_ =	shalt  }
tec
execute0_lowered:
.L_overlay_start_1:
0x0: {  	(tag) =	ssettag $0x1  }
0x1: {  	s1 =	srdreg.scid  }
0x2: {  	s0 =	stileid.u32;
	s5 =	rddreg [dreg:$0x0]  }
0x3: {  	s2 =	rddreg [dreg:$0x1];
	s3 =	simm.s32 $0x0;
	s15 =	simm.s32 $0x3  }
0x4: {  	s17 =	simm.s32 $0x7680;
	s18 =	simm.s32 $0x80;
	s19 =	simm.s32 $0x2780  }
0x5: {  	s20 =	simm.s32 $0x9680;
	s21 =	simm.s32 $0x1;
	s22 =	simm.s32 $0x2  }
0x6: {  	s23 =	simm.s32 $0x7600;
	s24 =	simm.s32 $0x0;
	s9 =	smul.u32 $0x28000, s0  }
0x7: {  	s6 =	sand.u32 $0x1, s1;
	s29 =	sshll.u32 s0, $0x1;
	s13 =	smul.u32 $0x1400, s0  }
0x8: {  	[smem:$0x7FF] =	sst s3;
	s4 =	sor.u32 s6, s29;
	s8 =	smul.u32 $0x28000, s6  }
0x9: {  	_ =	strace $0x8000004A;
	s6 =	ssub.s32 $0x2, s6;
	s7 =	smul.u32 $0x4F0, s4  }
0xa: {  	s4 =	sadd.s32 $0x18200, s5;
	s30 =	sshrl.u32 s6, $0x1;
	s31 =	sshrl.u32 s9, $0x2  }
0xb: {  	s12 =	sadd.s32 s8, s5;
	s14 =	ssub.s32 s6, s30;
	s6 =	sadd.s32 s31, s2  }
0xc: {  	s7 =	sadd.s32 s7, s5;
	s8 =	sadd.s32 $0x2000, s6;
	s9 =	sadd.s32 $0x4000, s6  }
0xd: {  	s10 =	sadd.s32 $0x6000, s6;
	s11 =	sadd.s32 $0x8000, s6;
	s12 =	sadd.s32 $0x40200, s12  }
0xe: {  	v0 =	vimm.f32 $0.0e+00;
	s14 =	smax.u32 s14, $0x1;
	s5 =	sadd.s32 $0xE400, s7;
	s7 =	sadd.s32 $0x4600, s7  }
.LBB2_1:
0xf: {  	[tilespmem:s3], [sflag:$0x3] =	stream.linear.gather [hbm4b:s5+s3], $0x2780, $0x38;
	[tilespmem:$0x15680] =	vst v63  }
0x10: {  	_ =	swait.ge [sflag:s15], $0x2780  }
0x11: {  	[sflag:s15] =	ssyncset.done $0x0  }
0x12: {  	s1 =	simm.s32 $0x4F00;
	[sflag:s15] =	ssyncadd.s32 $0xFFFFD880  }
0x13: {  	[tilespmem:s1], [sflag:$0x3] =	stream.linear.gather [hbm4b:s7+s3], $0x2780, $0x38;
	[tilespmem:$0x15680] =	vst v63  }
0x14: {  	_ =	swait.ge [sflag:s15], $0x2780  }
0x15: {  	[sflag:s15] =	ssyncset.done $0x0  }
0x16: {  	s26 =	simm.s32 $0x0;
	[sflag:s15] =	ssyncadd.s32 $0xFFFFD880  }
0x17: {  	v2 =	vld [tilespmem:s26+$0x70]  }
0x18: {  	v5 =	vld [tilespmem:s26+$0x0]  }
0x19: {  	v6 =	vld [tilespmem:s26+$0x10]  }
0x1a: {  	v4 =	vld [tilespmem:s26+$0x20]  }
0x1b: {  	v3 =	vld [tilespmem:s26+$0x30]  }
0x1c: {  	v1 =	vld [tilespmem:s26+$0x40];
	v7 =	vshll.u32 v2, $0x1  }
0x1d: {  	v2 =	vld [tilespmem:s26+$0x50];
	v5 =	vshll.u32 v5, $0x1;
	[tilespmem:s26+$0x27F0] =	vst v7  }
0x1e: {  	s25 =	simm.s32 $0x80;
	s28 =	simm.s32 $0x400;
	v6 =	vshll.u32 v6, $0x1;
	[tilespmem:s26+$0x2780] =	vst v5;
	v5 =	vld [tilespmem:s26+$0x60]  }
.LBB2_2:
0x1f: {  	p0 =	sne.s32 s28, $0x9C00;
	v7 =	vld [tilespmem:s25+$0x70];
	[tilespmem:s26+$0x2790] =	vst v6;
	v4 =	vshll.u32 v4, $0x1  }
0x20: {  	v6 =	vld [tilespmem:s25+$0x0];
	[tilespmem:s26+$0x27A0] =	vst v4;
	v3 =	vshll.u32 v3, $0x1  }
0x21: {  	v8 =	vld [tilespmem:s25+$0x10];
	[tilespmem:s26+$0x27B0] =	vst v3;
	v1 =	vshll.u32 v1, $0x1  }
.Ltmp0:
0x22: {  	v4 =	vld [tilespmem:s25+$0x20];
	[tilespmem:s26+$0x27C0] =	vst v1;
	v1 =	vshll.u32 v2, $0x1;
	(pc) =	sbr.rel @p0 .LBB2_2-.Ltmp0, $4  }
0x23: {  	v3 =	vld [tilespmem:s25+$0x30];
	[tilespmem:s26+$0x27D0] =	vst v1;
	v2 =	vshll.u32 v5, $0x1  }
0x24: {  	v1 =	vld [tilespmem:s25+$0x40];
	v5 =	vshll.u32 v7, $0x1;
	[tilespmem:s26+$0x27E0] =	vst v2;
	s26 =	smov.u32 s25  }
0x25: {  	v6 =	vshll.u32 v6, $0x1;
	v2 =	vld [tilespmem:s26+$0x50];
	[tilespmem:s26+$0x27F0] =	vst v5  }
0x26: {  	s25 =	sshra.s32 s28, $0x2;
	s28 =	sadd.s32 $0x200, s28;
	[tilespmem:s26+$0x2780] =	vst v6;
	v6 =	vshll.u32 v8, $0x1;
	v5 =	vld [tilespmem:s26+$0x60]  }
0x27: {  	v7 =	vld [tilespmem:s25+$0x70];
	[tilespmem:s26+$0x2790] =	vst v6;
	v4 =	vshll.u32 v4, $0x1  }
0x28: {  	v6 =	vld [tilespmem:s25+$0x0];
	[tilespmem:s26+$0x27A0] =	vst v4;
	v3 =	vshll.u32 v3, $0x1  }
0x29: {  	v4 =	vld [tilespmem:s25+$0x10];
	[tilespmem:s26+$0x27B0] =	vst v3;
	v1 =	vshll.u32 v1, $0x1  }
0x2a: {  	v3 =	vld [tilespmem:s25+$0x20];
	[tilespmem:s26+$0x27C0] =	vst v1;
	v1 =	vshll.u32 v2, $0x1  }
0x2b: {  	v2 =	vld [tilespmem:s25+$0x30];
	[tilespmem:s26+$0x27D0] =	vst v1;
	v1 =	vshll.u32 v5, $0x1  }
0x2c: {  	v61 =	vld [tilespmem:s25+$0x40];
	[tilespmem:s26+$0x27E0] =	vst v1;
	v1 =	vshll.u32 v7, $0x1  }
0x2d: {  	v62 =	vld [tilespmem:s25+$0x50];
	v6 =	vshll.u32 v6, $0x1;
	[tilespmem:s25+$0x27F0] =	vst v1  }
0x2e: {  	v63 =	vld [tilespmem:s25+$0x60];
	[tilespmem:s25+$0x2780] =	vst v6;
	v1 =	vshll.u32 v4, $0x1  }
0x2f: {  	[tilespmem:s25+$0x2790] =	vst v1;
	v1 =	vshll.u32 v3, $0x1  }
0x30: {  	[tilespmem:s25+$0x27A0] =	vst v1;
	v1 =	vshll.u32 v2, $0x1  }
0x31: {  	[tilespmem:s25+$0x27B0] =	vst v1;
	v1 =	vshll.u32 v61, $0x1  }
0x32: {  	[tilespmem:s25+$0x27C0] =	vst v1;
	v1 =	vshll.u32 v62, $0x1  }
0x33: {  	[tilespmem:s25+$0x27D0] =	vst v1;
	v1 =	vshll.u32 v63, $0x1  }
0x34: {  	s26 =	simm.s32 $0x100;
	[tilespmem:s25+$0x27E0] =	vst v1;
	s25 =	simm.s32 $0x0  }
.LBB2_4:
0x35: {  	p0 =	sne.s32 s26, $0x7F00;
	[tilespmem:s25+$0x76B0] =	vst v0;
	s28 =	smov.u32 s26;
	s26 =	sadd.s32 $0x100, s26  }
.Ltmp1:
0x36: {  	[tilespmem:s25+$0x76A0] =	vst v0;
	(pc) =	sbr.rel @p0 .LBB2_4-.Ltmp1, $3  }
0x37: {  	[tilespmem:s25+$0x7680] =	vst v0  }
0x38: {  	[tilespmem:s25+$0x7690] =	vst v0;
	_ =	sdelay $0x1  }
0x39: {  	s25 =	sshra.s32 s28, $0x2  }
0x3a: {  	[tilespmem:s25+$0x76B0] =	vst v0  }
0x3b: {  	[tilespmem:s25+$0x76A0] =	vst v0  }
0x3c: {  	[tilespmem:s25+$0x7680] =	vst v0  }
0x3d: {  	[tilespmem:s25+$0x7690] =	vst v0  }
0x3e: {  	[spmem:s6] =	stream.linear.scatter [tilespmem:s17], [sflag:$0x3], $0x2000, $0x38;
	[tilespmem:$0x15680] =	vst v63  }
0x3f: {  	_ =	swait.ge [sflag:s15], $0x2000  }
0x40: {  	[sflag:s15] =	ssyncset.done $0x0  }
0x41: {  	[sflag:s15] =	ssyncadd.s32 $0xFFFFE000  }
0x42: {  	[spmem:s8] =	stream.linear.scatter [tilespmem:s17], [sflag:$0x3], $0x2000, $0x38;
	[tilespmem:$0x15680] =	vst v63  }
0x43: {  	_ =	swait.ge [sflag:s15], $0x2000  }
0x44: {  	[sflag:s15] =	ssyncset.done $0x0  }
0x45: {  	[sflag:s15] =	ssyncadd.s32 $0xFFFFE000  }
0x46: {  	[spmem:s9] =	stream.linear.scatter [tilespmem:s17], [sflag:$0x3], $0x2000, $0x38;
	[tilespmem:$0x15680] =	vst v63  }
0x47: {  	_ =	swait.ge [sflag:s15], $0x2000  }
0x48: {  	[sflag:s15] =	ssyncset.done $0x0  }
0x49: {  	[sflag:s15] =	ssyncadd.s32 $0xFFFFE000  }
0x4a: {  	[spmem:s10] =	stream.linear.scatter [tilespmem:s17], [sflag:$0x3], $0x2000, $0x38;
	[tilespmem:$0x15680] =	vst v63  }
0x4b: {  	_ =	swait.ge [sflag:s15], $0x2000  }
0x4c: {  	[sflag:s15] =	ssyncset.done $0x0  }
0x4d: {  	[sflag:s15] =	ssyncadd.s32 $0xFFFFE000  }
0x4e: {  	[spmem:s11] =	stream.linear.scatter [tilespmem:s17], [sflag:$0x3], $0x2000, $0x38;
	[tilespmem:$0x15680] =	vst v63  }
0x4f: {  	_ =	swait.ge [sflag:s15], $0x2000  }
0x50: {  	[sflag:s15] =	ssyncset.done $0x0  }
0x51: {  	[sflag:s15] =	ssyncadd.s32 $0xFFFFE000  }
0x52: {  	[bflag:$0x0] =	sbarrier.arrive $0xFFFF  }
0x53: {  	[tilespmem:s17], [sflag:$0x1] =	stream.indirect.gather [hbm4b:s4+s18], $0x40, s19, s18, $0xb8;
	[tilespmem:$0x15680] =	vst v63  }
0x54: {  	s28 =	simm.s32 $0x2800  }
0x55: {  	[tilespmem:s20], [sflag:$0x2] =	stream.indirect.gather [hbm4b:s4+s18], $0x40, s28, s18, $0xb8;
	[tilespmem:$0x15680] =	vst v63  }
0x56: {  	_ =	swait.ge [sflag:s21], $0x2000  }
0x57: {  	[sflag:s21] =	ssyncset.done $0x0  }
0x58: {  	s29 =	simm.s32 $0x4F00;
	[sflag:s21] =	ssyncadd.s32 $0xFFFFE000  }
0x59: {  	[spmem:s2] =	stream.indirect.scatter.add.f32 [tilespmem:s17], [sflag:$0x3], $0x40, s29, s18, $0xb8;
	[tilespmem:$0x15680] =	vst v63  }
0x5a: {  	_ =	swait.ge [sflag:s15], $0x2000  }
0x5b: {  	[sflag:s15] =	ssyncset.done $0x0  }
0x5c: {  	s30 =	simm.s32 $0x2880;
	[sflag:s15] =	ssyncadd.s32 $0xFFFFE000  }
0x5d: {  	[tilespmem:s17], [sflag:$0x1] =	stream.indirect.gather [hbm4b:s4+s18], $0x40, s30, s18, $0xb8;
	[tilespmem:$0x15680] =	vst v63  }
0x5e: {  	_ =	swait.ge [sflag:s22], $0x2000  }
0x5f: {  	[sflag:s22] =	ssyncset.done $0x0  }
0x60: {  	s31 =	simm.s32 $0x4F80;
	[sflag:s22] =	ssyncadd.s32 $0xFFFFE000  }
0x61: {  	[spmem:s2] =	stream.indirect.scatter.add.f32 [tilespmem:s20], [sflag:$0x3], $0x40, s31, s18, $0xb8;
	[tilespmem:$0x15680] =	vst v63  }
0x62: {  	_ =	swait.ge [sflag:s15], $0x2000  }
0x63: {  	s26 =	simm.s32 $0x800;
	s25 =	simm.s32 $0x100;
	[sflag:s15] =	ssyncset.done $0x0  }
.LBB2_6:
0x64: {  	s28 =	sadd.s32 $0x2800, s25  }
0x65: {  	[sflag:s15] =	ssyncadd.s32 $0xFFFFE000;
	s29 =	smov.u32 s26;
	s30 =	sadd.s32 $0x400, s26  }
0x66: {  	[tilespmem:s20], [sflag:$0x2] =	stream.indirect.gather [hbm4b:s4+s18], $0x40, s28, s18, $0xb8;
	[tilespmem:$0x15680] =	vst v63  }
0x67: {  	p0 =	sne.s32 s26, $0x9800;
	_ =	swait.ge [sflag:s21], $0x2000  }
0x68: {  	[sflag:s21] =	ssyncset.done $0x0  }
0x69: {  	s26 =	sadd.s32 $0x4F00, s25;
	[sflag:s21] =	ssyncadd.s32 $0xFFFFE000  }
0x6a: {  	[spmem:s2] =	stream.indirect.scatter.add.f32 [tilespmem:s17], [sflag:$0x3], $0x40, s26, s18, $0xb8;
	[tilespmem:$0x15680] =	vst v63  }
0x6b: {  	_ =	swait.ge [sflag:s15], $0x2000  }
0x6c: {  	[sflag:s15] =	ssyncset.done $0x0  }
0x6d: {  	s26 =	sadd.s32 $0x2880, s25;
	[sflag:s15] =	ssyncadd.s32 $0xFFFFE000  }
0x6e: {  	[tilespmem:s17], [sflag:$0x1] =	stream.indirect.gather [hbm4b:s4+s18], $0x40, s26, s18, $0xb8;
	[tilespmem:$0x15680] =	vst v63  }
0x6f: {  	_ =	swait.ge [sflag:s22], $0x2000  }
.Ltmp2:
0x70: {  	[sflag:s22] =	ssyncset.done $0x0;
	(pc) =	sbr.rel @p0 .LBB2_6-.Ltmp2, $4  }
0x71: {  	s25 =	sadd.s32 $0x4F80, s25;
	[sflag:s22] =	ssyncadd.s32 $0xFFFFE000  }
0x72: {  	[spmem:s2] =	stream.indirect.scatter.add.f32 [tilespmem:s20], [sflag:$0x3], $0x40, s25, s18, $0xb8;
	[tilespmem:$0x15680] =	vst v63  }
0x73: {  	_ =	swait.ge [sflag:s15], $0x2000  }
0x74: {  	s26 =	smov.u32 s30;
	s25 =	sshra.s32 s29, $0x2;
	[sflag:s15] =	ssyncset.done $0x0  }
0x75: {  	s26 =	sadd.s32 $0x2800, s25;
	[sflag:s15] =	ssyncadd.s32 $0xFFFFE000  }
0x76: {  	[tilespmem:s20], [sflag:$0x2] =	stream.indirect.gather [hbm4b:s4+s18], $0x40, s26, s18, $0xb8;
	[tilespmem:$0x15680] =	vst v63  }
0x77: {  	_ =	swait.ge [sflag:s21], $0x2000  }
0x78: {  	[sflag:s21] =	ssyncset.done $0x0  }
0x79: {  	s1 =	sadd.s32 $0x4F00, s25;
	[sflag:s21] =	ssyncadd.s32 $0xFFFFE000  }
0x7a: {  	[spmem:s2] =	stream.indirect.scatter.add.f32 [tilespmem:s17], [sflag:$0x3], $0x40, s1, s18, $0xb8;
	[tilespmem:$0x15680] =	vst v63  }
0x7b: {  	_ =	swait.ge [sflag:s15], $0x2000  }
0x7c: {  	[sflag:s15] =	ssyncset.done $0x0  }
0x7d: {  	s16 =	sadd.s32 $0x2880, s25;
	[sflag:s15] =	ssyncadd.s32 $0xFFFFE000  }
0x7e: {  	[tilespmem:s17], [sflag:$0x1] =	stream.indirect.gather [hbm4b:s4+s18], $0x40, s16, s18, $0xb8;
	[tilespmem:$0x15680] =	vst v63  }
0x7f: {  	_ =	swait.ge [sflag:s22], $0x2000  }
0x80: {  	[sflag:s22] =	ssyncset.done $0x0  }
0x81: {  	s1 =	sadd.s32 $0x4F80, s25;
	[sflag:s22] =	ssyncadd.s32 $0xFFFFE000  }
0x82: {  	[spmem:s2] =	stream.indirect.scatter.add.f32 [tilespmem:s20], [sflag:$0x3], $0x40, s1, s18, $0xb8;
	[tilespmem:$0x15680] =	vst v63  }
0x83: {  	_ =	swait.ge [sflag:s15], $0x2000  }
0x84: {  	[sflag:s15] =	ssyncset.done $0x0  }
0x85: {  	[sflag:s15] =	ssyncadd.s32 $0xFFFFE000  }
0x86: {  	_ =	swait.ge [sflag:s21], $0x2000  }
0x87: {  	[sflag:s21] =	ssyncset.done $0x0  }
0x88: {  	[sflag:s21] =	ssyncadd.s32 $0xFFFFE000  }
0x89: {  	[spmem:s2] =	stream.indirect.scatter.add.f32 [tilespmem:s17], [sflag:$0x3], $0x40, s23, s18, $0xb8;
	[tilespmem:$0x15680] =	vst v63  }
0x8a: {  	_ =	swait.ge [sflag:s15], $0x2000  }
0x8b: {  	[sflag:s15] =	ssyncset.done $0x0  }
0x8c: {  	s28 =	sshrl.u32 s6, $0x3;
	s16 =	sshll.u32 s0, $0x6;
	[sflag:s15] =	ssyncadd.s32 $0xFFFFE000  }
0x8d: {  	s26 =	sadd.s32 s13, s12;
	s25 =	sor.u32 $0x1C03, s16;
	[bflag:$0x0] =	sbarrier.arrive $0xFFFF  }
0x8e: {  	[hbm:s26], [sflag:s25] =	dma.local [spmem:s28], $0x1400  }
0x8f: {  	_ =	swait.ge [sflag:s15], $0x1400  }
0x90: {  	[sflag:s15] =	ssyncset.done $0x0  }
0x91: {  	s30 =	simm.s32 $0x0;
	[sflag:s15] =	ssyncadd.s32 $0xFFFFEC00  }
0x92: {  	v1 =	vld [tilespmem:s30+$0x70]  }
0x93: {  	v3 =	vld [tilespmem:s30+$0x0]  }
0x94: {  	v7 =	vld [tilespmem:s30+$0x10]  }
0x95: {  	v5 =	vld [tilespmem:s30+$0x20]  }
0x96: {  	v4 =	vld [tilespmem:s30+$0x30]  }
0x97: {  	v2 =	vld [tilespmem:s30+$0x40];
	v6 =	vshll.u32 v1, $0x1  }
0x98: {  	v1 =	vld [tilespmem:s30+$0x50];
	v8 =	vshll.u32 v3, $0x1;
	v9 =	vor.u32 $0x1, v6  }
0x99: {  	s29 =	simm.s32 $0x80;
	s31 =	simm.s32 $0x400;
	v3 =	vld [tilespmem:s30+$0x60];
	v7 =	vshll.u32 v7, $0x1;
	v6 =	vor.u32 $0x1, v8;
	[tilespmem:s30+$0x27F0] =	vst v9  }
.LBB2_8:
0x9a: {  	p0 =	sne.s32 s31, $0x9C00;
	v8 =	vld [tilespmem:s29+$0x70];
	[tilespmem:s30+$0x2780] =	vst v6;
	v6 =	vor.u32 $0x1, v7;
	v5 =	vshll.u32 v5, $0x1  }
0x9b: {  	v7 =	vld [tilespmem:s29+$0x0];
	[tilespmem:s30+$0x2790] =	vst v6;
	v5 =	vor.u32 $0x1, v5;
	v4 =	vshll.u32 v4, $0x1  }
0x9c: {  	v9 =	vld [tilespmem:s29+$0x10];
	[tilespmem:s30+$0x27A0] =	vst v5;
	v4 =	vor.u32 $0x1, v4;
	v2 =	vshll.u32 v2, $0x1  }
.Ltmp3:
0x9d: {  	v5 =	vld [tilespmem:s29+$0x20];
	[tilespmem:s30+$0x27B0] =	vst v4;
	v2 =	vor.u32 $0x1, v2;
	v1 =	vshll.u32 v1, $0x1;
	(pc) =	sbr.rel @p0 .LBB2_8-.Ltmp3, $4  }
0x9e: {  	v4 =	vld [tilespmem:s29+$0x30];
	[tilespmem:s30+$0x27C0] =	vst v2;
	v1 =	vor.u32 $0x1, v1;
	v3 =	vshll.u32 v3, $0x1  }
0x9f: {  	v2 =	vld [tilespmem:s29+$0x40];
	v6 =	vshll.u32 v8, $0x1;
	[tilespmem:s30+$0x27D0] =	vst v1;
	v3 =	vor.u32 $0x1, v3  }
0xa0: {  	v7 =	vshll.u32 v7, $0x1;
	v1 =	vld [tilespmem:s29+$0x50];
	v8 =	vor.u32 $0x1, v6;
	[tilespmem:s30+$0x27E0] =	vst v3;
	s30 =	smov.u32 s29  }
0xa1: {  	s29 =	sshra.s32 s31, $0x2;
	s31 =	sadd.s32 $0x200, s31;
	v6 =	vor.u32 $0x1, v7;
	v7 =	vshll.u32 v9, $0x1;
	v3 =	vld [tilespmem:s30+$0x60];
	[tilespmem:s30+$0x27F0] =	vst v8  }
0xa2: {  	v8 =	vld [tilespmem:s29+$0x70];
	[tilespmem:s30+$0x2780] =	vst v6;
	v60 =	vor.u32 $0x1, v7;
	v5 =	vshll.u32 v5, $0x1  }
0xa3: {  	v61 =	vld [tilespmem:s29+$0x0];
	[tilespmem:s30+$0x2790] =	vst v60;
	v5 =	vor.u32 $0x1, v5;
	v4 =	vshll.u32 v4, $0x1  }
0xa4: {  	v6 =	vld [tilespmem:s29+$0x10];
	[tilespmem:s30+$0x27A0] =	vst v5;
	v4 =	vor.u32 $0x1, v4;
	v2 =	vshll.u32 v2, $0x1  }
0xa5: {  	v5 =	vld [tilespmem:s29+$0x20];
	[tilespmem:s30+$0x27B0] =	vst v4;
	v2 =	vor.u32 $0x1, v2;
	v1 =	vshll.u32 v1, $0x1  }
0xa6: {  	v4 =	vld [tilespmem:s29+$0x30];
	[tilespmem:s30+$0x27C0] =	vst v2;
	v1 =	vor.u32 $0x1, v1;
	v3 =	vshll.u32 v3, $0x1  }
0xa7: {  	v2 =	vld [tilespmem:s29+$0x40];
	[tilespmem:s30+$0x27D0] =	vst v1;
	v1 =	vor.u32 $0x1, v3;
	v8 =	vshll.u32 v8, $0x1  }
0xa8: {  	v3 =	vld [tilespmem:s29+$0x50];
	[tilespmem:s30+$0x27E0] =	vst v1;
	v1 =	vshll.u32 v61, $0x1;
	v62 =	vor.u32 $0x1, v8  }
0xa9: {  	v63 =	vld [tilespmem:s29+$0x60];
	v1 =	vor.u32 $0x1, v1;
	v6 =	vshll.u32 v6, $0x1;
	[tilespmem:s29+$0x27F0] =	vst v62  }
0xaa: {  	[tilespmem:s29+$0x2780] =	vst v1;
	v1 =	vor.u32 $0x1, v6;
	v5 =	vshll.u32 v5, $0x1  }
0xab: {  	[tilespmem:s29+$0x2790] =	vst v1;
	v1 =	vor.u32 $0x1, v5;
	v4 =	vshll.u32 v4, $0x1  }
0xac: {  	[tilespmem:s29+$0x27A0] =	vst v1;
	v1 =	vor.u32 $0x1, v4;
	v2 =	vshll.u32 v2, $0x1  }
0xad: {  	[tilespmem:s29+$0x27B0] =	vst v1;
	v1 =	vor.u32 $0x1, v2;
	v2 =	vshll.u32 v3, $0x1  }
0xae: {  	[tilespmem:s29+$0x27C0] =	vst v1;
	v1 =	vor.u32 $0x1, v2;
	v2 =	vshll.u32 v63, $0x1  }
0xaf: {  	[tilespmem:s29+$0x27D0] =	vst v1;
	v1 =	vor.u32 $0x1, v2  }
0xb0: {  	s30 =	simm.s32 $0x100;
	[tilespmem:s29+$0x27E0] =	vst v1;
	s29 =	simm.s32 $0x0  }
.LBB2_10:
0xb1: {  	p0 =	sne.s32 s30, $0x7F00;
	[tilespmem:s29+$0x76B0] =	vst v0;
	s31 =	smov.u32 s30;
	s30 =	sadd.s32 $0x100, s30  }
.Ltmp4:
0xb2: {  	[tilespmem:s29+$0x76A0] =	vst v0;
	(pc) =	sbr.rel @p0 .LBB2_10-.Ltmp4, $3  }
0xb3: {  	[tilespmem:s29+$0x7680] =	vst v0  }
0xb4: {  	[tilespmem:s29+$0x7690] =	vst v0;
	_ =	sdelay $0x1  }
0xb5: {  	s29 =	sshra.s32 s31, $0x2  }
0xb6: {  	[tilespmem:s29+$0x76B0] =	vst v0  }
0xb7: {  	[tilespmem:s29+$0x76A0] =	vst v0  }
0xb8: {  	[tilespmem:s29+$0x7680] =	vst v0  }
0xb9: {  	[tilespmem:s29+$0x7690] =	vst v0  }
0xba: {  	[spmem:s6] =	stream.linear.scatter [tilespmem:s17], [sflag:$0x3], $0x2000, $0x38;
	[tilespmem:$0x15680] =	vst v63  }
0xbb: {  	_ =	swait.ge [sflag:s15], $0x2000  }
0xbc: {  	[sflag:s15] =	ssyncset.done $0x0  }
0xbd: {  	[sflag:s15] =	ssyncadd.s32 $0xFFFFE000  }
0xbe: {  	[spmem:s8] =	stream.linear.scatter [tilespmem:s17], [sflag:$0x3], $0x2000, $0x38;
	[tilespmem:$0x15680] =	vst v63  }
0xbf: {  	_ =	swait.ge [sflag:s15], $0x2000  }
0xc0: {  	[sflag:s15] =	ssyncset.done $0x0  }
0xc1: {  	[sflag:s15] =	ssyncadd.s32 $0xFFFFE000  }
0xc2: {  	[spmem:s9] =	stream.linear.scatter [tilespmem:s17], [sflag:$0x3], $0x2000, $0x38;
	[tilespmem:$0x15680] =	vst v63  }
0xc3: {  	_ =	swait.ge [sflag:s15], $0x2000  }
0xc4: {  	[sflag:s15] =	ssyncset.done $0x0  }
0xc5: {  	[sflag:s15] =	ssyncadd.s32 $0xFFFFE000  }
0xc6: {  	[spmem:s10] =	stream.linear.scatter [tilespmem:s17], [sflag:$0x3], $0x2000, $0x38;
	[tilespmem:$0x15680] =	vst v63  }
0xc7: {  	_ =	swait.ge [sflag:s15], $0x2000  }
0xc8: {  	[sflag:s15] =	ssyncset.done $0x0  }
0xc9: {  	[sflag:s15] =	ssyncadd.s32 $0xFFFFE000  }
0xca: {  	[spmem:s11] =	stream.linear.scatter [tilespmem:s17], [sflag:$0x3], $0x2000, $0x38;
	[tilespmem:$0x15680] =	vst v63  }
0xcb: {  	_ =	swait.ge [sflag:s15], $0x2000  }
0xcc: {  	[sflag:s15] =	ssyncset.done $0x0  }
0xcd: {  	[sflag:s15] =	ssyncadd.s32 $0xFFFFE000  }
0xce: {  	[bflag:$0x0] =	sbarrier.arrive $0xFFFF  }
0xcf: {  	[tilespmem:s17], [sflag:$0x1] =	stream.indirect.gather [hbm4b:s4+s18], $0x40, s19, s18, $0xb8;
	[tilespmem:$0x15680] =	vst v63  }
0xd0: {  	s29 =	simm.s32 $0x2800  }
0xd1: {  	[tilespmem:s20], [sflag:$0x2] =	stream.indirect.gather [hbm4b:s4+s18], $0x40, s29, s18, $0xb8;
	[tilespmem:$0x15680] =	vst v63  }
0xd2: {  	_ =	swait.ge [sflag:s21], $0x2000  }
0xd3: {  	[sflag:s21] =	ssyncset.done $0x0  }
0xd4: {  	s29 =	simm.s32 $0x4F00;
	[sflag:s21] =	ssyncadd.s32 $0xFFFFE000  }
0xd5: {  	[spmem:s2] =	stream.indirect.scatter.add.f32 [tilespmem:s17], [sflag:$0x3], $0x40, s29, s18, $0xb8;
	[tilespmem:$0x15680] =	vst v63  }
0xd6: {  	_ =	swait.ge [sflag:s15], $0x2000  }
0xd7: {  	[sflag:s15] =	ssyncset.done $0x0  }
0xd8: {  	s29 =	simm.s32 $0x2880;
	[sflag:s15] =	ssyncadd.s32 $0xFFFFE000  }
0xd9: {  	[tilespmem:s17], [sflag:$0x1] =	stream.indirect.gather [hbm4b:s4+s18], $0x40, s29, s18, $0xb8;
	[tilespmem:$0x15680] =	vst v63  }
0xda: {  	_ =	swait.ge [sflag:s22], $0x2000  }
0xdb: {  	[sflag:s22] =	ssyncset.done $0x0  }
0xdc: {  	s29 =	simm.s32 $0x4F80;
	[sflag:s22] =	ssyncadd.s32 $0xFFFFE000  }
0xdd: {  	[spmem:s2] =	stream.indirect.scatter.add.f32 [tilespmem:s20], [sflag:$0x3], $0x40, s29, s18, $0xb8;
	[tilespmem:$0x15680] =	vst v63  }
0xde: {  	_ =	swait.ge [sflag:s15], $0x2000  }
0xdf: {  	s30 =	simm.s32 $0x800;
	s29 =	simm.s32 $0x100;
	[sflag:s15] =	ssyncset.done $0x0  }
.LBB2_12:
0xe0: {  	s31 =	sadd.s32 $0x2800, s29  }
0xe1: {  	[sflag:s15] =	ssyncadd.s32 $0xFFFFE000;
	s1 =	smov.u32 s30;
	s16 =	sadd.s32 $0x400, s30  }
0xe2: {  	[tilespmem:s20], [sflag:$0x2] =	stream.indirect.gather [hbm4b:s4+s18], $0x40, s31, s18, $0xb8;
	[tilespmem:$0x15680] =	vst v63  }
0xe3: {  	p0 =	sne.s32 s30, $0x9800;
	_ =	swait.ge [sflag:s21], $0x2000  }
0xe4: {  	[sflag:s21] =	ssyncset.done $0x0  }
0xe5: {  	s30 =	sadd.s32 $0x4F00, s29;
	[sflag:s21] =	ssyncadd.s32 $0xFFFFE000  }
0xe6: {  	[spmem:s2] =	stream.indirect.scatter.add.f32 [tilespmem:s17], [sflag:$0x3], $0x40, s30, s18, $0xb8;
	[tilespmem:$0x15680] =	vst v63  }
0xe7: {  	_ =	swait.ge [sflag:s15], $0x2000  }
0xe8: {  	[sflag:s15] =	ssyncset.done $0x0  }
0xe9: {  	s30 =	sadd.s32 $0x2880, s29;
	[sflag:s15] =	ssyncadd.s32 $0xFFFFE000  }
0xea: {  	[tilespmem:s17], [sflag:$0x1] =	stream.indirect.gather [hbm4b:s4+s18], $0x40, s30, s18, $0xb8;
	[tilespmem:$0x15680] =	vst v63  }
0xeb: {  	_ =	swait.ge [sflag:s22], $0x2000  }
.Ltmp5:
0xec: {  	[sflag:s22] =	ssyncset.done $0x0;
	(pc) =	sbr.rel @p0 .LBB2_12-.Ltmp5, $4  }
0xed: {  	s29 =	sadd.s32 $0x4F80, s29;
	[sflag:s22] =	ssyncadd.s32 $0xFFFFE000  }
0xee: {  	[spmem:s2] =	stream.indirect.scatter.add.f32 [tilespmem:s20], [sflag:$0x3], $0x40, s29, s18, $0xb8;
	[tilespmem:$0x15680] =	vst v63  }
0xef: {  	_ =	swait.ge [sflag:s15], $0x2000  }
0xf0: {  	s30 =	smov.u32 s16;
	s29 =	sshra.s32 s1, $0x2;
	[sflag:s15] =	ssyncset.done $0x0  }
0xf1: {  	s1 =	sadd.s32 $0x2800, s29;
	[sflag:s15] =	ssyncadd.s32 $0xFFFFE000  }
0xf2: {  	[tilespmem:s20], [sflag:$0x2] =	stream.indirect.gather [hbm4b:s4+s18], $0x40, s1, s18, $0xb8;
	[tilespmem:$0x15680] =	vst v63  }
0xf3: {  	_ =	swait.ge [sflag:s21], $0x2000  }
0xf4: {  	[sflag:s21] =	ssyncset.done $0x0  }
0xf5: {  	s31 =	sadd.s32 $0x4F00, s29;
	[sflag:s21] =	ssyncadd.s32 $0xFFFFE000  }
0xf6: {  	[spmem:s2] =	stream.indirect.scatter.add.f32 [tilespmem:s17], [sflag:$0x3], $0x40, s31, s18, $0xb8;
	[tilespmem:$0x15680] =	vst v63  }
0xf7: {  	_ =	swait.ge [sflag:s15], $0x2000  }
0xf8: {  	[sflag:s15] =	ssyncset.done $0x0  }
0xf9: {  	s16 =	sadd.s32 $0x2880, s29;
	[sflag:s15] =	ssyncadd.s32 $0xFFFFE000  }
0xfa: {  	[tilespmem:s17], [sflag:$0x1] =	stream.indirect.gather [hbm4b:s4+s18], $0x40, s16, s18, $0xb8;
	[tilespmem:$0x15680] =	vst v63  }
0xfb: {  	_ =	swait.ge [sflag:s22], $0x2000  }
0xfc: {  	[sflag:s22] =	ssyncset.done $0x0  }
0xfd: {  	s30 =	sadd.s32 $0x4F80, s29;
	[sflag:s22] =	ssyncadd.s32 $0xFFFFE000  }
0xfe: {  	[spmem:s2] =	stream.indirect.scatter.add.f32 [tilespmem:s20], [sflag:$0x3], $0x40, s30, s18, $0xb8;
	[tilespmem:$0x15680] =	vst v63  }
0xff: {  	_ =	swait.ge [sflag:s15], $0x2000  }
0x100: {  	[sflag:s15] =	ssyncset.done $0x0  }
0x101: {  	[sflag:s15] =	ssyncadd.s32 $0xFFFFE000  }
0x102: {  	_ =	swait.ge [sflag:s21], $0x2000  }
0x103: {  	[sflag:s21] =	ssyncset.done $0x0  }
0x104: {  	[sflag:s21] =	ssyncadd.s32 $0xFFFFE000  }
0x105: {  	[spmem:s2] =	stream.indirect.scatter.add.f32 [tilespmem:s17], [sflag:$0x3], $0x40, s23, s18, $0xb8;
	[tilespmem:$0x15680] =	vst v63  }
0x106: {  	_ =	swait.ge [sflag:s15], $0x2000  }
0x107: {  	s24 =	sadd.s32 $0x1, s24;
	[sflag:s15] =	ssyncset.done $0x0  }
0x108: {  	p0 =	sne.s32 s24, s14;
	[sflag:s15] =	ssyncadd.s32 $0xFFFFE000  }
.Ltmp6:
0x109: {  	s31 =	sadd.s32 $0x14000, s26;
	[bflag:$0x0] =	sbarrier.arrive $0xFFFF;
	(pc) =	sbr.rel @p0 .LBB2_1-.Ltmp6, $4  }
0x10a: {  	[hbm:s31], [sflag:s25] =	dma.local [spmem:s28], $0x1400  }
0x10b: {  	_ =	swait.ge [sflag:s15], $0x1400  }
0x10c: {  	[sflag:s15] =	ssyncset.done $0x0  }
0x10d: {  	[sflag:s15] =	ssyncadd.s32 $0xFFFFEC00  }
0x10e: {  	_ =	sfence.sel $0x180000  }
0x10f: {  	[bflag:$0x0] =	sbarrier.arrive $0xFFFF  }
0x110: {  	_ =	strace $0x9000004A  }
0x111: {  	[bflag:$0x2] =	sbarrier.arrive $0xFFFF  }
0x112: {  	p0 =	sne.s32 s0, $0x0;
	s0 =	rddreg [dreg:$0x2]  }
0x113: {  	s0 =	sadd.s32 @!p0 $0x100000, s0  }
0x114: {  	[sflag:s0] =	ssyncadd.tile.s32 @!p0 $0x1;
	_ =	shalt  }
.Lfunc_end2:
_tile_overlayer_lowered:
.L_overlay_start_2:
0x115: {  	(tag) =	ssettag $0x2  }
0x116: {  	s0 =	rddreg [dreg:$0x0];
	s2 =	stileid.u32  }
0x117: {  	s1 =	rddreg [dreg:$0x1];
	p0 =	sne.s32 s2, $0x0  }
0x118: {  	s3 =	rddreg [dreg:$0x2];
	[bflag:$0x3] =	sbarrier.arrive $0xFFFF;
	s2 =	simm.s32 @!p0 $0x1C03  }
0x119: {  	[timem:s3], [sflag:s2] =	dma.local @!p0 [hbm:s0], s1  }
0x11a: {  	s0 =	simm.s32 @!p0 $0x3  }
0x11b: {  	_ =	swait.ge @!p0 [sflag:s0], s1  }
0x11c: {  	s1 =	ssub.s32 @!p0 $0x0, s1;
	[sflag:s0] =	ssyncset.done @!p0 $0x0  }
0x11d: {  	[sflag:s0] =	ssyncadd.s32 @!p0 s1  }
0x11e: {  	[bflag:$0x3] =	sbarrier.arrive $0xFFFF  }
0x11f: {  	_ =	shalt  }

// kernel: kernel.14.cloned.1.call-start
scs
__scs_entry_jumppad:
0x0: {  	(pc) =	sbr.rel $0x88, $3  }
0x1: {  	(tag) =	ssettag $0x0;
	lr =	simm.s32 $0x1  }
0x2: {  	[smem:$0x3F90] =	sst lr;
	_ =	strace $0xD0000000  }
0x3: {  	_ = 	snop  }
0x4: {  	_ = 	snop  }
0x5: {  	_ = 	snop  }
0x6: {  	_ = 	snop  }
0x7: {  	_ = 	snop  }
__scs_overlays_trampoline_lowered:
0x8: {  	[smem:$0x3F9F] =	sst s0  }
0x9: {  	[smem:$0x3FA0] =	sst s1  }
0xa: {  	[smem:$0x3FA1] =	sst s2  }
0xb: {  	[smem:$0x3FA2] =	sst s3  }
0xc: {  	[smem:$0x3FA3] =	sst s4  }
0xd: {  	[smem:$0x3FA4] =	sst s5  }
0xe: {  	[smem:$0x3FA5] =	sst s6  }
0xf: {  	[smem:$0x3FA6] =	sst s7  }
0x10: {  	[smem:$0x3FA7] =	sst s8  }
0x11: {  	[smem:$0x3FA8] =	sst s9;
	s0 =	simm.s32 @!p0 $0x0  }
0x12: {  	s1 =	sld [smem:$0x3F8E];
	s0 =	simm.s32 @p0 $0x1  }
0x13: {  	[smem:$0x3FA9] =	sst s0;
	s0 =	simm.s32 @!p1 $0x0  }
0x14: {  	s2 =	sld [smem:$0x3F8D];
	s0 =	simm.s32 @p1 $0x1  }
0x15: {  	[smem:$0x3FAA] =	sst s0;
	s0 =	simm.s32 @!p2 $0x0  }
0x16: {  	s3 =	sld [smem:$0x3FDB];
	s0 =	simm.s32 @p2 $0x1  }
0x17: {  	s4 =	simm.s32 $0x1BF5;
	[smem:$0x3FAC] =	sst s0  }
0x18: {  	s0 =	sld [smem:$0x3F8F];
	_ =	swait.ge [sflag:s4], $0x0  }
0x19: {  	s7 =	sld [smem:$0x3F90]  }
0x1a: {  	s8 =	sadd.s32 $0xFFFFE003, lr  }
0x1b: {  	s9 =	sadd.s32 $0xFFFFFEF7, lr;
	s5 =	simm.s32 $0xFFFFFFFF;
	p2 =	slt.u32 s8, $0xFFFFF086  }
0x1c: {  	p1 =	slt.u32 s9, $0xF7A;
	s5 =	simm.s32 @!p2 $0x0  }
0x1d: {  	s5 =	simm.s32 @p1 $0x1;
	p0 =	seq.s32 s7, s2  }
0x1e: {  	s7 =	smul.u32 @!p0 $0xF7A, s2;
	p2 =	seq.s32 @!p0 s5, $0x0  }
0x1f: {  	s9 =	smul.u32 $0xF7A, s1;
	s8 =	simm.s32 @!p0 $0x1BF5;
	p2 =	por !p2, p0  }
0x20: {  	[sflag:s8] =	ssyncset.s32 @!p0 $0xFFFFF086;
	s6 =	sadd.s32 @!p0 s3, s7;
	s7 =	simm.s32 @!p0 $0x108  }
0x21: {  	s3 =	sadd.s32 s3, s9;
	s6 =	sadd.s32 @!p0 $0x88, s6;
	s7 =	simm.s32 @p2 $0x1082  }
0x22: {  	[simem:s7], [sflag:s8] =	dma.local @!p0 [hbm:s6], $0xF7A  }
0x23: {  	s9 =	sor.u32 $0xD0000000, s2;
	s6 =	simm.s32 $0x108;
	_ =	swait.ge @!p0 [sflag:s8], $0x0  }
0x24: {  	s3 =	sadd.s32 $0x88, s3;
	s6 =	simm.s32 @!p1 $0x1082;
	[sflag:s4] =	ssyncset.s32 $0xFFFFF086  }
0x25: {  	[simem:s6], [sflag:s4] =	dma.local [hbm:s3], $0xF7A  }
0x26: {  	[smem:$0x3F90] =	sst s1;
	(tag) =	ssettag s2;
	_ =	strace s9  }
0x27: {  	s1 =	sld [smem:$0x3FA0]  }
0x28: {  	s2 =	sld [smem:$0x3FA1]  }
0x29: {  	s4 =	sld [smem:$0x3FA3]  }
0x2a: {  	p0 =	seq.s32 s5, $0x0;
	s5 =	sld [smem:$0x3FA4]  }
0x2b: {  	s6 =	sld [smem:$0x3FA5]  }
0x2c: {  	s7 =	sld [smem:$0x3FA6]  }
0x2d: {  	s3 =	simm.s32 $0x108;
	s8 =	sld [smem:$0x3FA7]  }
0x2e: {  	s3 =	simm.s32 @!p0 $0x1082;
	s9 =	sld [smem:$0x3FA8]  }
0x2f: {  	lr =	sadd.s32 s0, s3;
	s0 =	sld [smem:$0x3F9F]  }
0x30: {  	s3 =	sld [smem:$0x3FA2]  }
0x31: {  	[smem:$0x3FAB] =	sst s10  }
0x32: {  	s10 =	sld [smem:$0x3FA9];
	_ =	sdelay $0x3  }
0x33: {  	p0 =	seq.s32 s10, $0x1;
	s10 =	sld [smem:$0x3FAB];
	_ =	sdelay $0x3  }
0x34: {  	[smem:$0x3FAB] =	sst s10  }
0x35: {  	s10 =	sld [smem:$0x3FAA];
	_ =	sdelay $0x3  }
0x36: {  	p1 =	seq.s32 s10, $0x1;
	s10 =	sld [smem:$0x3FAB];
	_ =	sdelay $0x3  }
0x37: {  	[smem:$0x3FAB] =	sst s10  }
0x38: {  	s10 =	sld [smem:$0x3FAC]  }
0x39: {  	_ = 	snop;
	(pc) =	sbr.ind lr, $3  }
0x3a: {  	_ = 	snop  }
0x3b: {  	_ = 	snop  }
0x3c: {  	p2 =	seq.s32 s10, $0x1;
	s10 =	sld [smem:$0x3FAB]  }
0x3d: {  	_ =	shalt  }
0x3e: {  	_ =	shalt  }
0x3f: {  	_ =	shalt  }
0x40: {  	_ =	shalt  }
0x41: {  	_ =	shalt  }
0x42: {  	_ =	shalt  }
0x43: {  	_ =	shalt  }
0x44: {  	_ =	shalt  }
0x45: {  	_ =	shalt  }
0x46: {  	_ =	shalt  }
0x47: {  	_ =	shalt  }
0x48: {  	_ =	shalt  }
0x49: {  	_ =	shalt  }
0x4a: {  	_ =	shalt  }
0x4b: {  	_ =	shalt  }
0x4c: {  	_ =	shalt  }
0x4d: {  	_ =	shalt  }
0x4e: {  	_ =	shalt  }
0x4f: {  	_ =	shalt  }
0x50: {  	_ =	shalt  }
0x51: {  	_ =	shalt  }
0x52: {  	_ =	shalt  }
0x53: {  	_ =	shalt  }
0x54: {  	_ =	shalt  }
0x55: {  	_ =	shalt  }
0x56: {  	_ =	shalt  }
0x57: {  	_ =	shalt  }
0x58: {  	_ =	shalt  }
0x59: {  	_ =	shalt  }
0x5a: {  	_ =	shalt  }
0x5b: {  	_ =	shalt  }
0x5c: {  	_ =	shalt  }
0x5d: {  	_ =	shalt  }
0x5e: {  	_ =	shalt  }
0x5f: {  	_ =	shalt  }
0x60: {  	_ =	shalt  }
0x61: {  	_ =	shalt  }
0x62: {  	_ =	shalt  }
0x63: {  	_ =	shalt  }
0x64: {  	_ =	shalt  }
0x65: {  	_ =	shalt  }
0x66: {  	_ =	shalt  }
0x67: {  	_ =	shalt  }
0x68: {  	_ =	shalt  }
0x69: {  	_ =	shalt  }
0x6a: {  	_ =	shalt  }
0x6b: {  	_ =	shalt  }
0x6c: {  	_ =	shalt  }
0x6d: {  	_ =	shalt  }
0x6e: {  	_ =	shalt  }
0x6f: {  	_ =	shalt  }
0x70: {  	_ =	shalt  }
0x71: {  	_ =	shalt  }
0x72: {  	_ =	shalt  }
0x73: {  	_ =	shalt  }
0x74: {  	_ =	shalt  }
0x75: {  	_ =	shalt  }
0x76: {  	_ =	shalt  }
0x77: {  	_ =	shalt  }
0x78: {  	_ =	shalt  }
0x79: {  	_ =	shalt  }
0x7a: {  	_ =	shalt  }
0x7b: {  	_ =	shalt  }
0x7c: {  	_ =	shalt  }
0x7d: {  	_ =	shalt  }
0x7e: {  	_ =	shalt  }
0x7f: {  	_ =	shalt  }
0x80: {  	_ =	shalt  }
0x81: {  	_ =	shalt  }
0x82: {  	_ =	shalt  }
0x83: {  	_ =	shalt  }
0x84: {  	_ =	shalt  }
0x85: {  	_ =	shalt  }
0x86: {  	_ =	shalt  }
0x87: {  	_ =	shalt  }
.Lfunc_end0:
.L_simem_size_0:
called_computation.2_lowered:
.L_overlay_start_0:
0x88: {  	s2 =	sld [smem:$0x3FD9]  }
0x89: {  	s3 =	sld [smem:$0x3FFE];
	_ =	sdelay $0x1  }
0x8a: {  	s1 =	srdreg.scid  }
0x8b: {  	s0 =	sand.u32 $0x1, s1  }
0x8c: {  	s16 =	sshll.u32 s0, $0xA;
	s2 =	sadd.s32 s3, s2  }
0x8d: {  	s2 =	sadd.s32 s2, s16  }
0x8e: {  	[smem:$0x3FB7] =	sst s2  }
0x8f: {  	_ = 	snop  }
0x90: {  	(tm) =	ssettm $0x1  }
0x91: {  	s17 =	sld [smem:$0x3FFB];
	_ =	sdelay $0x3  }
0x92: {  	_ =	strace s17  }
0x93: {  	s2 =	sld [smem:$0x3FFC];
	_ =	sdelay $0x3  }
0x94: {  	_ =	strace s2  }
0x95: {  	s2 =	sld [smem:$0x3FFD];
	_ =	sdelay $0x3  }
0x96: {  	_ =	strace s2  }
0x97: {  	_ =	strace $0x8FFFFFFF  }
0x98: {  	s18 =	sld [smem:$0x3FDB];
	_ =	sdelay $0x1  }
0x99: {  	s19 =	simm.s32 $_scs_section_size  }
0x9a: {  	s4 =	simm.s32 $_size__tile_overlayer_lowered;
	s5 =	simm.s32 $_tile_overlayer_lowered  }
0x9b: {  	s22 =	simm.s32 $0x1BFF;
	s21 =	sshll.u32 s5, $0x1;
	s2 =	sadd.s32 s19, s18  }
0x9c: {  	s6 =	simm.s32 $0x0;
	s20 =	sshll.u32 s4, $0x1;
	s4 =	sadd.s32 s21, s2  }
0x9d: {  	[timem:s6], [sflag:s22] =	dma.local [hbm:s4], s20  }
0x9e: {  	_ =	swait.ge [sflag:s22], s20  }
0x9f: {  	s3 =	ssub.s32 $0x0, s20;
	[sflag:s22] =	ssyncset.done $0x0  }
0xa0: {  	[sflag:s22] =	ssyncadd.s32 s3;
	_ =	sdelay $0x1  }
0xa1: {  	s23 =	simm.s32 $0x1B8B  }
0xa2: {  	_ =	swait.ge [sflag:s23], $0x1  }
0xa3: {  	[sflag:s23] =	ssyncset.done $0x0  }
0xa4: {  	s25 =	simm.s32 $0x1B8E;
	s24 =	sld [smem:$0x3FFE];
	[sflag:s23] =	ssyncadd.s32 $0xFFFFFFFF  }
0xa5: {  	s26 =	simm.s32 $execute0_lowered;
	[smem:$0x3FD2] =	sst s25  }
0xa6: {  	s4 =	sshll.u32 s26, $0x1;
	_ =	strace $0x8000004C;
	[dreg:$0x1] =	wrdreg $0xFFFFFFFF  }
0xa7: {  	s28 =	simm.s32 $_size_execute0_lowered;
	s2 =	sadd.s32 s2, s4;
	[dreg:$0x0] =	wrdreg $0x0  }
0xa8: {  	s4 =	sshll.u32 s28, $0x1;
	[dreg:$0x2] =	wrdreg s2  }
0xa9: {  	[dreg:$0x3] =	wrdreg s4  }
0xaa: {  	[dreg:$0x4] =	wrdreg $0xC0  }
0xab: {  	_ =	task [dreg:s6], $0x5FFFF  }
0xac: {  	[dreg:$0x1] =	wrdreg $0xFFFFFFFF  }
0xad: {  	[dreg:$0x0] =	wrdreg $0x60  }
0xae: {  	[dreg:$0x2] =	wrdreg s24  }
0xaf: {  	[dreg:$0x3] =	wrdreg $0xB6800  }
0xb0: {  	[dreg:$0x4] =	wrdreg $0x9  }
0xb1: {  	_ =	task.clear_ibuf [dreg:s6], $0x5FFFF;
	_ =	strace $0x9000004C  }
0xb2: {  	s29 =	simm.s32 $0x9;
	_ =	strace $0x8000004E  }
0xb3: {  	_ =	swait.ge [sflag:s29], $0x1  }
0xb4: {  	[sflag:s29] =	ssyncadd.s32 $0xFFFFFFFF  }
0xb5: {  	_ =	strace $0x9000004E  }
0xb6: {  	_ =	sfence  }
0xb7: {  	s30 =	sld [smem:$0x0];
	_ =	sdelay $0x2  }
0xb8: {  	s31 =	sshll.u32 s1, $0xD;
	s1 =	sshrl.u32 s1, $0x2  }
0xb9: {  	s3 =	sand.u32 $0x4000, s31;
	s1 =	sadd.s32 s1, s30  }
0xba: {  	s0 =	sor.u32 s3, s0;
	s1 =	sshll.u32 s1, $0x11  }
0xbb: {  	s0 =	sor.u32 s1, s0  }
0xbc: {  	s0 =	sadd.s32 $0x8F2B, s0  }
0xbd: {  	[sflag:s0] =	ssyncadd.remote.s32 $0x1  }
0xbe: {  	_ =	sfence.sel $0xFFFF  }
0xbf: {  	[dreg:$0x0] =	wrdreg $0xFFFFFFFF;
	(pc) =	sbr.abs _section_cstart, $3  }
0xc0: {  	[dreg:$0x1] =	wrdreg $0xFFFFFFFF  }
0xc1: {  	_ =	task.clear_ibuf [dreg:s6], $0x2FFFF;
	_ =	strace $0x9FFFFFFF  }
0xc2: {  	(tm) =	ssettm $0x7FFFFFFF  }
0xc3: {  	_ =	shalt  }
tec
execute0_lowered:
.L_overlay_start_1:
0x0: {  	(tag) =	ssettag $0x1  }
0x1: {  	s1 =	srdreg.scid  }
0x2: {  	s0 =	stileid.u32;
	s5 =	rddreg [dreg:$0x0]  }
0x3: {  	s2 =	rddreg [dreg:$0x1];
	s3 =	simm.s32 $0x0;
	s15 =	simm.s32 $0x3  }
0x4: {  	s17 =	simm.s32 $0x7680;
	s18 =	simm.s32 $0x80;
	s19 =	simm.s32 $0x2780  }
0x5: {  	s20 =	simm.s32 $0x9680;
	s21 =	simm.s32 $0x1;
	s22 =	simm.s32 $0x2  }
0x6: {  	s23 =	simm.s32 $0x7600;
	s24 =	simm.s32 $0x0;
	s9 =	smul.u32 $0x28000, s0  }
0x7: {  	s6 =	sand.u32 $0x1, s1;
	s29 =	sshll.u32 s0, $0x1;
	s13 =	smul.u32 $0x1400, s0  }
0x8: {  	[smem:$0x7FF] =	sst s3;
	s4 =	sor.u32 s6, s29;
	s8 =	smul.u32 $0x28000, s6  }
0x9: {  	_ =	strace $0x8000004D;
	s6 =	ssub.s32 $0x2, s6;
	s7 =	smul.u32 $0x4F0, s4  }
0xa: {  	s4 =	sadd.s32 $0x18200, s5;
	s30 =	sshrl.u32 s6, $0x1;
	s31 =	sshrl.u32 s9, $0x2  }
0xb: {  	s12 =	sadd.s32 s8, s5;
	s14 =	ssub.s32 s6, s30;
	s6 =	sadd.s32 s31, s2  }
0xc: {  	s7 =	sadd.s32 s7, s5;
	s8 =	sadd.s32 $0x2000, s6;
	s9 =	sadd.s32 $0x4000, s6  }
0xd: {  	s10 =	sadd.s32 $0x6000, s6;
	s11 =	sadd.s32 $0x8000, s6;
	s12 =	sadd.s32 $0x40200, s12  }
0xe: {  	v0 =	vimm.f32 $0.0e+00;
	s14 =	smax.u32 s14, $0x1;
	s5 =	sadd.s32 $0xE400, s7;
	s7 =	sadd.s32 $0x4600, s7  }
.LBB2_1:
0xf: {  	[tilespmem:s3], [sflag:$0x3] =	stream.linear.gather [hbm4b:s5+s3], $0x2780, $0x38;
	[tilespmem:$0x15680] =	vst v63  }
0x10: {  	_ =	swait.ge [sflag:s15], $0x2780  }
0x11: {  	[sflag:s15] =	ssyncset.done $0x0  }
0x12: {  	s1 =	simm.s32 $0x4F00;
	[sflag:s15] =	ssyncadd.s32 $0xFFFFD880  }
0x13: {  	[tilespmem:s1], [sflag:$0x3] =	stream.linear.gather [hbm4b:s7+s3], $0x2780, $0x38;
	[tilespmem:$0x15680] =	vst v63  }
0x14: {  	_ =	swait.ge [sflag:s15], $0x2780  }
0x15: {  	[sflag:s15] =	ssyncset.done $0x0  }
0x16: {  	s26 =	simm.s32 $0x0;
	[sflag:s15] =	ssyncadd.s32 $0xFFFFD880  }
0x17: {  	v2 =	vld [tilespmem:s26+$0x70]  }
0x18: {  	v5 =	vld [tilespmem:s26+$0x0]  }
0x19: {  	v6 =	vld [tilespmem:s26+$0x10]  }
0x1a: {  	v4 =	vld [tilespmem:s26+$0x20]  }
0x1b: {  	v3 =	vld [tilespmem:s26+$0x30]  }
0x1c: {  	v1 =	vld [tilespmem:s26+$0x40];
	v7 =	vshll.u32 v2, $0x1  }
0x1d: {  	v2 =	vld [tilespmem:s26+$0x50];
	v5 =	vshll.u32 v5, $0x1;
	[tilespmem:s26+$0x27F0] =	vst v7  }
0x1e: {  	s25 =	simm.s32 $0x80;
	s28 =	simm.s32 $0x400;
	v6 =	vshll.u32 v6, $0x1;
	[tilespmem:s26+$0x2780] =	vst v5;
	v5 =	vld [tilespmem:s26+$0x60]  }
.LBB2_2:
0x1f: {  	p0 =	sne.s32 s28, $0x9C00;
	v7 =	vld [tilespmem:s25+$0x70];
	[tilespmem:s26+$0x2790] =	vst v6;
	v4 =	vshll.u32 v4, $0x1  }
0x20: {  	v6 =	vld [tilespmem:s25+$0x0];
	[tilespmem:s26+$0x27A0] =	vst v4;
	v3 =	vshll.u32 v3, $0x1  }
0x21: {  	v8 =	vld [tilespmem:s25+$0x10];
	[tilespmem:s26+$0x27B0] =	vst v3;
	v1 =	vshll.u32 v1, $0x1  }
.Ltmp0:
0x22: {  	v4 =	vld [tilespmem:s25+$0x20];
	[tilespmem:s26+$0x27C0] =	vst v1;
	v1 =	vshll.u32 v2, $0x1;
	(pc) =	sbr.rel @p0 .LBB2_2-.Ltmp0, $4  }
0x23: {  	v3 =	vld [tilespmem:s25+$0x30];
	[tilespmem:s26+$0x27D0] =	vst v1;
	v2 =	vshll.u32 v5, $0x1  }
0x24: {  	v1 =	vld [tilespmem:s25+$0x40];
	v5 =	vshll.u32 v7, $0x1;
	[tilespmem:s26+$0x27E0] =	vst v2;
	s26 =	smov.u32 s25  }
0x25: {  	v6 =	vshll.u32 v6, $0x1;
	v2 =	vld [tilespmem:s26+$0x50];
	[tilespmem:s26+$0x27F0] =	vst v5  }
0x26: {  	s25 =	sshra.s32 s28, $0x2;
	s28 =	sadd.s32 $0x200, s28;
	[tilespmem:s26+$0x2780] =	vst v6;
	v6 =	vshll.u32 v8, $0x1;
	v5 =	vld [tilespmem:s26+$0x60]  }
0x27: {  	v7 =	vld [tilespmem:s25+$0x70];
	[tilespmem:s26+$0x2790] =	vst v6;
	v4 =	vshll.u32 v4, $0x1  }
0x28: {  	v6 =	vld [tilespmem:s25+$0x0];
	[tilespmem:s26+$0x27A0] =	vst v4;
	v3 =	vshll.u32 v3, $0x1  }
0x29: {  	v4 =	vld [tilespmem:s25+$0x10];
	[tilespmem:s26+$0x27B0] =	vst v3;
	v1 =	vshll.u32 v1, $0x1  }
0x2a: {  	v3 =	vld [tilespmem:s25+$0x20];
	[tilespmem:s26+$0x27C0] =	vst v1;
	v1 =	vshll.u32 v2, $0x1  }
0x2b: {  	v2 =	vld [tilespmem:s25+$0x30];
	[tilespmem:s26+$0x27D0] =	vst v1;
	v1 =	vshll.u32 v5, $0x1  }
0x2c: {  	v61 =	vld [tilespmem:s25+$0x40];
	[tilespmem:s26+$0x27E0] =	vst v1;
	v1 =	vshll.u32 v7, $0x1  }
0x2d: {  	v62 =	vld [tilespmem:s25+$0x50];
	v6 =	vshll.u32 v6, $0x1;
	[tilespmem:s25+$0x27F0] =	vst v1  }
0x2e: {  	v63 =	vld [tilespmem:s25+$0x60];
	[tilespmem:s25+$0x2780] =	vst v6;
	v1 =	vshll.u32 v4, $0x1  }
0x2f: {  	[tilespmem:s25+$0x2790] =	vst v1;
	v1 =	vshll.u32 v3, $0x1  }
0x30: {  	[tilespmem:s25+$0x27A0] =	vst v1;
	v1 =	vshll.u32 v2, $0x1  }
0x31: {  	[tilespmem:s25+$0x27B0] =	vst v1;
	v1 =	vshll.u32 v61, $0x1  }
0x32: {  	[tilespmem:s25+$0x27C0] =	vst v1;
	v1 =	vshll.u32 v62, $0x1  }
0x33: {  	[tilespmem:s25+$0x27D0] =	vst v1;
	v1 =	vshll.u32 v63, $0x1  }
0x34: {  	s26 =	simm.s32 $0x100;
	[tilespmem:s25+$0x27E0] =	vst v1;
	s25 =	simm.s32 $0x0  }
.LBB2_4:
0x35: {  	p0 =	sne.s32 s26, $0x7F00;
	[tilespmem:s25+$0x76B0] =	vst v0;
	s28 =	smov.u32 s26;
	s26 =	sadd.s32 $0x100, s26  }
.Ltmp1:
0x36: {  	[tilespmem:s25+$0x76A0] =	vst v0;
	(pc) =	sbr.rel @p0 .LBB2_4-.Ltmp1, $3  }
0x37: {  	[tilespmem:s25+$0x7680] =	vst v0  }
0x38: {  	[tilespmem:s25+$0x7690] =	vst v0;
	_ =	sdelay $0x1  }
0x39: {  	s25 =	sshra.s32 s28, $0x2  }
0x3a: {  	[tilespmem:s25+$0x76B0] =	vst v0  }
0x3b: {  	[tilespmem:s25+$0x76A0] =	vst v0  }
0x3c: {  	[tilespmem:s25+$0x7680] =	vst v0  }
0x3d: {  	[tilespmem:s25+$0x7690] =	vst v0  }
0x3e: {  	[spmem:s6] =	stream.linear.scatter [tilespmem:s17], [sflag:$0x3], $0x2000, $0x38;
	[tilespmem:$0x15680] =	vst v63  }
0x3f: {  	_ =	swait.ge [sflag:s15], $0x2000  }
0x40: {  	[sflag:s15] =	ssyncset.done $0x0  }
0x41: {  	[sflag:s15] =	ssyncadd.s32 $0xFFFFE000  }
0x42: {  	[spmem:s8] =	stream.linear.scatter [tilespmem:s17], [sflag:$0x3], $0x2000, $0x38;
	[tilespmem:$0x15680] =	vst v63  }
0x43: {  	_ =	swait.ge [sflag:s15], $0x2000  }
0x44: {  	[sflag:s15] =	ssyncset.done $0x0  }
0x45: {  	[sflag:s15] =	ssyncadd.s32 $0xFFFFE000  }
0x46: {  	[spmem:s9] =	stream.linear.scatter [tilespmem:s17], [sflag:$0x3], $0x2000, $0x38;
	[tilespmem:$0x15680] =	vst v63  }
0x47: {  	_ =	swait.ge [sflag:s15], $0x2000  }
0x48: {  	[sflag:s15] =	ssyncset.done $0x0  }
0x49: {  	[sflag:s15] =	ssyncadd.s32 $0xFFFFE000  }
0x4a: {  	[spmem:s10] =	stream.linear.scatter [tilespmem:s17], [sflag:$0x3], $0x2000, $0x38;
	[tilespmem:$0x15680] =	vst v63  }
0x4b: {  	_ =	swait.ge [sflag:s15], $0x2000  }
0x4c: {  	[sflag:s15] =	ssyncset.done $0x0  }
0x4d: {  	[sflag:s15] =	ssyncadd.s32 $0xFFFFE000  }
0x4e: {  	[spmem:s11] =	stream.linear.scatter [tilespmem:s17], [sflag:$0x3], $0x2000, $0x38;
	[tilespmem:$0x15680] =	vst v63  }
0x4f: {  	_ =	swait.ge [sflag:s15], $0x2000  }
0x50: {  	[sflag:s15] =	ssyncset.done $0x0  }
0x51: {  	[sflag:s15] =	ssyncadd.s32 $0xFFFFE000  }
0x52: {  	[bflag:$0x0] =	sbarrier.arrive $0xFFFF  }
0x53: {  	[tilespmem:s17], [sflag:$0x1] =	stream.indirect.gather [hbm4b:s4+s18], $0x40, s19, s18, $0xb8;
	[tilespmem:$0x15680] =	vst v63  }
0x54: {  	s28 =	simm.s32 $0x2800  }
0x55: {  	[tilespmem:s20], [sflag:$0x2] =	stream.indirect.gather [hbm4b:s4+s18], $0x40, s28, s18, $0xb8;
	[tilespmem:$0x15680] =	vst v63  }
0x56: {  	_ =	swait.ge [sflag:s21], $0x2000  }
0x57: {  	[sflag:s21] =	ssyncset.done $0x0  }
0x58: {  	s29 =	simm.s32 $0x4F00;
	[sflag:s21] =	ssyncadd.s32 $0xFFFFE000  }
0x59: {  	[spmem:s2] =	stream.indirect.scatter.add.f32 [tilespmem:s17], [sflag:$0x3], $0x40, s29, s18, $0xb8;
	[tilespmem:$0x15680] =	vst v63  }
0x5a: {  	_ =	swait.ge [sflag:s15], $0x2000  }
0x5b: {  	[sflag:s15] =	ssyncset.done $0x0  }
0x5c: {  	s30 =	simm.s32 $0x2880;
	[sflag:s15] =	ssyncadd.s32 $0xFFFFE000  }
0x5d: {  	[tilespmem:s17], [sflag:$0x1] =	stream.indirect.gather [hbm4b:s4+s18], $0x40, s30, s18, $0xb8;
	[tilespmem:$0x15680] =	vst v63  }
0x5e: {  	_ =	swait.ge [sflag:s22], $0x2000  }
0x5f: {  	[sflag:s22] =	ssyncset.done $0x0  }
0x60: {  	s31 =	simm.s32 $0x4F80;
	[sflag:s22] =	ssyncadd.s32 $0xFFFFE000  }
0x61: {  	[spmem:s2] =	stream.indirect.scatter.add.f32 [tilespmem:s20], [sflag:$0x3], $0x40, s31, s18, $0xb8;
	[tilespmem:$0x15680] =	vst v63  }
0x62: {  	_ =	swait.ge [sflag:s15], $0x2000  }
0x63: {  	s26 =	simm.s32 $0x800;
	s25 =	simm.s32 $0x100;
	[sflag:s15] =	ssyncset.done $0x0  }
.LBB2_6:
0x64: {  	s28 =	sadd.s32 $0x2800, s25  }
0x65: {  	[sflag:s15] =	ssyncadd.s32 $0xFFFFE000;
	s29 =	smov.u32 s26;
	s30 =	sadd.s32 $0x400, s26  }
0x66: {  	[tilespmem:s20], [sflag:$0x2] =	stream.indirect.gather [hbm4b:s4+s18], $0x40, s28, s18, $0xb8;
	[tilespmem:$0x15680] =	vst v63  }
0x67: {  	p0 =	sne.s32 s26, $0x9800;
	_ =	swait.ge [sflag:s21], $0x2000  }
0x68: {  	[sflag:s21] =	ssyncset.done $0x0  }
0x69: {  	s26 =	sadd.s32 $0x4F00, s25;
	[sflag:s21] =	ssyncadd.s32 $0xFFFFE000  }
0x6a: {  	[spmem:s2] =	stream.indirect.scatter.add.f32 [tilespmem:s17], [sflag:$0x3], $0x40, s26, s18, $0xb8;
	[tilespmem:$0x15680] =	vst v63  }
0x6b: {  	_ =	swait.ge [sflag:s15], $0x2000  }
0x6c: {  	[sflag:s15] =	ssyncset.done $0x0  }
0x6d: {  	s26 =	sadd.s32 $0x2880, s25;
	[sflag:s15] =	ssyncadd.s32 $0xFFFFE000  }
0x6e: {  	[tilespmem:s17], [sflag:$0x1] =	stream.indirect.gather [hbm4b:s4+s18], $0x40, s26, s18, $0xb8;
	[tilespmem:$0x15680] =	vst v63  }
0x6f: {  	_ =	swait.ge [sflag:s22], $0x2000  }
.Ltmp2:
0x70: {  	[sflag:s22] =	ssyncset.done $0x0;
	(pc) =	sbr.rel @p0 .LBB2_6-.Ltmp2, $4  }
0x71: {  	s25 =	sadd.s32 $0x4F80, s25;
	[sflag:s22] =	ssyncadd.s32 $0xFFFFE000  }
0x72: {  	[spmem:s2] =	stream.indirect.scatter.add.f32 [tilespmem:s20], [sflag:$0x3], $0x40, s25, s18, $0xb8;
	[tilespmem:$0x15680] =	vst v63  }
0x73: {  	_ =	swait.ge [sflag:s15], $0x2000  }
0x74: {  	s26 =	smov.u32 s30;
	s25 =	sshra.s32 s29, $0x2;
	[sflag:s15] =	ssyncset.done $0x0  }
0x75: {  	s26 =	sadd.s32 $0x2800, s25;
	[sflag:s15] =	ssyncadd.s32 $0xFFFFE000  }
0x76: {  	[tilespmem:s20], [sflag:$0x2] =	stream.indirect.gather [hbm4b:s4+s18], $0x40, s26, s18, $0xb8;
	[tilespmem:$0x15680] =	vst v63  }
0x77: {  	_ =	swait.ge [sflag:s21], $0x2000  }
0x78: {  	[sflag:s21] =	ssyncset.done $0x0  }
0x79: {  	s1 =	sadd.s32 $0x4F00, s25;
	[sflag:s21] =	ssyncadd.s32 $0xFFFFE000  }
0x7a: {  	[spmem:s2] =	stream.indirect.scatter.add.f32 [tilespmem:s17], [sflag:$0x3], $0x40, s1, s18, $0xb8;
	[tilespmem:$0x15680] =	vst v63  }
0x7b: {  	_ =	swait.ge [sflag:s15], $0x2000  }
0x7c: {  	[sflag:s15] =	ssyncset.done $0x0  }
0x7d: {  	s16 =	sadd.s32 $0x2880, s25;
	[sflag:s15] =	ssyncadd.s32 $0xFFFFE000  }
0x7e: {  	[tilespmem:s17], [sflag:$0x1] =	stream.indirect.gather [hbm4b:s4+s18], $0x40, s16, s18, $0xb8;
	[tilespmem:$0x15680] =	vst v63  }
0x7f: {  	_ =	swait.ge [sflag:s22], $0x2000  }
0x80: {  	[sflag:s22] =	ssyncset.done $0x0  }
0x81: {  	s1 =	sadd.s32 $0x4F80, s25;
	[sflag:s22] =	ssyncadd.s32 $0xFFFFE000  }
0x82: {  	[spmem:s2] =	stream.indirect.scatter.add.f32 [tilespmem:s20], [sflag:$0x3], $0x40, s1, s18, $0xb8;
	[tilespmem:$0x15680] =	vst v63  }
0x83: {  	_ =	swait.ge [sflag:s15], $0x2000  }
0x84: {  	[sflag:s15] =	ssyncset.done $0x0  }
0x85: {  	[sflag:s15] =	ssyncadd.s32 $0xFFFFE000  }
0x86: {  	_ =	swait.ge [sflag:s21], $0x2000  }
0x87: {  	[sflag:s21] =	ssyncset.done $0x0  }
0x88: {  	[sflag:s21] =	ssyncadd.s32 $0xFFFFE000  }
0x89: {  	[spmem:s2] =	stream.indirect.scatter.add.f32 [tilespmem:s17], [sflag:$0x3], $0x40, s23, s18, $0xb8;
	[tilespmem:$0x15680] =	vst v63  }
0x8a: {  	_ =	swait.ge [sflag:s15], $0x2000  }
0x8b: {  	[sflag:s15] =	ssyncset.done $0x0  }
0x8c: {  	s28 =	sshrl.u32 s6, $0x3;
	s16 =	sshll.u32 s0, $0x6;
	[sflag:s15] =	ssyncadd.s32 $0xFFFFE000  }
0x8d: {  	s26 =	sadd.s32 s13, s12;
	s25 =	sor.u32 $0x1C03, s16;
	[bflag:$0x0] =	sbarrier.arrive $0xFFFF  }
0x8e: {  	[hbm:s26], [sflag:s25] =	dma.local [spmem:s28], $0x1400  }
0x8f: {  	_ =	swait.ge [sflag:s15], $0x1400  }
0x90: {  	[sflag:s15] =	ssyncset.done $0x0  }
0x91: {  	s30 =	simm.s32 $0x0;
	[sflag:s15] =	ssyncadd.s32 $0xFFFFEC00  }
0x92: {  	v1 =	vld [tilespmem:s30+$0x70]  }
0x93: {  	v3 =	vld [tilespmem:s30+$0x0]  }
0x94: {  	v7 =	vld [tilespmem:s30+$0x10]  }
0x95: {  	v5 =	vld [tilespmem:s30+$0x20]  }
0x96: {  	v4 =	vld [tilespmem:s30+$0x30]  }
0x97: {  	v2 =	vld [tilespmem:s30+$0x40];
	v6 =	vshll.u32 v1, $0x1  }
0x98: {  	v1 =	vld [tilespmem:s30+$0x50];
	v8 =	vshll.u32 v3, $0x1;
	v9 =	vor.u32 $0x1, v6  }
0x99: {  	s29 =	simm.s32 $0x80;
	s31 =	simm.s32 $0x400;
	v3 =	vld [tilespmem:s30+$0x60];
	v7 =	vshll.u32 v7, $0x1;
	v6 =	vor.u32 $0x1, v8;
	[tilespmem:s30+$0x27F0] =	vst v9  }
.LBB2_8:
0x9a: {  	p0 =	sne.s32 s31, $0x9C00;
	v8 =	vld [tilespmem:s29+$0x70];
	[tilespmem:s30+$0x2780] =	vst v6;
	v6 =	vor.u32 $0x1, v7;
	v5 =	vshll.u32 v5, $0x1  }
0x9b: {  	v7 =	vld [tilespmem:s29+$0x0];
	[tilespmem:s30+$0x2790] =	vst v6;
	v5 =	vor.u32 $0x1, v5;
	v4 =	vshll.u32 v4, $0x1  }
0x9c: {  	v9 =	vld [tilespmem:s29+$0x10];
	[tilespmem:s30+$0x27A0] =	vst v5;
	v4 =	vor.u32 $0x1, v4;
	v2 =	vshll.u32 v2, $0x1  }
.Ltmp3:
0x9d: {  	v5 =	vld [tilespmem:s29+$0x20];
	[tilespmem:s30+$0x27B0] =	vst v4;
	v2 =	vor.u32 $0x1, v2;
	v1 =	vshll.u32 v1, $0x1;
	(pc) =	sbr.rel @p0 .LBB2_8-.Ltmp3, $4  }
0x9e: {  	v4 =	vld [tilespmem:s29+$0x30];
	[tilespmem:s30+$0x27C0] =	vst v2;
	v1 =	vor.u32 $0x1, v1;
	v3 =	vshll.u32 v3, $0x1  }
0x9f: {  	v2 =	vld [tilespmem:s29+$0x40];
	v6 =	vshll.u32 v8, $0x1;
	[tilespmem:s30+$0x27D0] =	vst v1;
	v3 =	vor.u32 $0x1, v3  }
0xa0: {  	v7 =	vshll.u32 v7, $0x1;
	v1 =	vld [tilespmem:s29+$0x50];
	v8 =	vor.u32 $0x1, v6;
	[tilespmem:s30+$0x27E0] =	vst v3;
	s30 =	smov.u32 s29  }
0xa1: {  	s29 =	sshra.s32 s31, $0x2;
	s31 =	sadd.s32 $0x200, s31;
	v6 =	vor.u32 $0x1, v7;
	v7 =	vshll.u32 v9, $0x1;
	v3 =	vld [tilespmem:s30+$0x60];
	[tilespmem:s30+$0x27F0] =	vst v8  }
0xa2: {  	v8 =	vld [tilespmem:s29+$0x70];
	[tilespmem:s30+$0x2780] =	vst v6;
	v60 =	vor.u32 $0x1, v7;
	v5 =	vshll.u32 v5, $0x1  }
0xa3: {  	v61 =	vld [tilespmem:s29+$0x0];
	[tilespmem:s30+$0x2790] =	vst v60;
	v5 =	vor.u32 $0x1, v5;
	v4 =	vshll.u32 v4, $0x1  }
0xa4: {  	v6 =	vld [tilespmem:s29+$0x10];
	[tilespmem:s30+$0x27A0] =	vst v5;
	v4 =	vor.u32 $0x1, v4;
	v2 =	vshll.u32 v2, $0x1  }
0xa5: {  	v5 =	vld [tilespmem:s29+$0x20];
	[tilespmem:s30+$0x27B0] =	vst v4;
	v2 =	vor.u32 $0x1, v2;
	v1 =	vshll.u32 v1, $0x1  }
0xa6: {  	v4 =	vld [tilespmem:s29+$0x30];
	[tilespmem:s30+$0x27C0] =	vst v2;
	v1 =	vor.u32 $0x1, v1;
	v3 =	vshll.u32 v3, $0x1  }
0xa7: {  	v2 =	vld [tilespmem:s29+$0x40];
	[tilespmem:s30+$0x27D0] =	vst v1;
	v1 =	vor.u32 $0x1, v3;
	v8 =	vshll.u32 v8, $0x1  }
0xa8: {  	v3 =	vld [tilespmem:s29+$0x50];
	[tilespmem:s30+$0x27E0] =	vst v1;
	v1 =	vshll.u32 v61, $0x1;
	v62 =	vor.u32 $0x1, v8  }
0xa9: {  	v63 =	vld [tilespmem:s29+$0x60];
	v1 =	vor.u32 $0x1, v1;
	v6 =	vshll.u32 v6, $0x1;
	[tilespmem:s29+$0x27F0] =	vst v62  }
0xaa: {  	[tilespmem:s29+$0x2780] =	vst v1;
	v1 =	vor.u32 $0x1, v6;
	v5 =	vshll.u32 v5, $0x1  }
0xab: {  	[tilespmem:s29+$0x2790] =	vst v1;
	v1 =	vor.u32 $0x1, v5;
	v4 =	vshll.u32 v4, $0x1  }
0xac: {  	[tilespmem:s29+$0x27A0] =	vst v1;
	v1 =	vor.u32 $0x1, v4;
	v2 =	vshll.u32 v2, $0x1  }
0xad: {  	[tilespmem:s29+$0x27B0] =	vst v1;
	v1 =	vor.u32 $0x1, v2;
	v2 =	vshll.u32 v3, $0x1  }
0xae: {  	[tilespmem:s29+$0x27C0] =	vst v1;
	v1 =	vor.u32 $0x1, v2;
	v2 =	vshll.u32 v63, $0x1  }
0xaf: {  	[tilespmem:s29+$0x27D0] =	vst v1;
	v1 =	vor.u32 $0x1, v2  }
0xb0: {  	s30 =	simm.s32 $0x100;
	[tilespmem:s29+$0x27E0] =	vst v1;
	s29 =	simm.s32 $0x0  }
.LBB2_10:
0xb1: {  	p0 =	sne.s32 s30, $0x7F00;
	[tilespmem:s29+$0x76B0] =	vst v0;
	s31 =	smov.u32 s30;
	s30 =	sadd.s32 $0x100, s30  }
.Ltmp4:
0xb2: {  	[tilespmem:s29+$0x76A0] =	vst v0;
	(pc) =	sbr.rel @p0 .LBB2_10-.Ltmp4, $3  }
0xb3: {  	[tilespmem:s29+$0x7680] =	vst v0  }
0xb4: {  	[tilespmem:s29+$0x7690] =	vst v0;
	_ =	sdelay $0x1  }
0xb5: {  	s29 =	sshra.s32 s31, $0x2  }
0xb6: {  	[tilespmem:s29+$0x76B0] =	vst v0  }
0xb7: {  	[tilespmem:s29+$0x76A0] =	vst v0  }
0xb8: {  	[tilespmem:s29+$0x7680] =	vst v0  }
0xb9: {  	[tilespmem:s29+$0x7690] =	vst v0  }
0xba: {  	[spmem:s6] =	stream.linear.scatter [tilespmem:s17], [sflag:$0x3], $0x2000, $0x38;
	[tilespmem:$0x15680] =	vst v63  }
0xbb: {  	_ =	swait.ge [sflag:s15], $0x2000  }
0xbc: {  	[sflag:s15] =	ssyncset.done $0x0  }
0xbd: {  	[sflag:s15] =	ssyncadd.s32 $0xFFFFE000  }
0xbe: {  	[spmem:s8] =	stream.linear.scatter [tilespmem:s17], [sflag:$0x3], $0x2000, $0x38;
	[tilespmem:$0x15680] =	vst v63  }
0xbf: {  	_ =	swait.ge [sflag:s15], $0x2000  }
0xc0: {  	[sflag:s15] =	ssyncset.done $0x0  }
0xc1: {  	[sflag:s15] =	ssyncadd.s32 $0xFFFFE000  }
0xc2: {  	[spmem:s9] =	stream.linear.scatter [tilespmem:s17], [sflag:$0x3], $0x2000, $0x38;
	[tilespmem:$0x15680] =	vst v63  }
0xc3: {  	_ =	swait.ge [sflag:s15], $0x2000  }
0xc4: {  	[sflag:s15] =	ssyncset.done $0x0  }
0xc5: {  	[sflag:s15] =	ssyncadd.s32 $0xFFFFE000  }
0xc6: {  	[spmem:s10] =	stream.linear.scatter [tilespmem:s17], [sflag:$0x3], $0x2000, $0x38;
	[tilespmem:$0x15680] =	vst v63  }
0xc7: {  	_ =	swait.ge [sflag:s15], $0x2000  }
0xc8: {  	[sflag:s15] =	ssyncset.done $0x0  }
0xc9: {  	[sflag:s15] =	ssyncadd.s32 $0xFFFFE000  }
0xca: {  	[spmem:s11] =	stream.linear.scatter [tilespmem:s17], [sflag:$0x3], $0x2000, $0x38;
	[tilespmem:$0x15680] =	vst v63  }
0xcb: {  	_ =	swait.ge [sflag:s15], $0x2000  }
0xcc: {  	[sflag:s15] =	ssyncset.done $0x0  }
0xcd: {  	[sflag:s15] =	ssyncadd.s32 $0xFFFFE000  }
0xce: {  	[bflag:$0x0] =	sbarrier.arrive $0xFFFF  }
0xcf: {  	[tilespmem:s17], [sflag:$0x1] =	stream.indirect.gather [hbm4b:s4+s18], $0x40, s19, s18, $0xb8;
	[tilespmem:$0x15680] =	vst v63  }
0xd0: {  	s29 =	simm.s32 $0x2800  }
0xd1: {  	[tilespmem:s20], [sflag:$0x2] =	stream.indirect.gather [hbm4b:s4+s18], $0x40, s29, s18, $0xb8;
	[tilespmem:$0x15680] =	vst v63  }
0xd2: {  	_ =	swait.ge [sflag:s21], $0x2000  }
0xd3: {  	[sflag:s21] =	ssyncset.done $0x0  }
0xd4: {  	s29 =	simm.s32 $0x4F00;
	[sflag:s21] =	ssyncadd.s32 $0xFFFFE000  }
0xd5: {  	[spmem:s2] =	stream.indirect.scatter.add.f32 [tilespmem:s17], [sflag:$0x3], $0x40, s29, s18, $0xb8;
	[tilespmem:$0x15680] =	vst v63  }
0xd6: {  	_ =	swait.ge [sflag:s15], $0x2000  }
0xd7: {  	[sflag:s15] =	ssyncset.done $0x0  }
0xd8: {  	s29 =	simm.s32 $0x2880;
	[sflag:s15] =	ssyncadd.s32 $0xFFFFE000  }
0xd9: {  	[tilespmem:s17], [sflag:$0x1] =	stream.indirect.gather [hbm4b:s4+s18], $0x40, s29, s18, $0xb8;
	[tilespmem:$0x15680] =	vst v63  }
0xda: {  	_ =	swait.ge [sflag:s22], $0x2000  }
0xdb: {  	[sflag:s22] =	ssyncset.done $0x0  }
0xdc: {  	s29 =	simm.s32 $0x4F80;
	[sflag:s22] =	ssyncadd.s32 $0xFFFFE000  }
0xdd: {  	[spmem:s2] =	stream.indirect.scatter.add.f32 [tilespmem:s20], [sflag:$0x3], $0x40, s29, s18, $0xb8;
	[tilespmem:$0x15680] =	vst v63  }
0xde: {  	_ =	swait.ge [sflag:s15], $0x2000  }
0xdf: {  	s30 =	simm.s32 $0x800;
	s29 =	simm.s32 $0x100;
	[sflag:s15] =	ssyncset.done $0x0  }
.LBB2_12:
0xe0: {  	s31 =	sadd.s32 $0x2800, s29  }
0xe1: {  	[sflag:s15] =	ssyncadd.s32 $0xFFFFE000;
	s1 =	smov.u32 s30;
	s16 =	sadd.s32 $0x400, s30  }
0xe2: {  	[tilespmem:s20], [sflag:$0x2] =	stream.indirect.gather [hbm4b:s4+s18], $0x40, s31, s18, $0xb8;
	[tilespmem:$0x15680] =	vst v63  }
0xe3: {  	p0 =	sne.s32 s30, $0x9800;
	_ =	swait.ge [sflag:s21], $0x2000  }
0xe4: {  	[sflag:s21] =	ssyncset.done $0x0  }
0xe5: {  	s30 =	sadd.s32 $0x4F00, s29;
	[sflag:s21] =	ssyncadd.s32 $0xFFFFE000  }
0xe6: {  	[spmem:s2] =	stream.indirect.scatter.add.f32 [tilespmem:s17], [sflag:$0x3], $0x40, s30, s18, $0xb8;
	[tilespmem:$0x15680] =	vst v63  }
0xe7: {  	_ =	swait.ge [sflag:s15], $0x2000  }
0xe8: {  	[sflag:s15] =	ssyncset.done $0x0  }
0xe9: {  	s30 =	sadd.s32 $0x2880, s29;
	[sflag:s15] =	ssyncadd.s32 $0xFFFFE000  }
0xea: {  	[tilespmem:s17], [sflag:$0x1] =	stream.indirect.gather [hbm4b:s4+s18], $0x40, s30, s18, $0xb8;
	[tilespmem:$0x15680] =	vst v63  }
0xeb: {  	_ =	swait.ge [sflag:s22], $0x2000  }
.Ltmp5:
0xec: {  	[sflag:s22] =	ssyncset.done $0x0;
	(pc) =	sbr.rel @p0 .LBB2_12-.Ltmp5, $4  }
0xed: {  	s29 =	sadd.s32 $0x4F80, s29;
	[sflag:s22] =	ssyncadd.s32 $0xFFFFE000  }
0xee: {  	[spmem:s2] =	stream.indirect.scatter.add.f32 [tilespmem:s20], [sflag:$0x3], $0x40, s29, s18, $0xb8;
	[tilespmem:$0x15680] =	vst v63  }
0xef: {  	_ =	swait.ge [sflag:s15], $0x2000  }
0xf0: {  	s30 =	smov.u32 s16;
	s29 =	sshra.s32 s1, $0x2;
	[sflag:s15] =	ssyncset.done $0x0  }
0xf1: {  	s1 =	sadd.s32 $0x2800, s29;
	[sflag:s15] =	ssyncadd.s32 $0xFFFFE000  }
0xf2: {  	[tilespmem:s20], [sflag:$0x2] =	stream.indirect.gather [hbm4b:s4+s18], $0x40, s1, s18, $0xb8;
	[tilespmem:$0x15680] =	vst v63  }
0xf3: {  	_ =	swait.ge [sflag:s21], $0x2000  }
0xf4: {  	[sflag:s21] =	ssyncset.done $0x0  }
0xf5: {  	s31 =	sadd.s32 $0x4F00, s29;
	[sflag:s21] =	ssyncadd.s32 $0xFFFFE000  }
0xf6: {  	[spmem:s2] =	stream.indirect.scatter.add.f32 [tilespmem:s17], [sflag:$0x3], $0x40, s31, s18, $0xb8;
	[tilespmem:$0x15680] =	vst v63  }
0xf7: {  	_ =	swait.ge [sflag:s15], $0x2000  }
0xf8: {  	[sflag:s15] =	ssyncset.done $0x0  }
0xf9: {  	s16 =	sadd.s32 $0x2880, s29;
	[sflag:s15] =	ssyncadd.s32 $0xFFFFE000  }
0xfa: {  	[tilespmem:s17], [sflag:$0x1] =	stream.indirect.gather [hbm4b:s4+s18], $0x40, s16, s18, $0xb8;
	[tilespmem:$0x15680] =	vst v63  }
0xfb: {  	_ =	swait.ge [sflag:s22], $0x2000  }
0xfc: {  	[sflag:s22] =	ssyncset.done $0x0  }
0xfd: {  	s30 =	sadd.s32 $0x4F80, s29;
	[sflag:s22] =	ssyncadd.s32 $0xFFFFE000  }
0xfe: {  	[spmem:s2] =	stream.indirect.scatter.add.f32 [tilespmem:s20], [sflag:$0x3], $0x40, s30, s18, $0xb8;
	[tilespmem:$0x15680] =	vst v63  }
0xff: {  	_ =	swait.ge [sflag:s15], $0x2000  }
0x100: {  	[sflag:s15] =	ssyncset.done $0x0  }
0x101: {  	[sflag:s15] =	ssyncadd.s32 $0xFFFFE000  }
0x102: {  	_ =	swait.ge [sflag:s21], $0x2000  }
0x103: {  	[sflag:s21] =	ssyncset.done $0x0  }
0x104: {  	[sflag:s21] =	ssyncadd.s32 $0xFFFFE000  }
0x105: {  	[spmem:s2] =	stream.indirect.scatter.add.f32 [tilespmem:s17], [sflag:$0x3], $0x40, s23, s18, $0xb8;
	[tilespmem:$0x15680] =	vst v63  }
0x106: {  	_ =	swait.ge [sflag:s15], $0x2000  }
0x107: {  	s24 =	sadd.s32 $0x1, s24;
	[sflag:s15] =	ssyncset.done $0x0  }
0x108: {  	p0 =	sne.s32 s24, s14;
	[sflag:s15] =	ssyncadd.s32 $0xFFFFE000  }
.Ltmp6:
0x109: {  	s31 =	sadd.s32 $0x14000, s26;
	[bflag:$0x0] =	sbarrier.arrive $0xFFFF;
	(pc) =	sbr.rel @p0 .LBB2_1-.Ltmp6, $4  }
0x10a: {  	[hbm:s31], [sflag:s25] =	dma.local [spmem:s28], $0x1400  }
0x10b: {  	_ =	swait.ge [sflag:s15], $0x1400  }
0x10c: {  	[sflag:s15] =	ssyncset.done $0x0  }
0x10d: {  	[sflag:s15] =	ssyncadd.s32 $0xFFFFEC00  }
0x10e: {  	_ =	sfence.sel $0x180000  }
0x10f: {  	[bflag:$0x0] =	sbarrier.arrive $0xFFFF  }
0x110: {  	_ =	strace $0x9000004D  }
0x111: {  	[bflag:$0x2] =	sbarrier.arrive $0xFFFF  }
0x112: {  	p0 =	sne.s32 s0, $0x0;
	s0 =	rddreg [dreg:$0x2]  }
0x113: {  	s0 =	sadd.s32 @!p0 $0x100000, s0  }
0x114: {  	[sflag:s0] =	ssyncadd.tile.s32 @!p0 $0x1;
	_ =	shalt  }
.Lfunc_end2:
_tile_overlayer_lowered:
.L_overlay_start_2:
0x115: {  	(tag) =	ssettag $0x2  }
0x116: {  	s0 =	rddreg [dreg:$0x0];
	s2 =	stileid.u32  }
0x117: {  	s1 =	rddreg [dreg:$0x1];
	p0 =	sne.s32 s2, $0x0  }
0x118: {  	s3 =	rddreg [dreg:$0x2];
	[bflag:$0x3] =	sbarrier.arrive $0xFFFF;
	s2 =	simm.s32 @!p0 $0x1C03  }
0x119: {  	[timem:s3], [sflag:s2] =	dma.local @!p0 [hbm:s0], s1  }
0x11a: {  	s0 =	simm.s32 @!p0 $0x3  }
0x11b: {  	_ =	swait.ge @!p0 [sflag:s0], s1  }
0x11c: {  	s1 =	ssub.s32 @!p0 $0x0, s1;
	[sflag:s0] =	ssyncset.done @!p0 $0x0  }
0x11d: {  	[sflag:s0] =	ssyncadd.s32 @!p0 s1  }
0x11e: {  	[bflag:$0x3] =	sbarrier.arrive $0xFFFF  }
0x11f: {  	_ =	shalt  }

// kernel: kernel.8.cloned.1.call-start
scs
__scs_entry_jumppad:
0x0: {  	(pc) =	sbr.rel $0x88, $3  }
0x1: {  	(tag) =	ssettag $0x0;
	lr =	simm.s32 $0x1  }
0x2: {  	[smem:$0x3F90] =	sst lr;
	_ =	strace $0xD0000000  }
0x3: {  	_ = 	snop  }
0x4: {  	_ = 	snop  }
0x5: {  	_ = 	snop  }
0x6: {  	_ = 	snop  }
0x7: {  	_ = 	snop  }
__scs_overlays_trampoline_lowered:
0x8: {  	[smem:$0x3F9F] =	sst s0  }
0x9: {  	[smem:$0x3FA0] =	sst s1  }
0xa: {  	[smem:$0x3FA1] =	sst s2  }
0xb: {  	[smem:$0x3FA2] =	sst s3  }
0xc: {  	[smem:$0x3FA3] =	sst s4  }
0xd: {  	[smem:$0x3FA4] =	sst s5  }
0xe: {  	[smem:$0x3FA5] =	sst s6  }
0xf: {  	[smem:$0x3FA6] =	sst s7  }
0x10: {  	[smem:$0x3FA7] =	sst s8  }
0x11: {  	[smem:$0x3FA8] =	sst s9;
	s0 =	simm.s32 @!p0 $0x0  }
0x12: {  	s1 =	sld [smem:$0x3F8E];
	s0 =	simm.s32 @p0 $0x1  }
0x13: {  	[smem:$0x3FA9] =	sst s0;
	s0 =	simm.s32 @!p1 $0x0  }
0x14: {  	s2 =	sld [smem:$0x3F8D];
	s0 =	simm.s32 @p1 $0x1  }
0x15: {  	[smem:$0x3FAA] =	sst s0;
	s0 =	simm.s32 @!p2 $0x0  }
0x16: {  	s3 =	sld [smem:$0x3FDB];
	s0 =	simm.s32 @p2 $0x1  }
0x17: {  	s4 =	simm.s32 $0x1BF5;
	[smem:$0x3FAC] =	sst s0  }
0x18: {  	s0 =	sld [smem:$0x3F8F];
	_ =	swait.ge [sflag:s4], $0x0  }
0x19: {  	s7 =	sld [smem:$0x3F90]  }
0x1a: {  	s8 =	sadd.s32 $0xFFFFE003, lr  }
0x1b: {  	s9 =	sadd.s32 $0xFFFFFEF7, lr;
	s5 =	simm.s32 $0xFFFFFFFF;
	p2 =	slt.u32 s8, $0xFFFFF086  }
0x1c: {  	p1 =	slt.u32 s9, $0xF7A;
	s5 =	simm.s32 @!p2 $0x0  }
0x1d: {  	s5 =	simm.s32 @p1 $0x1;
	p0 =	seq.s32 s7, s2  }
0x1e: {  	s7 =	smul.u32 @!p0 $0xF7A, s2;
	p2 =	seq.s32 @!p0 s5, $0x0  }
0x1f: {  	s9 =	smul.u32 $0xF7A, s1;
	s8 =	simm.s32 @!p0 $0x1BF5;
	p2 =	por !p2, p0  }
0x20: {  	[sflag:s8] =	ssyncset.s32 @!p0 $0xFFFFF086;
	s6 =	sadd.s32 @!p0 s3, s7;
	s7 =	simm.s32 @!p0 $0x108  }
0x21: {  	s3 =	sadd.s32 s3, s9;
	s6 =	sadd.s32 @!p0 $0x88, s6;
	s7 =	simm.s32 @p2 $0x1082  }
0x22: {  	[simem:s7], [sflag:s8] =	dma.local @!p0 [hbm:s6], $0xF7A  }
0x23: {  	s9 =	sor.u32 $0xD0000000, s2;
	s6 =	simm.s32 $0x108;
	_ =	swait.ge @!p0 [sflag:s8], $0x0  }
0x24: {  	s3 =	sadd.s32 $0x88, s3;
	s6 =	simm.s32 @!p1 $0x1082;
	[sflag:s4] =	ssyncset.s32 $0xFFFFF086  }
0x25: {  	[simem:s6], [sflag:s4] =	dma.local [hbm:s3], $0xF7A  }
0x26: {  	[smem:$0x3F90] =	sst s1;
	(tag) =	ssettag s2;
	_ =	strace s9  }
0x27: {  	s1 =	sld [smem:$0x3FA0]  }
0x28: {  	s2 =	sld [smem:$0x3FA1]  }
0x29: {  	s4 =	sld [smem:$0x3FA3]  }
0x2a: {  	p0 =	seq.s32 s5, $0x0;
	s5 =	sld [smem:$0x3FA4]  }
0x2b: {  	s6 =	sld [smem:$0x3FA5]  }
0x2c: {  	s7 =	sld [smem:$0x3FA6]  }
0x2d: {  	s3 =	simm.s32 $0x108;
	s8 =	sld [smem:$0x3FA7]  }
0x2e: {  	s3 =	simm.s32 @!p0 $0x1082;
	s9 =	sld [smem:$0x3FA8]  }
0x2f: {  	lr =	sadd.s32 s0, s3;
	s0 =	sld [smem:$0x3F9F]  }
0x30: {  	s3 =	sld [smem:$0x3FA2]  }
0x31: {  	[smem:$0x3FAB] =	sst s10  }
0x32: {  	s10 =	sld [smem:$0x3FA9];
	_ =	sdelay $0x3  }
0x33: {  	p0 =	seq.s32 s10, $0x1;
	s10 =	sld [smem:$0x3FAB];
	_ =	sdelay $0x3  }
0x34: {  	[smem:$0x3FAB] =	sst s10  }
0x35: {  	s10 =	sld [smem:$0x3FAA];
	_ =	sdelay $0x3  }
0x36: {  	p1 =	seq.s32 s10, $0x1;
	s10 =	sld [smem:$0x3FAB];
	_ =	sdelay $0x3  }
0x37: {  	[smem:$0x3FAB] =	sst s10  }
0x38: {  	s10 =	sld [smem:$0x3FAC]  }
0x39: {  	_ = 	snop;
	(pc) =	sbr.ind lr, $3  }
0x3a: {  	_ = 	snop  }
0x3b: {  	_ = 	snop  }
0x3c: {  	p2 =	seq.s32 s10, $0x1;
	s10 =	sld [smem:$0x3FAB]  }
0x3d: {  	_ =	shalt  }
0x3e: {  	_ =	shalt  }
0x3f: {  	_ =	shalt  }
0x40: {  	_ =	shalt  }
0x41: {  	_ =	shalt  }
0x42: {  	_ =	shalt  }
0x43: {  	_ =	shalt  }
0x44: {  	_ =	shalt  }
0x45: {  	_ =	shalt  }
0x46: {  	_ =	shalt  }
0x47: {  	_ =	shalt  }
0x48: {  	_ =	shalt  }
0x49: {  	_ =	shalt  }
0x4a: {  	_ =	shalt  }
0x4b: {  	_ =	shalt  }
0x4c: {  	_ =	shalt  }
0x4d: {  	_ =	shalt  }
0x4e: {  	_ =	shalt  }
0x4f: {  	_ =	shalt  }
0x50: {  	_ =	shalt  }
0x51: {  	_ =	shalt  }
0x52: {  	_ =	shalt  }
0x53: {  	_ =	shalt  }
0x54: {  	_ =	shalt  }
0x55: {  	_ =	shalt  }
0x56: {  	_ =	shalt  }
0x57: {  	_ =	shalt  }
0x58: {  	_ =	shalt  }
0x59: {  	_ =	shalt  }
0x5a: {  	_ =	shalt  }
0x5b: {  	_ =	shalt  }
0x5c: {  	_ =	shalt  }
0x5d: {  	_ =	shalt  }
0x5e: {  	_ =	shalt  }
0x5f: {  	_ =	shalt  }
0x60: {  	_ =	shalt  }
0x61: {  	_ =	shalt  }
0x62: {  	_ =	shalt  }
0x63: {  	_ =	shalt  }
0x64: {  	_ =	shalt  }
0x65: {  	_ =	shalt  }
0x66: {  	_ =	shalt  }
0x67: {  	_ =	shalt  }
0x68: {  	_ =	shalt  }
0x69: {  	_ =	shalt  }
0x6a: {  	_ =	shalt  }
0x6b: {  	_ =	shalt  }
0x6c: {  	_ =	shalt  }
0x6d: {  	_ =	shalt  }
0x6e: {  	_ =	shalt  }
0x6f: {  	_ =	shalt  }
0x70: {  	_ =	shalt  }
0x71: {  	_ =	shalt  }
0x72: {  	_ =	shalt  }
0x73: {  	_ =	shalt  }
0x74: {  	_ =	shalt  }
0x75: {  	_ =	shalt  }
0x76: {  	_ =	shalt  }
0x77: {  	_ =	shalt  }
0x78: {  	_ =	shalt  }
0x79: {  	_ =	shalt  }
0x7a: {  	_ =	shalt  }
0x7b: {  	_ =	shalt  }
0x7c: {  	_ =	shalt  }
0x7d: {  	_ =	shalt  }
0x7e: {  	_ =	shalt  }
0x7f: {  	_ =	shalt  }
0x80: {  	_ =	shalt  }
0x81: {  	_ =	shalt  }
0x82: {  	_ =	shalt  }
0x83: {  	_ =	shalt  }
0x84: {  	_ =	shalt  }
0x85: {  	_ =	shalt  }
0x86: {  	_ =	shalt  }
0x87: {  	_ =	shalt  }
.Lfunc_end0:
.L_simem_size_0:
called_computation_lowered:
.L_overlay_start_0:
0x88: {  	s2 =	sld [smem:$0x3FD9]  }
0x89: {  	s3 =	sld [smem:$0x3FFE];
	_ =	sdelay $0x1  }
0x8a: {  	s1 =	srdreg.scid  }
0x8b: {  	s0 =	sand.u32 $0x1, s1  }
0x8c: {  	s17 =	sshll.u32 s0, $0xA;
	s2 =	sadd.s32 s3, s2  }
0x8d: {  	s2 =	sadd.s32 s2, s17  }
0x8e: {  	[smem:$0x3FB7] =	sst s2  }
0x8f: {  	_ = 	snop  }
0x90: {  	s2 =	sld [smem:$0x3FD0];
	(tm) =	ssettm $0x1  }
0x91: {  	s18 =	sld [smem:$0x3FFB];
	_ =	sdelay $0x3  }
0x92: {  	_ =	strace s18  }
0x93: {  	s3 =	sld [smem:$0x3FFC];
	_ =	sdelay $0x3  }
0x94: {  	_ =	strace s3  }
0x95: {  	s3 =	sld [smem:$0x3FFD];
	_ =	sdelay $0x3  }
0x96: {  	_ =	strace s3  }
0x97: {  	_ =	strace $0x8FFFFFFF  }
0x98: {  	s19 =	sld [smem:$0x3FDB];
	_ =	sdelay $0x1  }
0x99: {  	s4 =	simm.s32 $_scs_section_size  }
0x9a: {  	s5 =	simm.s32 $_size__tile_overlayer_lowered;
	s6 =	simm.s32 $_tile_overlayer_lowered  }
0x9b: {  	s22 =	simm.s32 $0x1BFF;
	s21 =	sshll.u32 s6, $0x1;
	s3 =	sadd.s32 s4, s19  }
0x9c: {  	s7 =	simm.s32 $0x0;
	s20 =	sshll.u32 s5, $0x1;
	s5 =	sadd.s32 s21, s3  }
0x9d: {  	[timem:s7], [sflag:s22] =	dma.local [hbm:s5], s20  }
0x9e: {  	_ =	swait.ge [sflag:s22], s20  }
0x9f: {  	s4 =	ssub.s32 $0x0, s20;
	[sflag:s22] =	ssyncset.done $0x0  }
0xa0: {  	[sflag:s22] =	ssyncadd.s32 s4;
	_ =	sdelay $0x1  }
0xa1: {  	s23 =	simm.s32 $0x1B8B  }
0xa2: {  	_ =	swait.ge [sflag:s23], $0x1  }
0xa3: {  	[sflag:s23] =	ssyncset.done $0x0  }
0xa4: {  	s25 =	simm.s32 $0x1B8E;
	s24 =	sld [smem:$0x3FFE];
	[sflag:s23] =	ssyncadd.s32 $0xFFFFFFFF  }
0xa5: {  	s26 =	simm.s32 $execute0_lowered;
	[smem:$0x3FD2] =	sst s25  }
0xa6: {  	s5 =	sshll.u32 s26, $0x1;
	_ =	strace $0x80000046;
	[dreg:$0x1] =	wrdreg $0xFFFFFFFF  }
0xa7: {  	s28 =	simm.s32 $_size_execute0_lowered;
	s3 =	sadd.s32 s3, s5;
	[dreg:$0x0] =	wrdreg $0x0  }
0xa8: {  	s5 =	sshll.u32 s28, $0x1;
	[dreg:$0x2] =	wrdreg s3  }
0xa9: {  	[dreg:$0x3] =	wrdreg s5  }
0xaa: {  	[dreg:$0x4] =	wrdreg $0xC0  }
0xab: {  	_ =	task [dreg:s7], $0x5FFFF  }
0xac: {  	[dreg:$0x1] =	wrdreg $0xFFFFFFFF  }
0xad: {  	[dreg:$0x0] =	wrdreg $0x60  }
0xae: {  	[dreg:$0x2] =	wrdreg s24  }
0xaf: {  	[dreg:$0x3] =	wrdreg s2  }
0xb0: {  	[dreg:$0x4] =	wrdreg $0xBE800  }
0xb1: {  	[dreg:$0x5] =	wrdreg $0x15E800  }
0xb2: {  	[dreg:$0x6] =	wrdreg $0x9  }
0xb3: {  	_ =	task.clear_ibuf [dreg:s7], $0x7FFFF;
	_ =	strace $0x90000046  }
0xb4: {  	s29 =	simm.s32 $0x9;
	_ =	strace $0x80000048  }
0xb5: {  	_ =	swait.ge [sflag:s29], $0x1  }
0xb6: {  	[sflag:s29] =	ssyncadd.s32 $0xFFFFFFFF  }
0xb7: {  	_ =	strace $0x90000048  }
0xb8: {  	_ =	sfence  }
0xb9: {  	s30 =	sld [smem:$0x0];
	_ =	sdelay $0x2  }
0xba: {  	s31 =	sshll.u32 s1, $0xD;
	s1 =	sshrl.u32 s1, $0x2  }
0xbb: {  	s3 =	sand.u32 $0x4000, s31;
	s1 =	sadd.s32 s1, s30  }
0xbc: {  	s0 =	sor.u32 s3, s0;
	s1 =	sshll.u32 s1, $0x11  }
0xbd: {  	s0 =	sor.u32 s1, s0  }
0xbe: {  	s0 =	sadd.s32 $0x8F2B, s0  }
0xbf: {  	[sflag:s0] =	ssyncadd.remote.s32 $0x1  }
0xc0: {  	_ =	sfence.sel $0xFFFF  }
0xc1: {  	[dreg:$0x0] =	wrdreg $0xFFFFFFFF;
	(pc) =	sbr.abs _section_cstart, $3  }
0xc2: {  	[dreg:$0x1] =	wrdreg $0xFFFFFFFF  }
0xc3: {  	_ =	task.clear_ibuf [dreg:s7], $0x2FFFF;
	_ =	strace $0x9FFFFFFF  }
0xc4: {  	(tm) =	ssettm $0x7FFFFFFF  }
0xc5: {  	_ =	shalt  }
tec
execute0_lowered:
.L_overlay_start_1:
0x0: {  	(tag) =	ssettag $0x1  }
0x1: {  	s0 =	rddreg [dreg:$0x0]  }
0x2: {  	s1 =	rddreg [dreg:$0x1]  }
0x3: {  	s2 =	rddreg [dreg:$0x2]  }
0x4: {  	s4 =	srdreg.scid;
	s18 =	stileid.u32  }
0x5: {  	s3 =	rddreg [dreg:$0x3];
	s6 =	simm.s32 $0x0;
	s10 =	smul.u32 $0x280, s18  }
0x6: {  	s28 =	simm.s32 $0x2780;
	s29 =	simm.s32 $0x9680;
	s11 =	smul.u32 $0x28000, s18  }
0x7: {  	s30 =	simm.s32 $0x1;
	s4 =	sand.u32 $0x1, s4;
	s17 =	smul.u32 $0xA000, s18  }
0x8: {  	s5 =	sshll.u32 s18, $0x1;
	[smem:$0x7FF] =	sst s6;
	s7 =	smul.u32 $0x28000, s4  }
0x9: {  	s5 =	sor.u32 s4, s5;
	s8 =	ssub.s32 $0x2, s4;
	s4 =	smul.u32 $0x5000, s4  }
0xa: {  	s31 =	simm.s32 $0x3;
	_ =	strace $0x80000047;
	s21 =	smul.u32 $0x4F0, s5  }
0xb: {  	s5 =	sadd.s32 $0x18200, s0;
	s9 =	sshrl.u32 s8, $0x1;
	s23 =	sshrl.u32 s11, $0x2  }
0xc: {  	s13 =	sadd.s32 $0x80, s10;
	s14 =	sadd.s32 $0x100, s10;
	s15 =	sadd.s32 $0x180, s10  }
0xd: {  	s16 =	sadd.s32 $0x200, s10;
	s19 =	sshrl.u32 s17, $0x2;
	s24 =	sshll.u32 s13, $0x6  }
0xe: {  	s25 =	sshll.u32 s14, $0x6;
	s26 =	sshll.u32 s15, $0x6;
	s12 =	sshll.u32 s16, $0x6  }
0xf: {  	s20 =	sshll.u32 s13, $0x4;
	s13 =	sadd.s32 s19, s3;
	s1 =	sadd.s32 s1, s4  }
0x10: {  	s6 =	sadd.s32 s21, s0;
	s0 =	sadd.s32 s7, s0;
	s7 =	ssub.s32 s8, s9  }
0x11: {  	s8 =	sadd.s32 s23, s2;
	s9 =	sadd.s32 s24, s2;
	s10 =	sadd.s32 s25, s2  }
0x12: {  	s11 =	sadd.s32 s26, s2;
	s12 =	sadd.s32 s12, s2;
	s21 =	sadd.s32 s20, s3  }
0x13: {  	s23 =	sshll.u32 s15, $0x4;
	s24 =	smul.u32 $0x1400, s18;
	s25 =	sshll.u32 s16, $0x4  }
0x14: {  	s26 =	smul.u32 $0x500, s18;
	s22 =	sadd.s32 $0xE400, s6;
	[dreg:$0x7] =	wrdreg s21  }
0x15: {  	s6 =	sadd.s32 $0x4600, s6;
	s19 =	sadd.s32 $0x40200, s0;
	[dreg:$0x5] =	wrdreg s22  }
0x16: {  	s20 =	smax.u32 s7, $0x1;
	s21 =	simm.s32 $0x4;
	[dreg:$0x6] =	wrdreg s6  }
0x17: {  	s0 =	simm.s32 $0x0;
	s22 =	sshll.u32 s14, $0x4;
	[dreg:$0x9] =	wrdreg s24  }
0x18: {  	s24 =	sadd.s32 s26, s1;
	s26 =	simm.s32 $0x80;
	s6 =	sadd.s32 s22, s3  }
0x19: {  	s1 =	simm.s32 $0x2;
	[dreg:$0x8] =	wrdreg s6;
	s6 =	sadd.s32 s23, s3  }
0x1a: {  	s22 =	simm.s32 $0x7600;
	[dreg:$0xa] =	wrdreg s6;
	s6 =	sadd.s32 s25, s3  }
0x1b: {  	v0 =	vimm.f32 $0.0e+00;
	v1 =	vimm.f32 $1.000000000e+00;
	s23 =	simm.s32 $0x7680;
	s25 =	simm.s32 $0xB680;
	[dreg:$0xb] =	wrdreg s6  }
.LBB2_1:
0x1c: {  	s4 =	simm.s32 $0x0;
	s6 =	rddreg [dreg:$0x5]  }
0x1d: {  	[tilespmem:s4], [sflag:$0x4] =	stream.linear.gather [hbm4b:s6+s4], $0x2780, $0x38;
	[tilespmem:$0x18680] =	vst v63  }
0x1e: {  	_ =	swait.ge [sflag:s21], $0x2780  }
0x1f: {  	[sflag:s21] =	ssyncset.done $0x0  }
0x20: {  	s7 =	simm.s32 $0x4F00;
	s18 =	rddreg [dreg:$0x6];
	[sflag:s21] =	ssyncadd.s32 $0xFFFFD880  }
0x21: {  	[tilespmem:s7], [sflag:$0x4] =	stream.linear.gather [hbm4b:s18+s4], $0x2780, $0x38;
	[tilespmem:$0x18680] =	vst v63  }
0x22: {  	_ =	swait.ge [sflag:s21], $0x2780  }
0x23: {  	[sflag:s21] =	ssyncset.done $0x0  }
0x24: {  	s6 =	simm.s32 $0x0;
	[sflag:s21] =	ssyncadd.s32 $0xFFFFD880  }
0x25: {  	v3 =	vld [tilespmem:s6+$0x70]  }
0x26: {  	v6 =	vld [tilespmem:s6+$0x0]  }
0x27: {  	v7 =	vld [tilespmem:s6+$0x10]  }
0x28: {  	v5 =	vld [tilespmem:s6+$0x20]  }
0x29: {  	v4 =	vld [tilespmem:s6+$0x30]  }
0x2a: {  	v2 =	vld [tilespmem:s6+$0x40];
	v8 =	vshll.u32 v3, $0x1  }
0x2b: {  	v3 =	vld [tilespmem:s6+$0x50];
	v6 =	vshll.u32 v6, $0x1;
	[tilespmem:s6+$0x27F0] =	vst v8  }
0x2c: {  	s4 =	simm.s32 $0x80;
	s7 =	simm.s32 $0x400;
	v7 =	vshll.u32 v7, $0x1;
	[tilespmem:s6+$0x2780] =	vst v6;
	v6 =	vld [tilespmem:s6+$0x60]  }
.LBB2_2:
0x2d: {  	p0 =	sne.s32 s7, $0x9C00;
	v8 =	vld [tilespmem:s4+$0x70];
	[tilespmem:s6+$0x2790] =	vst v7;
	v5 =	vshll.u32 v5, $0x1  }
0x2e: {  	v7 =	vld [tilespmem:s4+$0x0];
	[tilespmem:s6+$0x27A0] =	vst v5;
	v4 =	vshll.u32 v4, $0x1  }
0x2f: {  	v9 =	vld [tilespmem:s4+$0x10];
	[tilespmem:s6+$0x27B0] =	vst v4;
	v2 =	vshll.u32 v2, $0x1  }
.Ltmp0:
0x30: {  	v5 =	vld [tilespmem:s4+$0x20];
	[tilespmem:s6+$0x27C0] =	vst v2;
	v2 =	vshll.u32 v3, $0x1;
	(pc) =	sbr.rel @p0 .LBB2_2-.Ltmp0, $4  }
0x31: {  	v4 =	vld [tilespmem:s4+$0x30];
	[tilespmem:s6+$0x27D0] =	vst v2;
	v3 =	vshll.u32 v6, $0x1  }
0x32: {  	v2 =	vld [tilespmem:s4+$0x40];
	v6 =	vshll.u32 v8, $0x1;
	[tilespmem:s6+$0x27E0] =	vst v3;
	s6 =	smov.u32 s4  }
0x33: {  	v7 =	vshll.u32 v7, $0x1;
	v3 =	vld [tilespmem:s6+$0x50];
	[tilespmem:s6+$0x27F0] =	vst v6  }
0x34: {  	s4 =	sshra.s32 s7, $0x2;
	s7 =	sadd.s32 $0x200, s7;
	[tilespmem:s6+$0x2780] =	vst v7;
	v7 =	vshll.u32 v9, $0x1;
	v6 =	vld [tilespmem:s6+$0x60]  }
0x35: {  	v8 =	vld [tilespmem:s4+$0x70];
	[tilespmem:s6+$0x2790] =	vst v7;
	v5 =	vshll.u32 v5, $0x1  }
0x36: {  	v7 =	vld [tilespmem:s4+$0x0];
	[tilespmem:s6+$0x27A0] =	vst v5;
	v4 =	vshll.u32 v4, $0x1  }
0x37: {  	v5 =	vld [tilespmem:s4+$0x10];
	[tilespmem:s6+$0x27B0] =	vst v4;
	v2 =	vshll.u32 v2, $0x1  }
0x38: {  	v4 =	vld [tilespmem:s4+$0x20];
	[tilespmem:s6+$0x27C0] =	vst v2;
	v2 =	vshll.u32 v3, $0x1  }
0x39: {  	v3 =	vld [tilespmem:s4+$0x30];
	[tilespmem:s6+$0x27D0] =	vst v2;
	v2 =	vshll.u32 v6, $0x1  }
0x3a: {  	v61 =	vld [tilespmem:s4+$0x40];
	[tilespmem:s6+$0x27E0] =	vst v2;
	v2 =	vshll.u32 v8, $0x1  }
0x3b: {  	v62 =	vld [tilespmem:s4+$0x50];
	v7 =	vshll.u32 v7, $0x1;
	[tilespmem:s4+$0x27F0] =	vst v2  }
0x3c: {  	v63 =	vld [tilespmem:s4+$0x60];
	[tilespmem:s4+$0x2780] =	vst v7;
	v2 =	vshll.u32 v5, $0x1  }
0x3d: {  	[tilespmem:s4+$0x2790] =	vst v2;
	v2 =	vshll.u32 v4, $0x1  }
0x3e: {  	[tilespmem:s4+$0x27A0] =	vst v2;
	v2 =	vshll.u32 v3, $0x1  }
0x3f: {  	[tilespmem:s4+$0x27B0] =	vst v2;
	v2 =	vshll.u32 v61, $0x1  }
0x40: {  	[tilespmem:s4+$0x27C0] =	vst v2;
	v2 =	vshll.u32 v62, $0x1  }
0x41: {  	[tilespmem:s4+$0x27D0] =	vst v2;
	v2 =	vshll.u32 v63, $0x1  }
0x42: {  	s6 =	simm.s32 $0x100;
	[tilespmem:s4+$0x27E0] =	vst v2;
	s4 =	simm.s32 $0x0  }
.LBB2_4:
0x43: {  	p0 =	sne.s32 s6, $0x7F00;
	[tilespmem:s4+$0x76B0] =	vst v0;
	s7 =	smov.u32 s6;
	s6 =	sadd.s32 $0x100, s6  }
.Ltmp1:
0x44: {  	[tilespmem:s4+$0x76A0] =	vst v0;
	(pc) =	sbr.rel @p0 .LBB2_4-.Ltmp1, $3  }
0x45: {  	[tilespmem:s4+$0x7680] =	vst v0  }
0x46: {  	[tilespmem:s4+$0x7690] =	vst v0;
	_ =	sdelay $0x1  }
0x47: {  	s4 =	sshra.s32 s7, $0x2  }
0x48: {  	[tilespmem:s4+$0x76B0] =	vst v0  }
0x49: {  	[tilespmem:s4+$0x76A0] =	vst v0  }
0x4a: {  	[tilespmem:s4+$0x7680] =	vst v0  }
0x4b: {  	[tilespmem:s4+$0x7690] =	vst v0  }
0x4c: {  	[spmem:s8] =	stream.linear.scatter [tilespmem:s23], [sflag:$0x4], $0x2000, $0x38;
	[tilespmem:$0x18680] =	vst v63  }
0x4d: {  	_ =	swait.ge [sflag:s21], $0x2000  }
0x4e: {  	[sflag:s21] =	ssyncset.done $0x0  }
0x4f: {  	[sflag:s21] =	ssyncadd.s32 $0xFFFFE000  }
0x50: {  	[spmem:s9] =	stream.linear.scatter [tilespmem:s23], [sflag:$0x4], $0x2000, $0x38;
	[tilespmem:$0x18680] =	vst v63  }
0x51: {  	_ =	swait.ge [sflag:s21], $0x2000  }
0x52: {  	[sflag:s21] =	ssyncset.done $0x0  }
0x53: {  	[sflag:s21] =	ssyncadd.s32 $0xFFFFE000  }
0x54: {  	[spmem:s10] =	stream.linear.scatter [tilespmem:s23], [sflag:$0x4], $0x2000, $0x38;
	[tilespmem:$0x18680] =	vst v63  }
0x55: {  	_ =	swait.ge [sflag:s21], $0x2000  }
0x56: {  	[sflag:s21] =	ssyncset.done $0x0  }
0x57: {  	[sflag:s21] =	ssyncadd.s32 $0xFFFFE000  }
0x58: {  	[spmem:s11] =	stream.linear.scatter [tilespmem:s23], [sflag:$0x4], $0x2000, $0x38;
	[tilespmem:$0x18680] =	vst v63  }
0x59: {  	_ =	swait.ge [sflag:s21], $0x2000  }
0x5a: {  	[sflag:s21] =	ssyncset.done $0x0  }
0x5b: {  	[sflag:s21] =	ssyncadd.s32 $0xFFFFE000  }
0x5c: {  	[spmem:s12] =	stream.linear.scatter [tilespmem:s23], [sflag:$0x4], $0x2000, $0x38;
	[tilespmem:$0x18680] =	vst v63  }
0x5d: {  	_ =	swait.ge [sflag:s21], $0x2000  }
0x5e: {  	[sflag:s21] =	ssyncset.done $0x0  }
0x5f: {  	s4 =	simm.s32 $0x40;
	s6 =	simm.s32 $0x0;
	[sflag:s21] =	ssyncadd.s32 $0xFFFFE000  }
.LBB2_6:
0x60: {  	p0 =	sne.s32 s4, $0x1FC0;
	[tilespmem:s6+$0xB680] =	vst v0;
	s6 =	smov.u32 s4;
	s4 =	sadd.s32 $0x40, s4  }
.Ltmp2:
0x61: {  	(pc) =	sbr.rel @p0 .LBB2_6-.Ltmp2, $2  }
0x62: {  	_ =	sdelay $0x2  }
0x63: {  	s6 =	sshra.s32 s6, $0x2  }
0x64: {  	[tilespmem:s6+$0xB680] =	vst v0  }
0x65: {  	[spmem:s13] =	stream.linear.scatter [tilespmem:s25], [sflag:$0x4], $0x800, $0x38;
	[tilespmem:$0x18680] =	vst v63  }
0x66: {  	_ =	swait.ge [sflag:s21], $0x800  }
0x67: {  	[sflag:s21] =	ssyncset.done $0x0  }
0x68: {  	s4 =	rddreg [dreg:$0x7];
	[sflag:s21] =	ssyncadd.s32 $0xFFFFF800  }
0x69: {  	[spmem:s4] =	stream.linear.scatter [tilespmem:s25], [sflag:$0x4], $0x800, $0x38;
	[tilespmem:$0x18680] =	vst v63  }
0x6a: {  	_ =	swait.ge [sflag:s21], $0x800  }
0x6b: {  	[sflag:s21] =	ssyncset.done $0x0  }
0x6c: {  	s16 =	rddreg [dreg:$0x8];
	[sflag:s21] =	ssyncadd.s32 $0xFFFFF800  }
0x6d: {  	[spmem:s16] =	stream.linear.scatter [tilespmem:s25], [sflag:$0x4], $0x800, $0x38;
	[tilespmem:$0x18680] =	vst v63  }
0x6e: {  	_ =	swait.ge [sflag:s21], $0x800  }
0x6f: {  	[sflag:s21] =	ssyncset.done $0x0  }
0x70: {  	s17 =	rddreg [dreg:$0xa];
	[sflag:s21] =	ssyncadd.s32 $0xFFFFF800  }
0x71: {  	[spmem:s17] =	stream.linear.scatter [tilespmem:s25], [sflag:$0x4], $0x800, $0x38;
	[tilespmem:$0x18680] =	vst v63  }
0x72: {  	_ =	swait.ge [sflag:s21], $0x800  }
0x73: {  	[sflag:s21] =	ssyncset.done $0x0  }
0x74: {  	s18 =	rddreg [dreg:$0xb];
	[sflag:s21] =	ssyncadd.s32 $0xFFFFF800  }
0x75: {  	[spmem:s18] =	stream.linear.scatter [tilespmem:s25], [sflag:$0x4], $0x800, $0x38;
	[tilespmem:$0x18680] =	vst v63  }
0x76: {  	_ =	swait.ge [sflag:s21], $0x800  }
0x77: {  	[sflag:s21] =	ssyncset.done $0x0  }
0x78: {  	s6 =	simm.s32 $0x0;
	s4 =	simm.s32 $0x40;
	[sflag:s21] =	ssyncadd.s32 $0xFFFFF800  }
.LBB2_8:
0x79: {  	p0 =	sne.s32 s4, $0x1FC0;
	[tilespmem:s6+$0xB680] =	vst v1;
	s6 =	smov.u32 s4;
	s4 =	sadd.s32 $0x40, s4  }
.Ltmp3:
0x7a: {  	(pc) =	sbr.rel @p0 .LBB2_8-.Ltmp3, $2  }
0x7b: {  	_ =	sdelay $0x2  }
0x7c: {  	s6 =	sshra.s32 s6, $0x2  }
0x7d: {  	[tilespmem:s6+$0xB680] =	vst v1  }
0x7e: {  	[bflag:$0x0] =	sbarrier.arrive $0xFFFF  }
0x7f: {  	[tilespmem:s23], [sflag:$0x1] =	stream.indirect.gather [hbm4b:s5+s26], $0x40, s28, s26, $0xb8;
	[tilespmem:$0x18680] =	vst v63  }
0x80: {  	s4 =	simm.s32 $0x2800  }
0x81: {  	[tilespmem:s29], [sflag:$0x2] =	stream.indirect.gather [hbm4b:s5+s26], $0x40, s4, s26, $0xb8;
	[tilespmem:$0x18680] =	vst v63  }
0x82: {  	_ =	swait.ge [sflag:s30], $0x2000  }
0x83: {  	[sflag:s30] =	ssyncset.done $0x0  }
0x84: {  	s16 =	simm.s32 $0x4F00;
	[sflag:s30] =	ssyncadd.s32 $0xFFFFE000  }
0x85: {  	[spmem:s3] =	stream.indirect.scatter.add.f32 [tilespmem:s25], [sflag:$0x3], $0x10, s16, s26, $0xb8;
	[tilespmem:$0x18680] =	vst v63  }
0x86: {  	_ = 	snop  }
0x87: {  	[spmem:s2] =	stream.indirect.scatter.add.f32 [tilespmem:s23], [sflag:$0x4], $0x40, s16, s26, $0xb8;
	[tilespmem:$0x18680] =	vst v63  }
0x88: {  	_ =	swait.ge [sflag:s21], $0x2000  }
0x89: {  	[sflag:s21] =	ssyncset.done $0x0  }
0x8a: {  	[sflag:s21] =	ssyncadd.s32 $0xFFFFE000  }
0x8b: {  	_ =	swait.ge [sflag:s31], $0x800  }
0x8c: {  	[sflag:s31] =	ssyncset.done $0x0  }
0x8d: {  	s17 =	simm.s32 $0x2880;
	[sflag:s31] =	ssyncadd.s32 $0xFFFFF800  }
0x8e: {  	[tilespmem:s23], [sflag:$0x1] =	stream.indirect.gather [hbm4b:s5+s26], $0x40, s17, s26, $0xb8;
	[tilespmem:$0x18680] =	vst v63  }
0x8f: {  	_ =	swait.ge [sflag:s1], $0x2000  }
0x90: {  	[sflag:s1] =	ssyncset.done $0x0  }
0x91: {  	s18 =	simm.s32 $0x4F80;
	[sflag:s1] =	ssyncadd.s32 $0xFFFFE000  }
0x92: {  	[spmem:s3] =	stream.indirect.scatter.add.f32 [tilespmem:s25], [sflag:$0x3], $0x10, s18, s26, $0xb8;
	[tilespmem:$0x18680] =	vst v63  }
0x93: {  	_ = 	snop  }
0x94: {  	[spmem:s2] =	stream.indirect.scatter.add.f32 [tilespmem:s29], [sflag:$0x4], $0x40, s18, s26, $0xb8;
	[tilespmem:$0x18680] =	vst v63  }
0x95: {  	_ =	swait.ge [sflag:s21], $0x2000  }
0x96: {  	[sflag:s21] =	ssyncset.done $0x0  }
0x97: {  	[sflag:s21] =	ssyncadd.s32 $0xFFFFE000  }
0x98: {  	_ =	swait.ge [sflag:s31], $0x800  }
0x99: {  	s6 =	simm.s32 $0x800;
	s4 =	simm.s32 $0x100;
	[sflag:s31] =	ssyncset.done $0x0  }
.LBB2_10:
0x9a: {  	s7 =	sadd.s32 $0x2800, s4  }
0x9b: {  	[sflag:s31] =	ssyncadd.s32 $0xFFFFF800;
	s14 =	smov.u32 s6;
	s15 =	sadd.s32 $0x400, s6  }
0x9c: {  	[tilespmem:s29], [sflag:$0x2] =	stream.indirect.gather [hbm4b:s5+s26], $0x40, s7, s26, $0xb8;
	[tilespmem:$0x18680] =	vst v63  }
0x9d: {  	p0 =	sne.s32 s6, $0x9800;
	_ =	swait.ge [sflag:s30], $0x2000  }
0x9e: {  	[sflag:s30] =	ssyncset.done $0x0  }
0x9f: {  	s6 =	sadd.s32 $0x4F00, s4;
	[sflag:s30] =	ssyncadd.s32 $0xFFFFE000  }
0xa0: {  	[spmem:s3] =	stream.indirect.scatter.add.f32 [tilespmem:s25], [sflag:$0x3], $0x10, s6, s26, $0xb8;
	[tilespmem:$0x18680] =	vst v63  }
0xa1: {  	_ = 	snop  }
0xa2: {  	[spmem:s2] =	stream.indirect.scatter.add.f32 [tilespmem:s23], [sflag:$0x4], $0x40, s6, s26, $0xb8;
	[tilespmem:$0x18680] =	vst v63  }
0xa3: {  	_ =	swait.ge [sflag:s21], $0x2000  }
0xa4: {  	[sflag:s21] =	ssyncset.done $0x0  }
0xa5: {  	[sflag:s21] =	ssyncadd.s32 $0xFFFFE000  }
0xa6: {  	_ =	swait.ge [sflag:s31], $0x800  }
0xa7: {  	[sflag:s31] =	ssyncset.done $0x0  }
0xa8: {  	s6 =	sadd.s32 $0x2880, s4;
	[sflag:s31] =	ssyncadd.s32 $0xFFFFF800  }
0xa9: {  	[tilespmem:s23], [sflag:$0x1] =	stream.indirect.gather [hbm4b:s5+s26], $0x40, s6, s26, $0xb8;
	[tilespmem:$0x18680] =	vst v63  }
0xaa: {  	_ =	swait.ge [sflag:s1], $0x2000  }
0xab: {  	[sflag:s1] =	ssyncset.done $0x0  }
0xac: {  	s4 =	sadd.s32 $0x4F80, s4;
	[sflag:s1] =	ssyncadd.s32 $0xFFFFE000  }
0xad: {  	[spmem:s3] =	stream.indirect.scatter.add.f32 [tilespmem:s25], [sflag:$0x3], $0x10, s4, s26, $0xb8;
	[tilespmem:$0x18680] =	vst v63  }
0xae: {  	_ = 	snop  }
0xaf: {  	[spmem:s2] =	stream.indirect.scatter.add.f32 [tilespmem:s29], [sflag:$0x4], $0x40, s4, s26, $0xb8;
	[tilespmem:$0x18680] =	vst v63  }
.Ltmp4:
0xb0: {  	_ =	swait.ge [sflag:s21], $0x2000;
	(pc) =	sbr.rel @p0 .LBB2_10-.Ltmp4, $4  }
0xb1: {  	[sflag:s21] =	ssyncset.done $0x0  }
0xb2: {  	[sflag:s21] =	ssyncadd.s32 $0xFFFFE000  }
0xb3: {  	_ =	swait.ge [sflag:s31], $0x800  }
0xb4: {  	s6 =	smov.u32 s15;
	s4 =	sshra.s32 s14, $0x2;
	[sflag:s31] =	ssyncset.done $0x0  }
0xb5: {  	s6 =	sadd.s32 $0x2800, s4;
	[sflag:s31] =	ssyncadd.s32 $0xFFFFF800  }
0xb6: {  	[tilespmem:s29], [sflag:$0x2] =	stream.indirect.gather [hbm4b:s5+s26], $0x40, s6, s26, $0xb8;
	[tilespmem:$0x18680] =	vst v63  }
0xb7: {  	_ =	swait.ge [sflag:s30], $0x2000  }
0xb8: {  	[sflag:s30] =	ssyncset.done $0x0  }
0xb9: {  	s14 =	sadd.s32 $0x4F00, s4;
	[sflag:s30] =	ssyncadd.s32 $0xFFFFE000  }
0xba: {  	[spmem:s3] =	stream.indirect.scatter.add.f32 [tilespmem:s25], [sflag:$0x3], $0x10, s14, s26, $0xb8;
	[tilespmem:$0x18680] =	vst v63  }
0xbb: {  	_ = 	snop  }
0xbc: {  	[spmem:s2] =	stream.indirect.scatter.add.f32 [tilespmem:s23], [sflag:$0x4], $0x40, s14, s26, $0xb8;
	[tilespmem:$0x18680] =	vst v63  }
0xbd: {  	_ =	swait.ge [sflag:s21], $0x2000  }
0xbe: {  	[sflag:s21] =	ssyncset.done $0x0  }
0xbf: {  	[sflag:s21] =	ssyncadd.s32 $0xFFFFE000  }
0xc0: {  	_ =	swait.ge [sflag:s31], $0x800  }
0xc1: {  	[sflag:s31] =	ssyncset.done $0x0  }
0xc2: {  	s15 =	sadd.s32 $0x2880, s4;
	[sflag:s31] =	ssyncadd.s32 $0xFFFFF800  }
0xc3: {  	[tilespmem:s23], [sflag:$0x1] =	stream.indirect.gather [hbm4b:s5+s26], $0x40, s15, s26, $0xb8;
	[tilespmem:$0x18680] =	vst v63  }
0xc4: {  	_ =	swait.ge [sflag:s1], $0x2000  }
0xc5: {  	[sflag:s1] =	ssyncset.done $0x0  }
0xc6: {  	s16 =	sadd.s32 $0x4F80, s4;
	[sflag:s1] =	ssyncadd.s32 $0xFFFFE000  }
0xc7: {  	[spmem:s3] =	stream.indirect.scatter.add.f32 [tilespmem:s25], [sflag:$0x3], $0x10, s16, s26, $0xb8;
	[tilespmem:$0x18680] =	vst v63  }
0xc8: {  	_ = 	snop  }
0xc9: {  	[spmem:s2] =	stream.indirect.scatter.add.f32 [tilespmem:s29], [sflag:$0x4], $0x40, s16, s26, $0xb8;
	[tilespmem:$0x18680] =	vst v63  }
0xca: {  	_ =	swait.ge [sflag:s21], $0x2000  }
0xcb: {  	[sflag:s21] =	ssyncset.done $0x0  }
0xcc: {  	[sflag:s21] =	ssyncadd.s32 $0xFFFFE000  }
0xcd: {  	_ =	swait.ge [sflag:s31], $0x800  }
0xce: {  	[sflag:s31] =	ssyncset.done $0x0  }
0xcf: {  	[sflag:s31] =	ssyncadd.s32 $0xFFFFF800  }
0xd0: {  	_ =	swait.ge [sflag:s30], $0x2000  }
0xd1: {  	[sflag:s30] =	ssyncset.done $0x0  }
0xd2: {  	[sflag:s30] =	ssyncadd.s32 $0xFFFFE000  }
0xd3: {  	[spmem:s3] =	stream.indirect.scatter.add.f32 [tilespmem:s25], [sflag:$0x3], $0x10, s22, s26, $0xb8;
	[tilespmem:$0x18680] =	vst v63  }
0xd4: {  	_ = 	snop  }
0xd5: {  	[spmem:s2] =	stream.indirect.scatter.add.f32 [tilespmem:s23], [sflag:$0x4], $0x40, s22, s26, $0xb8;
	[tilespmem:$0x18680] =	vst v63  }
0xd6: {  	_ =	swait.ge [sflag:s21], $0x2000  }
0xd7: {  	[sflag:s21] =	ssyncset.done $0x0  }
0xd8: {  	[sflag:s21] =	ssyncadd.s32 $0xFFFFE000  }
0xd9: {  	_ =	swait.ge [sflag:s31], $0x800  }
0xda: {  	[sflag:s31] =	ssyncset.done $0x0  }
0xdb: {  	[sflag:s31] =	ssyncadd.s32 $0xFFFFF800  }
0xdc: {  	s17 =	stileid.u32;
	[bflag:$0x0] =	sbarrier.arrive $0xFFFF  }
0xdd: {  	s4 =	sshll.u32 s17, $0x6;
	s18 =	rddreg [dreg:$0x9]  }
0xde: {  	s7 =	sshrl.u32 s8, $0x3;
	s4 =	sor.u32 $0x1C04, s4;
	s6 =	sadd.s32 s18, s19  }
0xdf: {  	[hbm:s6], [sflag:s4] =	dma.local [spmem:s7], $0x1400  }
0xe0: {  	_ =	swait.ge [sflag:s21], $0x1400  }
0xe1: {  	[sflag:s21] =	ssyncset.done $0x0  }
0xe2: {  	s14 =	sshrl.u32 s13, $0x3;
	[sflag:s21] =	ssyncadd.s32 $0xFFFFEC00  }
0xe3: {  	[hbm:s24], [sflag:s4] =	dma.local [spmem:s14], $0x500  }
0xe4: {  	_ =	swait.ge [sflag:s21], $0x500  }
0xe5: {  	[sflag:s21] =	ssyncset.done $0x0  }
0xe6: {  	s15 =	simm.s32 $0x0;
	[sflag:s21] =	ssyncadd.s32 $0xFFFFFB00  }
0xe7: {  	v2 =	vld [tilespmem:s15+$0x70]  }
0xe8: {  	v4 =	vld [tilespmem:s15+$0x0]  }
0xe9: {  	v8 =	vld [tilespmem:s15+$0x10]  }
0xea: {  	v6 =	vld [tilespmem:s15+$0x20]  }
0xeb: {  	v5 =	vld [tilespmem:s15+$0x30]  }
0xec: {  	v3 =	vld [tilespmem:s15+$0x40];
	v7 =	vshll.u32 v2, $0x1  }
0xed: {  	v2 =	vld [tilespmem:s15+$0x50];
	v9 =	vshll.u32 v4, $0x1;
	v10 =	vor.u32 $0x1, v7  }
0xee: {  	s16 =	simm.s32 $0x400;
	s14 =	simm.s32 $0x80;
	v4 =	vld [tilespmem:s15+$0x60];
	v8 =	vshll.u32 v8, $0x1;
	v7 =	vor.u32 $0x1, v9;
	[tilespmem:s15+$0x27F0] =	vst v10  }
.LBB2_12:
0xef: {  	p0 =	sne.s32 s16, $0x9C00;
	v9 =	vld [tilespmem:s14+$0x70];
	[tilespmem:s15+$0x2780] =	vst v7;
	v7 =	vor.u32 $0x1, v8;
	v6 =	vshll.u32 v6, $0x1  }
0xf0: {  	v8 =	vld [tilespmem:s14+$0x0];
	[tilespmem:s15+$0x2790] =	vst v7;
	v6 =	vor.u32 $0x1, v6;
	v5 =	vshll.u32 v5, $0x1  }
0xf1: {  	v10 =	vld [tilespmem:s14+$0x10];
	[tilespmem:s15+$0x27A0] =	vst v6;
	v5 =	vor.u32 $0x1, v5;
	v3 =	vshll.u32 v3, $0x1  }
.Ltmp5:
0xf2: {  	v6 =	vld [tilespmem:s14+$0x20];
	[tilespmem:s15+$0x27B0] =	vst v5;
	v3 =	vor.u32 $0x1, v3;
	v2 =	vshll.u32 v2, $0x1;
	(pc) =	sbr.rel @p0 .LBB2_12-.Ltmp5, $4  }
0xf3: {  	v5 =	vld [tilespmem:s14+$0x30];
	[tilespmem:s15+$0x27C0] =	vst v3;
	v2 =	vor.u32 $0x1, v2;
	v4 =	vshll.u32 v4, $0x1  }
0xf4: {  	v3 =	vld [tilespmem:s14+$0x40];
	v7 =	vshll.u32 v9, $0x1;
	[tilespmem:s15+$0x27D0] =	vst v2;
	v4 =	vor.u32 $0x1, v4  }
0xf5: {  	v8 =	vshll.u32 v8, $0x1;
	v2 =	vld [tilespmem:s14+$0x50];
	v9 =	vor.u32 $0x1, v7;
	[tilespmem:s15+$0x27E0] =	vst v4;
	s15 =	smov.u32 s14  }
0xf6: {  	s14 =	sshra.s32 s16, $0x2;
	s16 =	sadd.s32 $0x200, s16;
	v7 =	vor.u32 $0x1, v8;
	v8 =	vshll.u32 v10, $0x1;
	v4 =	vld [tilespmem:s15+$0x60];
	[tilespmem:s15+$0x27F0] =	vst v9  }
0xf7: {  	v9 =	vld [tilespmem:s14+$0x70];
	[tilespmem:s15+$0x2780] =	vst v7;
	v59 =	vor.u32 $0x1, v8;
	v6 =	vshll.u32 v6, $0x1  }
0xf8: {  	v60 =	vld [tilespmem:s14+$0x0];
	[tilespmem:s15+$0x2790] =	vst v59;
	v6 =	vor.u32 $0x1, v6;
	v5 =	vshll.u32 v5, $0x1  }
0xf9: {  	v7 =	vld [tilespmem:s14+$0x10];
	[tilespmem:s15+$0x27A0] =	vst v6;
	v5 =	vor.u32 $0x1, v5;
	v3 =	vshll.u32 v3, $0x1  }
0xfa: {  	v6 =	vld [tilespmem:s14+$0x20];
	[tilespmem:s15+$0x27B0] =	vst v5;
	v3 =	vor.u32 $0x1, v3;
	v2 =	vshll.u32 v2, $0x1  }
0xfb: {  	v5 =	vld [tilespmem:s14+$0x30];
	[tilespmem:s15+$0x27C0] =	vst v3;
	v2 =	vor.u32 $0x1, v2;
	v4 =	vshll.u32 v4, $0x1  }
0xfc: {  	v3 =	vld [tilespmem:s14+$0x40];
	[tilespmem:s15+$0x27D0] =	vst v2;
	v2 =	vor.u32 $0x1, v4;
	v9 =	vshll.u32 v9, $0x1  }
0xfd: {  	v61 =	vld [tilespmem:s14+$0x50];
	[tilespmem:s15+$0x27E0] =	vst v2;
	v2 =	vshll.u32 v60, $0x1;
	v62 =	vor.u32 $0x1, v9  }
0xfe: {  	v63 =	vld [tilespmem:s14+$0x60];
	v2 =	vor.u32 $0x1, v2;
	v7 =	vshll.u32 v7, $0x1;
	[tilespmem:s14+$0x27F0] =	vst v62  }
0xff: {  	[tilespmem:s14+$0x2780] =	vst v2;
	v2 =	vor.u32 $0x1, v7;
	v6 =	vshll.u32 v6, $0x1  }
0x100: {  	[tilespmem:s14+$0x2790] =	vst v2;
	v2 =	vor.u32 $0x1, v6;
	v5 =	vshll.u32 v5, $0x1  }
0x101: {  	[tilespmem:s14+$0x27A0] =	vst v2;
	v2 =	vor.u32 $0x1, v5;
	v3 =	vshll.u32 v3, $0x1  }
0x102: {  	[tilespmem:s14+$0x27B0] =	vst v2;
	v2 =	vor.u32 $0x1, v3;
	v3 =	vshll.u32 v61, $0x1  }
0x103: {  	[tilespmem:s14+$0x27C0] =	vst v2;
	v2 =	vor.u32 $0x1, v3;
	v3 =	vshll.u32 v63, $0x1  }
0x104: {  	[tilespmem:s14+$0x27D0] =	vst v2;
	v2 =	vor.u32 $0x1, v3  }
0x105: {  	s15 =	simm.s32 $0x100;
	[tilespmem:s14+$0x27E0] =	vst v2;
	s14 =	simm.s32 $0x0  }
.LBB2_14:
0x106: {  	p0 =	sne.s32 s15, $0x7F00;
	[tilespmem:s14+$0x76B0] =	vst v0;
	s16 =	smov.u32 s15;
	s15 =	sadd.s32 $0x100, s15  }
.Ltmp6:
0x107: {  	[tilespmem:s14+$0x76A0] =	vst v0;
	(pc) =	sbr.rel @p0 .LBB2_14-.Ltmp6, $3  }
0x108: {  	[tilespmem:s14+$0x7680] =	vst v0  }
0x109: {  	[tilespmem:s14+$0x7690] =	vst v0;
	_ =	sdelay $0x1  }
0x10a: {  	s14 =	sshra.s32 s16, $0x2  }
0x10b: {  	[tilespmem:s14+$0x76B0] =	vst v0  }
0x10c: {  	[tilespmem:s14+$0x76A0] =	vst v0  }
0x10d: {  	[tilespmem:s14+$0x7680] =	vst v0  }
0x10e: {  	[tilespmem:s14+$0x7690] =	vst v0  }
0x10f: {  	[spmem:s8] =	stream.linear.scatter [tilespmem:s23], [sflag:$0x4], $0x2000, $0x38;
	[tilespmem:$0x18680] =	vst v63  }
0x110: {  	_ =	swait.ge [sflag:s21], $0x2000  }
0x111: {  	[sflag:s21] =	ssyncset.done $0x0  }
0x112: {  	[sflag:s21] =	ssyncadd.s32 $0xFFFFE000  }
0x113: {  	[spmem:s9] =	stream.linear.scatter [tilespmem:s23], [sflag:$0x4], $0x2000, $0x38;
	[tilespmem:$0x18680] =	vst v63  }
0x114: {  	_ =	swait.ge [sflag:s21], $0x2000  }
0x115: {  	[sflag:s21] =	ssyncset.done $0x0  }
0x116: {  	[sflag:s21] =	ssyncadd.s32 $0xFFFFE000  }
0x117: {  	[spmem:s10] =	stream.linear.scatter [tilespmem:s23], [sflag:$0x4], $0x2000, $0x38;
	[tilespmem:$0x18680] =	vst v63  }
0x118: {  	_ =	swait.ge [sflag:s21], $0x2000  }
0x119: {  	[sflag:s21] =	ssyncset.done $0x0  }
0x11a: {  	[sflag:s21] =	ssyncadd.s32 $0xFFFFE000  }
0x11b: {  	[spmem:s11] =	stream.linear.scatter [tilespmem:s23], [sflag:$0x4], $0x2000, $0x38;
	[tilespmem:$0x18680] =	vst v63  }
0x11c: {  	_ =	swait.ge [sflag:s21], $0x2000  }
0x11d: {  	[sflag:s21] =	ssyncset.done $0x0  }
0x11e: {  	[sflag:s21] =	ssyncadd.s32 $0xFFFFE000  }
0x11f: {  	[spmem:s12] =	stream.linear.scatter [tilespmem:s23], [sflag:$0x4], $0x2000, $0x38;
	[tilespmem:$0x18680] =	vst v63  }
0x120: {  	_ =	swait.ge [sflag:s21], $0x2000  }
0x121: {  	[sflag:s21] =	ssyncset.done $0x0  }
0x122: {  	[sflag:s21] =	ssyncadd.s32 $0xFFFFE000  }
0x123: {  	[bflag:$0x0] =	sbarrier.arrive $0xFFFF  }
0x124: {  	[tilespmem:s23], [sflag:$0x1] =	stream.indirect.gather [hbm4b:s5+s26], $0x40, s28, s26, $0xb8;
	[tilespmem:$0x18680] =	vst v63  }
0x125: {  	s15 =	simm.s32 $0x2800  }
0x126: {  	[tilespmem:s29], [sflag:$0x2] =	stream.indirect.gather [hbm4b:s5+s26], $0x40, s15, s26, $0xb8;
	[tilespmem:$0x18680] =	vst v63  }
0x127: {  	_ =	swait.ge [sflag:s30], $0x2000  }
0x128: {  	[sflag:s30] =	ssyncset.done $0x0  }
0x129: {  	s16 =	simm.s32 $0x4F00;
	[sflag:s30] =	ssyncadd.s32 $0xFFFFE000  }
0x12a: {  	[spmem:s2] =	stream.indirect.scatter.add.f32 [tilespmem:s23], [sflag:$0x4], $0x40, s16, s26, $0xb8;
	[tilespmem:$0x18680] =	vst v63  }
0x12b: {  	_ =	swait.ge [sflag:s21], $0x2000  }
0x12c: {  	[sflag:s21] =	ssyncset.done $0x0  }
0x12d: {  	s17 =	simm.s32 $0x2880;
	[sflag:s21] =	ssyncadd.s32 $0xFFFFE000  }
0x12e: {  	[tilespmem:s23], [sflag:$0x1] =	stream.indirect.gather [hbm4b:s5+s26], $0x40, s17, s26, $0xb8;
	[tilespmem:$0x18680] =	vst v63  }
0x12f: {  	_ =	swait.ge [sflag:s1], $0x2000  }
0x130: {  	[sflag:s1] =	ssyncset.done $0x0  }
0x131: {  	s18 =	simm.s32 $0x4F80;
	[sflag:s1] =	ssyncadd.s32 $0xFFFFE000  }
0x132: {  	[spmem:s2] =	stream.indirect.scatter.add.f32 [tilespmem:s29], [sflag:$0x4], $0x40, s18, s26, $0xb8;
	[tilespmem:$0x18680] =	vst v63  }
0x133: {  	_ =	swait.ge [sflag:s21], $0x2000  }
0x134: {  	s14 =	simm.s32 $0x100;
	s15 =	simm.s32 $0x800;
	[sflag:s21] =	ssyncset.done $0x0  }
.LBB2_16:
0x135: {  	s16 =	sadd.s32 $0x2800, s14  }
0x136: {  	[sflag:s21] =	ssyncadd.s32 $0xFFFFE000;
	s17 =	smov.u32 s15;
	s18 =	sadd.s32 $0x400, s15  }
0x137: {  	[tilespmem:s29], [sflag:$0x2] =	stream.indirect.gather [hbm4b:s5+s26], $0x40, s16, s26, $0xb8;
	[tilespmem:$0x18680] =	vst v63  }
0x138: {  	p0 =	sne.s32 s15, $0x9800;
	_ =	swait.ge [sflag:s30], $0x2000  }
0x139: {  	[sflag:s30] =	ssyncset.done $0x0  }
0x13a: {  	s15 =	sadd.s32 $0x4F00, s14;
	[sflag:s30] =	ssyncadd.s32 $0xFFFFE000  }
0x13b: {  	[spmem:s2] =	stream.indirect.scatter.add.f32 [tilespmem:s23], [sflag:$0x4], $0x40, s15, s26, $0xb8;
	[tilespmem:$0x18680] =	vst v63  }
0x13c: {  	_ =	swait.ge [sflag:s21], $0x2000  }
0x13d: {  	[sflag:s21] =	ssyncset.done $0x0  }
0x13e: {  	s15 =	sadd.s32 $0x2880, s14;
	[sflag:s21] =	ssyncadd.s32 $0xFFFFE000  }
0x13f: {  	[tilespmem:s23], [sflag:$0x1] =	stream.indirect.gather [hbm4b:s5+s26], $0x40, s15, s26, $0xb8;
	[tilespmem:$0x18680] =	vst v63  }
0x140: {  	_ =	swait.ge [sflag:s1], $0x2000  }
.Ltmp7:
0x141: {  	[sflag:s1] =	ssyncset.done $0x0;
	(pc) =	sbr.rel @p0 .LBB2_16-.Ltmp7, $4  }
0x142: {  	s14 =	sadd.s32 $0x4F80, s14;
	[sflag:s1] =	ssyncadd.s32 $0xFFFFE000  }
0x143: {  	[spmem:s2] =	stream.indirect.scatter.add.f32 [tilespmem:s29], [sflag:$0x4], $0x40, s14, s26, $0xb8;
	[tilespmem:$0x18680] =	vst v63  }
0x144: {  	_ =	swait.ge [sflag:s21], $0x2000  }
0x145: {  	s15 =	smov.u32 s18;
	s14 =	sshra.s32 s17, $0x2;
	[sflag:s21] =	ssyncset.done $0x0  }
0x146: {  	s15 =	sadd.s32 $0x2800, s14;
	[sflag:s21] =	ssyncadd.s32 $0xFFFFE000  }
0x147: {  	[tilespmem:s29], [sflag:$0x2] =	stream.indirect.gather [hbm4b:s5+s26], $0x40, s15, s26, $0xb8;
	[tilespmem:$0x18680] =	vst v63  }
0x148: {  	_ =	swait.ge [sflag:s30], $0x2000  }
0x149: {  	[sflag:s30] =	ssyncset.done $0x0  }
0x14a: {  	s16 =	sadd.s32 $0x4F00, s14;
	[sflag:s30] =	ssyncadd.s32 $0xFFFFE000  }
0x14b: {  	[spmem:s2] =	stream.indirect.scatter.add.f32 [tilespmem:s23], [sflag:$0x4], $0x40, s16, s26, $0xb8;
	[tilespmem:$0x18680] =	vst v63  }
0x14c: {  	_ =	swait.ge [sflag:s21], $0x2000  }
0x14d: {  	[sflag:s21] =	ssyncset.done $0x0  }
0x14e: {  	s17 =	sadd.s32 $0x2880, s14;
	[sflag:s21] =	ssyncadd.s32 $0xFFFFE000  }
0x14f: {  	[tilespmem:s23], [sflag:$0x1] =	stream.indirect.gather [hbm4b:s5+s26], $0x40, s17, s26, $0xb8;
	[tilespmem:$0x18680] =	vst v63  }
0x150: {  	_ =	swait.ge [sflag:s1], $0x2000  }
0x151: {  	[sflag:s1] =	ssyncset.done $0x0  }
0x152: {  	s18 =	sadd.s32 $0x4F80, s14;
	[sflag:s1] =	ssyncadd.s32 $0xFFFFE000  }
0x153: {  	[spmem:s2] =	stream.indirect.scatter.add.f32 [tilespmem:s29], [sflag:$0x4], $0x40, s18, s26, $0xb8;
	[tilespmem:$0x18680] =	vst v63  }
0x154: {  	_ =	swait.ge [sflag:s21], $0x2000  }
0x155: {  	[sflag:s21] =	ssyncset.done $0x0  }
0x156: {  	[sflag:s21] =	ssyncadd.s32 $0xFFFFE000  }
0x157: {  	_ =	swait.ge [sflag:s30], $0x2000  }
0x158: {  	[sflag:s30] =	ssyncset.done $0x0  }
0x159: {  	[sflag:s30] =	ssyncadd.s32 $0xFFFFE000  }
0x15a: {  	[spmem:s2] =	stream.indirect.scatter.add.f32 [tilespmem:s23], [sflag:$0x4], $0x40, s22, s26, $0xb8;
	[tilespmem:$0x18680] =	vst v63  }
0x15b: {  	_ =	swait.ge [sflag:s21], $0x2000  }
0x15c: {  	s0 =	sadd.s32 $0x1, s0;
	[sflag:s21] =	ssyncset.done $0x0  }
0x15d: {  	p0 =	sne.s32 s0, s20;
	[sflag:s21] =	ssyncadd.s32 $0xFFFFE000  }
.Ltmp8:
0x15e: {  	s6 =	sadd.s32 $0x14000, s6;
	[bflag:$0x0] =	sbarrier.arrive $0xFFFF;
	(pc) =	sbr.rel @p0 .LBB2_1-.Ltmp8, $4  }
0x15f: {  	[hbm:s6], [sflag:s4] =	dma.local [spmem:s7], $0x1400  }
0x160: {  	_ =	swait.ge [sflag:s21], $0x1400  }
0x161: {  	[sflag:s21] =	ssyncset.done $0x0  }
0x162: {  	[sflag:s21] =	ssyncadd.s32 $0xFFFFEC00  }
0x163: {  	_ =	sfence.sel $0x180000  }
0x164: {  	[bflag:$0x0] =	sbarrier.arrive $0xFFFF  }
0x165: {  	_ =	strace $0x90000047  }
0x166: {  	s0 =	stileid.u32;
	[bflag:$0x2] =	sbarrier.arrive $0xFFFF  }
0x167: {  	p0 =	sne.s32 s0, $0x0;
	s0 =	rddreg [dreg:$0x4]  }
0x168: {  	s0 =	sadd.s32 @!p0 $0x100000, s0  }
0x169: {  	[sflag:s0] =	ssyncadd.tile.s32 @!p0 $0x1;
	_ =	shalt  }
.Lfunc_end2:
_tile_overlayer_lowered:
.L_overlay_start_2:
0x16a: {  	(tag) =	ssettag $0x2  }
0x16b: {  	s0 =	rddreg [dreg:$0x0];
	s2 =	stileid.u32  }
0x16c: {  	s1 =	rddreg [dreg:$0x1];
	p0 =	sne.s32 s2, $0x0  }
0x16d: {  	s3 =	rddreg [dreg:$0x2];
	[bflag:$0x3] =	sbarrier.arrive $0xFFFF;
	s2 =	simm.s32 @!p0 $0x1C04  }
0x16e: {  	[timem:s3], [sflag:s2] =	dma.local @!p0 [hbm:s0], s1  }
0x16f: {  	s0 =	simm.s32 @!p0 $0x4  }
0x170: {  	_ =	swait.ge @!p0 [sflag:s0], s1  }
0x171: {  	s1 =	ssub.s32 @!p0 $0x0, s1;
	[sflag:s0] =	ssyncset.done @!p0 $0x0  }
0x172: {  	[sflag:s0] =	ssyncadd.s32 @!p0 s1  }
0x173: {  	[bflag:$0x3] =	sbarrier.arrive $0xFFFF  }
0x174: {  	_ =	shalt  }

</sc_bundles>
